<compile_context>
chip_gen: v7x
topology: tpu7x:2x2x1
jax: 0.10.2.dev20260603
libtpu: 0.0.44.dev20260713+nightly
codegen_flags: <defaults>
</compile_context>

<pallas_src>
import jax
import jax.numpy as jnp
from jax import lax
from jax.experimental import pallas as pl
from jax.experimental.pallas import tpu as pltpu
from jax.experimental.pallas import tpu_sc as plsc

BATCH = 16384
HIST = 200
EMB_DIM = 128
HID = 32
PACK = EMB_DIM // HID

NC, NS = 2, 16
NW = NC * NS
B_PER_W = BATCH // NW
SLAB = 8
N_SLAB = B_PER_W // SLAB
IDX_PER_SLAB = SLAB * HIST
PROJ_BLK = 2000


def _proj_body(e0_ref, e1_ref, e2_ref, e3_ref, w_ref, out_ref):
    parts = [
        lax.dot_general(e_ref[...], w_ref[...], (((1,), (1,)), ((), ())),
                        preferred_element_type=jnp.float32) * (1.0 / HIST)
        for e_ref in (e0_ref, e1_ref, e2_ref, e3_ref)
    ]
    out_ref[...] = jnp.concatenate(parts, axis=1)


def _make_proj(n_vocab):
    quarter_blocks = n_vocab // PACK // PROJ_BLK
    return pl.pallas_call(
        _proj_body,
        grid=(quarter_blocks,),
        in_specs=[
            pl.BlockSpec((PROJ_BLK, EMB_DIM),
                         lambda i, k=k: (i + k * quarter_blocks, 0))
            for k in range(PACK)
        ] + [pl.BlockSpec((HID, EMB_DIM), lambda i: (0, 0))],
        out_specs=pl.BlockSpec((PROJ_BLK, EMB_DIM), lambda i: (i, 0)),
        out_shape=jax.ShapeDtypeStruct((n_vocab // PACK, EMB_DIM),
                                       jnp.float32),
        compiler_params=pltpu.CompilerParams(
            dimension_semantics=("arbitrary",)),
    )


def _pool_body(proj_hbm, x_hbm, out_hbm, idx_v, rows_v, out_v,
               gsem0, gsem1, isem0, isem1):
    cid = lax.axis_index("c")
    sid = lax.axis_index("s")
    wid = sid * NC + cid
    out_row0 = wid * B_PER_W
    gsems = (gsem0, gsem1)
    isems = (isem0, isem1)
    quarter = 250000

    idx0 = out_row0 * HIST

    def idx_copy(slab, ibuf):
        return pltpu.make_async_copy(
            x_hbm.at[pl.ds(idx0 + slab * IDX_PER_SLAB, IDX_PER_SLAB)],
            idx_v.at[ibuf], isems[ibuf])

    def remap_indices(ibuf):
        @pl.loop(0, IDX_PER_SLAB // 16, unroll=4)
        def _(i):
            v = idx_v[ibuf, pl.ds(i * 16, 16)]
            k = ((v >= quarter).astype(jnp.int32)
                 + (v >= 2 * quarter).astype(jnp.int32)
                 + (v >= 3 * quarter).astype(jnp.int32))
            idx_v[ibuf, pl.ds(i * 16, 16)] = (v << 2) - (PACK * quarter - 1) * k

    def gathers(buf, ibuf):
        for g in range(SLAB):
            for off, ln in ((0, 128), (128, 72)):
                yield (proj_hbm.at[idx_v.at[ibuf, pl.ds(g * HIST + off, ln)]],
                       rows_v.at[buf, pl.ds(g * HIST + off, ln)],
                       gsems[buf])

    def fire(buf, ibuf):
        for src, dst, sem in gathers(buf, ibuf):
            pltpu.async_copy(src, dst, sem)

    def drain(buf, ibuf):
        for src, dst, sem in gathers(buf, ibuf):
            pltpu.make_async_copy(src, dst, sem).wait()

    def reduce_slab(slab, buf):
        for g in range(SLAB):
            base = g * HIST
            zero = jnp.zeros((16,), jnp.float32)

            def body(l, carry):
                a0, a1 = carry
                a0 = a0 + rows_v[buf, base + l, pl.ds(0, 16)]
                a1 = a1 + rows_v[buf, base + l, pl.ds(16, 16)]
                return a0, a1

            a0, a1 = lax.fori_loop(0, HIST, body, (zero, zero), unroll=8)
            q = 32 * (g % PACK)
            out_v[g // PACK, pl.ds(q, 16)] = a0
            out_v[g // PACK, pl.ds(q + 16, 16)] = a1
        pltpu.sync_copy(
            out_v,
            out_hbm.at[pl.ds((out_row0 + slab * SLAB) // PACK, SLAB // PACK)])

    def start_idx(slab, ibuf):
        pltpu.async_copy(
            x_hbm.at[pl.ds(idx0 + slab * IDX_PER_SLAB, IDX_PER_SLAB)],
            idx_v.at[ibuf], isems[ibuf])

    start_idx(0, 0)
    idx_copy(0, 0).wait()
    remap_indices(0)
    fire(0, 0)
    start_idx(1, 1)

    @pl.loop(0, N_SLAB, step=2)
    def _(s):
        for b in (0, 1):
            slab = s + b

            @pl.when(slab + 1 < N_SLAB)
            def _():
                idx_copy(slab + 1, 1 - b).wait()
                remap_indices(1 - b)
                fire(1 - b, 1 - b)

            drain(b, b)

            @pl.when(slab + 2 < N_SLAB)
            def _():
                start_idx(slab + 2, b)

            reduce_slab(slab, b)


_pool_kernel = pl.kernel(
    _pool_body,
    out_type=jax.ShapeDtypeStruct((BATCH // PACK, EMB_DIM), jnp.float32),
    mesh=plsc.VectorSubcoreMesh(
        core_axis_name="c", subcore_axis_name="s",
        num_cores=NC, num_subcores=NS),
    scratch_types=[
        pltpu.VMEM((2, IDX_PER_SLAB), jnp.int32),
        pltpu.VMEM((2, IDX_PER_SLAB, HID), jnp.float32),
        pltpu.VMEM((SLAB // PACK, EMB_DIM), jnp.float32),
        pltpu.SemaphoreType.DMA,
        pltpu.SemaphoreType.DMA,
        pltpu.SemaphoreType.DMA,
        pltpu.SemaphoreType.DMA,
    ],
    compiler_params=pltpu.CompilerParams(use_tc_tiling_on_sc=False,
                                         needs_layout_passes=False),
)


def _head_body(s_ref, fcb_ref, w2_ref, b2_ref, o_ref):
    h = jnp.maximum(s_ref[...] + fcb_ref[...], 0.0)
    hw = h * w2_ref[...]
    lanes = lax.broadcasted_iota(jnp.int32, (EMB_DIM, PACK), 0)
    cols = lax.broadcasted_iota(jnp.int32, (EMB_DIM, PACK), 1)
    gmat = (lanes // HID == cols).astype(jnp.float32)
    z = lax.dot_general(hw, gmat, (((1,), (0,)), ((), ())),
                        preferred_element_type=jnp.float32)
    o_ref[...] = jax.nn.sigmoid(z + b2_ref[0, 0])


_HEAD_BLK = 2048
_head = pl.pallas_call(
    _head_body,
    grid=(BATCH // PACK // _HEAD_BLK,),
    in_specs=[
        pl.BlockSpec((_HEAD_BLK, EMB_DIM), lambda i: (i, 0)),
        pl.BlockSpec((1, EMB_DIM), lambda i: (0, 0)),
        pl.BlockSpec((1, EMB_DIM), lambda i: (0, 0)),
        pl.BlockSpec((1, 1), lambda i: (0, 0)),
    ],
    out_specs=pl.BlockSpec((_HEAD_BLK, PACK), lambda i: (i, 0)),
    out_shape=jax.ShapeDtypeStruct((BATCH // PACK, PACK), jnp.float32),
)


def kernel(x, emb, fc_w, fc_b, fc2_w, fc2_b):
    n_vocab = emb.shape[0]
    proj = _make_proj(n_vocab)(emb, emb, emb, emb, fc_w)
    table = jnp.reshape(proj, (n_vocab, HID))
    sums = _pool_kernel(table, jnp.reshape(x.astype(jnp.int32), (-1,)))
    fcb4 = jnp.tile(jnp.reshape(fc_b, (1, HID)), (1, PACK))
    w24 = jnp.tile(fc2_w, (1, PACK))
    out4 = _head(sums, fcb4, w24, jnp.reshape(fc2_b, (1, 1)))
    return jnp.reshape(out4, (BATCH, 1))

# --- scband reference (transcript-rebuilt; emitter-appended) ---
"""Pipeline reference for scband-model-14465449852951 (READ-ONLY COPY).

The authoritative reference and input builder live on the scoring server;
editing this copy changes nothing except your own understanding.
"""

import jax, jax.numpy as jnp
import numpy as np

N_VOCAB = 1000000
EMB_DIM = 128
BATCH = 16384
HIST = 200

def setup_inputs(seed: int = 0) -> dict:
    key = jax.random.key(seed)
    k1, k2, k3, k4, k5, k6 = jax.random.split(key, 6)
    x = jax.random.randint(k1, (BATCH, HIST), 0, N_VOCAB, dtype=jnp.int64 if jax.config.jax_enable_x64 else jnp.int32)
    emb = jax.random.normal(k2, (N_VOCAB, EMB_DIM), dtype=jnp.float32)
    fc_w = jax.random.normal(k3, (32, EMB_DIM), dtype=jnp.float32) * (1.0 / np.sqrt(EMB_DIM))
    fc_b = jax.random.normal(k4, (32,), dtype=jnp.float32) * 0.01
    fc2_w = jax.random.normal(k5, (1, 32), dtype=jnp.float32) * (1.0 / np.sqrt(32))
    fc2_b = jax.random.normal(k6, (1,), dtype=jnp.float32) * 0.01
    return {"x": x, "emb": emb, "fc_w": fc_w, "fc_b": fc_b, "fc2_w": fc2_w, "fc2_b": fc2_b}

def reference(x, emb, fc_w, fc_b, fc2_w, fc2_b):
    # embedding lookup: [B, L] -> [B, L, 128]
    e = jnp.take(emb, x, axis=0)
    # AdaptiveAvgPool2d((1, 128)) on 3D input [B, L, 128] -> [B, 1, 128], then squeeze(1)
    p = jnp.mean(e, axis=1)
    # fc + relu (dropout is identity in eval / deterministic reference)
    h = jnp.maximum(p @ fc_w.T + fc_b, 0.0)
    # fc2 + sigmoid
    out = jax.nn.sigmoid(h @ fc2_w.T + fc2_b)
    return out

if __name__ == "__main__":
    import jax
    _d = setup_inputs()
    print(jax.jit(kernel)(*tuple(_d.values())))

</pallas_src>

<mosaic_0001>
#map = affine_map<(d0, d1) -> (0, 0)>
#map1 = affine_map<(d0, d1) -> (0)>
module attributes {stable_mosaic.version = 14 : i64} {
  func.func @_pool_body(%arg0: i32, %arg1: i32, %arg2: memref<1000000x32xf32, #tpu.memory_space<hbm>>, %arg3: memref<3276800xi32, #tpu.memory_space<hbm>>, %arg4: memref<4096x128xf32, #tpu.memory_space<hbm>>, %arg5: memref<2x1600xi32, #tpu.memory_space<vmem>>, %arg6: memref<2x1600x32xf32, #tpu.memory_space<vmem>>, %arg7: memref<2x128xf32, #tpu.memory_space<vmem>>, %arg8: memref<!tpu.dma_semaphore, #tpu.memory_space<semaphore_mem>>, %arg9: memref<!tpu.dma_semaphore, #tpu.memory_space<semaphore_mem>>, %arg10: memref<!tpu.dma_semaphore, #tpu.memory_space<semaphore_mem>>, %arg11: memref<!tpu.dma_semaphore, #tpu.memory_space<semaphore_mem>>) attributes {dimension_semantics = [#tpu.dimension_semantics<core_parallel>, #tpu.dimension_semantics<subcore_parallel>], iteration_bounds = array<i64: 2, 16>, scalar_prefetch = 0 : i64, scratch_operands = 7 : i64, tpu.core_type = #tpu.core_type<sc_vector_subcore>, window_params = [{transform_indices = #map}, {transform_indices = #map1}, {transform_indices = #map}]} {
    %mul3A = arith.constant 2 : i32
    %mul3A_0 = arith.muli %arg1, %mul3A : i32
    %add3A = arith.addi %mul3A_0, %arg0 : i32
    %mul3A_1 = arith.constant 512 : i32
    %mul3A_2 = arith.muli %add3A, %mul3A_1 : i32
    %mul3A_3 = arith.constant 200 : i32
    %mul3A_4 = arith.muli %mul3A_2, %mul3A_3 : i32
    %add3A_5 = arith.constant 0 : i32
    %add3A_6 = arith.addi %mul3A_4, %add3A_5 : i32
    %dma_start3A = arith.constant 0 : i32
    %dma_start3A_7 = arith.constant 0 : i32
    %dma_start3A_8 = tpu.memref_slice %arg5[%dma_start3A, %dma_start3A_7] : memref<2x1600xi32, #tpu.memory_space<vmem>> -> memref<1x1600xi32, #tpu.memory_space<vmem>>
    %dma_start3A_9 = tpu.memref_squeeze %dma_start3A_8 : memref<1x1600xi32, #tpu.memory_space<vmem>> -> memref<1600xi32, #tpu.memory_space<vmem>>
    %dma_start3A_10 = tpu.memref_slice %arg3[%add3A_6] : memref<3276800xi32, #tpu.memory_space<hbm>> -> memref<1600xi32, #tpu.memory_space<hbm>>
    %dma_start3A_11 = arith.constant 0 : i32
    %dma_start3A_12 = tpu.memref_slice %arg5[%dma_start3A, %dma_start3A_11] : memref<2x1600xi32, #tpu.memory_space<vmem>> -> memref<1x1600xi32, #tpu.memory_space<vmem>>
    %dma_start3A_13 = tpu.memref_squeeze %dma_start3A_12 : memref<1x1600xi32, #tpu.memory_space<vmem>> -> memref<1600xi32, #tpu.memory_space<vmem>>
    %dma_start3A_14 = tpu.memref_slice %arg3[%add3A_6] : memref<3276800xi32, #tpu.memory_space<hbm>> -> memref<1600xi32, #tpu.memory_space<hbm>>
    tpu.enqueue_dma source(%dma_start3A_14 : memref<1600xi32, #tpu.memory_space<hbm>>) target(%dma_start3A_13 : memref<1600xi32, #tpu.memory_space<vmem>>) target_semaphore(%arg10 : memref<!tpu.dma_semaphore, #tpu.memory_space<semaphore_mem>>)
    %add3A_15 = arith.constant 0 : i32
    %add3A_16 = arith.addi %mul3A_4, %add3A_15 : i32
    %dma_wait3A = arith.constant 0 : i32
    %dma_wait3A_17 = arith.constant 0 : i32
    %dma_wait3A_18 = tpu.memref_slice %arg5[%dma_wait3A, %dma_wait3A_17] : memref<2x1600xi32, #tpu.memory_space<vmem>> -> memref<1x1600xi32, #tpu.memory_space<vmem>>
    %dma_wait3A_19 = tpu.memref_squeeze %dma_wait3A_18 : memref<1x1600xi32, #tpu.memory_space<vmem>> -> memref<1600xi32, #tpu.memory_space<vmem>>
    %dma_wait3A_20 = tpu.memref_slice %arg3[%add3A_16] : memref<3276800xi32, #tpu.memory_space<hbm>> -> memref<1600xi32, #tpu.memory_space<hbm>>
    %dma_wait3A_21 = arith.constant 0 : i32
    %dma_wait3A_22 = tpu.memref_slice %arg5[%dma_wait3A, %dma_wait3A_21] : memref<2x1600xi32, #tpu.memory_space<vmem>> -> memref<1x1600xi32, #tpu.memory_space<vmem>>
    %dma_wait3A_23 = tpu.memref_squeeze %dma_wait3A_22 : memref<1x1600xi32, #tpu.memory_space<vmem>> -> memref<1600xi32, #tpu.memory_space<vmem>>
    %dma_wait3A_24 = tpu.memref_slice %arg3[%add3A_16] : memref<3276800xi32, #tpu.memory_space<hbm>> -> memref<1600xi32, #tpu.memory_space<hbm>>
    tpu.wait_dma2 semaphore(%arg10 : memref<!tpu.dma_semaphore, #tpu.memory_space<semaphore_mem>>) src(%dma_wait3A_24 : memref<1600xi32, #tpu.memory_space<hbm>>) dst(%dma_wait3A_23 : memref<1600xi32, #tpu.memory_space<vmem>>)
    %scan3A = arith.constant 0 : i32
    %scan3A_25 = arith.constant 100 : i32
    %scan3A_26 = arith.addi %scan3A, %scan3A_25 : i32
    %scan3A_27 = arith.constant 4 : i32
    scf.for %scan3A_237 = %scan3A to %scan3A_26 step %scan3A_27  : i32 {
      %mul3A_238 = arith.constant 1 : i32
      %mul3A_239 = arith.muli %scan3A_237, %mul3A_238 : i32
      %add3A_240 = arith.constant 0 : i32
      %add3A_241 = arith.addi %add3A_240, %mul3A_239 : i32
      %mul3A_242 = arith.constant 16 : i32
      %mul3A_243 = arith.muli %add3A_241, %mul3A_242 : i32
      %get3A = arith.constant 0 : i32
      %get3A_244 = arith.index_cast %get3A : i32 to index
      %get3A_245 = arith.index_cast %mul3A_243 : i32 to index
      %get3A_246 = tpu.vector_load %arg5[%get3A_244, %get3A_245] {strides = array<i32>} : memref<2x1600xi32, #tpu.memory_space<vmem>>, vector<16xi32>,
      %ge3A = arith.constant 250000 : i32
      %ge3A_247 = vector.broadcast %ge3A : i32 to vector<16xi32>
      %ge3A_248 = arith.cmpi sge, %get3A_246, %ge3A_247 : vector<16xi32>
      %convert_element_type3A = arith.extui %ge3A_248 : vector<16xi1> to vector<16xi32>
      %ge3A_249 = arith.constant 500000 : i32
      %ge3A_250 = vector.broadcast %ge3A_249 : i32 to vector<16xi32>
      %ge3A_251 = arith.cmpi sge, %get3A_246, %ge3A_250 : vector<16xi32>
      %convert_element_type3A_252 = arith.extui %ge3A_251 : vector<16xi1> to vector<16xi32>
      %add3A_253 = arith.addi %convert_element_type3A, %convert_element_type3A_252 : vector<16xi32>
      %ge3A_254 = arith.constant 750000 : i32
      %ge3A_255 = vector.broadcast %ge3A_254 : i32 to vector<16xi32>
      %ge3A_256 = arith.cmpi sge, %get3A_246, %ge3A_255 : vector<16xi32>
      %convert_element_type3A_257 = arith.extui %ge3A_256 : vector<16xi1> to vector<16xi32>
      %add3A_258 = arith.addi %add3A_253, %convert_element_type3A_257 : vector<16xi32>
      %shift_left3A = arith.constant 2 : i32
      %shift_left3A_259 = vector.broadcast %shift_left3A : i32 to vector<16xi32>
      %shift_left3A_260 = arith.shli %get3A_246, %shift_left3A_259 : vector<16xi32>
      %mul3A_261 = arith.constant 999999 : i32
      %mul3A_262 = vector.broadcast %mul3A_261 : i32 to vector<16xi32>
      %mul3A_263 = arith.muli %mul3A_262, %add3A_258 : vector<16xi32>
      %sub3A = arith.subi %shift_left3A_260, %mul3A_263 : vector<16xi32>
      %mul3A_264 = arith.constant 16 : i32
      %mul3A_265 = arith.muli %add3A_241, %mul3A_264 : i32
      %swap3A = arith.constant 0 : i32
      %swap3A_266 = arith.index_cast %swap3A : i32 to index
      %swap3A_267 = arith.index_cast %mul3A_265 : i32 to index
      %swap3A_268 = tpu.vector_load %arg5[%swap3A_266, %swap3A_267] {strides = array<i32>} : memref<2x1600xi32, #tpu.memory_space<vmem>>, vector<16xi32>,
      tpu.vector_store %arg5[%swap3A_266, %swap3A_267], %sub3A {strides = array<i32>} : memref<2x1600xi32, #tpu.memory_space<vmem>>, vector<16xi32>,
      %scan3A_269 = arith.constant 1 : i32
      %scan3A_270 = arith.addi %scan3A_237, %scan3A_269 : i32
      %mul3A_271 = arith.constant 1 : i32
      %mul3A_272 = arith.muli %scan3A_270, %mul3A_271 : i32
      %add3A_273 = arith.constant 0 : i32
      %add3A_274 = arith.addi %add3A_273, %mul3A_272 : i32
      %mul3A_275 = arith.constant 16 : i32
      %mul3A_276 = arith.muli %add3A_274, %mul3A_275 : i32
      %get3A_277 = arith.constant 0 : i32
      %get3A_278 = arith.index_cast %get3A_277 : i32 to index
      %get3A_279 = arith.index_cast %mul3A_276 : i32 to index
      %get3A_280 = tpu.vector_load %arg5[%get3A_278, %get3A_279] {strides = array<i32>} : memref<2x1600xi32, #tpu.memory_space<vmem>>, vector<16xi32>,
      %ge3A_281 = arith.constant 250000 : i32
      %ge3A_282 = vector.broadcast %ge3A_281 : i32 to vector<16xi32>
      %ge3A_283 = arith.cmpi sge, %get3A_280, %ge3A_282 : vector<16xi32>
      %convert_element_type3A_284 = arith.extui %ge3A_283 : vector<16xi1> to vector<16xi32>
      %ge3A_285 = arith.constant 500000 : i32
      %ge3A_286 = vector.broadcast %ge3A_285 : i32 to vector<16xi32>
      %ge3A_287 = arith.cmpi sge, %get3A_280, %ge3A_286 : vector<16xi32>
      %convert_element_type3A_288 = arith.extui %ge3A_287 : vector<16xi1> to vector<16xi32>
      %add3A_289 = arith.addi %convert_element_type3A_284, %convert_element_type3A_288 : vector<16xi32>
      %ge3A_290 = arith.constant 750000 : i32
      %ge3A_291 = vector.broadcast %ge3A_290 : i32 to vector<16xi32>
      %ge3A_292 = arith.cmpi sge, %get3A_280, %ge3A_291 : vector<16xi32>
      %convert_element_type3A_293 = arith.extui %ge3A_292 : vector<16xi1> to vector<16xi32>
      %add3A_294 = arith.addi %add3A_289, %convert_element_type3A_293 : vector<16xi32>
      %shift_left3A_295 = arith.constant 2 : i32
      %shift_left3A_296 = vector.broadcast %shift_left3A_295 : i32 to vector<16xi32>
      %shift_left3A_297 = arith.shli %get3A_280, %shift_left3A_296 : vector<16xi32>
      %mul3A_298 = arith.constant 999999 : i32
      %mul3A_299 = vector.broadcast %mul3A_298 : i32 to vector<16xi32>
      %mul3A_300 = arith.muli %mul3A_299, %add3A_294 : vector<16xi32>
      %sub3A_301 = arith.subi %shift_left3A_297, %mul3A_300 : vector<16xi32>
      %mul3A_302 = arith.constant 16 : i32
      %mul3A_303 = arith.muli %add3A_274, %mul3A_302 : i32
      %swap3A_304 = arith.constant 0 : i32
      %swap3A_305 = arith.index_cast %swap3A_304 : i32 to index
      %swap3A_306 = arith.index_cast %mul3A_303 : i32 to index
      %swap3A_307 = tpu.vector_load %arg5[%swap3A_305, %swap3A_306] {strides = array<i32>} : memref<2x1600xi32, #tpu.memory_space<vmem>>, vector<16xi32>,
      tpu.vector_store %arg5[%swap3A_305, %swap3A_306], %sub3A_301 {strides = array<i32>} : memref<2x1600xi32, #tpu.memory_space<vmem>>, vector<16xi32>,
      %scan3A_308 = arith.constant 2 : i32
      %scan3A_309 = arith.addi %scan3A_237, %scan3A_308 : i32
      %mul3A_310 = arith.constant 1 : i32
      %mul3A_311 = arith.muli %scan3A_309, %mul3A_310 : i32
      %add3A_312 = arith.constant 0 : i32
      %add3A_313 = arith.addi %add3A_312, %mul3A_311 : i32
      %mul3A_314 = arith.constant 16 : i32
      %mul3A_315 = arith.muli %add3A_313, %mul3A_314 : i32
      %get3A_316 = arith.constant 0 : i32
      %get3A_317 = arith.index_cast %get3A_316 : i32 to index
      %get3A_318 = arith.index_cast %mul3A_315 : i32 to index
      %get3A_319 = tpu.vector_load %arg5[%get3A_317, %get3A_318] {strides = array<i32>} : memref<2x1600xi32, #tpu.memory_space<vmem>>, vector<16xi32>,
      %ge3A_320 = arith.constant 250000 : i32
      %ge3A_321 = vector.broadcast %ge3A_320 : i32 to vector<16xi32>
      %ge3A_322 = arith.cmpi sge, %get3A_319, %ge3A_321 : vector<16xi32>
      %convert_element_type3A_323 = arith.extui %ge3A_322 : vector<16xi1> to vector<16xi32>
      %ge3A_324 = arith.constant 500000 : i32
      %ge3A_325 = vector.broadcast %ge3A_324 : i32 to vector<16xi32>
      %ge3A_326 = arith.cmpi sge, %get3A_319, %ge3A_325 : vector<16xi32>
      %convert_element_type3A_327 = arith.extui %ge3A_326 : vector<16xi1> to vector<16xi32>
      %add3A_328 = arith.addi %convert_element_type3A_323, %convert_element_type3A_327 : vector<16xi32>
      %ge3A_329 = arith.constant 750000 : i32
      %ge3A_330 = vector.broadcast %ge3A_329 : i32 to vector<16xi32>
      %ge3A_331 = arith.cmpi sge, %get3A_319, %ge3A_330 : vector<16xi32>
      %convert_element_type3A_332 = arith.extui %ge3A_331 : vector<16xi1> to vector<16xi32>
      %add3A_333 = arith.addi %add3A_328, %convert_element_type3A_332 : vector<16xi32>
      %shift_left3A_334 = arith.constant 2 : i32
      %shift_left3A_335 = vector.broadcast %shift_left3A_334 : i32 to vector<16xi32>
      %shift_left3A_336 = arith.shli %get3A_319, %shift_left3A_335 : vector<16xi32>
      %mul3A_337 = arith.constant 999999 : i32
      %mul3A_338 = vector.broadcast %mul3A_337 : i32 to vector<16xi32>
      %mul3A_339 = arith.muli %mul3A_338, %add3A_333 : vector<16xi32>
      %sub3A_340 = arith.subi %shift_left3A_336, %mul3A_339 : vector<16xi32>
      %mul3A_341 = arith.constant 16 : i32
      %mul3A_342 = arith.muli %add3A_313, %mul3A_341 : i32
      %swap3A_343 = arith.constant 0 : i32
      %swap3A_344 = arith.index_cast %swap3A_343 : i32 to index
      %swap3A_345 = arith.index_cast %mul3A_342 : i32 to index
      %swap3A_346 = tpu.vector_load %arg5[%swap3A_344, %swap3A_345] {strides = array<i32>} : memref<2x1600xi32, #tpu.memory_space<vmem>>, vector<16xi32>,
      tpu.vector_store %arg5[%swap3A_344, %swap3A_345], %sub3A_340 {strides = array<i32>} : memref<2x1600xi32, #tpu.memory_space<vmem>>, vector<16xi32>,
      %scan3A_347 = arith.constant 3 : i32
      %scan3A_348 = arith.addi %scan3A_237, %scan3A_347 : i32
      %mul3A_349 = arith.constant 1 : i32
      %mul3A_350 = arith.muli %scan3A_348, %mul3A_349 : i32
      %add3A_351 = arith.constant 0 : i32
      %add3A_352 = arith.addi %add3A_351, %mul3A_350 : i32
      %mul3A_353 = arith.constant 16 : i32
      %mul3A_354 = arith.muli %add3A_352, %mul3A_353 : i32
      %get3A_355 = arith.constant 0 : i32
      %get3A_356 = arith.index_cast %get3A_355 : i32 to index
      %get3A_357 = arith.index_cast %mul3A_354 : i32 to index
      %get3A_358 = tpu.vector_load %arg5[%get3A_356, %get3A_357] {strides = array<i32>} : memref<2x1600xi32, #tpu.memory_space<vmem>>, vector<16xi32>,
      %ge3A_359 = arith.constant 250000 : i32
      %ge3A_360 = vector.broadcast %ge3A_359 : i32 to vector<16xi32>
      %ge3A_361 = arith.cmpi sge, %get3A_358, %ge3A_360 : vector<16xi32>
      %convert_element_type3A_362 = arith.extui %ge3A_361 : vector<16xi1> to vector<16xi32>
      %ge3A_363 = arith.constant 500000 : i32
      %ge3A_364 = vector.broadcast %ge3A_363 : i32 to vector<16xi32>
      %ge3A_365 = arith.cmpi sge, %get3A_358, %ge3A_364 : vector<16xi32>
      %convert_element_type3A_366 = arith.extui %ge3A_365 : vector<16xi1> to vector<16xi32>
      %add3A_367 = arith.addi %convert_element_type3A_362, %convert_element_type3A_366 : vector<16xi32>
      %ge3A_368 = arith.constant 750000 : i32
      %ge3A_369 = vector.broadcast %ge3A_368 : i32 to vector<16xi32>
      %ge3A_370 = arith.cmpi sge, %get3A_358, %ge3A_369 : vector<16xi32>
      %convert_element_type3A_371 = arith.extui %ge3A_370 : vector<16xi1> to vector<16xi32>
      %add3A_372 = arith.addi %add3A_367, %convert_element_type3A_371 : vector<16xi32>
      %shift_left3A_373 = arith.constant 2 : i32
      %shift_left3A_374 = vector.broadcast %shift_left3A_373 : i32 to vector<16xi32>
      %shift_left3A_375 = arith.shli %get3A_358, %shift_left3A_374 : vector<16xi32>
      %mul3A_376 = arith.constant 999999 : i32
      %mul3A_377 = vector.broadcast %mul3A_376 : i32 to vector<16xi32>
      %mul3A_378 = arith.muli %mul3A_377, %add3A_372 : vector<16xi32>
      %sub3A_379 = arith.subi %shift_left3A_375, %mul3A_378 : vector<16xi32>
      %mul3A_380 = arith.constant 16 : i32
      %mul3A_381 = arith.muli %add3A_352, %mul3A_380 : i32
      %swap3A_382 = arith.constant 0 : i32
      %swap3A_383 = arith.index_cast %swap3A_382 : i32 to index
      %swap3A_384 = arith.index_cast %mul3A_381 : i32 to index
      %swap3A_385 = tpu.vector_load %arg5[%swap3A_383, %swap3A_384] {strides = array<i32>} : memref<2x1600xi32, #tpu.memory_space<vmem>>, vector<16xi32>,
      tpu.vector_store %arg5[%swap3A_383, %swap3A_384], %sub3A_379 {strides = array<i32>} : memref<2x1600xi32, #tpu.memory_space<vmem>>, vector<16xi32>,
    }
    %scan3A_28 = arith.constant 100 : i32
    %dma_start3A_29 = arith.constant 0 : i32
    %dma_start3A_30 = arith.constant 0 : i32
    %dma_start3A_31 = arith.constant 0 : i32
    %dma_start3A_32 = arith.constant 0 : i32
    %dma_start3A_33 = tpu.memref_slice %arg6[%dma_start3A_30, %dma_start3A_31, %dma_start3A_32] : memref<2x1600x32xf32, #tpu.memory_space<vmem>> -> memref<1x128x32xf32, #tpu.memory_space<vmem>>
    %dma_start3A_34 = tpu.memref_squeeze %dma_start3A_33 : memref<1x128x32xf32, #tpu.memory_space<vmem>> -> memref<128x32xf32, #tpu.memory_space<vmem>>
    %dma_start3A_35 = arith.constant 0 : i32
    %dma_start3A_36 = tpu.memref_slice %arg5[%dma_start3A_29, %dma_start3A_35] : memref<2x1600xi32, #tpu.memory_space<vmem>> -> memref<1x128xi32, #tpu.memory_space<vmem>>
    %dma_start3A_37 = tpu.memref_squeeze %dma_start3A_36 : memref<1x128xi32, #tpu.memory_space<vmem>> -> memref<128xi32, #tpu.memory_space<vmem>>
    %dma_start3A_38 = arith.constant 0 : i32
    %dma_start3A_39 = arith.constant 0 : i32
    %dma_start3A_40 = tpu.memref_slice %arg2[%dma_start3A_38, %dma_start3A_39] : memref<1000000x32xf32, #tpu.memory_space<hbm>> -> memref<1000000x32xf32, #tpu.memory_space<hbm>>
    tpu.enqueue_indirect_dma source(%dma_start3A_40 : memref<1000000x32xf32, #tpu.memory_space<hbm>>) target(%dma_start3A_34 : memref<128x32xf32, #tpu.memory_space<vmem>>) offsets(%dma_start3A_37 : memref<128xi32, #tpu.memory_space<vmem>>) semaphore(%arg8 : memref<!tpu.dma_semaphore, #tpu.memory_space<semaphore_mem>>)
    %dma_start3A_41 = arith.constant 0 : i32
    %dma_start3A_42 = arith.constant 0 : i32
    %dma_start3A_43 = arith.constant 128 : i32
    %dma_start3A_44 = arith.constant 0 : i32
    %dma_start3A_45 = tpu.memref_slice %arg6[%dma_start3A_42, %dma_start3A_43, %dma_start3A_44] : memref<2x1600x32xf32, #tpu.memory_space<vmem>> -> memref<1x72x32xf32, #tpu.memory_space<vmem>>
    %dma_start3A_46 = tpu.memref_squeeze %dma_start3A_45 : memref<1x72x32xf32, #tpu.memory_space<vmem>> -> memref<72x32xf32, #tpu.memory_space<vmem>>
    %dma_start3A_47 = arith.constant 128 : i32
    %dma_start3A_48 = tpu.memref_slice %arg5[%dma_start3A_41, %dma_start3A_47] : memref<2x1600xi32, #tpu.memory_space<vmem>> -> memref<1x72xi32, #tpu.memory_space<vmem>>
    %dma_start3A_49 = tpu.memref_squeeze %dma_start3A_48 : memref<1x72xi32, #tpu.memory_space<vmem>> -> memref<72xi32, #tpu.memory_space<vmem>>
    %dma_start3A_50 = arith.constant 0 : i32
    %dma_start3A_51 = arith.constant 0 : i32
    %dma_start3A_52 = tpu.memref_slice %arg2[%dma_start3A_50, %dma_start3A_51] : memref<1000000x32xf32, #tpu.memory_space<hbm>> -> memref<1000000x32xf32, #tpu.memory_space<hbm>>
    tpu.enqueue_indirect_dma source(%dma_start3A_52 : memref<1000000x32xf32, #tpu.memory_space<hbm>>) target(%dma_start3A_46 : memref<72x32xf32, #tpu.memory_space<vmem>>) offsets(%dma_start3A_49 : memref<72xi32, #tpu.memory_space<vmem>>) semaphore(%arg8 : memref<!tpu.dma_semaphore, #tpu.memory_space<semaphore_mem>>)
    %dma_start3A_53 = arith.constant 0 : i32
    %dma_start3A_54 = arith.constant 0 : i32
    %dma_start3A_55 = arith.constant 200 : i32
    %dma_start3A_56 = arith.constant 0 : i32
    %dma_start3A_57 = tpu.memref_slice %arg6[%dma_start3A_54, %dma_start3A_55, %dma_start3A_56] : memref<2x1600x32xf32, #tpu.memory_space<vmem>> -> memref<1x128x32xf32, #tpu.memory_space<vmem>>
    %dma_start3A_58 = tpu.memref_squeeze %dma_start3A_57 : memref<1x128x32xf32, #tpu.memory_space<vmem>> -> memref<128x32xf32, #tpu.memory_space<vmem>>
    %dma_start3A_59 = arith.constant 200 : i32
    %dma_start3A_60 = tpu.memref_slice %arg5[%dma_start3A_53, %dma_start3A_59] : memref<2x1600xi32, #tpu.memory_space<vmem>> -> memref<1x128xi32, #tpu.memory_space<vmem>>
    %dma_start3A_61 = tpu.memref_squeeze %dma_start3A_60 : memref<1x128xi32, #tpu.memory_space<vmem>> -> memref<128xi32, #tpu.memory_space<vmem>>
    %dma_start3A_62 = arith.constant 0 : i32
    %dma_start3A_63 = arith.constant 0 : i32
    %dma_start3A_64 = tpu.memref_slice %arg2[%dma_start3A_62, %dma_start3A_63] : memref<1000000x32xf32, #tpu.memory_space<hbm>> -> memref<1000000x32xf32, #tpu.memory_space<hbm>>
    tpu.enqueue_indirect_dma source(%dma_start3A_64 : memref<1000000x32xf32, #tpu.memory_space<hbm>>) target(%dma_start3A_58 : memref<128x32xf32, #tpu.memory_space<vmem>>) offsets(%dma_start3A_61 : memref<128xi32, #tpu.memory_space<vmem>>) semaphore(%arg8 : memref<!tpu.dma_semaphore, #tpu.memory_space<semaphore_mem>>)
    %dma_start3A_65 = arith.constant 0 : i32
    %dma_start3A_66 = arith.constant 0 : i32
    %dma_start3A_67 = arith.constant 328 : i32
    %dma_start3A_68 = arith.constant 0 : i32
    %dma_start3A_69 = tpu.memref_slice %arg6[%dma_start3A_66, %dma_start3A_67, %dma_start3A_68] : memref<2x1600x32xf32, #tpu.memory_space<vmem>> -> memref<1x72x32xf32, #tpu.memory_space<vmem>>
    %dma_start3A_70 = tpu.memref_squeeze %dma_start3A_69 : memref<1x72x32xf32, #tpu.memory_space<vmem>> -> memref<72x32xf32, #tpu.memory_space<vmem>>
    %dma_start3A_71 = arith.constant 328 : i32
    %dma_start3A_72 = tpu.memref_slice %arg5[%dma_start3A_65, %dma_start3A_71] : memref<2x1600xi32, #tpu.memory_space<vmem>> -> memref<1x72xi32, #tpu.memory_space<vmem>>
    %dma_start3A_73 = tpu.memref_squeeze %dma_start3A_72 : memref<1x72xi32, #tpu.memory_space<vmem>> -> memref<72xi32, #tpu.memory_space<vmem>>
    %dma_start3A_74 = arith.constant 0 : i32
    %dma_start3A_75 = arith.constant 0 : i32
    %dma_start3A_76 = tpu.memref_slice %arg2[%dma_start3A_74, %dma_start3A_75] : memref<1000000x32xf32, #tpu.memory_space<hbm>> -> memref<1000000x32xf32, #tpu.memory_space<hbm>>
    tpu.enqueue_indirect_dma source(%dma_start3A_76 : memref<1000000x32xf32, #tpu.memory_space<hbm>>) target(%dma_start3A_70 : memref<72x32xf32, #tpu.memory_space<vmem>>) offsets(%dma_start3A_73 : memref<72xi32, #tpu.memory_space<vmem>>) semaphore(%arg8 : memref<!tpu.dma_semaphore, #tpu.memory_space<semaphore_mem>>)
    %dma_start3A_77 = arith.constant 0 : i32
    %dma_start3A_78 = arith.constant 0 : i32
    %dma_start3A_79 = arith.constant 400 : i32
    %dma_start3A_80 = arith.constant 0 : i32
    %dma_start3A_81 = tpu.memref_slice %arg6[%dma_start3A_78, %dma_start3A_79, %dma_start3A_80] : memref<2x1600x32xf32, #tpu.memory_space<vmem>> -> memref<1x128x32xf32, #tpu.memory_space<vmem>>
    %dma_start3A_82 = tpu.memref_squeeze %dma_start3A_81 : memref<1x128x32xf32, #tpu.memory_space<vmem>> -> memref<128x32xf32, #tpu.memory_space<vmem>>
    %dma_start3A_83 = arith.constant 400 : i32
    %dma_start3A_84 = tpu.memref_slice %arg5[%dma_start3A_77, %dma_start3A_83] : memref<2x1600xi32, #tpu.memory_space<vmem>> -> memref<1x128xi32, #tpu.memory_space<vmem>>
    %dma_start3A_85 = tpu.memref_squeeze %dma_start3A_84 : memref<1x128xi32, #tpu.memory_space<vmem>> -> memref<128xi32, #tpu.memory_space<vmem>>
    %dma_start3A_86 = arith.constant 0 : i32
    %dma_start3A_87 = arith.constant 0 : i32
    %dma_start3A_88 = tpu.memref_slice %arg2[%dma_start3A_86, %dma_start3A_87] : memref<1000000x32xf32, #tpu.memory_space<hbm>> -> memref<1000000x32xf32, #tpu.memory_space<hbm>>
    tpu.enqueue_indirect_dma source(%dma_start3A_88 : memref<1000000x32xf32, #tpu.memory_space<hbm>>) target(%dma_start3A_82 : memref<128x32xf32, #tpu.memory_space<vmem>>) offsets(%dma_start3A_85 : memref<128xi32, #tpu.memory_space<vmem>>) semaphore(%arg8 : memref<!tpu.dma_semaphore, #tpu.memory_space<semaphore_mem>>)
    %dma_start3A_89 = arith.constant 0 : i32
    %dma_start3A_90 = arith.constant 0 : i32
    %dma_start3A_91 = arith.constant 528 : i32
    %dma_start3A_92 = arith.constant 0 : i32
    %dma_start3A_93 = tpu.memref_slice %arg6[%dma_start3A_90, %dma_start3A_91, %dma_start3A_92] : memref<2x1600x32xf32, #tpu.memory_space<vmem>> -> memref<1x72x32xf32, #tpu.memory_space<vmem>>
    %dma_start3A_94 = tpu.memref_squeeze %dma_start3A_93 : memref<1x72x32xf32, #tpu.memory_space<vmem>> -> memref<72x32xf32, #tpu.memory_space<vmem>>
    %dma_start3A_95 = arith.constant 528 : i32
    %dma_start3A_96 = tpu.memref_slice %arg5[%dma_start3A_89, %dma_start3A_95] : memref<2x1600xi32, #tpu.memory_space<vmem>> -> memref<1x72xi32, #tpu.memory_space<vmem>>
    %dma_start3A_97 = tpu.memref_squeeze %dma_start3A_96 : memref<1x72xi32, #tpu.memory_space<vmem>> -> memref<72xi32, #tpu.memory_space<vmem>>
    %dma_start3A_98 = arith.constant 0 : i32
    %dma_start3A_99 = arith.constant 0 : i32
    %dma_start3A_100 = tpu.memref_slice %arg2[%dma_start3A_98, %dma_start3A_99] : memref<1000000x32xf32, #tpu.memory_space<hbm>> -> memref<1000000x32xf32, #tpu.memory_space<hbm>>
    tpu.enqueue_indirect_dma source(%dma_start3A_100 : memref<1000000x32xf32, #tpu.memory_space<hbm>>) target(%dma_start3A_94 : memref<72x32xf32, #tpu.memory_space<vmem>>) offsets(%dma_start3A_97 : memref<72xi32, #tpu.memory_space<vmem>>) semaphore(%arg8 : memref<!tpu.dma_semaphore, #tpu.memory_space<semaphore_mem>>)
    %dma_start3A_101 = arith.constant 0 : i32
    %dma_start3A_102 = arith.constant 0 : i32
    %dma_start3A_103 = arith.constant 600 : i32
    %dma_start3A_104 = arith.constant 0 : i32
    %dma_start3A_105 = tpu.memref_slice %arg6[%dma_start3A_102, %dma_start3A_103, %dma_start3A_104] : memref<2x1600x32xf32, #tpu.memory_space<vmem>> -> memref<1x128x32xf32, #tpu.memory_space<vmem>>
    %dma_start3A_106 = tpu.memref_squeeze %dma_start3A_105 : memref<1x128x32xf32, #tpu.memory_space<vmem>> -> memref<128x32xf32, #tpu.memory_space<vmem>>
    %dma_start3A_107 = arith.constant 600 : i32
    %dma_start3A_108 = tpu.memref_slice %arg5[%dma_start3A_101, %dma_start3A_107] : memref<2x1600xi32, #tpu.memory_space<vmem>> -> memref<1x128xi32, #tpu.memory_space<vmem>>
    %dma_start3A_109 = tpu.memref_squeeze %dma_start3A_108 : memref<1x128xi32, #tpu.memory_space<vmem>> -> memref<128xi32, #tpu.memory_space<vmem>>
    %dma_start3A_110 = arith.constant 0 : i32
    %dma_start3A_111 = arith.constant 0 : i32
    %dma_start3A_112 = tpu.memref_slice %arg2[%dma_start3A_110, %dma_start3A_111] : memref<1000000x32xf32, #tpu.memory_space<hbm>> -> memref<1000000x32xf32, #tpu.memory_space<hbm>>
    tpu.enqueue_indirect_dma source(%dma_start3A_112 : memref<1000000x32xf32, #tpu.memory_space<hbm>>) target(%dma_start3A_106 : memref<128x32xf32, #tpu.memory_space<vmem>>) offsets(%dma_start3A_109 : memref<128xi32, #tpu.memory_space<vmem>>) semaphore(%arg8 : memref<!tpu.dma_semaphore, #tpu.memory_space<semaphore_mem>>)
    %dma_start3A_113 = arith.constant 0 : i32
    %dma_start3A_114 = arith.constant 0 : i32
    %dma_start3A_115 = arith.constant 728 : i32
    %dma_start3A_116 = arith.constant 0 : i32
    %dma_start3A_117 = tpu.memref_slice %arg6[%dma_start3A_114, %dma_start3A_115, %dma_start3A_116] : memref<2x1600x32xf32, #tpu.memory_space<vmem>> -> memref<1x72x32xf32, #tpu.memory_space<vmem>>
    %dma_start3A_118 = tpu.memref_squeeze %dma_start3A_117 : memref<1x72x32xf32, #tpu.memory_space<vmem>> -> memref<72x32xf32, #tpu.memory_space<vmem>>
    %dma_start3A_119 = arith.constant 728 : i32
    %dma_start3A_120 = tpu.memref_slice %arg5[%dma_start3A_113, %dma_start3A_119] : memref<2x1600xi32, #tpu.memory_space<vmem>> -> memref<1x72xi32, #tpu.memory_space<vmem>>
    %dma_start3A_121 = tpu.memref_squeeze %dma_start3A_120 : memref<1x72xi32, #tpu.memory_space<vmem>> -> memref<72xi32, #tpu.memory_space<vmem>>
    %dma_start3A_122 = arith.constant 0 : i32
    %dma_start3A_123 = arith.constant 0 : i32
    %dma_start3A_124 = tpu.memref_slice %arg2[%dma_start3A_122, %dma_start3A_123] : memref<1000000x32xf32, #tpu.memory_space<hbm>> -> memref<1000000x32xf32, #tpu.memory_space<hbm>>
    tpu.enqueue_indirect_dma source(%dma_start3A_124 : memref<1000000x32xf32, #tpu.memory_space<hbm>>) target(%dma_start3A_118 : memref<72x32xf32, #tpu.memory_space<vmem>>) offsets(%dma_start3A_121 : memref<72xi32, #tpu.memory_space<vmem>>) semaphore(%arg8 : memref<!tpu.dma_semaphore, #tpu.memory_space<semaphore_mem>>)
    %dma_start3A_125 = arith.constant 0 : i32
    %dma_start3A_126 = arith.constant 0 : i32
    %dma_start3A_127 = arith.constant 800 : i32
    %dma_start3A_128 = arith.constant 0 : i32
    %dma_start3A_129 = tpu.memref_slice %arg6[%dma_start3A_126, %dma_start3A_127, %dma_start3A_128] : memref<2x1600x32xf32, #tpu.memory_space<vmem>> -> memref<1x128x32xf32, #tpu.memory_space<vmem>>
    %dma_start3A_130 = tpu.memref_squeeze %dma_start3A_129 : memref<1x128x32xf32, #tpu.memory_space<vmem>> -> memref<128x32xf32, #tpu.memory_space<vmem>>
    %dma_start3A_131 = arith.constant 800 : i32
    %dma_start3A_132 = tpu.memref_slice %arg5[%dma_start3A_125, %dma_start3A_131] : memref<2x1600xi32, #tpu.memory_space<vmem>> -> memref<1x128xi32, #tpu.memory_space<vmem>>
    %dma_start3A_133 = tpu.memref_squeeze %dma_start3A_132 : memref<1x128xi32, #tpu.memory_space<vmem>> -> memref<128xi32, #tpu.memory_space<vmem>>
    %dma_start3A_134 = arith.constant 0 : i32
    %dma_start3A_135 = arith.constant 0 : i32
    %dma_start3A_136 = tpu.memref_slice %arg2[%dma_start3A_134, %dma_start3A_135] : memref<1000000x32xf32, #tpu.memory_space<hbm>> -> memref<1000000x32xf32, #tpu.memory_space<hbm>>
    tpu.enqueue_indirect_dma source(%dma_start3A_136 : memref<1000000x32xf32, #tpu.memory_space<hbm>>) target(%dma_start3A_130 : memref<128x32xf32, #tpu.memory_space<vmem>>) offsets(%dma_start3A_133 : memref<128xi32, #tpu.memory_space<vmem>>) semaphore(%arg8 : memref<!tpu.dma_semaphore, #tpu.memory_space<semaphore_mem>>)
    %dma_start3A_137 = arith.constant 0 : i32
    %dma_start3A_138 = arith.constant 0 : i32
    %dma_start3A_139 = arith.constant 928 : i32
    %dma_start3A_140 = arith.constant 0 : i32
    %dma_start3A_141 = tpu.memref_slice %arg6[%dma_start3A_138, %dma_start3A_139, %dma_start3A_140] : memref<2x1600x32xf32, #tpu.memory_space<vmem>> -> memref<1x72x32xf32, #tpu.memory_space<vmem>>
    %dma_start3A_142 = tpu.memref_squeeze %dma_start3A_141 : memref<1x72x32xf32, #tpu.memory_space<vmem>> -> memref<72x32xf32, #tpu.memory_space<vmem>>
    %dma_start3A_143 = arith.constant 928 : i32
    %dma_start3A_144 = tpu.memref_slice %arg5[%dma_start3A_137, %dma_start3A_143] : memref<2x1600xi32, #tpu.memory_space<vmem>> -> memref<1x72xi32, #tpu.memory_space<vmem>>
    %dma_start3A_145 = tpu.memref_squeeze %dma_start3A_144 : memref<1x72xi32, #tpu.memory_space<vmem>> -> memref<72xi32, #tpu.memory_space<vmem>>
    %dma_start3A_146 = arith.constant 0 : i32
    %dma_start3A_147 = arith.constant 0 : i32
    %dma_start3A_148 = tpu.memref_slice %arg2[%dma_start3A_146, %dma_start3A_147] : memref<1000000x32xf32, #tpu.memory_space<hbm>> -> memref<1000000x32xf32, #tpu.memory_space<hbm>>
    tpu.enqueue_indirect_dma source(%dma_start3A_148 : memref<1000000x32xf32, #tpu.memory_space<hbm>>) target(%dma_start3A_142 : memref<72x32xf32, #tpu.memory_space<vmem>>) offsets(%dma_start3A_145 : memref<72xi32, #tpu.memory_space<vmem>>) semaphore(%arg8 : memref<!tpu.dma_semaphore, #tpu.memory_space<semaphore_mem>>)
    %dma_start3A_149 = arith.constant 0 : i32
    %dma_start3A_150 = arith.constant 0 : i32
    %dma_start3A_151 = arith.constant 1000 : i32
    %dma_start3A_152 = arith.constant 0 : i32
    %dma_start3A_153 = tpu.memref_slice %arg6[%dma_start3A_150, %dma_start3A_151, %dma_start3A_152] : memref<2x1600x32xf32, #tpu.memory_space<vmem>> -> memref<1x128x32xf32, #tpu.memory_space<vmem>>
    %dma_start3A_154 = tpu.memref_squeeze %dma_start3A_153 : memref<1x128x32xf32, #tpu.memory_space<vmem>> -> memref<128x32xf32, #tpu.memory_space<vmem>>
    %dma_start3A_155 = arith.constant 1000 : i32
    %dma_start3A_156 = tpu.memref_slice %arg5[%dma_start3A_149, %dma_start3A_155] : memref<2x1600xi32, #tpu.memory_space<vmem>> -> memref<1x128xi32, #tpu.memory_space<vmem>>
    %dma_start3A_157 = tpu.memref_squeeze %dma_start3A_156 : memref<1x128xi32, #tpu.memory_space<vmem>> -> memref<128xi32, #tpu.memory_space<vmem>>
    %dma_start3A_158 = arith.constant 0 : i32
    %dma_start3A_159 = arith.constant 0 : i32
    %dma_start3A_160 = tpu.memref_slice %arg2[%dma_start3A_158, %dma_start3A_159] : memref<1000000x32xf32, #tpu.memory_space<hbm>> -> memref<1000000x32xf32, #tpu.memory_space<hbm>>
    tpu.enqueue_indirect_dma source(%dma_start3A_160 : memref<1000000x32xf32, #tpu.memory_space<hbm>>) target(%dma_start3A_154 : memref<128x32xf32, #tpu.memory_space<vmem>>) offsets(%dma_start3A_157 : memref<128xi32, #tpu.memory_space<vmem>>) semaphore(%arg8 : memref<!tpu.dma_semaphore, #tpu.memory_space<semaphore_mem>>)
    %dma_start3A_161 = arith.constant 0 : i32
    %dma_start3A_162 = arith.constant 0 : i32
    %dma_start3A_163 = arith.constant 1128 : i32
    %dma_start3A_164 = arith.constant 0 : i32
    %dma_start3A_165 = tpu.memref_slice %arg6[%dma_start3A_162, %dma_start3A_163, %dma_start3A_164] : memref<2x1600x32xf32, #tpu.memory_space<vmem>> -> memref<1x72x32xf32, #tpu.memory_space<vmem>>
    %dma_start3A_166 = tpu.memref_squeeze %dma_start3A_165 : memref<1x72x32xf32, #tpu.memory_space<vmem>> -> memref<72x32xf32, #tpu.memory_space<vmem>>
    %dma_start3A_167 = arith.constant 1128 : i32
    %dma_start3A_168 = tpu.memref_slice %arg5[%dma_start3A_161, %dma_start3A_167] : memref<2x1600xi32, #tpu.memory_space<vmem>> -> memref<1x72xi32, #tpu.memory_space<vmem>>
    %dma_start3A_169 = tpu.memref_squeeze %dma_start3A_168 : memref<1x72xi32, #tpu.memory_space<vmem>> -> memref<72xi32, #tpu.memory_space<vmem>>
    %dma_start3A_170 = arith.constant 0 : i32
    %dma_start3A_171 = arith.constant 0 : i32
    %dma_start3A_172 = tpu.memref_slice %arg2[%dma_start3A_170, %dma_start3A_171] : memref<1000000x32xf32, #tpu.memory_space<hbm>> -> memref<1000000x32xf32, #tpu.memory_space<hbm>>
    tpu.enqueue_indirect_dma source(%dma_start3A_172 : memref<1000000x32xf32, #tpu.memory_space<hbm>>) target(%dma_start3A_166 : memref<72x32xf32, #tpu.memory_space<vmem>>) offsets(%dma_start3A_169 : memref<72xi32, #tpu.memory_space<vmem>>) semaphore(%arg8 : memref<!tpu.dma_semaphore, #tpu.memory_space<semaphore_mem>>)
    %dma_start3A_173 = arith.constant 0 : i32
    %dma_start3A_174 = arith.constant 0 : i32
    %dma_start3A_175 = arith.constant 1200 : i32
    %dma_start3A_176 = arith.constant 0 : i32
    %dma_start3A_177 = tpu.memref_slice %arg6[%dma_start3A_174, %dma_start3A_175, %dma_start3A_176] : memref<2x1600x32xf32, #tpu.memory_space<vmem>> -> memref<1x128x32xf32, #tpu.memory_space<vmem>>
    %dma_start3A_178 = tpu.memref_squeeze %dma_start3A_177 : memref<1x128x32xf32, #tpu.memory_space<vmem>> -> memref<128x32xf32, #tpu.memory_space<vmem>>
    %dma_start3A_179 = arith.constant 1200 : i32
    %dma_start3A_180 = tpu.memref_slice %arg5[%dma_start3A_173, %dma_start3A_179] : memref<2x1600xi32, #tpu.memory_space<vmem>> -> memref<1x128xi32, #tpu.memory_space<vmem>>
    %dma_start3A_181 = tpu.memref_squeeze %dma_start3A_180 : memref<1x128xi32, #tpu.memory_space<vmem>> -> memref<128xi32, #tpu.memory_space<vmem>>
    %dma_start3A_182 = arith.constant 0 : i32
    %dma_start3A_183 = arith.constant 0 : i32
    %dma_start3A_184 = tpu.memref_slice %arg2[%dma_start3A_182, %dma_start3A_183] : memref<1000000x32xf32, #tpu.memory_space<hbm>> -> memref<1000000x32xf32, #tpu.memory_space<hbm>>
    tpu.enqueue_indirect_dma source(%dma_start3A_184 : memref<1000000x32xf32, #tpu.memory_space<hbm>>) target(%dma_start3A_178 : memref<128x32xf32, #tpu.memory_space<vmem>>) offsets(%dma_start3A_181 : memref<128xi32, #tpu.memory_space<vmem>>) semaphore(%arg8 : memref<!tpu.dma_semaphore, #tpu.memory_space<semaphore_mem>>)
    %dma_start3A_185 = arith.constant 0 : i32
    %dma_start3A_186 = arith.constant 0 : i32
    %dma_start3A_187 = arith.constant 1328 : i32
    %dma_start3A_188 = arith.constant 0 : i32
    %dma_start3A_189 = tpu.memref_slice %arg6[%dma_start3A_186, %dma_start3A_187, %dma_start3A_188] : memref<2x1600x32xf32, #tpu.memory_space<vmem>> -> memref<1x72x32xf32, #tpu.memory_space<vmem>>
    %dma_start3A_190 = tpu.memref_squeeze %dma_start3A_189 : memref<1x72x32xf32, #tpu.memory_space<vmem>> -> memref<72x32xf32, #tpu.memory_space<vmem>>
    %dma_start3A_191 = arith.constant 1328 : i32
    %dma_start3A_192 = tpu.memref_slice %arg5[%dma_start3A_185, %dma_start3A_191] : memref<2x1600xi32, #tpu.memory_space<vmem>> -> memref<1x72xi32, #tpu.memory_space<vmem>>
    %dma_start3A_193 = tpu.memref_squeeze %dma_start3A_192 : memref<1x72xi32, #tpu.memory_space<vmem>> -> memref<72xi32, #tpu.memory_space<vmem>>
    %dma_start3A_194 = arith.constant 0 : i32
    %dma_start3A_195 = arith.constant 0 : i32
    %dma_start3A_196 = tpu.memref_slice %arg2[%dma_start3A_194, %dma_start3A_195] : memref<1000000x32xf32, #tpu.memory_space<hbm>> -> memref<1000000x32xf32, #tpu.memory_space<hbm>>
    tpu.enqueue_indirect_dma source(%dma_start3A_196 : memref<1000000x32xf32, #tpu.memory_space<hbm>>) target(%dma_start3A_190 : memref<72x32xf32, #tpu.memory_space<vmem>>) offsets(%dma_start3A_193 : memref<72xi32, #tpu.memory_space<vmem>>) semaphore(%arg8 : memref<!tpu.dma_semaphore, #tpu.memory_space<semaphore_mem>>)
    %dma_start3A_197 = arith.constant 0 : i32
    %dma_start3A_198 = arith.constant 0 : i32
    %dma_start3A_199 = arith.constant 1400 : i32
    %dma_start3A_200 = arith.constant 0 : i32
    %dma_start3A_201 = tpu.memref_slice %arg6[%dma_start3A_198, %dma_start3A_199, %dma_start3A_200] : memref<2x1600x32xf32, #tpu.memory_space<vmem>> -> memref<1x128x32xf32, #tpu.memory_space<vmem>>
    %dma_start3A_202 = tpu.memref_squeeze %dma_start3A_201 : memref<1x128x32xf32, #tpu.memory_space<vmem>> -> memref<128x32xf32, #tpu.memory_space<vmem>>
    %dma_start3A_203 = arith.constant 1400 : i32
    %dma_start3A_204 = tpu.memref_slice %arg5[%dma_start3A_197, %dma_start3A_203] : memref<2x1600xi32, #tpu.memory_space<vmem>> -> memref<1x128xi32, #tpu.memory_space<vmem>>
    %dma_start3A_205 = tpu.memref_squeeze %dma_start3A_204 : memref<1x128xi32, #tpu.memory_space<vmem>> -> memref<128xi32, #tpu.memory_space<vmem>>
    %dma_start3A_206 = arith.constant 0 : i32
    %dma_start3A_207 = arith.constant 0 : i32
    %dma_start3A_208 = tpu.memref_slice %arg2[%dma_start3A_206, %dma_start3A_207] : memref<1000000x32xf32, #tpu.memory_space<hbm>> -> memref<1000000x32xf32, #tpu.memory_space<hbm>>
    tpu.enqueue_indirect_dma source(%dma_start3A_208 : memref<1000000x32xf32, #tpu.memory_space<hbm>>) target(%dma_start3A_202 : memref<128x32xf32, #tpu.memory_space<vmem>>) offsets(%dma_start3A_205 : memref<128xi32, #tpu.memory_space<vmem>>) semaphore(%arg8 : memref<!tpu.dma_semaphore, #tpu.memory_space<semaphore_mem>>)
    %dma_start3A_209 = arith.constant 0 : i32
    %dma_start3A_210 = arith.constant 0 : i32
    %dma_start3A_211 = arith.constant 1528 : i32
    %dma_start3A_212 = arith.constant 0 : i32
    %dma_start3A_213 = tpu.memref_slice %arg6[%dma_start3A_210, %dma_start3A_211, %dma_start3A_212] : memref<2x1600x32xf32, #tpu.memory_space<vmem>> -> memref<1x72x32xf32, #tpu.memory_space<vmem>>
    %dma_start3A_214 = tpu.memref_squeeze %dma_start3A_213 : memref<1x72x32xf32, #tpu.memory_space<vmem>> -> memref<72x32xf32, #tpu.memory_space<vmem>>
    %dma_start3A_215 = arith.constant 1528 : i32
    %dma_start3A_216 = tpu.memref_slice %arg5[%dma_start3A_209, %dma_start3A_215] : memref<2x1600xi32, #tpu.memory_space<vmem>> -> memref<1x72xi32, #tpu.memory_space<vmem>>
    %dma_start3A_217 = tpu.memref_squeeze %dma_start3A_216 : memref<1x72xi32, #tpu.memory_space<vmem>> -> memref<72xi32, #tpu.memory_space<vmem>>
    %dma_start3A_218 = arith.constant 0 : i32
    %dma_start3A_219 = arith.constant 0 : i32
    %dma_start3A_220 = tpu.memref_slice %arg2[%dma_start3A_218, %dma_start3A_219] : memref<1000000x32xf32, #tpu.memory_space<hbm>> -> memref<1000000x32xf32, #tpu.memory_space<hbm>>
    tpu.enqueue_indirect_dma source(%dma_start3A_220 : memref<1000000x32xf32, #tpu.memory_space<hbm>>) target(%dma_start3A_214 : memref<72x32xf32, #tpu.memory_space<vmem>>) offsets(%dma_start3A_217 : memref<72xi32, #tpu.memory_space<vmem>>) semaphore(%arg8 : memref<!tpu.dma_semaphore, #tpu.memory_space<semaphore_mem>>)
    %add3A_221 = arith.constant 1600 : i32
    %add3A_222 = arith.addi %mul3A_4, %add3A_221 : i32
    %dma_start3A_223 = arith.constant 1 : i32
    %dma_start3A_224 = arith.constant 0 : i32
    %dma_start3A_225 = tpu.memref_slice %arg5[%dma_start3A_223, %dma_start3A_224] : memref<2x1600xi32, #tpu.memory_space<vmem>> -> memref<1x1600xi32, #tpu.memory_space<vmem>>
    %dma_start3A_226 = tpu.memref_squeeze %dma_start3A_225 : memref<1x1600xi32, #tpu.memory_space<vmem>> -> memref<1600xi32, #tpu.memory_space<vmem>>
    %dma_start3A_227 = tpu.memref_slice %arg3[%add3A_222] : memref<3276800xi32, #tpu.memory_space<hbm>> -> memref<1600xi32, #tpu.memory_space<hbm>>
    %dma_start3A_228 = arith.constant 0 : i32
    %dma_start3A_229 = tpu.memref_slice %arg5[%dma_start3A_223, %dma_start3A_228] : memref<2x1600xi32, #tpu.memory_space<vmem>> -> memref<1x1600xi32, #tpu.memory_space<vmem>>
    %dma_start3A_230 = tpu.memref_squeeze %dma_start3A_229 : memref<1x1600xi32, #tpu.memory_space<vmem>> -> memref<1600xi32, #tpu.memory_space<vmem>>
    %dma_start3A_231 = tpu.memref_slice %arg3[%add3A_222] : memref<3276800xi32, #tpu.memory_space<hbm>> -> memref<1600xi32, #tpu.memory_space<hbm>>
    tpu.enqueue_dma source(%dma_start3A_231 : memref<1600xi32, #tpu.memory_space<hbm>>) target(%dma_start3A_230 : memref<1600xi32, #tpu.memory_space<vmem>>) target_semaphore(%arg11 : memref<!tpu.dma_semaphore, #tpu.memory_space<semaphore_mem>>)
    %scan3A_232 = arith.constant 0 : i32
    %scan3A_233 = arith.constant 32 : i32
    %scan3A_234 = arith.addi %scan3A_232, %scan3A_233 : i32
    %scan3A_235 = arith.constant 1 : i32
    scf.for %scan3A_237 = %scan3A_232 to %scan3A_234 step %scan3A_235  : i32 {
      %mul3A_238 = arith.constant 2 : i32
      %mul3A_239 = arith.muli %scan3A_237, %mul3A_238 : i32
      %add3A_240 = arith.constant 0 : i32
      %add3A_241 = arith.addi %add3A_240, %mul3A_239 : i32
      %add3A_242 = arith.constant 0 : i32
      %add3A_243 = arith.addi %add3A_241, %add3A_242 : i32
      %add3A_244 = arith.constant 1 : i32
      %add3A_245 = arith.addi %add3A_243, %add3A_244 : i32
      %lt3A = arith.constant 64 : i32
      %lt3A_246 = arith.cmpi slt, %add3A_245, %lt3A : i32
      %convert_element_type3A = arith.extui %lt3A_246 : i1 to i32
      %cond3A = arith.constant 0 : i32
      %cond3A_247 = arith.cmpi ne, %convert_element_type3A, %cond3A : i32
      scf.if %cond3A_247 {
        %add3A_955 = arith.constant 1 : i32
        %add3A_956 = arith.addi %add3A_243, %add3A_955 : i32
        %mul3A_957 = arith.constant 1600 : i32
        %mul3A_958 = arith.muli %add3A_956, %mul3A_957 : i32
        %add3A_959 = arith.addi %mul3A_4, %mul3A_958 : i32
        %dma_wait3A_960 = arith.constant 1 : i32
        %dma_wait3A_961 = arith.constant 0 : i32
        %dma_wait3A_962 = tpu.memref_slice %arg5[%dma_wait3A_960, %dma_wait3A_961] : memref<2x1600xi32, #tpu.memory_space<vmem>> -> memref<1x1600xi32, #tpu.memory_space<vmem>>
        %dma_wait3A_963 = tpu.memref_squeeze %dma_wait3A_962 : memref<1x1600xi32, #tpu.memory_space<vmem>> -> memref<1600xi32, #tpu.memory_space<vmem>>
        %dma_wait3A_964 = tpu.memref_slice %arg3[%add3A_959] : memref<3276800xi32, #tpu.memory_space<hbm>> -> memref<1600xi32, #tpu.memory_space<hbm>>
        %dma_wait3A_965 = arith.constant 0 : i32
        %dma_wait3A_966 = tpu.memref_slice %arg5[%dma_wait3A_960, %dma_wait3A_965] : memref<2x1600xi32, #tpu.memory_space<vmem>> -> memref<1x1600xi32, #tpu.memory_space<vmem>>
        %dma_wait3A_967 = tpu.memref_squeeze %dma_wait3A_966 : memref<1x1600xi32, #tpu.memory_space<vmem>> -> memref<1600xi32, #tpu.memory_space<vmem>>
        %dma_wait3A_968 = tpu.memref_slice %arg3[%add3A_959] : memref<3276800xi32, #tpu.memory_space<hbm>> -> memref<1600xi32, #tpu.memory_space<hbm>>
        tpu.wait_dma2 semaphore(%arg11 : memref<!tpu.dma_semaphore, #tpu.memory_space<semaphore_mem>>) src(%dma_wait3A_968 : memref<1600xi32, #tpu.memory_space<hbm>>) dst(%dma_wait3A_967 : memref<1600xi32, #tpu.memory_space<vmem>>)
        %scan3A_969 = arith.constant 0 : i32
        %scan3A_970 = arith.constant 100 : i32
        %scan3A_971 = arith.addi %scan3A_969, %scan3A_970 : i32
        %scan3A_972 = arith.constant 4 : i32
        scf.for %scan3A_1166 = %scan3A_969 to %scan3A_971 step %scan3A_972  : i32 {
          %mul3A_1167 = arith.constant 1 : i32
          %mul3A_1168 = arith.muli %scan3A_1166, %mul3A_1167 : i32
          %add3A_1169 = arith.constant 0 : i32
          %add3A_1170 = arith.addi %add3A_1169, %mul3A_1168 : i32
          %mul3A_1171 = arith.constant 16 : i32
          %mul3A_1172 = arith.muli %add3A_1170, %mul3A_1171 : i32
          %get3A = arith.constant 1 : i32
          %get3A_1173 = arith.index_cast %get3A : i32 to index
          %get3A_1174 = arith.index_cast %mul3A_1172 : i32 to index
          %get3A_1175 = tpu.vector_load %arg5[%get3A_1173, %get3A_1174] {strides = array<i32>} : memref<2x1600xi32, #tpu.memory_space<vmem>>, vector<16xi32>,
          %ge3A = arith.constant 250000 : i32
          %ge3A_1176 = vector.broadcast %ge3A : i32 to vector<16xi32>
          %ge3A_1177 = arith.cmpi sge, %get3A_1175, %ge3A_1176 : vector<16xi32>
          %convert_element_type3A_1178 = arith.extui %ge3A_1177 : vector<16xi1> to vector<16xi32>
          %ge3A_1179 = arith.constant 500000 : i32
          %ge3A_1180 = vector.broadcast %ge3A_1179 : i32 to vector<16xi32>
          %ge3A_1181 = arith.cmpi sge, %get3A_1175, %ge3A_1180 : vector<16xi32>
          %convert_element_type3A_1182 = arith.extui %ge3A_1181 : vector<16xi1> to vector<16xi32>
          %add3A_1183 = arith.addi %convert_element_type3A_1178, %convert_element_type3A_1182 : vector<16xi32>
          %ge3A_1184 = arith.constant 750000 : i32
          %ge3A_1185 = vector.broadcast %ge3A_1184 : i32 to vector<16xi32>
          %ge3A_1186 = arith.cmpi sge, %get3A_1175, %ge3A_1185 : vector<16xi32>
          %convert_element_type3A_1187 = arith.extui %ge3A_1186 : vector<16xi1> to vector<16xi32>
          %add3A_1188 = arith.addi %add3A_1183, %convert_element_type3A_1187 : vector<16xi32>
          %shift_left3A = arith.constant 2 : i32
          %shift_left3A_1189 = vector.broadcast %shift_left3A : i32 to vector<16xi32>
          %shift_left3A_1190 = arith.shli %get3A_1175, %shift_left3A_1189 : vector<16xi32>
          %mul3A_1191 = arith.constant 999999 : i32
          %mul3A_1192 = vector.broadcast %mul3A_1191 : i32 to vector<16xi32>
          %mul3A_1193 = arith.muli %mul3A_1192, %add3A_1188 : vector<16xi32>
          %sub3A_1194 = arith.subi %shift_left3A_1190, %mul3A_1193 : vector<16xi32>
          %mul3A_1195 = arith.constant 16 : i32
          %mul3A_1196 = arith.muli %add3A_1170, %mul3A_1195 : i32
          %swap3A_1197 = arith.constant 1 : i32
          %swap3A_1198 = arith.index_cast %swap3A_1197 : i32 to index
          %swap3A_1199 = arith.index_cast %mul3A_1196 : i32 to index
          %swap3A_1200 = tpu.vector_load %arg5[%swap3A_1198, %swap3A_1199] {strides = array<i32>} : memref<2x1600xi32, #tpu.memory_space<vmem>>, vector<16xi32>,
          tpu.vector_store %arg5[%swap3A_1198, %swap3A_1199], %sub3A_1194 {strides = array<i32>} : memref<2x1600xi32, #tpu.memory_space<vmem>>, vector<16xi32>,
          %scan3A_1201 = arith.constant 1 : i32
          %scan3A_1202 = arith.addi %scan3A_1166, %scan3A_1201 : i32
          %mul3A_1203 = arith.constant 1 : i32
          %mul3A_1204 = arith.muli %scan3A_1202, %mul3A_1203 : i32
          %add3A_1205 = arith.constant 0 : i32
          %add3A_1206 = arith.addi %add3A_1205, %mul3A_1204 : i32
          %mul3A_1207 = arith.constant 16 : i32
          %mul3A_1208 = arith.muli %add3A_1206, %mul3A_1207 : i32
          %get3A_1209 = arith.constant 1 : i32
          %get3A_1210 = arith.index_cast %get3A_1209 : i32 to index
          %get3A_1211 = arith.index_cast %mul3A_1208 : i32 to index
          %get3A_1212 = tpu.vector_load %arg5[%get3A_1210, %get3A_1211] {strides = array<i32>} : memref<2x1600xi32, #tpu.memory_space<vmem>>, vector<16xi32>,
          %ge3A_1213 = arith.constant 250000 : i32
          %ge3A_1214 = vector.broadcast %ge3A_1213 : i32 to vector<16xi32>
          %ge3A_1215 = arith.cmpi sge, %get3A_1212, %ge3A_1214 : vector<16xi32>
          %convert_element_type3A_1216 = arith.extui %ge3A_1215 : vector<16xi1> to vector<16xi32>
          %ge3A_1217 = arith.constant 500000 : i32
          %ge3A_1218 = vector.broadcast %ge3A_1217 : i32 to vector<16xi32>
          %ge3A_1219 = arith.cmpi sge, %get3A_1212, %ge3A_1218 : vector<16xi32>
          %convert_element_type3A_1220 = arith.extui %ge3A_1219 : vector<16xi1> to vector<16xi32>
          %add3A_1221 = arith.addi %convert_element_type3A_1216, %convert_element_type3A_1220 : vector<16xi32>
          %ge3A_1222 = arith.constant 750000 : i32
          %ge3A_1223 = vector.broadcast %ge3A_1222 : i32 to vector<16xi32>
          %ge3A_1224 = arith.cmpi sge, %get3A_1212, %ge3A_1223 : vector<16xi32>
          %convert_element_type3A_1225 = arith.extui %ge3A_1224 : vector<16xi1> to vector<16xi32>
          %add3A_1226 = arith.addi %add3A_1221, %convert_element_type3A_1225 : vector<16xi32>
          %shift_left3A_1227 = arith.constant 2 : i32
          %shift_left3A_1228 = vector.broadcast %shift_left3A_1227 : i32 to vector<16xi32>
          %shift_left3A_1229 = arith.shli %get3A_1212, %shift_left3A_1228 : vector<16xi32>
          %mul3A_1230 = arith.constant 999999 : i32
          %mul3A_1231 = vector.broadcast %mul3A_1230 : i32 to vector<16xi32>
          %mul3A_1232 = arith.muli %mul3A_1231, %add3A_1226 : vector<16xi32>
          %sub3A_1233 = arith.subi %shift_left3A_1229, %mul3A_1232 : vector<16xi32>
          %mul3A_1234 = arith.constant 16 : i32
          %mul3A_1235 = arith.muli %add3A_1206, %mul3A_1234 : i32
          %swap3A_1236 = arith.constant 1 : i32
          %swap3A_1237 = arith.index_cast %swap3A_1236 : i32 to index
          %swap3A_1238 = arith.index_cast %mul3A_1235 : i32 to index
          %swap3A_1239 = tpu.vector_load %arg5[%swap3A_1237, %swap3A_1238] {strides = array<i32>} : memref<2x1600xi32, #tpu.memory_space<vmem>>, vector<16xi32>,
          tpu.vector_store %arg5[%swap3A_1237, %swap3A_1238], %sub3A_1233 {strides = array<i32>} : memref<2x1600xi32, #tpu.memory_space<vmem>>, vector<16xi32>,
          %scan3A_1240 = arith.constant 2 : i32
          %scan3A_1241 = arith.addi %scan3A_1166, %scan3A_1240 : i32
          %mul3A_1242 = arith.constant 1 : i32
          %mul3A_1243 = arith.muli %scan3A_1241, %mul3A_1242 : i32
          %add3A_1244 = arith.constant 0 : i32
          %add3A_1245 = arith.addi %add3A_1244, %mul3A_1243 : i32
          %mul3A_1246 = arith.constant 16 : i32
          %mul3A_1247 = arith.muli %add3A_1245, %mul3A_1246 : i32
          %get3A_1248 = arith.constant 1 : i32
          %get3A_1249 = arith.index_cast %get3A_1248 : i32 to index
          %get3A_1250 = arith.index_cast %mul3A_1247 : i32 to index
          %get3A_1251 = tpu.vector_load %arg5[%get3A_1249, %get3A_1250] {strides = array<i32>} : memref<2x1600xi32, #tpu.memory_space<vmem>>, vector<16xi32>,
          %ge3A_1252 = arith.constant 250000 : i32
          %ge3A_1253 = vector.broadcast %ge3A_1252 : i32 to vector<16xi32>
          %ge3A_1254 = arith.cmpi sge, %get3A_1251, %ge3A_1253 : vector<16xi32>
          %convert_element_type3A_1255 = arith.extui %ge3A_1254 : vector<16xi1> to vector<16xi32>
          %ge3A_1256 = arith.constant 500000 : i32
          %ge3A_1257 = vector.broadcast %ge3A_1256 : i32 to vector<16xi32>
          %ge3A_1258 = arith.cmpi sge, %get3A_1251, %ge3A_1257 : vector<16xi32>
          %convert_element_type3A_1259 = arith.extui %ge3A_1258 : vector<16xi1> to vector<16xi32>
          %add3A_1260 = arith.addi %convert_element_type3A_1255, %convert_element_type3A_1259 : vector<16xi32>
          %ge3A_1261 = arith.constant 750000 : i32
          %ge3A_1262 = vector.broadcast %ge3A_1261 : i32 to vector<16xi32>
          %ge3A_1263 = arith.cmpi sge, %get3A_1251, %ge3A_1262 : vector<16xi32>
          %convert_element_type3A_1264 = arith.extui %ge3A_1263 : vector<16xi1> to vector<16xi32>
          %add3A_1265 = arith.addi %add3A_1260, %convert_element_type3A_1264 : vector<16xi32>
          %shift_left3A_1266 = arith.constant 2 : i32
          %shift_left3A_1267 = vector.broadcast %shift_left3A_1266 : i32 to vector<16xi32>
          %shift_left3A_1268 = arith.shli %get3A_1251, %shift_left3A_1267 : vector<16xi32>
          %mul3A_1269 = arith.constant 999999 : i32
          %mul3A_1270 = vector.broadcast %mul3A_1269 : i32 to vector<16xi32>
          %mul3A_1271 = arith.muli %mul3A_1270, %add3A_1265 : vector<16xi32>
          %sub3A_1272 = arith.subi %shift_left3A_1268, %mul3A_1271 : vector<16xi32>
          %mul3A_1273 = arith.constant 16 : i32
          %mul3A_1274 = arith.muli %add3A_1245, %mul3A_1273 : i32
          %swap3A_1275 = arith.constant 1 : i32
          %swap3A_1276 = arith.index_cast %swap3A_1275 : i32 to index
          %swap3A_1277 = arith.index_cast %mul3A_1274 : i32 to index
          %swap3A_1278 = tpu.vector_load %arg5[%swap3A_1276, %swap3A_1277] {strides = array<i32>} : memref<2x1600xi32, #tpu.memory_space<vmem>>, vector<16xi32>,
          tpu.vector_store %arg5[%swap3A_1276, %swap3A_1277], %sub3A_1272 {strides = array<i32>} : memref<2x1600xi32, #tpu.memory_space<vmem>>, vector<16xi32>,
          %scan3A_1279 = arith.constant 3 : i32
          %scan3A_1280 = arith.addi %scan3A_1166, %scan3A_1279 : i32
          %mul3A_1281 = arith.constant 1 : i32
          %mul3A_1282 = arith.muli %scan3A_1280, %mul3A_1281 : i32
          %add3A_1283 = arith.constant 0 : i32
          %add3A_1284 = arith.addi %add3A_1283, %mul3A_1282 : i32
          %mul3A_1285 = arith.constant 16 : i32
          %mul3A_1286 = arith.muli %add3A_1284, %mul3A_1285 : i32
          %get3A_1287 = arith.constant 1 : i32
          %get3A_1288 = arith.index_cast %get3A_1287 : i32 to index
          %get3A_1289 = arith.index_cast %mul3A_1286 : i32 to index
          %get3A_1290 = tpu.vector_load %arg5[%get3A_1288, %get3A_1289] {strides = array<i32>} : memref<2x1600xi32, #tpu.memory_space<vmem>>, vector<16xi32>,
          %ge3A_1291 = arith.constant 250000 : i32
          %ge3A_1292 = vector.broadcast %ge3A_1291 : i32 to vector<16xi32>
          %ge3A_1293 = arith.cmpi sge, %get3A_1290, %ge3A_1292 : vector<16xi32>
          %convert_element_type3A_1294 = arith.extui %ge3A_1293 : vector<16xi1> to vector<16xi32>
          %ge3A_1295 = arith.constant 500000 : i32
          %ge3A_1296 = vector.broadcast %ge3A_1295 : i32 to vector<16xi32>
          %ge3A_1297 = arith.cmpi sge, %get3A_1290, %ge3A_1296 : vector<16xi32>
          %convert_element_type3A_1298 = arith.extui %ge3A_1297 : vector<16xi1> to vector<16xi32>
          %add3A_1299 = arith.addi %convert_element_type3A_1294, %convert_element_type3A_1298 : vector<16xi32>
          %ge3A_1300 = arith.constant 750000 : i32
          %ge3A_1301 = vector.broadcast %ge3A_1300 : i32 to vector<16xi32>
          %ge3A_1302 = arith.cmpi sge, %get3A_1290, %ge3A_1301 : vector<16xi32>
          %convert_element_type3A_1303 = arith.extui %ge3A_1302 : vector<16xi1> to vector<16xi32>
          %add3A_1304 = arith.addi %add3A_1299, %convert_element_type3A_1303 : vector<16xi32>
          %shift_left3A_1305 = arith.constant 2 : i32
          %shift_left3A_1306 = vector.broadcast %shift_left3A_1305 : i32 to vector<16xi32>
          %shift_left3A_1307 = arith.shli %get3A_1290, %shift_left3A_1306 : vector<16xi32>
          %mul3A_1308 = arith.constant 999999 : i32
          %mul3A_1309 = vector.broadcast %mul3A_1308 : i32 to vector<16xi32>
          %mul3A_1310 = arith.muli %mul3A_1309, %add3A_1304 : vector<16xi32>
          %sub3A_1311 = arith.subi %shift_left3A_1307, %mul3A_1310 : vector<16xi32>
          %mul3A_1312 = arith.constant 16 : i32
          %mul3A_1313 = arith.muli %add3A_1284, %mul3A_1312 : i32
          %swap3A_1314 = arith.constant 1 : i32
          %swap3A_1315 = arith.index_cast %swap3A_1314 : i32 to index
          %swap3A_1316 = arith.index_cast %mul3A_1313 : i32 to index
          %swap3A_1317 = tpu.vector_load %arg5[%swap3A_1315, %swap3A_1316] {strides = array<i32>} : memref<2x1600xi32, #tpu.memory_space<vmem>>, vector<16xi32>,
          tpu.vector_store %arg5[%swap3A_1315, %swap3A_1316], %sub3A_1311 {strides = array<i32>} : memref<2x1600xi32, #tpu.memory_space<vmem>>, vector<16xi32>,
        }
        %scan3A_973 = arith.constant 100 : i32
        %dma_start3A_974 = arith.constant 1 : i32
        %dma_start3A_975 = arith.constant 1 : i32
        %dma_start3A_976 = arith.constant 0 : i32
        %dma_start3A_977 = arith.constant 0 : i32
        %dma_start3A_978 = tpu.memref_slice %arg6[%dma_start3A_975, %dma_start3A_976, %dma_start3A_977] : memref<2x1600x32xf32, #tpu.memory_space<vmem>> -> memref<1x128x32xf32, #tpu.memory_space<vmem>>
        %dma_start3A_979 = tpu.memref_squeeze %dma_start3A_978 : memref<1x128x32xf32, #tpu.memory_space<vmem>> -> memref<128x32xf32, #tpu.memory_space<vmem>>
        %dma_start3A_980 = arith.constant 0 : i32
        %dma_start3A_981 = tpu.memref_slice %arg5[%dma_start3A_974, %dma_start3A_980] : memref<2x1600xi32, #tpu.memory_space<vmem>> -> memref<1x128xi32, #tpu.memory_space<vmem>>
        %dma_start3A_982 = tpu.memref_squeeze %dma_start3A_981 : memref<1x128xi32, #tpu.memory_space<vmem>> -> memref<128xi32, #tpu.memory_space<vmem>>
        %dma_start3A_983 = arith.constant 0 : i32
        %dma_start3A_984 = arith.constant 0 : i32
        %dma_start3A_985 = tpu.memref_slice %arg2[%dma_start3A_983, %dma_start3A_984] : memref<1000000x32xf32, #tpu.memory_space<hbm>> -> memref<1000000x32xf32, #tpu.memory_space<hbm>>
        tpu.enqueue_indirect_dma source(%dma_start3A_985 : memref<1000000x32xf32, #tpu.memory_space<hbm>>) target(%dma_start3A_979 : memref<128x32xf32, #tpu.memory_space<vmem>>) offsets(%dma_start3A_982 : memref<128xi32, #tpu.memory_space<vmem>>) semaphore(%arg9 : memref<!tpu.dma_semaphore, #tpu.memory_space<semaphore_mem>>)
        %dma_start3A_986 = arith.constant 1 : i32
        %dma_start3A_987 = arith.constant 1 : i32
        %dma_start3A_988 = arith.constant 128 : i32
        %dma_start3A_989 = arith.constant 0 : i32
        %dma_start3A_990 = tpu.memref_slice %arg6[%dma_start3A_987, %dma_start3A_988, %dma_start3A_989] : memref<2x1600x32xf32, #tpu.memory_space<vmem>> -> memref<1x72x32xf32, #tpu.memory_space<vmem>>
        %dma_start3A_991 = tpu.memref_squeeze %dma_start3A_990 : memref<1x72x32xf32, #tpu.memory_space<vmem>> -> memref<72x32xf32, #tpu.memory_space<vmem>>
        %dma_start3A_992 = arith.constant 128 : i32
        %dma_start3A_993 = tpu.memref_slice %arg5[%dma_start3A_986, %dma_start3A_992] : memref<2x1600xi32, #tpu.memory_space<vmem>> -> memref<1x72xi32, #tpu.memory_space<vmem>>
        %dma_start3A_994 = tpu.memref_squeeze %dma_start3A_993 : memref<1x72xi32, #tpu.memory_space<vmem>> -> memref<72xi32, #tpu.memory_space<vmem>>
        %dma_start3A_995 = arith.constant 0 : i32
        %dma_start3A_996 = arith.constant 0 : i32
        %dma_start3A_997 = tpu.memref_slice %arg2[%dma_start3A_995, %dma_start3A_996] : memref<1000000x32xf32, #tpu.memory_space<hbm>> -> memref<1000000x32xf32, #tpu.memory_space<hbm>>
        tpu.enqueue_indirect_dma source(%dma_start3A_997 : memref<1000000x32xf32, #tpu.memory_space<hbm>>) target(%dma_start3A_991 : memref<72x32xf32, #tpu.memory_space<vmem>>) offsets(%dma_start3A_994 : memref<72xi32, #tpu.memory_space<vmem>>) semaphore(%arg9 : memref<!tpu.dma_semaphore, #tpu.memory_space<semaphore_mem>>)
        %dma_start3A_998 = arith.constant 1 : i32
        %dma_start3A_999 = arith.constant 1 : i32
        %dma_start3A_1000 = arith.constant 200 : i32
        %dma_start3A_1001 = arith.constant 0 : i32
        %dma_start3A_1002 = tpu.memref_slice %arg6[%dma_start3A_999, %dma_start3A_1000, %dma_start3A_1001] : memref<2x1600x32xf32, #tpu.memory_space<vmem>> -> memref<1x128x32xf32, #tpu.memory_space<vmem>>
        %dma_start3A_1003 = tpu.memref_squeeze %dma_start3A_1002 : memref<1x128x32xf32, #tpu.memory_space<vmem>> -> memref<128x32xf32, #tpu.memory_space<vmem>>
        %dma_start3A_1004 = arith.constant 200 : i32
        %dma_start3A_1005 = tpu.memref_slice %arg5[%dma_start3A_998, %dma_start3A_1004] : memref<2x1600xi32, #tpu.memory_space<vmem>> -> memref<1x128xi32, #tpu.memory_space<vmem>>
        %dma_start3A_1006 = tpu.memref_squeeze %dma_start3A_1005 : memref<1x128xi32, #tpu.memory_space<vmem>> -> memref<128xi32, #tpu.memory_space<vmem>>
        %dma_start3A_1007 = arith.constant 0 : i32
        %dma_start3A_1008 = arith.constant 0 : i32
        %dma_start3A_1009 = tpu.memref_slice %arg2[%dma_start3A_1007, %dma_start3A_1008] : memref<1000000x32xf32, #tpu.memory_space<hbm>> -> memref<1000000x32xf32, #tpu.memory_space<hbm>>
        tpu.enqueue_indirect_dma source(%dma_start3A_1009 : memref<1000000x32xf32, #tpu.memory_space<hbm>>) target(%dma_start3A_1003 : memref<128x32xf32, #tpu.memory_space<vmem>>) offsets(%dma_start3A_1006 : memref<128xi32, #tpu.memory_space<vmem>>) semaphore(%arg9 : memref<!tpu.dma_semaphore, #tpu.memory_space<semaphore_mem>>)
        %dma_start3A_1010 = arith.constant 1 : i32
        %dma_start3A_1011 = arith.constant 1 : i32
        %dma_start3A_1012 = arith.constant 328 : i32
        %dma_start3A_1013 = arith.constant 0 : i32
        %dma_start3A_1014 = tpu.memref_slice %arg6[%dma_start3A_1011, %dma_start3A_1012, %dma_start3A_1013] : memref<2x1600x32xf32, #tpu.memory_space<vmem>> -> memref<1x72x32xf32, #tpu.memory_space<vmem>>
        %dma_start3A_1015 = tpu.memref_squeeze %dma_start3A_1014 : memref<1x72x32xf32, #tpu.memory_space<vmem>> -> memref<72x32xf32, #tpu.memory_space<vmem>>
        %dma_start3A_1016 = arith.constant 328 : i32
        %dma_start3A_1017 = tpu.memref_slice %arg5[%dma_start3A_1010, %dma_start3A_1016] : memref<2x1600xi32, #tpu.memory_space<vmem>> -> memref<1x72xi32, #tpu.memory_space<vmem>>
        %dma_start3A_1018 = tpu.memref_squeeze %dma_start3A_1017 : memref<1x72xi32, #tpu.memory_space<vmem>> -> memref<72xi32, #tpu.memory_space<vmem>>
        %dma_start3A_1019 = arith.constant 0 : i32
        %dma_start3A_1020 = arith.constant 0 : i32
        %dma_start3A_1021 = tpu.memref_slice %arg2[%dma_start3A_1019, %dma_start3A_1020] : memref<1000000x32xf32, #tpu.memory_space<hbm>> -> memref<1000000x32xf32, #tpu.memory_space<hbm>>
        tpu.enqueue_indirect_dma source(%dma_start3A_1021 : memref<1000000x32xf32, #tpu.memory_space<hbm>>) target(%dma_start3A_1015 : memref<72x32xf32, #tpu.memory_space<vmem>>) offsets(%dma_start3A_1018 : memref<72xi32, #tpu.memory_space<vmem>>) semaphore(%arg9 : memref<!tpu.dma_semaphore, #tpu.memory_space<semaphore_mem>>)
        %dma_start3A_1022 = arith.constant 1 : i32
        %dma_start3A_1023 = arith.constant 1 : i32
        %dma_start3A_1024 = arith.constant 400 : i32
        %dma_start3A_1025 = arith.constant 0 : i32
        %dma_start3A_1026 = tpu.memref_slice %arg6[%dma_start3A_1023, %dma_start3A_1024, %dma_start3A_1025] : memref<2x1600x32xf32, #tpu.memory_space<vmem>> -> memref<1x128x32xf32, #tpu.memory_space<vmem>>
        %dma_start3A_1027 = tpu.memref_squeeze %dma_start3A_1026 : memref<1x128x32xf32, #tpu.memory_space<vmem>> -> memref<128x32xf32, #tpu.memory_space<vmem>>
        %dma_start3A_1028 = arith.constant 400 : i32
        %dma_start3A_1029 = tpu.memref_slice %arg5[%dma_start3A_1022, %dma_start3A_1028] : memref<2x1600xi32, #tpu.memory_space<vmem>> -> memref<1x128xi32, #tpu.memory_space<vmem>>
        %dma_start3A_1030 = tpu.memref_squeeze %dma_start3A_1029 : memref<1x128xi32, #tpu.memory_space<vmem>> -> memref<128xi32, #tpu.memory_space<vmem>>
        %dma_start3A_1031 = arith.constant 0 : i32
        %dma_start3A_1032 = arith.constant 0 : i32
        %dma_start3A_1033 = tpu.memref_slice %arg2[%dma_start3A_1031, %dma_start3A_1032] : memref<1000000x32xf32, #tpu.memory_space<hbm>> -> memref<1000000x32xf32, #tpu.memory_space<hbm>>
        tpu.enqueue_indirect_dma source(%dma_start3A_1033 : memref<1000000x32xf32, #tpu.memory_space<hbm>>) target(%dma_start3A_1027 : memref<128x32xf32, #tpu.memory_space<vmem>>) offsets(%dma_start3A_1030 : memref<128xi32, #tpu.memory_space<vmem>>) semaphore(%arg9 : memref<!tpu.dma_semaphore, #tpu.memory_space<semaphore_mem>>)
        %dma_start3A_1034 = arith.constant 1 : i32
        %dma_start3A_1035 = arith.constant 1 : i32
        %dma_start3A_1036 = arith.constant 528 : i32
        %dma_start3A_1037 = arith.constant 0 : i32
        %dma_start3A_1038 = tpu.memref_slice %arg6[%dma_start3A_1035, %dma_start3A_1036, %dma_start3A_1037] : memref<2x1600x32xf32, #tpu.memory_space<vmem>> -> memref<1x72x32xf32, #tpu.memory_space<vmem>>
        %dma_start3A_1039 = tpu.memref_squeeze %dma_start3A_1038 : memref<1x72x32xf32, #tpu.memory_space<vmem>> -> memref<72x32xf32, #tpu.memory_space<vmem>>
        %dma_start3A_1040 = arith.constant 528 : i32
        %dma_start3A_1041 = tpu.memref_slice %arg5[%dma_start3A_1034, %dma_start3A_1040] : memref<2x1600xi32, #tpu.memory_space<vmem>> -> memref<1x72xi32, #tpu.memory_space<vmem>>
        %dma_start3A_1042 = tpu.memref_squeeze %dma_start3A_1041 : memref<1x72xi32, #tpu.memory_space<vmem>> -> memref<72xi32, #tpu.memory_space<vmem>>
        %dma_start3A_1043 = arith.constant 0 : i32
        %dma_start3A_1044 = arith.constant 0 : i32
        %dma_start3A_1045 = tpu.memref_slice %arg2[%dma_start3A_1043, %dma_start3A_1044] : memref<1000000x32xf32, #tpu.memory_space<hbm>> -> memref<1000000x32xf32, #tpu.memory_space<hbm>>
        tpu.enqueue_indirect_dma source(%dma_start3A_1045 : memref<1000000x32xf32, #tpu.memory_space<hbm>>) target(%dma_start3A_1039 : memref<72x32xf32, #tpu.memory_space<vmem>>) offsets(%dma_start3A_1042 : memref<72xi32, #tpu.memory_space<vmem>>) semaphore(%arg9 : memref<!tpu.dma_semaphore, #tpu.memory_space<semaphore_mem>>)
        %dma_start3A_1046 = arith.constant 1 : i32
        %dma_start3A_1047 = arith.constant 1 : i32
        %dma_start3A_1048 = arith.constant 600 : i32
        %dma_start3A_1049 = arith.constant 0 : i32
        %dma_start3A_1050 = tpu.memref_slice %arg6[%dma_start3A_1047, %dma_start3A_1048, %dma_start3A_1049] : memref<2x1600x32xf32, #tpu.memory_space<vmem>> -> memref<1x128x32xf32, #tpu.memory_space<vmem>>
        %dma_start3A_1051 = tpu.memref_squeeze %dma_start3A_1050 : memref<1x128x32xf32, #tpu.memory_space<vmem>> -> memref<128x32xf32, #tpu.memory_space<vmem>>
        %dma_start3A_1052 = arith.constant 600 : i32
        %dma_start3A_1053 = tpu.memref_slice %arg5[%dma_start3A_1046, %dma_start3A_1052] : memref<2x1600xi32, #tpu.memory_space<vmem>> -> memref<1x128xi32, #tpu.memory_space<vmem>>
        %dma_start3A_1054 = tpu.memref_squeeze %dma_start3A_1053 : memref<1x128xi32, #tpu.memory_space<vmem>> -> memref<128xi32, #tpu.memory_space<vmem>>
        %dma_start3A_1055 = arith.constant 0 : i32
        %dma_start3A_1056 = arith.constant 0 : i32
        %dma_start3A_1057 = tpu.memref_slice %arg2[%dma_start3A_1055, %dma_start3A_1056] : memref<1000000x32xf32, #tpu.memory_space<hbm>> -> memref<1000000x32xf32, #tpu.memory_space<hbm>>
        tpu.enqueue_indirect_dma source(%dma_start3A_1057 : memref<1000000x32xf32, #tpu.memory_space<hbm>>) target(%dma_start3A_1051 : memref<128x32xf32, #tpu.memory_space<vmem>>) offsets(%dma_start3A_1054 : memref<128xi32, #tpu.memory_space<vmem>>) semaphore(%arg9 : memref<!tpu.dma_semaphore, #tpu.memory_space<semaphore_mem>>)
        %dma_start3A_1058 = arith.constant 1 : i32
        %dma_start3A_1059 = arith.constant 1 : i32
        %dma_start3A_1060 = arith.constant 728 : i32
        %dma_start3A_1061 = arith.constant 0 : i32
        %dma_start3A_1062 = tpu.memref_slice %arg6[%dma_start3A_1059, %dma_start3A_1060, %dma_start3A_1061] : memref<2x1600x32xf32, #tpu.memory_space<vmem>> -> memref<1x72x32xf32, #tpu.memory_space<vmem>>
        %dma_start3A_1063 = tpu.memref_squeeze %dma_start3A_1062 : memref<1x72x32xf32, #tpu.memory_space<vmem>> -> memref<72x32xf32, #tpu.memory_space<vmem>>
        %dma_start3A_1064 = arith.constant 728 : i32
        %dma_start3A_1065 = tpu.memref_slice %arg5[%dma_start3A_1058, %dma_start3A_1064] : memref<2x1600xi32, #tpu.memory_space<vmem>> -> memref<1x72xi32, #tpu.memory_space<vmem>>
        %dma_start3A_1066 = tpu.memref_squeeze %dma_start3A_1065 : memref<1x72xi32, #tpu.memory_space<vmem>> -> memref<72xi32, #tpu.memory_space<vmem>>
        %dma_start3A_1067 = arith.constant 0 : i32
        %dma_start3A_1068 = arith.constant 0 : i32
        %dma_start3A_1069 = tpu.memref_slice %arg2[%dma_start3A_1067, %dma_start3A_1068] : memref<1000000x32xf32, #tpu.memory_space<hbm>> -> memref<1000000x32xf32, #tpu.memory_space<hbm>>
        tpu.enqueue_indirect_dma source(%dma_start3A_1069 : memref<1000000x32xf32, #tpu.memory_space<hbm>>) target(%dma_start3A_1063 : memref<72x32xf32, #tpu.memory_space<vmem>>) offsets(%dma_start3A_1066 : memref<72xi32, #tpu.memory_space<vmem>>) semaphore(%arg9 : memref<!tpu.dma_semaphore, #tpu.memory_space<semaphore_mem>>)
        %dma_start3A_1070 = arith.constant 1 : i32
        %dma_start3A_1071 = arith.constant 1 : i32
        %dma_start3A_1072 = arith.constant 800 : i32
        %dma_start3A_1073 = arith.constant 0 : i32
        %dma_start3A_1074 = tpu.memref_slice %arg6[%dma_start3A_1071, %dma_start3A_1072, %dma_start3A_1073] : memref<2x1600x32xf32, #tpu.memory_space<vmem>> -> memref<1x128x32xf32, #tpu.memory_space<vmem>>
        %dma_start3A_1075 = tpu.memref_squeeze %dma_start3A_1074 : memref<1x128x32xf32, #tpu.memory_space<vmem>> -> memref<128x32xf32, #tpu.memory_space<vmem>>
        %dma_start3A_1076 = arith.constant 800 : i32
        %dma_start3A_1077 = tpu.memref_slice %arg5[%dma_start3A_1070, %dma_start3A_1076] : memref<2x1600xi32, #tpu.memory_space<vmem>> -> memref<1x128xi32, #tpu.memory_space<vmem>>
        %dma_start3A_1078 = tpu.memref_squeeze %dma_start3A_1077 : memref<1x128xi32, #tpu.memory_space<vmem>> -> memref<128xi32, #tpu.memory_space<vmem>>
        %dma_start3A_1079 = arith.constant 0 : i32
        %dma_start3A_1080 = arith.constant 0 : i32
        %dma_start3A_1081 = tpu.memref_slice %arg2[%dma_start3A_1079, %dma_start3A_1080] : memref<1000000x32xf32, #tpu.memory_space<hbm>> -> memref<1000000x32xf32, #tpu.memory_space<hbm>>
        tpu.enqueue_indirect_dma source(%dma_start3A_1081 : memref<1000000x32xf32, #tpu.memory_space<hbm>>) target(%dma_start3A_1075 : memref<128x32xf32, #tpu.memory_space<vmem>>) offsets(%dma_start3A_1078 : memref<128xi32, #tpu.memory_space<vmem>>) semaphore(%arg9 : memref<!tpu.dma_semaphore, #tpu.memory_space<semaphore_mem>>)
        %dma_start3A_1082 = arith.constant 1 : i32
        %dma_start3A_1083 = arith.constant 1 : i32
        %dma_start3A_1084 = arith.constant 928 : i32
        %dma_start3A_1085 = arith.constant 0 : i32
        %dma_start3A_1086 = tpu.memref_slice %arg6[%dma_start3A_1083, %dma_start3A_1084, %dma_start3A_1085] : memref<2x1600x32xf32, #tpu.memory_space<vmem>> -> memref<1x72x32xf32, #tpu.memory_space<vmem>>
        %dma_start3A_1087 = tpu.memref_squeeze %dma_start3A_1086 : memref<1x72x32xf32, #tpu.memory_space<vmem>> -> memref<72x32xf32, #tpu.memory_space<vmem>>
        %dma_start3A_1088 = arith.constant 928 : i32
        %dma_start3A_1089 = tpu.memref_slice %arg5[%dma_start3A_1082, %dma_start3A_1088] : memref<2x1600xi32, #tpu.memory_space<vmem>> -> memref<1x72xi32, #tpu.memory_space<vmem>>
        %dma_start3A_1090 = tpu.memref_squeeze %dma_start3A_1089 : memref<1x72xi32, #tpu.memory_space<vmem>> -> memref<72xi32, #tpu.memory_space<vmem>>
        %dma_start3A_1091 = arith.constant 0 : i32
        %dma_start3A_1092 = arith.constant 0 : i32
        %dma_start3A_1093 = tpu.memref_slice %arg2[%dma_start3A_1091, %dma_start3A_1092] : memref<1000000x32xf32, #tpu.memory_space<hbm>> -> memref<1000000x32xf32, #tpu.memory_space<hbm>>
        tpu.enqueue_indirect_dma source(%dma_start3A_1093 : memref<1000000x32xf32, #tpu.memory_space<hbm>>) target(%dma_start3A_1087 : memref<72x32xf32, #tpu.memory_space<vmem>>) offsets(%dma_start3A_1090 : memref<72xi32, #tpu.memory_space<vmem>>) semaphore(%arg9 : memref<!tpu.dma_semaphore, #tpu.memory_space<semaphore_mem>>)
        %dma_start3A_1094 = arith.constant 1 : i32
        %dma_start3A_1095 = arith.constant 1 : i32
        %dma_start3A_1096 = arith.constant 1000 : i32
        %dma_start3A_1097 = arith.constant 0 : i32
        %dma_start3A_1098 = tpu.memref_slice %arg6[%dma_start3A_1095, %dma_start3A_1096, %dma_start3A_1097] : memref<2x1600x32xf32, #tpu.memory_space<vmem>> -> memref<1x128x32xf32, #tpu.memory_space<vmem>>
        %dma_start3A_1099 = tpu.memref_squeeze %dma_start3A_1098 : memref<1x128x32xf32, #tpu.memory_space<vmem>> -> memref<128x32xf32, #tpu.memory_space<vmem>>
        %dma_start3A_1100 = arith.constant 1000 : i32
        %dma_start3A_1101 = tpu.memref_slice %arg5[%dma_start3A_1094, %dma_start3A_1100] : memref<2x1600xi32, #tpu.memory_space<vmem>> -> memref<1x128xi32, #tpu.memory_space<vmem>>
        %dma_start3A_1102 = tpu.memref_squeeze %dma_start3A_1101 : memref<1x128xi32, #tpu.memory_space<vmem>> -> memref<128xi32, #tpu.memory_space<vmem>>
        %dma_start3A_1103 = arith.constant 0 : i32
        %dma_start3A_1104 = arith.constant 0 : i32
        %dma_start3A_1105 = tpu.memref_slice %arg2[%dma_start3A_1103, %dma_start3A_1104] : memref<1000000x32xf32, #tpu.memory_space<hbm>> -> memref<1000000x32xf32, #tpu.memory_space<hbm>>
        tpu.enqueue_indirect_dma source(%dma_start3A_1105 : memref<1000000x32xf32, #tpu.memory_space<hbm>>) target(%dma_start3A_1099 : memref<128x32xf32, #tpu.memory_space<vmem>>) offsets(%dma_start3A_1102 : memref<128xi32, #tpu.memory_space<vmem>>) semaphore(%arg9 : memref<!tpu.dma_semaphore, #tpu.memory_space<semaphore_mem>>)
        %dma_start3A_1106 = arith.constant 1 : i32
        %dma_start3A_1107 = arith.constant 1 : i32
        %dma_start3A_1108 = arith.constant 1128 : i32
        %dma_start3A_1109 = arith.constant 0 : i32
        %dma_start3A_1110 = tpu.memref_slice %arg6[%dma_start3A_1107, %dma_start3A_1108, %dma_start3A_1109] : memref<2x1600x32xf32, #tpu.memory_space<vmem>> -> memref<1x72x32xf32, #tpu.memory_space<vmem>>
        %dma_start3A_1111 = tpu.memref_squeeze %dma_start3A_1110 : memref<1x72x32xf32, #tpu.memory_space<vmem>> -> memref<72x32xf32, #tpu.memory_space<vmem>>
        %dma_start3A_1112 = arith.constant 1128 : i32
        %dma_start3A_1113 = tpu.memref_slice %arg5[%dma_start3A_1106, %dma_start3A_1112] : memref<2x1600xi32, #tpu.memory_space<vmem>> -> memref<1x72xi32, #tpu.memory_space<vmem>>
        %dma_start3A_1114 = tpu.memref_squeeze %dma_start3A_1113 : memref<1x72xi32, #tpu.memory_space<vmem>> -> memref<72xi32, #tpu.memory_space<vmem>>
        %dma_start3A_1115 = arith.constant 0 : i32
        %dma_start3A_1116 = arith.constant 0 : i32
        %dma_start3A_1117 = tpu.memref_slice %arg2[%dma_start3A_1115, %dma_start3A_1116] : memref<1000000x32xf32, #tpu.memory_space<hbm>> -> memref<1000000x32xf32, #tpu.memory_space<hbm>>
        tpu.enqueue_indirect_dma source(%dma_start3A_1117 : memref<1000000x32xf32, #tpu.memory_space<hbm>>) target(%dma_start3A_1111 : memref<72x32xf32, #tpu.memory_space<vmem>>) offsets(%dma_start3A_1114 : memref<72xi32, #tpu.memory_space<vmem>>) semaphore(%arg9 : memref<!tpu.dma_semaphore, #tpu.memory_space<semaphore_mem>>)
        %dma_start3A_1118 = arith.constant 1 : i32
        %dma_start3A_1119 = arith.constant 1 : i32
        %dma_start3A_1120 = arith.constant 1200 : i32
        %dma_start3A_1121 = arith.constant 0 : i32
        %dma_start3A_1122 = tpu.memref_slice %arg6[%dma_start3A_1119, %dma_start3A_1120, %dma_start3A_1121] : memref<2x1600x32xf32, #tpu.memory_space<vmem>> -> memref<1x128x32xf32, #tpu.memory_space<vmem>>
        %dma_start3A_1123 = tpu.memref_squeeze %dma_start3A_1122 : memref<1x128x32xf32, #tpu.memory_space<vmem>> -> memref<128x32xf32, #tpu.memory_space<vmem>>
        %dma_start3A_1124 = arith.constant 1200 : i32
        %dma_start3A_1125 = tpu.memref_slice %arg5[%dma_start3A_1118, %dma_start3A_1124] : memref<2x1600xi32, #tpu.memory_space<vmem>> -> memref<1x128xi32, #tpu.memory_space<vmem>>
        %dma_start3A_1126 = tpu.memref_squeeze %dma_start3A_1125 : memref<1x128xi32, #tpu.memory_space<vmem>> -> memref<128xi32, #tpu.memory_space<vmem>>
        %dma_start3A_1127 = arith.constant 0 : i32
        %dma_start3A_1128 = arith.constant 0 : i32
        %dma_start3A_1129 = tpu.memref_slice %arg2[%dma_start3A_1127, %dma_start3A_1128] : memref<1000000x32xf32, #tpu.memory_space<hbm>> -> memref<1000000x32xf32, #tpu.memory_space<hbm>>
        tpu.enqueue_indirect_dma source(%dma_start3A_1129 : memref<1000000x32xf32, #tpu.memory_space<hbm>>) target(%dma_start3A_1123 : memref<128x32xf32, #tpu.memory_space<vmem>>) offsets(%dma_start3A_1126 : memref<128xi32, #tpu.memory_space<vmem>>) semaphore(%arg9 : memref<!tpu.dma_semaphore, #tpu.memory_space<semaphore_mem>>)
        %dma_start3A_1130 = arith.constant 1 : i32
        %dma_start3A_1131 = arith.constant 1 : i32
        %dma_start3A_1132 = arith.constant 1328 : i32
        %dma_start3A_1133 = arith.constant 0 : i32
        %dma_start3A_1134 = tpu.memref_slice %arg6[%dma_start3A_1131, %dma_start3A_1132, %dma_start3A_1133] : memref<2x1600x32xf32, #tpu.memory_space<vmem>> -> memref<1x72x32xf32, #tpu.memory_space<vmem>>
        %dma_start3A_1135 = tpu.memref_squeeze %dma_start3A_1134 : memref<1x72x32xf32, #tpu.memory_space<vmem>> -> memref<72x32xf32, #tpu.memory_space<vmem>>
        %dma_start3A_1136 = arith.constant 1328 : i32
        %dma_start3A_1137 = tpu.memref_slice %arg5[%dma_start3A_1130, %dma_start3A_1136] : memref<2x1600xi32, #tpu.memory_space<vmem>> -> memref<1x72xi32, #tpu.memory_space<vmem>>
        %dma_start3A_1138 = tpu.memref_squeeze %dma_start3A_1137 : memref<1x72xi32, #tpu.memory_space<vmem>> -> memref<72xi32, #tpu.memory_space<vmem>>
        %dma_start3A_1139 = arith.constant 0 : i32
        %dma_start3A_1140 = arith.constant 0 : i32
        %dma_start3A_1141 = tpu.memref_slice %arg2[%dma_start3A_1139, %dma_start3A_1140] : memref<1000000x32xf32, #tpu.memory_space<hbm>> -> memref<1000000x32xf32, #tpu.memory_space<hbm>>
        tpu.enqueue_indirect_dma source(%dma_start3A_1141 : memref<1000000x32xf32, #tpu.memory_space<hbm>>) target(%dma_start3A_1135 : memref<72x32xf32, #tpu.memory_space<vmem>>) offsets(%dma_start3A_1138 : memref<72xi32, #tpu.memory_space<vmem>>) semaphore(%arg9 : memref<!tpu.dma_semaphore, #tpu.memory_space<semaphore_mem>>)
        %dma_start3A_1142 = arith.constant 1 : i32
        %dma_start3A_1143 = arith.constant 1 : i32
        %dma_start3A_1144 = arith.constant 1400 : i32
        %dma_start3A_1145 = arith.constant 0 : i32
        %dma_start3A_1146 = tpu.memref_slice %arg6[%dma_start3A_1143, %dma_start3A_1144, %dma_start3A_1145] : memref<2x1600x32xf32, #tpu.memory_space<vmem>> -> memref<1x128x32xf32, #tpu.memory_space<vmem>>
        %dma_start3A_1147 = tpu.memref_squeeze %dma_start3A_1146 : memref<1x128x32xf32, #tpu.memory_space<vmem>> -> memref<128x32xf32, #tpu.memory_space<vmem>>
        %dma_start3A_1148 = arith.constant 1400 : i32
        %dma_start3A_1149 = tpu.memref_slice %arg5[%dma_start3A_1142, %dma_start3A_1148] : memref<2x1600xi32, #tpu.memory_space<vmem>> -> memref<1x128xi32, #tpu.memory_space<vmem>>
        %dma_start3A_1150 = tpu.memref_squeeze %dma_start3A_1149 : memref<1x128xi32, #tpu.memory_space<vmem>> -> memref<128xi32, #tpu.memory_space<vmem>>
        %dma_start3A_1151 = arith.constant 0 : i32
        %dma_start3A_1152 = arith.constant 0 : i32
        %dma_start3A_1153 = tpu.memref_slice %arg2[%dma_start3A_1151, %dma_start3A_1152] : memref<1000000x32xf32, #tpu.memory_space<hbm>> -> memref<1000000x32xf32, #tpu.memory_space<hbm>>
        tpu.enqueue_indirect_dma source(%dma_start3A_1153 : memref<1000000x32xf32, #tpu.memory_space<hbm>>) target(%dma_start3A_1147 : memref<128x32xf32, #tpu.memory_space<vmem>>) offsets(%dma_start3A_1150 : memref<128xi32, #tpu.memory_space<vmem>>) semaphore(%arg9 : memref<!tpu.dma_semaphore, #tpu.memory_space<semaphore_mem>>)
        %dma_start3A_1154 = arith.constant 1 : i32
        %dma_start3A_1155 = arith.constant 1 : i32
        %dma_start3A_1156 = arith.constant 1528 : i32
        %dma_start3A_1157 = arith.constant 0 : i32
        %dma_start3A_1158 = tpu.memref_slice %arg6[%dma_start3A_1155, %dma_start3A_1156, %dma_start3A_1157] : memref<2x1600x32xf32, #tpu.memory_space<vmem>> -> memref<1x72x32xf32, #tpu.memory_space<vmem>>
        %dma_start3A_1159 = tpu.memref_squeeze %dma_start3A_1158 : memref<1x72x32xf32, #tpu.memory_space<vmem>> -> memref<72x32xf32, #tpu.memory_space<vmem>>
        %dma_start3A_1160 = arith.constant 1528 : i32
        %dma_start3A_1161 = tpu.memref_slice %arg5[%dma_start3A_1154, %dma_start3A_1160] : memref<2x1600xi32, #tpu.memory_space<vmem>> -> memref<1x72xi32, #tpu.memory_space<vmem>>
        %dma_start3A_1162 = tpu.memref_squeeze %dma_start3A_1161 : memref<1x72xi32, #tpu.memory_space<vmem>> -> memref<72xi32, #tpu.memory_space<vmem>>
        %dma_start3A_1163 = arith.constant 0 : i32
        %dma_start3A_1164 = arith.constant 0 : i32
        %dma_start3A_1165 = tpu.memref_slice %arg2[%dma_start3A_1163, %dma_start3A_1164] : memref<1000000x32xf32, #tpu.memory_space<hbm>> -> memref<1000000x32xf32, #tpu.memory_space<hbm>>
        tpu.enqueue_indirect_dma source(%dma_start3A_1165 : memref<1000000x32xf32, #tpu.memory_space<hbm>>) target(%dma_start3A_1159 : memref<72x32xf32, #tpu.memory_space<vmem>>) offsets(%dma_start3A_1162 : memref<72xi32, #tpu.memory_space<vmem>>) semaphore(%arg9 : memref<!tpu.dma_semaphore, #tpu.memory_space<semaphore_mem>>)
      } else {
      }
      %dma_wait3A_248 = arith.constant 0 : i32
      %dma_wait3A_249 = arith.constant 0 : i32
      %dma_wait3A_250 = arith.constant 0 : i32
      %dma_wait3A_251 = arith.constant 0 : i32
      %dma_wait3A_252 = tpu.memref_slice %arg6[%dma_wait3A_249, %dma_wait3A_250, %dma_wait3A_251] : memref<2x1600x32xf32, #tpu.memory_space<vmem>> -> memref<1x128x32xf32, #tpu.memory_space<vmem>>
      %dma_wait3A_253 = tpu.memref_squeeze %dma_wait3A_252 : memref<1x128x32xf32, #tpu.memory_space<vmem>> -> memref<128x32xf32, #tpu.memory_space<vmem>>
      %dma_wait3A_254 = arith.constant 0 : i32
      %dma_wait3A_255 = tpu.memref_slice %arg5[%dma_wait3A_248, %dma_wait3A_254] : memref<2x1600xi32, #tpu.memory_space<vmem>> -> memref<1x128xi32, #tpu.memory_space<vmem>>
      %dma_wait3A_256 = tpu.memref_squeeze %dma_wait3A_255 : memref<1x128xi32, #tpu.memory_space<vmem>> -> memref<128xi32, #tpu.memory_space<vmem>>
      %dma_wait3A_257 = arith.constant 0 : i32
      %dma_wait3A_258 = arith.constant 0 : i32
      %dma_wait3A_259 = tpu.memref_slice %arg2[%dma_wait3A_257, %dma_wait3A_258] : memref<1000000x32xf32, #tpu.memory_space<hbm>> -> memref<1000000x32xf32, #tpu.memory_space<hbm>>
      tpu.wait_indirect_dma semaphore(%arg8 : memref<!tpu.dma_semaphore, #tpu.memory_space<semaphore_mem>>) src(%dma_wait3A_259 : memref<1000000x32xf32, #tpu.memory_space<hbm>>) dst(%dma_wait3A_253 : memref<128x32xf32, #tpu.memory_space<vmem>>)
      %dma_wait3A_260 = arith.constant 0 : i32
      %dma_wait3A_261 = arith.constant 0 : i32
      %dma_wait3A_262 = arith.constant 128 : i32
      %dma_wait3A_263 = arith.constant 0 : i32
      %dma_wait3A_264 = tpu.memref_slice %arg6[%dma_wait3A_261, %dma_wait3A_262, %dma_wait3A_263] : memref<2x1600x32xf32, #tpu.memory_space<vmem>> -> memref<1x72x32xf32, #tpu.memory_space<vmem>>
      %dma_wait3A_265 = tpu.memref_squeeze %dma_wait3A_264 : memref<1x72x32xf32, #tpu.memory_space<vmem>> -> memref<72x32xf32, #tpu.memory_space<vmem>>
      %dma_wait3A_266 = arith.constant 128 : i32
      %dma_wait3A_267 = tpu.memref_slice %arg5[%dma_wait3A_260, %dma_wait3A_266] : memref<2x1600xi32, #tpu.memory_space<vmem>> -> memref<1x72xi32, #tpu.memory_space<vmem>>
      %dma_wait3A_268 = tpu.memref_squeeze %dma_wait3A_267 : memref<1x72xi32, #tpu.memory_space<vmem>> -> memref<72xi32, #tpu.memory_space<vmem>>
      %dma_wait3A_269 = arith.constant 0 : i32
      %dma_wait3A_270 = arith.constant 0 : i32
      %dma_wait3A_271 = tpu.memref_slice %arg2[%dma_wait3A_269, %dma_wait3A_270] : memref<1000000x32xf32, #tpu.memory_space<hbm>> -> memref<1000000x32xf32, #tpu.memory_space<hbm>>
      tpu.wait_indirect_dma semaphore(%arg8 : memref<!tpu.dma_semaphore, #tpu.memory_space<semaphore_mem>>) src(%dma_wait3A_271 : memref<1000000x32xf32, #tpu.memory_space<hbm>>) dst(%dma_wait3A_265 : memref<72x32xf32, #tpu.memory_space<vmem>>)
      %dma_wait3A_272 = arith.constant 0 : i32
      %dma_wait3A_273 = arith.constant 0 : i32
      %dma_wait3A_274 = arith.constant 200 : i32
      %dma_wait3A_275 = arith.constant 0 : i32
      %dma_wait3A_276 = tpu.memref_slice %arg6[%dma_wait3A_273, %dma_wait3A_274, %dma_wait3A_275] : memref<2x1600x32xf32, #tpu.memory_space<vmem>> -> memref<1x128x32xf32, #tpu.memory_space<vmem>>
      %dma_wait3A_277 = tpu.memref_squeeze %dma_wait3A_276 : memref<1x128x32xf32, #tpu.memory_space<vmem>> -> memref<128x32xf32, #tpu.memory_space<vmem>>
      %dma_wait3A_278 = arith.constant 200 : i32
      %dma_wait3A_279 = tpu.memref_slice %arg5[%dma_wait3A_272, %dma_wait3A_278] : memref<2x1600xi32, #tpu.memory_space<vmem>> -> memref<1x128xi32, #tpu.memory_space<vmem>>
      %dma_wait3A_280 = tpu.memref_squeeze %dma_wait3A_279 : memref<1x128xi32, #tpu.memory_space<vmem>> -> memref<128xi32, #tpu.memory_space<vmem>>
      %dma_wait3A_281 = arith.constant 0 : i32
      %dma_wait3A_282 = arith.constant 0 : i32
      %dma_wait3A_283 = tpu.memref_slice %arg2[%dma_wait3A_281, %dma_wait3A_282] : memref<1000000x32xf32, #tpu.memory_space<hbm>> -> memref<1000000x32xf32, #tpu.memory_space<hbm>>
      tpu.wait_indirect_dma semaphore(%arg8 : memref<!tpu.dma_semaphore, #tpu.memory_space<semaphore_mem>>) src(%dma_wait3A_283 : memref<1000000x32xf32, #tpu.memory_space<hbm>>) dst(%dma_wait3A_277 : memref<128x32xf32, #tpu.memory_space<vmem>>)
      %dma_wait3A_284 = arith.constant 0 : i32
      %dma_wait3A_285 = arith.constant 0 : i32
      %dma_wait3A_286 = arith.constant 328 : i32
      %dma_wait3A_287 = arith.constant 0 : i32
      %dma_wait3A_288 = tpu.memref_slice %arg6[%dma_wait3A_285, %dma_wait3A_286, %dma_wait3A_287] : memref<2x1600x32xf32, #tpu.memory_space<vmem>> -> memref<1x72x32xf32, #tpu.memory_space<vmem>>
      %dma_wait3A_289 = tpu.memref_squeeze %dma_wait3A_288 : memref<1x72x32xf32, #tpu.memory_space<vmem>> -> memref<72x32xf32, #tpu.memory_space<vmem>>
      %dma_wait3A_290 = arith.constant 328 : i32
      %dma_wait3A_291 = tpu.memref_slice %arg5[%dma_wait3A_284, %dma_wait3A_290] : memref<2x1600xi32, #tpu.memory_space<vmem>> -> memref<1x72xi32, #tpu.memory_space<vmem>>
      %dma_wait3A_292 = tpu.memref_squeeze %dma_wait3A_291 : memref<1x72xi32, #tpu.memory_space<vmem>> -> memref<72xi32, #tpu.memory_space<vmem>>
      %dma_wait3A_293 = arith.constant 0 : i32
      %dma_wait3A_294 = arith.constant 0 : i32
      %dma_wait3A_295 = tpu.memref_slice %arg2[%dma_wait3A_293, %dma_wait3A_294] : memref<1000000x32xf32, #tpu.memory_space<hbm>> -> memref<1000000x32xf32, #tpu.memory_space<hbm>>
      tpu.wait_indirect_dma semaphore(%arg8 : memref<!tpu.dma_semaphore, #tpu.memory_space<semaphore_mem>>) src(%dma_wait3A_295 : memref<1000000x32xf32, #tpu.memory_space<hbm>>) dst(%dma_wait3A_289 : memref<72x32xf32, #tpu.memory_space<vmem>>)
      %dma_wait3A_296 = arith.constant 0 : i32
      %dma_wait3A_297 = arith.constant 0 : i32
      %dma_wait3A_298 = arith.constant 400 : i32
      %dma_wait3A_299 = arith.constant 0 : i32
      %dma_wait3A_300 = tpu.memref_slice %arg6[%dma_wait3A_297, %dma_wait3A_298, %dma_wait3A_299] : memref<2x1600x32xf32, #tpu.memory_space<vmem>> -> memref<1x128x32xf32, #tpu.memory_space<vmem>>
      %dma_wait3A_301 = tpu.memref_squeeze %dma_wait3A_300 : memref<1x128x32xf32, #tpu.memory_space<vmem>> -> memref<128x32xf32, #tpu.memory_space<vmem>>
      %dma_wait3A_302 = arith.constant 400 : i32
      %dma_wait3A_303 = tpu.memref_slice %arg5[%dma_wait3A_296, %dma_wait3A_302] : memref<2x1600xi32, #tpu.memory_space<vmem>> -> memref<1x128xi32, #tpu.memory_space<vmem>>
      %dma_wait3A_304 = tpu.memref_squeeze %dma_wait3A_303 : memref<1x128xi32, #tpu.memory_space<vmem>> -> memref<128xi32, #tpu.memory_space<vmem>>
      %dma_wait3A_305 = arith.constant 0 : i32
      %dma_wait3A_306 = arith.constant 0 : i32
      %dma_wait3A_307 = tpu.memref_slice %arg2[%dma_wait3A_305, %dma_wait3A_306] : memref<1000000x32xf32, #tpu.memory_space<hbm>> -> memref<1000000x32xf32, #tpu.memory_space<hbm>>
      tpu.wait_indirect_dma semaphore(%arg8 : memref<!tpu.dma_semaphore, #tpu.memory_space<semaphore_mem>>) src(%dma_wait3A_307 : memref<1000000x32xf32, #tpu.memory_space<hbm>>) dst(%dma_wait3A_301 : memref<128x32xf32, #tpu.memory_space<vmem>>)
      %dma_wait3A_308 = arith.constant 0 : i32
      %dma_wait3A_309 = arith.constant 0 : i32
      %dma_wait3A_310 = arith.constant 528 : i32
      %dma_wait3A_311 = arith.constant 0 : i32
      %dma_wait3A_312 = tpu.memref_slice %arg6[%dma_wait3A_309, %dma_wait3A_310, %dma_wait3A_311] : memref<2x1600x32xf32, #tpu.memory_space<vmem>> -> memref<1x72x32xf32, #tpu.memory_space<vmem>>
      %dma_wait3A_313 = tpu.memref_squeeze %dma_wait3A_312 : memref<1x72x32xf32, #tpu.memory_space<vmem>> -> memref<72x32xf32, #tpu.memory_space<vmem>>
      %dma_wait3A_314 = arith.constant 528 : i32
      %dma_wait3A_315 = tpu.memref_slice %arg5[%dma_wait3A_308, %dma_wait3A_314] : memref<2x1600xi32, #tpu.memory_space<vmem>> -> memref<1x72xi32, #tpu.memory_space<vmem>>
      %dma_wait3A_316 = tpu.memref_squeeze %dma_wait3A_315 : memref<1x72xi32, #tpu.memory_space<vmem>> -> memref<72xi32, #tpu.memory_space<vmem>>
      %dma_wait3A_317 = arith.constant 0 : i32
      %dma_wait3A_318 = arith.constant 0 : i32
      %dma_wait3A_319 = tpu.memref_slice %arg2[%dma_wait3A_317, %dma_wait3A_318] : memref<1000000x32xf32, #tpu.memory_space<hbm>> -> memref<1000000x32xf32, #tpu.memory_space<hbm>>
      tpu.wait_indirect_dma semaphore(%arg8 : memref<!tpu.dma_semaphore, #tpu.memory_space<semaphore_mem>>) src(%dma_wait3A_319 : memref<1000000x32xf32, #tpu.memory_space<hbm>>) dst(%dma_wait3A_313 : memref<72x32xf32, #tpu.memory_space<vmem>>)
      %dma_wait3A_320 = arith.constant 0 : i32
      %dma_wait3A_321 = arith.constant 0 : i32
      %dma_wait3A_322 = arith.constant 600 : i32
      %dma_wait3A_323 = arith.constant 0 : i32
      %dma_wait3A_324 = tpu.memref_slice %arg6[%dma_wait3A_321, %dma_wait3A_322, %dma_wait3A_323] : memref<2x1600x32xf32, #tpu.memory_space<vmem>> -> memref<1x128x32xf32, #tpu.memory_space<vmem>>
      %dma_wait3A_325 = tpu.memref_squeeze %dma_wait3A_324 : memref<1x128x32xf32, #tpu.memory_space<vmem>> -> memref<128x32xf32, #tpu.memory_space<vmem>>
      %dma_wait3A_326 = arith.constant 600 : i32
      %dma_wait3A_327 = tpu.memref_slice %arg5[%dma_wait3A_320, %dma_wait3A_326] : memref<2x1600xi32, #tpu.memory_space<vmem>> -> memref<1x128xi32, #tpu.memory_space<vmem>>
      %dma_wait3A_328 = tpu.memref_squeeze %dma_wait3A_327 : memref<1x128xi32, #tpu.memory_space<vmem>> -> memref<128xi32, #tpu.memory_space<vmem>>
      %dma_wait3A_329 = arith.constant 0 : i32
      %dma_wait3A_330 = arith.constant 0 : i32
      %dma_wait3A_331 = tpu.memref_slice %arg2[%dma_wait3A_329, %dma_wait3A_330] : memref<1000000x32xf32, #tpu.memory_space<hbm>> -> memref<1000000x32xf32, #tpu.memory_space<hbm>>
      tpu.wait_indirect_dma semaphore(%arg8 : memref<!tpu.dma_semaphore, #tpu.memory_space<semaphore_mem>>) src(%dma_wait3A_331 : memref<1000000x32xf32, #tpu.memory_space<hbm>>) dst(%dma_wait3A_325 : memref<128x32xf32, #tpu.memory_space<vmem>>)
      %dma_wait3A_332 = arith.constant 0 : i32
      %dma_wait3A_333 = arith.constant 0 : i32
      %dma_wait3A_334 = arith.constant 728 : i32
      %dma_wait3A_335 = arith.constant 0 : i32
      %dma_wait3A_336 = tpu.memref_slice %arg6[%dma_wait3A_333, %dma_wait3A_334, %dma_wait3A_335] : memref<2x1600x32xf32, #tpu.memory_space<vmem>> -> memref<1x72x32xf32, #tpu.memory_space<vmem>>
      %dma_wait3A_337 = tpu.memref_squeeze %dma_wait3A_336 : memref<1x72x32xf32, #tpu.memory_space<vmem>> -> memref<72x32xf32, #tpu.memory_space<vmem>>
      %dma_wait3A_338 = arith.constant 728 : i32
      %dma_wait3A_339 = tpu.memref_slice %arg5[%dma_wait3A_332, %dma_wait3A_338] : memref<2x1600xi32, #tpu.memory_space<vmem>> -> memref<1x72xi32, #tpu.memory_space<vmem>>
      %dma_wait3A_340 = tpu.memref_squeeze %dma_wait3A_339 : memref<1x72xi32, #tpu.memory_space<vmem>> -> memref<72xi32, #tpu.memory_space<vmem>>
      %dma_wait3A_341 = arith.constant 0 : i32
      %dma_wait3A_342 = arith.constant 0 : i32
      %dma_wait3A_343 = tpu.memref_slice %arg2[%dma_wait3A_341, %dma_wait3A_342] : memref<1000000x32xf32, #tpu.memory_space<hbm>> -> memref<1000000x32xf32, #tpu.memory_space<hbm>>
      tpu.wait_indirect_dma semaphore(%arg8 : memref<!tpu.dma_semaphore, #tpu.memory_space<semaphore_mem>>) src(%dma_wait3A_343 : memref<1000000x32xf32, #tpu.memory_space<hbm>>) dst(%dma_wait3A_337 : memref<72x32xf32, #tpu.memory_space<vmem>>)
      %dma_wait3A_344 = arith.constant 0 : i32
      %dma_wait3A_345 = arith.constant 0 : i32
      %dma_wait3A_346 = arith.constant 800 : i32
      %dma_wait3A_347 = arith.constant 0 : i32
      %dma_wait3A_348 = tpu.memref_slice %arg6[%dma_wait3A_345, %dma_wait3A_346, %dma_wait3A_347] : memref<2x1600x32xf32, #tpu.memory_space<vmem>> -> memref<1x128x32xf32, #tpu.memory_space<vmem>>
      %dma_wait3A_349 = tpu.memref_squeeze %dma_wait3A_348 : memref<1x128x32xf32, #tpu.memory_space<vmem>> -> memref<128x32xf32, #tpu.memory_space<vmem>>
      %dma_wait3A_350 = arith.constant 800 : i32
      %dma_wait3A_351 = tpu.memref_slice %arg5[%dma_wait3A_344, %dma_wait3A_350] : memref<2x1600xi32, #tpu.memory_space<vmem>> -> memref<1x128xi32, #tpu.memory_space<vmem>>
      %dma_wait3A_352 = tpu.memref_squeeze %dma_wait3A_351 : memref<1x128xi32, #tpu.memory_space<vmem>> -> memref<128xi32, #tpu.memory_space<vmem>>
      %dma_wait3A_353 = arith.constant 0 : i32
      %dma_wait3A_354 = arith.constant 0 : i32
      %dma_wait3A_355 = tpu.memref_slice %arg2[%dma_wait3A_353, %dma_wait3A_354] : memref<1000000x32xf32, #tpu.memory_space<hbm>> -> memref<1000000x32xf32, #tpu.memory_space<hbm>>
      tpu.wait_indirect_dma semaphore(%arg8 : memref<!tpu.dma_semaphore, #tpu.memory_space<semaphore_mem>>) src(%dma_wait3A_355 : memref<1000000x32xf32, #tpu.memory_space<hbm>>) dst(%dma_wait3A_349 : memref<128x32xf32, #tpu.memory_space<vmem>>)
      %dma_wait3A_356 = arith.constant 0 : i32
      %dma_wait3A_357 = arith.constant 0 : i32
      %dma_wait3A_358 = arith.constant 928 : i32
      %dma_wait3A_359 = arith.constant 0 : i32
      %dma_wait3A_360 = tpu.memref_slice %arg6[%dma_wait3A_357, %dma_wait3A_358, %dma_wait3A_359] : memref<2x1600x32xf32, #tpu.memory_space<vmem>> -> memref<1x72x32xf32, #tpu.memory_space<vmem>>
      %dma_wait3A_361 = tpu.memref_squeeze %dma_wait3A_360 : memref<1x72x32xf32, #tpu.memory_space<vmem>> -> memref<72x32xf32, #tpu.memory_space<vmem>>
      %dma_wait3A_362 = arith.constant 928 : i32
      %dma_wait3A_363 = tpu.memref_slice %arg5[%dma_wait3A_356, %dma_wait3A_362] : memref<2x1600xi32, #tpu.memory_space<vmem>> -> memref<1x72xi32, #tpu.memory_space<vmem>>
      %dma_wait3A_364 = tpu.memref_squeeze %dma_wait3A_363 : memref<1x72xi32, #tpu.memory_space<vmem>> -> memref<72xi32, #tpu.memory_space<vmem>>
      %dma_wait3A_365 = arith.constant 0 : i32
      %dma_wait3A_366 = arith.constant 0 : i32
      %dma_wait3A_367 = tpu.memref_slice %arg2[%dma_wait3A_365, %dma_wait3A_366] : memref<1000000x32xf32, #tpu.memory_space<hbm>> -> memref<1000000x32xf32, #tpu.memory_space<hbm>>
      tpu.wait_indirect_dma semaphore(%arg8 : memref<!tpu.dma_semaphore, #tpu.memory_space<semaphore_mem>>) src(%dma_wait3A_367 : memref<1000000x32xf32, #tpu.memory_space<hbm>>) dst(%dma_wait3A_361 : memref<72x32xf32, #tpu.memory_space<vmem>>)
      %dma_wait3A_368 = arith.constant 0 : i32
      %dma_wait3A_369 = arith.constant 0 : i32
      %dma_wait3A_370 = arith.constant 1000 : i32
      %dma_wait3A_371 = arith.constant 0 : i32
      %dma_wait3A_372 = tpu.memref_slice %arg6[%dma_wait3A_369, %dma_wait3A_370, %dma_wait3A_371] : memref<2x1600x32xf32, #tpu.memory_space<vmem>> -> memref<1x128x32xf32, #tpu.memory_space<vmem>>
      %dma_wait3A_373 = tpu.memref_squeeze %dma_wait3A_372 : memref<1x128x32xf32, #tpu.memory_space<vmem>> -> memref<128x32xf32, #tpu.memory_space<vmem>>
      %dma_wait3A_374 = arith.constant 1000 : i32
      %dma_wait3A_375 = tpu.memref_slice %arg5[%dma_wait3A_368, %dma_wait3A_374] : memref<2x1600xi32, #tpu.memory_space<vmem>> -> memref<1x128xi32, #tpu.memory_space<vmem>>
      %dma_wait3A_376 = tpu.memref_squeeze %dma_wait3A_375 : memref<1x128xi32, #tpu.memory_space<vmem>> -> memref<128xi32, #tpu.memory_space<vmem>>
      %dma_wait3A_377 = arith.constant 0 : i32
      %dma_wait3A_378 = arith.constant 0 : i32
      %dma_wait3A_379 = tpu.memref_slice %arg2[%dma_wait3A_377, %dma_wait3A_378] : memref<1000000x32xf32, #tpu.memory_space<hbm>> -> memref<1000000x32xf32, #tpu.memory_space<hbm>>
      tpu.wait_indirect_dma semaphore(%arg8 : memref<!tpu.dma_semaphore, #tpu.memory_space<semaphore_mem>>) src(%dma_wait3A_379 : memref<1000000x32xf32, #tpu.memory_space<hbm>>) dst(%dma_wait3A_373 : memref<128x32xf32, #tpu.memory_space<vmem>>)
      %dma_wait3A_380 = arith.constant 0 : i32
      %dma_wait3A_381 = arith.constant 0 : i32
      %dma_wait3A_382 = arith.constant 1128 : i32
      %dma_wait3A_383 = arith.constant 0 : i32
      %dma_wait3A_384 = tpu.memref_slice %arg6[%dma_wait3A_381, %dma_wait3A_382, %dma_wait3A_383] : memref<2x1600x32xf32, #tpu.memory_space<vmem>> -> memref<1x72x32xf32, #tpu.memory_space<vmem>>
      %dma_wait3A_385 = tpu.memref_squeeze %dma_wait3A_384 : memref<1x72x32xf32, #tpu.memory_space<vmem>> -> memref<72x32xf32, #tpu.memory_space<vmem>>
      %dma_wait3A_386 = arith.constant 1128 : i32
      %dma_wait3A_387 = tpu.memref_slice %arg5[%dma_wait3A_380, %dma_wait3A_386] : memref<2x1600xi32, #tpu.memory_space<vmem>> -> memref<1x72xi32, #tpu.memory_space<vmem>>
      %dma_wait3A_388 = tpu.memref_squeeze %dma_wait3A_387 : memref<1x72xi32, #tpu.memory_space<vmem>> -> memref<72xi32, #tpu.memory_space<vmem>>
      %dma_wait3A_389 = arith.constant 0 : i32
      %dma_wait3A_390 = arith.constant 0 : i32
      %dma_wait3A_391 = tpu.memref_slice %arg2[%dma_wait3A_389, %dma_wait3A_390] : memref<1000000x32xf32, #tpu.memory_space<hbm>> -> memref<1000000x32xf32, #tpu.memory_space<hbm>>
      tpu.wait_indirect_dma semaphore(%arg8 : memref<!tpu.dma_semaphore, #tpu.memory_space<semaphore_mem>>) src(%dma_wait3A_391 : memref<1000000x32xf32, #tpu.memory_space<hbm>>) dst(%dma_wait3A_385 : memref<72x32xf32, #tpu.memory_space<vmem>>)
      %dma_wait3A_392 = arith.constant 0 : i32
      %dma_wait3A_393 = arith.constant 0 : i32
      %dma_wait3A_394 = arith.constant 1200 : i32
      %dma_wait3A_395 = arith.constant 0 : i32
      %dma_wait3A_396 = tpu.memref_slice %arg6[%dma_wait3A_393, %dma_wait3A_394, %dma_wait3A_395] : memref<2x1600x32xf32, #tpu.memory_space<vmem>> -> memref<1x128x32xf32, #tpu.memory_space<vmem>>
      %dma_wait3A_397 = tpu.memref_squeeze %dma_wait3A_396 : memref<1x128x32xf32, #tpu.memory_space<vmem>> -> memref<128x32xf32, #tpu.memory_space<vmem>>
      %dma_wait3A_398 = arith.constant 1200 : i32
      %dma_wait3A_399 = tpu.memref_slice %arg5[%dma_wait3A_392, %dma_wait3A_398] : memref<2x1600xi32, #tpu.memory_space<vmem>> -> memref<1x128xi32, #tpu.memory_space<vmem>>
      %dma_wait3A_400 = tpu.memref_squeeze %dma_wait3A_399 : memref<1x128xi32, #tpu.memory_space<vmem>> -> memref<128xi32, #tpu.memory_space<vmem>>
      %dma_wait3A_401 = arith.constant 0 : i32
      %dma_wait3A_402 = arith.constant 0 : i32
      %dma_wait3A_403 = tpu.memref_slice %arg2[%dma_wait3A_401, %dma_wait3A_402] : memref<1000000x32xf32, #tpu.memory_space<hbm>> -> memref<1000000x32xf32, #tpu.memory_space<hbm>>
      tpu.wait_indirect_dma semaphore(%arg8 : memref<!tpu.dma_semaphore, #tpu.memory_space<semaphore_mem>>) src(%dma_wait3A_403 : memref<1000000x32xf32, #tpu.memory_space<hbm>>) dst(%dma_wait3A_397 : memref<128x32xf32, #tpu.memory_space<vmem>>)
      %dma_wait3A_404 = arith.constant 0 : i32
      %dma_wait3A_405 = arith.constant 0 : i32
      %dma_wait3A_406 = arith.constant 1328 : i32
      %dma_wait3A_407 = arith.constant 0 : i32
      %dma_wait3A_408 = tpu.memref_slice %arg6[%dma_wait3A_405, %dma_wait3A_406, %dma_wait3A_407] : memref<2x1600x32xf32, #tpu.memory_space<vmem>> -> memref<1x72x32xf32, #tpu.memory_space<vmem>>
      %dma_wait3A_409 = tpu.memref_squeeze %dma_wait3A_408 : memref<1x72x32xf32, #tpu.memory_space<vmem>> -> memref<72x32xf32, #tpu.memory_space<vmem>>
      %dma_wait3A_410 = arith.constant 1328 : i32
      %dma_wait3A_411 = tpu.memref_slice %arg5[%dma_wait3A_404, %dma_wait3A_410] : memref<2x1600xi32, #tpu.memory_space<vmem>> -> memref<1x72xi32, #tpu.memory_space<vmem>>
      %dma_wait3A_412 = tpu.memref_squeeze %dma_wait3A_411 : memref<1x72xi32, #tpu.memory_space<vmem>> -> memref<72xi32, #tpu.memory_space<vmem>>
      %dma_wait3A_413 = arith.constant 0 : i32
      %dma_wait3A_414 = arith.constant 0 : i32
      %dma_wait3A_415 = tpu.memref_slice %arg2[%dma_wait3A_413, %dma_wait3A_414] : memref<1000000x32xf32, #tpu.memory_space<hbm>> -> memref<1000000x32xf32, #tpu.memory_space<hbm>>
      tpu.wait_indirect_dma semaphore(%arg8 : memref<!tpu.dma_semaphore, #tpu.memory_space<semaphore_mem>>) src(%dma_wait3A_415 : memref<1000000x32xf32, #tpu.memory_space<hbm>>) dst(%dma_wait3A_409 : memref<72x32xf32, #tpu.memory_space<vmem>>)
      %dma_wait3A_416 = arith.constant 0 : i32
      %dma_wait3A_417 = arith.constant 0 : i32
      %dma_wait3A_418 = arith.constant 1400 : i32
      %dma_wait3A_419 = arith.constant 0 : i32
      %dma_wait3A_420 = tpu.memref_slice %arg6[%dma_wait3A_417, %dma_wait3A_418, %dma_wait3A_419] : memref<2x1600x32xf32, #tpu.memory_space<vmem>> -> memref<1x128x32xf32, #tpu.memory_space<vmem>>
      %dma_wait3A_421 = tpu.memref_squeeze %dma_wait3A_420 : memref<1x128x32xf32, #tpu.memory_space<vmem>> -> memref<128x32xf32, #tpu.memory_space<vmem>>
      %dma_wait3A_422 = arith.constant 1400 : i32
      %dma_wait3A_423 = tpu.memref_slice %arg5[%dma_wait3A_416, %dma_wait3A_422] : memref<2x1600xi32, #tpu.memory_space<vmem>> -> memref<1x128xi32, #tpu.memory_space<vmem>>
      %dma_wait3A_424 = tpu.memref_squeeze %dma_wait3A_423 : memref<1x128xi32, #tpu.memory_space<vmem>> -> memref<128xi32, #tpu.memory_space<vmem>>
      %dma_wait3A_425 = arith.constant 0 : i32
      %dma_wait3A_426 = arith.constant 0 : i32
      %dma_wait3A_427 = tpu.memref_slice %arg2[%dma_wait3A_425, %dma_wait3A_426] : memref<1000000x32xf32, #tpu.memory_space<hbm>> -> memref<1000000x32xf32, #tpu.memory_space<hbm>>
      tpu.wait_indirect_dma semaphore(%arg8 : memref<!tpu.dma_semaphore, #tpu.memory_space<semaphore_mem>>) src(%dma_wait3A_427 : memref<1000000x32xf32, #tpu.memory_space<hbm>>) dst(%dma_wait3A_421 : memref<128x32xf32, #tpu.memory_space<vmem>>)
      %dma_wait3A_428 = arith.constant 0 : i32
      %dma_wait3A_429 = arith.constant 0 : i32
      %dma_wait3A_430 = arith.constant 1528 : i32
      %dma_wait3A_431 = arith.constant 0 : i32
      %dma_wait3A_432 = tpu.memref_slice %arg6[%dma_wait3A_429, %dma_wait3A_430, %dma_wait3A_431] : memref<2x1600x32xf32, #tpu.memory_space<vmem>> -> memref<1x72x32xf32, #tpu.memory_space<vmem>>
      %dma_wait3A_433 = tpu.memref_squeeze %dma_wait3A_432 : memref<1x72x32xf32, #tpu.memory_space<vmem>> -> memref<72x32xf32, #tpu.memory_space<vmem>>
      %dma_wait3A_434 = arith.constant 1528 : i32
      %dma_wait3A_435 = tpu.memref_slice %arg5[%dma_wait3A_428, %dma_wait3A_434] : memref<2x1600xi32, #tpu.memory_space<vmem>> -> memref<1x72xi32, #tpu.memory_space<vmem>>
      %dma_wait3A_436 = tpu.memref_squeeze %dma_wait3A_435 : memref<1x72xi32, #tpu.memory_space<vmem>> -> memref<72xi32, #tpu.memory_space<vmem>>
      %dma_wait3A_437 = arith.constant 0 : i32
      %dma_wait3A_438 = arith.constant 0 : i32
      %dma_wait3A_439 = tpu.memref_slice %arg2[%dma_wait3A_437, %dma_wait3A_438] : memref<1000000x32xf32, #tpu.memory_space<hbm>> -> memref<1000000x32xf32, #tpu.memory_space<hbm>>
      tpu.wait_indirect_dma semaphore(%arg8 : memref<!tpu.dma_semaphore, #tpu.memory_space<semaphore_mem>>) src(%dma_wait3A_439 : memref<1000000x32xf32, #tpu.memory_space<hbm>>) dst(%dma_wait3A_433 : memref<72x32xf32, #tpu.memory_space<vmem>>)
      %add3A_440 = arith.constant 2 : i32
      %add3A_441 = arith.addi %add3A_243, %add3A_440 : i32
      %lt3A_442 = arith.constant 64 : i32
      %lt3A_443 = arith.cmpi slt, %add3A_441, %lt3A_442 : i32
      %convert_element_type3A_444 = arith.extui %lt3A_443 : i1 to i32
      %cond3A_445 = arith.constant 0 : i32
      %cond3A_446 = arith.cmpi ne, %convert_element_type3A_444, %cond3A_445 : i32
      scf.if %cond3A_446 {
        %add3A_955 = arith.constant 2 : i32
        %add3A_956 = arith.addi %add3A_243, %add3A_955 : i32
        %mul3A_957 = arith.constant 1600 : i32
        %mul3A_958 = arith.muli %add3A_956, %mul3A_957 : i32
        %add3A_959 = arith.addi %mul3A_4, %mul3A_958 : i32
        %dma_start3A_960 = arith.constant 0 : i32
        %dma_start3A_961 = arith.constant 0 : i32
        %dma_start3A_962 = tpu.memref_slice %arg5[%dma_start3A_960, %dma_start3A_961] : memref<2x1600xi32, #tpu.memory_space<vmem>> -> memref<1x1600xi32, #tpu.memory_space<vmem>>
        %dma_start3A_963 = tpu.memref_squeeze %dma_start3A_962 : memref<1x1600xi32, #tpu.memory_space<vmem>> -> memref<1600xi32, #tpu.memory_space<vmem>>
        %dma_start3A_964 = tpu.memref_slice %arg3[%add3A_959] : memref<3276800xi32, #tpu.memory_space<hbm>> -> memref<1600xi32, #tpu.memory_space<hbm>>
        %dma_start3A_965 = arith.constant 0 : i32
        %dma_start3A_966 = tpu.memref_slice %arg5[%dma_start3A_960, %dma_start3A_965] : memref<2x1600xi32, #tpu.memory_space<vmem>> -> memref<1x1600xi32, #tpu.memory_space<vmem>>
        %dma_start3A_967 = tpu.memref_squeeze %dma_start3A_966 : memref<1x1600xi32, #tpu.memory_space<vmem>> -> memref<1600xi32, #tpu.memory_space<vmem>>
        %dma_start3A_968 = tpu.memref_slice %arg3[%add3A_959] : memref<3276800xi32, #tpu.memory_space<hbm>> -> memref<1600xi32, #tpu.memory_space<hbm>>
        tpu.enqueue_dma source(%dma_start3A_968 : memref<1600xi32, #tpu.memory_space<hbm>>) target(%dma_start3A_967 : memref<1600xi32, #tpu.memory_space<vmem>>) target_semaphore(%arg10 : memref<!tpu.dma_semaphore, #tpu.memory_space<semaphore_mem>>)
      } else {
      }
      %broadcast_in_dim3A = arith.constant 0.000000e+00 : f32
      %broadcast_in_dim3A_447 = vector.broadcast %broadcast_in_dim3A : f32 to vector<16xf32>
      %scan3A_448 = arith.constant 0 : i32
      %scan3A_449 = arith.constant 200 : i32
      %scan3A_450 = arith.addi %scan3A_448, %scan3A_449 : i32
      %scan3A_451 = arith.constant 8 : i32
      %scan3A_452:2 = scf.for %scan3A_955 = %scan3A_448 to %scan3A_450 step %scan3A_451 iter_args(%scan3A_956 = %broadcast_in_dim3A_447, %scan3A_957 = %broadcast_in_dim3A_447) -> (vector<16xf32>, vector<16xf32>)  : i32 {
        %add3A_958 = arith.constant 0 : i32
        %add3A_959 = arith.addi %add3A_958, %scan3A_955 : i32
        %get3A = arith.constant 0 : i32
        %get3A_960 = arith.index_cast %get3A : i32 to index
        %get3A_961 = arith.index_cast %add3A_959 : i32 to index
        %get3A_962 = arith.constant 0 : index
        %get3A_963 = tpu.vector_load %arg6[%get3A_960, %get3A_961, %get3A_962] {strides = array<i32>} : memref<2x1600x32xf32, #tpu.memory_space<vmem>>, vector<16xf32>,
        %add3A_964 = arith.addf %scan3A_956, %get3A_963 : vector<16xf32>
        %add3A_965 = arith.constant 0 : i32
        %add3A_966 = arith.addi %add3A_965, %scan3A_955 : i32
        %get3A_967 = arith.constant 0 : i32
        %get3A_968 = arith.index_cast %get3A_967 : i32 to index
        %get3A_969 = arith.index_cast %add3A_966 : i32 to index
        %get3A_970 = arith.constant 16 : index
        %get3A_971 = tpu.vector_load %arg6[%get3A_968, %get3A_969, %get3A_970] {strides = array<i32>} : memref<2x1600x32xf32, #tpu.memory_space<vmem>>, vector<16xf32>,
        %add3A_972 = arith.addf %scan3A_957, %get3A_971 : vector<16xf32>
        %scan3A_973 = arith.constant 1 : i32
        %scan3A_974 = arith.addi %scan3A_955, %scan3A_973 : i32
        %add3A_975 = arith.constant 0 : i32
        %add3A_976 = arith.addi %add3A_975, %scan3A_974 : i32
        %get3A_977 = arith.constant 0 : i32
        %get3A_978 = arith.index_cast %get3A_977 : i32 to index
        %get3A_979 = arith.index_cast %add3A_976 : i32 to index
        %get3A_980 = arith.constant 0 : index
        %get3A_981 = tpu.vector_load %arg6[%get3A_978, %get3A_979, %get3A_980] {strides = array<i32>} : memref<2x1600x32xf32, #tpu.memory_space<vmem>>, vector<16xf32>,
        %add3A_982 = arith.addf %add3A_964, %get3A_981 : vector<16xf32>
        %add3A_983 = arith.constant 0 : i32
        %add3A_984 = arith.addi %add3A_983, %scan3A_974 : i32
        %get3A_985 = arith.constant 0 : i32
        %get3A_986 = arith.index_cast %get3A_985 : i32 to index
        %get3A_987 = arith.index_cast %add3A_984 : i32 to index
        %get3A_988 = arith.constant 16 : index
        %get3A_989 = tpu.vector_load %arg6[%get3A_986, %get3A_987, %get3A_988] {strides = array<i32>} : memref<2x1600x32xf32, #tpu.memory_space<vmem>>, vector<16xf32>,
        %add3A_990 = arith.addf %add3A_972, %get3A_989 : vector<16xf32>
        %scan3A_991 = arith.constant 2 : i32
        %scan3A_992 = arith.addi %scan3A_955, %scan3A_991 : i32
        %add3A_993 = arith.constant 0 : i32
        %add3A_994 = arith.addi %add3A_993, %scan3A_992 : i32
        %get3A_995 = arith.constant 0 : i32
        %get3A_996 = arith.index_cast %get3A_995 : i32 to index
        %get3A_997 = arith.index_cast %add3A_994 : i32 to index
        %get3A_998 = arith.constant 0 : index
        %get3A_999 = tpu.vector_load %arg6[%get3A_996, %get3A_997, %get3A_998] {strides = array<i32>} : memref<2x1600x32xf32, #tpu.memory_space<vmem>>, vector<16xf32>,
        %add3A_1000 = arith.addf %add3A_982, %get3A_999 : vector<16xf32>
        %add3A_1001 = arith.constant 0 : i32
        %add3A_1002 = arith.addi %add3A_1001, %scan3A_992 : i32
        %get3A_1003 = arith.constant 0 : i32
        %get3A_1004 = arith.index_cast %get3A_1003 : i32 to index
        %get3A_1005 = arith.index_cast %add3A_1002 : i32 to index
        %get3A_1006 = arith.constant 16 : index
        %get3A_1007 = tpu.vector_load %arg6[%get3A_1004, %get3A_1005, %get3A_1006] {strides = array<i32>} : memref<2x1600x32xf32, #tpu.memory_space<vmem>>, vector<16xf32>,
        %add3A_1008 = arith.addf %add3A_990, %get3A_1007 : vector<16xf32>
        %scan3A_1009 = arith.constant 3 : i32
        %scan3A_1010 = arith.addi %scan3A_955, %scan3A_1009 : i32
        %add3A_1011 = arith.constant 0 : i32
        %add3A_1012 = arith.addi %add3A_1011, %scan3A_1010 : i32
        %get3A_1013 = arith.constant 0 : i32
        %get3A_1014 = arith.index_cast %get3A_1013 : i32 to index
        %get3A_1015 = arith.index_cast %add3A_1012 : i32 to index
        %get3A_1016 = arith.constant 0 : index
        %get3A_1017 = tpu.vector_load %arg6[%get3A_1014, %get3A_1015, %get3A_1016] {strides = array<i32>} : memref<2x1600x32xf32, #tpu.memory_space<vmem>>, vector<16xf32>,
        %add3A_1018 = arith.addf %add3A_1000, %get3A_1017 : vector<16xf32>
        %add3A_1019 = arith.constant 0 : i32
        %add3A_1020 = arith.addi %add3A_1019, %scan3A_1010 : i32
        %get3A_1021 = arith.constant 0 : i32
        %get3A_1022 = arith.index_cast %get3A_1021 : i32 to index
        %get3A_1023 = arith.index_cast %add3A_1020 : i32 to index
        %get3A_1024 = arith.constant 16 : index
        %get3A_1025 = tpu.vector_load %arg6[%get3A_1022, %get3A_1023, %get3A_1024] {strides = array<i32>} : memref<2x1600x32xf32, #tpu.memory_space<vmem>>, vector<16xf32>,
        %add3A_1026 = arith.addf %add3A_1008, %get3A_1025 : vector<16xf32>
        %scan3A_1027 = arith.constant 4 : i32
        %scan3A_1028 = arith.addi %scan3A_955, %scan3A_1027 : i32
        %add3A_1029 = arith.constant 0 : i32
        %add3A_1030 = arith.addi %add3A_1029, %scan3A_1028 : i32
        %get3A_1031 = arith.constant 0 : i32
        %get3A_1032 = arith.index_cast %get3A_1031 : i32 to index
        %get3A_1033 = arith.index_cast %add3A_1030 : i32 to index
        %get3A_1034 = arith.constant 0 : index
        %get3A_1035 = tpu.vector_load %arg6[%get3A_1032, %get3A_1033, %get3A_1034] {strides = array<i32>} : memref<2x1600x32xf32, #tpu.memory_space<vmem>>, vector<16xf32>,
        %add3A_1036 = arith.addf %add3A_1018, %get3A_1035 : vector<16xf32>
        %add3A_1037 = arith.constant 0 : i32
        %add3A_1038 = arith.addi %add3A_1037, %scan3A_1028 : i32
        %get3A_1039 = arith.constant 0 : i32
        %get3A_1040 = arith.index_cast %get3A_1039 : i32 to index
        %get3A_1041 = arith.index_cast %add3A_1038 : i32 to index
        %get3A_1042 = arith.constant 16 : index
        %get3A_1043 = tpu.vector_load %arg6[%get3A_1040, %get3A_1041, %get3A_1042] {strides = array<i32>} : memref<2x1600x32xf32, #tpu.memory_space<vmem>>, vector<16xf32>,
        %add3A_1044 = arith.addf %add3A_1026, %get3A_1043 : vector<16xf32>
        %scan3A_1045 = arith.constant 5 : i32
        %scan3A_1046 = arith.addi %scan3A_955, %scan3A_1045 : i32
        %add3A_1047 = arith.constant 0 : i32
        %add3A_1048 = arith.addi %add3A_1047, %scan3A_1046 : i32
        %get3A_1049 = arith.constant 0 : i32
        %get3A_1050 = arith.index_cast %get3A_1049 : i32 to index
        %get3A_1051 = arith.index_cast %add3A_1048 : i32 to index
        %get3A_1052 = arith.constant 0 : index
        %get3A_1053 = tpu.vector_load %arg6[%get3A_1050, %get3A_1051, %get3A_1052] {strides = array<i32>} : memref<2x1600x32xf32, #tpu.memory_space<vmem>>, vector<16xf32>,
        %add3A_1054 = arith.addf %add3A_1036, %get3A_1053 : vector<16xf32>
        %add3A_1055 = arith.constant 0 : i32
        %add3A_1056 = arith.addi %add3A_1055, %scan3A_1046 : i32
        %get3A_1057 = arith.constant 0 : i32
        %get3A_1058 = arith.index_cast %get3A_1057 : i32 to index
        %get3A_1059 = arith.index_cast %add3A_1056 : i32 to index
        %get3A_1060 = arith.constant 16 : index
        %get3A_1061 = tpu.vector_load %arg6[%get3A_1058, %get3A_1059, %get3A_1060] {strides = array<i32>} : memref<2x1600x32xf32, #tpu.memory_space<vmem>>, vector<16xf32>,
        %add3A_1062 = arith.addf %add3A_1044, %get3A_1061 : vector<16xf32>
        %scan3A_1063 = arith.constant 6 : i32
        %scan3A_1064 = arith.addi %scan3A_955, %scan3A_1063 : i32
        %add3A_1065 = arith.constant 0 : i32
        %add3A_1066 = arith.addi %add3A_1065, %scan3A_1064 : i32
        %get3A_1067 = arith.constant 0 : i32
        %get3A_1068 = arith.index_cast %get3A_1067 : i32 to index
        %get3A_1069 = arith.index_cast %add3A_1066 : i32 to index
        %get3A_1070 = arith.constant 0 : index
        %get3A_1071 = tpu.vector_load %arg6[%get3A_1068, %get3A_1069, %get3A_1070] {strides = array<i32>} : memref<2x1600x32xf32, #tpu.memory_space<vmem>>, vector<16xf32>,
        %add3A_1072 = arith.addf %add3A_1054, %get3A_1071 : vector<16xf32>
        %add3A_1073 = arith.constant 0 : i32
        %add3A_1074 = arith.addi %add3A_1073, %scan3A_1064 : i32
        %get3A_1075 = arith.constant 0 : i32
        %get3A_1076 = arith.index_cast %get3A_1075 : i32 to index
        %get3A_1077 = arith.index_cast %add3A_1074 : i32 to index
        %get3A_1078 = arith.constant 16 : index
        %get3A_1079 = tpu.vector_load %arg6[%get3A_1076, %get3A_1077, %get3A_1078] {strides = array<i32>} : memref<2x1600x32xf32, #tpu.memory_space<vmem>>, vector<16xf32>,
        %add3A_1080 = arith.addf %add3A_1062, %get3A_1079 : vector<16xf32>
        %scan3A_1081 = arith.constant 7 : i32
        %scan3A_1082 = arith.addi %scan3A_955, %scan3A_1081 : i32
        %add3A_1083 = arith.constant 0 : i32
        %add3A_1084 = arith.addi %add3A_1083, %scan3A_1082 : i32
        %get3A_1085 = arith.constant 0 : i32
        %get3A_1086 = arith.index_cast %get3A_1085 : i32 to index
        %get3A_1087 = arith.index_cast %add3A_1084 : i32 to index
        %get3A_1088 = arith.constant 0 : index
        %get3A_1089 = tpu.vector_load %arg6[%get3A_1086, %get3A_1087, %get3A_1088] {strides = array<i32>} : memref<2x1600x32xf32, #tpu.memory_space<vmem>>, vector<16xf32>,
        %add3A_1090 = arith.addf %add3A_1072, %get3A_1089 : vector<16xf32>
        %add3A_1091 = arith.constant 0 : i32
        %add3A_1092 = arith.addi %add3A_1091, %scan3A_1082 : i32
        %get3A_1093 = arith.constant 0 : i32
        %get3A_1094 = arith.index_cast %get3A_1093 : i32 to index
        %get3A_1095 = arith.index_cast %add3A_1092 : i32 to index
        %get3A_1096 = arith.constant 16 : index
        %get3A_1097 = tpu.vector_load %arg6[%get3A_1094, %get3A_1095, %get3A_1096] {strides = array<i32>} : memref<2x1600x32xf32, #tpu.memory_space<vmem>>, vector<16xf32>,
        %add3A_1098 = arith.addf %add3A_1080, %get3A_1097 : vector<16xf32>
        scf.yield %add3A_1090, %add3A_1098 : vector<16xf32>, vector<16xf32>
      }
      %scan3A_453 = arith.constant 200 : i32
      %swap3A = arith.constant 0 : i32
      %swap3A_454 = arith.index_cast %swap3A : i32 to index
      %swap3A_455 = arith.constant 0 : index
      %swap3A_456 = tpu.vector_load %arg7[%swap3A_454, %swap3A_455] {strides = array<i32>} : memref<2x128xf32, #tpu.memory_space<vmem>>, vector<16xf32>,
      tpu.vector_store %arg7[%swap3A_454, %swap3A_455], %scan3A_452#0 {strides = array<i32>} : memref<2x128xf32, #tpu.memory_space<vmem>>, vector<16xf32>,
      %swap3A_457 = arith.constant 0 : i32
      %swap3A_458 = arith.index_cast %swap3A_457 : i32 to index
      %swap3A_459 = arith.constant 16 : index
      %swap3A_460 = tpu.vector_load %arg7[%swap3A_458, %swap3A_459] {strides = array<i32>} : memref<2x128xf32, #tpu.memory_space<vmem>>, vector<16xf32>,
      tpu.vector_store %arg7[%swap3A_458, %swap3A_459], %scan3A_452#1 {strides = array<i32>} : memref<2x128xf32, #tpu.memory_space<vmem>>, vector<16xf32>,
      %broadcast_in_dim3A_461 = arith.constant 0.000000e+00 : f32
      %broadcast_in_dim3A_462 = vector.broadcast %broadcast_in_dim3A_461 : f32 to vector<16xf32>
      %scan3A_463 = arith.constant 0 : i32
      %scan3A_464 = arith.constant 200 : i32
      %scan3A_465 = arith.addi %scan3A_463, %scan3A_464 : i32
      %scan3A_466 = arith.constant 8 : i32
      %scan3A_467:2 = scf.for %scan3A_955 = %scan3A_463 to %scan3A_465 step %scan3A_466 iter_args(%scan3A_956 = %broadcast_in_dim3A_462, %scan3A_957 = %broadcast_in_dim3A_462) -> (vector<16xf32>, vector<16xf32>)  : i32 {
        %add3A_958 = arith.constant 200 : i32
        %add3A_959 = arith.addi %add3A_958, %scan3A_955 : i32
        %get3A = arith.constant 0 : i32
        %get3A_960 = arith.index_cast %get3A : i32 to index
        %get3A_961 = arith.index_cast %add3A_959 : i32 to index
        %get3A_962 = arith.constant 0 : index
        %get3A_963 = tpu.vector_load %arg6[%get3A_960, %get3A_961, %get3A_962] {strides = array<i32>} : memref<2x1600x32xf32, #tpu.memory_space<vmem>>, vector<16xf32>,
        %add3A_964 = arith.addf %scan3A_956, %get3A_963 : vector<16xf32>
        %add3A_965 = arith.constant 200 : i32
        %add3A_966 = arith.addi %add3A_965, %scan3A_955 : i32
        %get3A_967 = arith.constant 0 : i32
        %get3A_968 = arith.index_cast %get3A_967 : i32 to index
        %get3A_969 = arith.index_cast %add3A_966 : i32 to index
        %get3A_970 = arith.constant 16 : index
        %get3A_971 = tpu.vector_load %arg6[%get3A_968, %get3A_969, %get3A_970] {strides = array<i32>} : memref<2x1600x32xf32, #tpu.memory_space<vmem>>, vector<16xf32>,
        %add3A_972 = arith.addf %scan3A_957, %get3A_971 : vector<16xf32>
        %scan3A_973 = arith.constant 1 : i32
        %scan3A_974 = arith.addi %scan3A_955, %scan3A_973 : i32
        %add3A_975 = arith.constant 200 : i32
        %add3A_976 = arith.addi %add3A_975, %scan3A_974 : i32
        %get3A_977 = arith.constant 0 : i32
        %get3A_978 = arith.index_cast %get3A_977 : i32 to index
        %get3A_979 = arith.index_cast %add3A_976 : i32 to index
        %get3A_980 = arith.constant 0 : index
        %get3A_981 = tpu.vector_load %arg6[%get3A_978, %get3A_979, %get3A_980] {strides = array<i32>} : memref<2x1600x32xf32, #tpu.memory_space<vmem>>, vector<16xf32>,
        %add3A_982 = arith.addf %add3A_964, %get3A_981 : vector<16xf32>
        %add3A_983 = arith.constant 200 : i32
        %add3A_984 = arith.addi %add3A_983, %scan3A_974 : i32
        %get3A_985 = arith.constant 0 : i32
        %get3A_986 = arith.index_cast %get3A_985 : i32 to index
        %get3A_987 = arith.index_cast %add3A_984 : i32 to index
        %get3A_988 = arith.constant 16 : index
        %get3A_989 = tpu.vector_load %arg6[%get3A_986, %get3A_987, %get3A_988] {strides = array<i32>} : memref<2x1600x32xf32, #tpu.memory_space<vmem>>, vector<16xf32>,
        %add3A_990 = arith.addf %add3A_972, %get3A_989 : vector<16xf32>
        %scan3A_991 = arith.constant 2 : i32
        %scan3A_992 = arith.addi %scan3A_955, %scan3A_991 : i32
        %add3A_993 = arith.constant 200 : i32
        %add3A_994 = arith.addi %add3A_993, %scan3A_992 : i32
        %get3A_995 = arith.constant 0 : i32
        %get3A_996 = arith.index_cast %get3A_995 : i32 to index
        %get3A_997 = arith.index_cast %add3A_994 : i32 to index
        %get3A_998 = arith.constant 0 : index
        %get3A_999 = tpu.vector_load %arg6[%get3A_996, %get3A_997, %get3A_998] {strides = array<i32>} : memref<2x1600x32xf32, #tpu.memory_space<vmem>>, vector<16xf32>,
        %add3A_1000 = arith.addf %add3A_982, %get3A_999 : vector<16xf32>
        %add3A_1001 = arith.constant 200 : i32
        %add3A_1002 = arith.addi %add3A_1001, %scan3A_992 : i32
        %get3A_1003 = arith.constant 0 : i32
        %get3A_1004 = arith.index_cast %get3A_1003 : i32 to index
        %get3A_1005 = arith.index_cast %add3A_1002 : i32 to index
        %get3A_1006 = arith.constant 16 : index
        %get3A_1007 = tpu.vector_load %arg6[%get3A_1004, %get3A_1005, %get3A_1006] {strides = array<i32>} : memref<2x1600x32xf32, #tpu.memory_space<vmem>>, vector<16xf32>,
        %add3A_1008 = arith.addf %add3A_990, %get3A_1007 : vector<16xf32>
        %scan3A_1009 = arith.constant 3 : i32
        %scan3A_1010 = arith.addi %scan3A_955, %scan3A_1009 : i32
        %add3A_1011 = arith.constant 200 : i32
        %add3A_1012 = arith.addi %add3A_1011, %scan3A_1010 : i32
        %get3A_1013 = arith.constant 0 : i32
        %get3A_1014 = arith.index_cast %get3A_1013 : i32 to index
        %get3A_1015 = arith.index_cast %add3A_1012 : i32 to index
        %get3A_1016 = arith.constant 0 : index
        %get3A_1017 = tpu.vector_load %arg6[%get3A_1014, %get3A_1015, %get3A_1016] {strides = array<i32>} : memref<2x1600x32xf32, #tpu.memory_space<vmem>>, vector<16xf32>,
        %add3A_1018 = arith.addf %add3A_1000, %get3A_1017 : vector<16xf32>
        %add3A_1019 = arith.constant 200 : i32
        %add3A_1020 = arith.addi %add3A_1019, %scan3A_1010 : i32
        %get3A_1021 = arith.constant 0 : i32
        %get3A_1022 = arith.index_cast %get3A_1021 : i32 to index
        %get3A_1023 = arith.index_cast %add3A_1020 : i32 to index
        %get3A_1024 = arith.constant 16 : index
        %get3A_1025 = tpu.vector_load %arg6[%get3A_1022, %get3A_1023, %get3A_1024] {strides = array<i32>} : memref<2x1600x32xf32, #tpu.memory_space<vmem>>, vector<16xf32>,
        %add3A_1026 = arith.addf %add3A_1008, %get3A_1025 : vector<16xf32>
        %scan3A_1027 = arith.constant 4 : i32
        %scan3A_1028 = arith.addi %scan3A_955, %scan3A_1027 : i32
        %add3A_1029 = arith.constant 200 : i32
        %add3A_1030 = arith.addi %add3A_1029, %scan3A_1028 : i32
        %get3A_1031 = arith.constant 0 : i32
        %get3A_1032 = arith.index_cast %get3A_1031 : i32 to index
        %get3A_1033 = arith.index_cast %add3A_1030 : i32 to index
        %get3A_1034 = arith.constant 0 : index
        %get3A_1035 = tpu.vector_load %arg6[%get3A_1032, %get3A_1033, %get3A_1034] {strides = array<i32>} : memref<2x1600x32xf32, #tpu.memory_space<vmem>>, vector<16xf32>,
        %add3A_1036 = arith.addf %add3A_1018, %get3A_1035 : vector<16xf32>
        %add3A_1037 = arith.constant 200 : i32
        %add3A_1038 = arith.addi %add3A_1037, %scan3A_1028 : i32
        %get3A_1039 = arith.constant 0 : i32
        %get3A_1040 = arith.index_cast %get3A_1039 : i32 to index
        %get3A_1041 = arith.index_cast %add3A_1038 : i32 to index
        %get3A_1042 = arith.constant 16 : index
        %get3A_1043 = tpu.vector_load %arg6[%get3A_1040, %get3A_1041, %get3A_1042] {strides = array<i32>} : memref<2x1600x32xf32, #tpu.memory_space<vmem>>, vector<16xf32>,
        %add3A_1044 = arith.addf %add3A_1026, %get3A_1043 : vector<16xf32>
        %scan3A_1045 = arith.constant 5 : i32
        %scan3A_1046 = arith.addi %scan3A_955, %scan3A_1045 : i32
        %add3A_1047 = arith.constant 200 : i32
        %add3A_1048 = arith.addi %add3A_1047, %scan3A_1046 : i32
        %get3A_1049 = arith.constant 0 : i32
        %get3A_1050 = arith.index_cast %get3A_1049 : i32 to index
        %get3A_1051 = arith.index_cast %add3A_1048 : i32 to index
        %get3A_1052 = arith.constant 0 : index
        %get3A_1053 = tpu.vector_load %arg6[%get3A_1050, %get3A_1051, %get3A_1052] {strides = array<i32>} : memref<2x1600x32xf32, #tpu.memory_space<vmem>>, vector<16xf32>,
        %add3A_1054 = arith.addf %add3A_1036, %get3A_1053 : vector<16xf32>
        %add3A_1055 = arith.constant 200 : i32
        %add3A_1056 = arith.addi %add3A_1055, %scan3A_1046 : i32
        %get3A_1057 = arith.constant 0 : i32
        %get3A_1058 = arith.index_cast %get3A_1057 : i32 to index
        %get3A_1059 = arith.index_cast %add3A_1056 : i32 to index
        %get3A_1060 = arith.constant 16 : index
        %get3A_1061 = tpu.vector_load %arg6[%get3A_1058, %get3A_1059, %get3A_1060] {strides = array<i32>} : memref<2x1600x32xf32, #tpu.memory_space<vmem>>, vector<16xf32>,
        %add3A_1062 = arith.addf %add3A_1044, %get3A_1061 : vector<16xf32>
        %scan3A_1063 = arith.constant 6 : i32
        %scan3A_1064 = arith.addi %scan3A_955, %scan3A_1063 : i32
        %add3A_1065 = arith.constant 200 : i32
        %add3A_1066 = arith.addi %add3A_1065, %scan3A_1064 : i32
        %get3A_1067 = arith.constant 0 : i32
        %get3A_1068 = arith.index_cast %get3A_1067 : i32 to index
        %get3A_1069 = arith.index_cast %add3A_1066 : i32 to index
        %get3A_1070 = arith.constant 0 : index
        %get3A_1071 = tpu.vector_load %arg6[%get3A_1068, %get3A_1069, %get3A_1070] {strides = array<i32>} : memref<2x1600x32xf32, #tpu.memory_space<vmem>>, vector<16xf32>,
        %add3A_1072 = arith.addf %add3A_1054, %get3A_1071 : vector<16xf32>
        %add3A_1073 = arith.constant 200 : i32
        %add3A_1074 = arith.addi %add3A_1073, %scan3A_1064 : i32
        %get3A_1075 = arith.constant 0 : i32
        %get3A_1076 = arith.index_cast %get3A_1075 : i32 to index
        %get3A_1077 = arith.index_cast %add3A_1074 : i32 to index
        %get3A_1078 = arith.constant 16 : index
        %get3A_1079 = tpu.vector_load %arg6[%get3A_1076, %get3A_1077, %get3A_1078] {strides = array<i32>} : memref<2x1600x32xf32, #tpu.memory_space<vmem>>, vector<16xf32>,
        %add3A_1080 = arith.addf %add3A_1062, %get3A_1079 : vector<16xf32>
        %scan3A_1081 = arith.constant 7 : i32
        %scan3A_1082 = arith.addi %scan3A_955, %scan3A_1081 : i32
        %add3A_1083 = arith.constant 200 : i32
        %add3A_1084 = arith.addi %add3A_1083, %scan3A_1082 : i32
        %get3A_1085 = arith.constant 0 : i32
        %get3A_1086 = arith.index_cast %get3A_1085 : i32 to index
        %get3A_1087 = arith.index_cast %add3A_1084 : i32 to index
        %get3A_1088 = arith.constant 0 : index
        %get3A_1089 = tpu.vector_load %arg6[%get3A_1086, %get3A_1087, %get3A_1088] {strides = array<i32>} : memref<2x1600x32xf32, #tpu.memory_space<vmem>>, vector<16xf32>,
        %add3A_1090 = arith.addf %add3A_1072, %get3A_1089 : vector<16xf32>
        %add3A_1091 = arith.constant 200 : i32
        %add3A_1092 = arith.addi %add3A_1091, %scan3A_1082 : i32
        %get3A_1093 = arith.constant 0 : i32
        %get3A_1094 = arith.index_cast %get3A_1093 : i32 to index
        %get3A_1095 = arith.index_cast %add3A_1092 : i32 to index
        %get3A_1096 = arith.constant 16 : index
        %get3A_1097 = tpu.vector_load %arg6[%get3A_1094, %get3A_1095, %get3A_1096] {strides = array<i32>} : memref<2x1600x32xf32, #tpu.memory_space<vmem>>, vector<16xf32>,
        %add3A_1098 = arith.addf %add3A_1080, %get3A_1097 : vector<16xf32>
        scf.yield %add3A_1090, %add3A_1098 : vector<16xf32>, vector<16xf32>
      }
      %scan3A_468 = arith.constant 200 : i32
      %swap3A_469 = arith.constant 0 : i32
      %swap3A_470 = arith.index_cast %swap3A_469 : i32 to index
      %swap3A_471 = arith.constant 32 : index
      %swap3A_472 = tpu.vector_load %arg7[%swap3A_470, %swap3A_471] {strides = array<i32>} : memref<2x128xf32, #tpu.memory_space<vmem>>, vector<16xf32>,
      tpu.vector_store %arg7[%swap3A_470, %swap3A_471], %scan3A_467#0 {strides = array<i32>} : memref<2x128xf32, #tpu.memory_space<vmem>>, vector<16xf32>,
      %swap3A_473 = arith.constant 0 : i32
      %swap3A_474 = arith.index_cast %swap3A_473 : i32 to index
      %swap3A_475 = arith.constant 48 : index
      %swap3A_476 = tpu.vector_load %arg7[%swap3A_474, %swap3A_475] {strides = array<i32>} : memref<2x128xf32, #tpu.memory_space<vmem>>, vector<16xf32>,
      tpu.vector_store %arg7[%swap3A_474, %swap3A_475], %scan3A_467#1 {strides = array<i32>} : memref<2x128xf32, #tpu.memory_space<vmem>>, vector<16xf32>,
      %broadcast_in_dim3A_477 = arith.constant 0.000000e+00 : f32
      %broadcast_in_dim3A_478 = vector.broadcast %broadcast_in_dim3A_477 : f32 to vector<16xf32>
      %scan3A_479 = arith.constant 0 : i32
      %scan3A_480 = arith.constant 200 : i32
      %scan3A_481 = arith.addi %scan3A_479, %scan3A_480 : i32
      %scan3A_482 = arith.constant 8 : i32
      %scan3A_483:2 = scf.for %scan3A_955 = %scan3A_479 to %scan3A_481 step %scan3A_482 iter_args(%scan3A_956 = %broadcast_in_dim3A_478, %scan3A_957 = %broadcast_in_dim3A_478) -> (vector<16xf32>, vector<16xf32>)  : i32 {
        %add3A_958 = arith.constant 400 : i32
        %add3A_959 = arith.addi %add3A_958, %scan3A_955 : i32
        %get3A = arith.constant 0 : i32
        %get3A_960 = arith.index_cast %get3A : i32 to index
        %get3A_961 = arith.index_cast %add3A_959 : i32 to index
        %get3A_962 = arith.constant 0 : index
        %get3A_963 = tpu.vector_load %arg6[%get3A_960, %get3A_961, %get3A_962] {strides = array<i32>} : memref<2x1600x32xf32, #tpu.memory_space<vmem>>, vector<16xf32>,
        %add3A_964 = arith.addf %scan3A_956, %get3A_963 : vector<16xf32>
        %add3A_965 = arith.constant 400 : i32
        %add3A_966 = arith.addi %add3A_965, %scan3A_955 : i32
        %get3A_967 = arith.constant 0 : i32
        %get3A_968 = arith.index_cast %get3A_967 : i32 to index
        %get3A_969 = arith.index_cast %add3A_966 : i32 to index
        %get3A_970 = arith.constant 16 : index
        %get3A_971 = tpu.vector_load %arg6[%get3A_968, %get3A_969, %get3A_970] {strides = array<i32>} : memref<2x1600x32xf32, #tpu.memory_space<vmem>>, vector<16xf32>,
        %add3A_972 = arith.addf %scan3A_957, %get3A_971 : vector<16xf32>
        %scan3A_973 = arith.constant 1 : i32
        %scan3A_974 = arith.addi %scan3A_955, %scan3A_973 : i32
        %add3A_975 = arith.constant 400 : i32
        %add3A_976 = arith.addi %add3A_975, %scan3A_974 : i32
        %get3A_977 = arith.constant 0 : i32
        %get3A_978 = arith.index_cast %get3A_977 : i32 to index
        %get3A_979 = arith.index_cast %add3A_976 : i32 to index
        %get3A_980 = arith.constant 0 : index
        %get3A_981 = tpu.vector_load %arg6[%get3A_978, %get3A_979, %get3A_980] {strides = array<i32>} : memref<2x1600x32xf32, #tpu.memory_space<vmem>>, vector<16xf32>,
        %add3A_982 = arith.addf %add3A_964, %get3A_981 : vector<16xf32>
        %add3A_983 = arith.constant 400 : i32
        %add3A_984 = arith.addi %add3A_983, %scan3A_974 : i32
        %get3A_985 = arith.constant 0 : i32
        %get3A_986 = arith.index_cast %get3A_985 : i32 to index
        %get3A_987 = arith.index_cast %add3A_984 : i32 to index
        %get3A_988 = arith.constant 16 : index
        %get3A_989 = tpu.vector_load %arg6[%get3A_986, %get3A_987, %get3A_988] {strides = array<i32>} : memref<2x1600x32xf32, #tpu.memory_space<vmem>>, vector<16xf32>,
        %add3A_990 = arith.addf %add3A_972, %get3A_989 : vector<16xf32>
        %scan3A_991 = arith.constant 2 : i32
        %scan3A_992 = arith.addi %scan3A_955, %scan3A_991 : i32
        %add3A_993 = arith.constant 400 : i32
        %add3A_994 = arith.addi %add3A_993, %scan3A_992 : i32
        %get3A_995 = arith.constant 0 : i32
        %get3A_996 = arith.index_cast %get3A_995 : i32 to index
        %get3A_997 = arith.index_cast %add3A_994 : i32 to index
        %get3A_998 = arith.constant 0 : index
        %get3A_999 = tpu.vector_load %arg6[%get3A_996, %get3A_997, %get3A_998] {strides = array<i32>} : memref<2x1600x32xf32, #tpu.memory_space<vmem>>, vector<16xf32>,
        %add3A_1000 = arith.addf %add3A_982, %get3A_999 : vector<16xf32>
        %add3A_1001 = arith.constant 400 : i32
        %add3A_1002 = arith.addi %add3A_1001, %scan3A_992 : i32
        %get3A_1003 = arith.constant 0 : i32
        %get3A_1004 = arith.index_cast %get3A_1003 : i32 to index
        %get3A_1005 = arith.index_cast %add3A_1002 : i32 to index
        %get3A_1006 = arith.constant 16 : index
        %get3A_1007 = tpu.vector_load %arg6[%get3A_1004, %get3A_1005, %get3A_1006] {strides = array<i32>} : memref<2x1600x32xf32, #tpu.memory_space<vmem>>, vector<16xf32>,
        %add3A_1008 = arith.addf %add3A_990, %get3A_1007 : vector<16xf32>
        %scan3A_1009 = arith.constant 3 : i32
        %scan3A_1010 = arith.addi %scan3A_955, %scan3A_1009 : i32
        %add3A_1011 = arith.constant 400 : i32
        %add3A_1012 = arith.addi %add3A_1011, %scan3A_1010 : i32
        %get3A_1013 = arith.constant 0 : i32
        %get3A_1014 = arith.index_cast %get3A_1013 : i32 to index
        %get3A_1015 = arith.index_cast %add3A_1012 : i32 to index
        %get3A_1016 = arith.constant 0 : index
        %get3A_1017 = tpu.vector_load %arg6[%get3A_1014, %get3A_1015, %get3A_1016] {strides = array<i32>} : memref<2x1600x32xf32, #tpu.memory_space<vmem>>, vector<16xf32>,
        %add3A_1018 = arith.addf %add3A_1000, %get3A_1017 : vector<16xf32>
        %add3A_1019 = arith.constant 400 : i32
        %add3A_1020 = arith.addi %add3A_1019, %scan3A_1010 : i32
        %get3A_1021 = arith.constant 0 : i32
        %get3A_1022 = arith.index_cast %get3A_1021 : i32 to index
        %get3A_1023 = arith.index_cast %add3A_1020 : i32 to index
        %get3A_1024 = arith.constant 16 : index
        %get3A_1025 = tpu.vector_load %arg6[%get3A_1022, %get3A_1023, %get3A_1024] {strides = array<i32>} : memref<2x1600x32xf32, #tpu.memory_space<vmem>>, vector<16xf32>,
        %add3A_1026 = arith.addf %add3A_1008, %get3A_1025 : vector<16xf32>
        %scan3A_1027 = arith.constant 4 : i32
        %scan3A_1028 = arith.addi %scan3A_955, %scan3A_1027 : i32
        %add3A_1029 = arith.constant 400 : i32
        %add3A_1030 = arith.addi %add3A_1029, %scan3A_1028 : i32
        %get3A_1031 = arith.constant 0 : i32
        %get3A_1032 = arith.index_cast %get3A_1031 : i32 to index
        %get3A_1033 = arith.index_cast %add3A_1030 : i32 to index
        %get3A_1034 = arith.constant 0 : index
        %get3A_1035 = tpu.vector_load %arg6[%get3A_1032, %get3A_1033, %get3A_1034] {strides = array<i32>} : memref<2x1600x32xf32, #tpu.memory_space<vmem>>, vector<16xf32>,
        %add3A_1036 = arith.addf %add3A_1018, %get3A_1035 : vector<16xf32>
        %add3A_1037 = arith.constant 400 : i32
        %add3A_1038 = arith.addi %add3A_1037, %scan3A_1028 : i32
        %get3A_1039 = arith.constant 0 : i32
        %get3A_1040 = arith.index_cast %get3A_1039 : i32 to index
        %get3A_1041 = arith.index_cast %add3A_1038 : i32 to index
        %get3A_1042 = arith.constant 16 : index
        %get3A_1043 = tpu.vector_load %arg6[%get3A_1040, %get3A_1041, %get3A_1042] {strides = array<i32>} : memref<2x1600x32xf32, #tpu.memory_space<vmem>>, vector<16xf32>,
        %add3A_1044 = arith.addf %add3A_1026, %get3A_1043 : vector<16xf32>
        %scan3A_1045 = arith.constant 5 : i32
        %scan3A_1046 = arith.addi %scan3A_955, %scan3A_1045 : i32
        %add3A_1047 = arith.constant 400 : i32
        %add3A_1048 = arith.addi %add3A_1047, %scan3A_1046 : i32
        %get3A_1049 = arith.constant 0 : i32
        %get3A_1050 = arith.index_cast %get3A_1049 : i32 to index
        %get3A_1051 = arith.index_cast %add3A_1048 : i32 to index
        %get3A_1052 = arith.constant 0 : index
        %get3A_1053 = tpu.vector_load %arg6[%get3A_1050, %get3A_1051, %get3A_1052] {strides = array<i32>} : memref<2x1600x32xf32, #tpu.memory_space<vmem>>, vector<16xf32>,
        %add3A_1054 = arith.addf %add3A_1036, %get3A_1053 : vector<16xf32>
        %add3A_1055 = arith.constant 400 : i32
        %add3A_1056 = arith.addi %add3A_1055, %scan3A_1046 : i32
        %get3A_1057 = arith.constant 0 : i32
        %get3A_1058 = arith.index_cast %get3A_1057 : i32 to index
        %get3A_1059 = arith.index_cast %add3A_1056 : i32 to index
        %get3A_1060 = arith.constant 16 : index
        %get3A_1061 = tpu.vector_load %arg6[%get3A_1058, %get3A_1059, %get3A_1060] {strides = array<i32>} : memref<2x1600x32xf32, #tpu.memory_space<vmem>>, vector<16xf32>,
        %add3A_1062 = arith.addf %add3A_1044, %get3A_1061 : vector<16xf32>
        %scan3A_1063 = arith.constant 6 : i32
        %scan3A_1064 = arith.addi %scan3A_955, %scan3A_1063 : i32
        %add3A_1065 = arith.constant 400 : i32
        %add3A_1066 = arith.addi %add3A_1065, %scan3A_1064 : i32
        %get3A_1067 = arith.constant 0 : i32
        %get3A_1068 = arith.index_cast %get3A_1067 : i32 to index
        %get3A_1069 = arith.index_cast %add3A_1066 : i32 to index
        %get3A_1070 = arith.constant 0 : index
        %get3A_1071 = tpu.vector_load %arg6[%get3A_1068, %get3A_1069, %get3A_1070] {strides = array<i32>} : memref<2x1600x32xf32, #tpu.memory_space<vmem>>, vector<16xf32>,
        %add3A_1072 = arith.addf %add3A_1054, %get3A_1071 : vector<16xf32>
        %add3A_1073 = arith.constant 400 : i32
        %add3A_1074 = arith.addi %add3A_1073, %scan3A_1064 : i32
        %get3A_1075 = arith.constant 0 : i32
        %get3A_1076 = arith.index_cast %get3A_1075 : i32 to index
        %get3A_1077 = arith.index_cast %add3A_1074 : i32 to index
        %get3A_1078 = arith.constant 16 : index
        %get3A_1079 = tpu.vector_load %arg6[%get3A_1076, %get3A_1077, %get3A_1078] {strides = array<i32>} : memref<2x1600x32xf32, #tpu.memory_space<vmem>>, vector<16xf32>,
        %add3A_1080 = arith.addf %add3A_1062, %get3A_1079 : vector<16xf32>
        %scan3A_1081 = arith.constant 7 : i32
        %scan3A_1082 = arith.addi %scan3A_955, %scan3A_1081 : i32
        %add3A_1083 = arith.constant 400 : i32
        %add3A_1084 = arith.addi %add3A_1083, %scan3A_1082 : i32
        %get3A_1085 = arith.constant 0 : i32
        %get3A_1086 = arith.index_cast %get3A_1085 : i32 to index
        %get3A_1087 = arith.index_cast %add3A_1084 : i32 to index
        %get3A_1088 = arith.constant 0 : index
        %get3A_1089 = tpu.vector_load %arg6[%get3A_1086, %get3A_1087, %get3A_1088] {strides = array<i32>} : memref<2x1600x32xf32, #tpu.memory_space<vmem>>, vector<16xf32>,
        %add3A_1090 = arith.addf %add3A_1072, %get3A_1089 : vector<16xf32>
        %add3A_1091 = arith.constant 400 : i32
        %add3A_1092 = arith.addi %add3A_1091, %scan3A_1082 : i32
        %get3A_1093 = arith.constant 0 : i32
        %get3A_1094 = arith.index_cast %get3A_1093 : i32 to index
        %get3A_1095 = arith.index_cast %add3A_1092 : i32 to index
        %get3A_1096 = arith.constant 16 : index
        %get3A_1097 = tpu.vector_load %arg6[%get3A_1094, %get3A_1095, %get3A_1096] {strides = array<i32>} : memref<2x1600x32xf32, #tpu.memory_space<vmem>>, vector<16xf32>,
        %add3A_1098 = arith.addf %add3A_1080, %get3A_1097 : vector<16xf32>
        scf.yield %add3A_1090, %add3A_1098 : vector<16xf32>, vector<16xf32>
      }
      %scan3A_484 = arith.constant 200 : i32
      %swap3A_485 = arith.constant 0 : i32
      %swap3A_486 = arith.index_cast %swap3A_485 : i32 to index
      %swap3A_487 = arith.constant 64 : index
      %swap3A_488 = tpu.vector_load %arg7[%swap3A_486, %swap3A_487] {strides = array<i32>} : memref<2x128xf32, #tpu.memory_space<vmem>>, vector<16xf32>,
      tpu.vector_store %arg7[%swap3A_486, %swap3A_487], %scan3A_483#0 {strides = array<i32>} : memref<2x128xf32, #tpu.memory_space<vmem>>, vector<16xf32>,
      %swap3A_489 = arith.constant 0 : i32
      %swap3A_490 = arith.index_cast %swap3A_489 : i32 to index
      %swap3A_491 = arith.constant 80 : index
      %swap3A_492 = tpu.vector_load %arg7[%swap3A_490, %swap3A_491] {strides = array<i32>} : memref<2x128xf32, #tpu.memory_space<vmem>>, vector<16xf32>,
      tpu.vector_store %arg7[%swap3A_490, %swap3A_491], %scan3A_483#1 {strides = array<i32>} : memref<2x128xf32, #tpu.memory_space<vmem>>, vector<16xf32>,
      %broadcast_in_dim3A_493 = arith.constant 0.000000e+00 : f32
      %broadcast_in_dim3A_494 = vector.broadcast %broadcast_in_dim3A_493 : f32 to vector<16xf32>
      %scan3A_495 = arith.constant 0 : i32
      %scan3A_496 = arith.constant 200 : i32
      %scan3A_497 = arith.addi %scan3A_495, %scan3A_496 : i32
      %scan3A_498 = arith.constant 8 : i32
      %scan3A_499:2 = scf.for %scan3A_955 = %scan3A_495 to %scan3A_497 step %scan3A_498 iter_args(%scan3A_956 = %broadcast_in_dim3A_494, %scan3A_957 = %broadcast_in_dim3A_494) -> (vector<16xf32>, vector<16xf32>)  : i32 {
        %add3A_958 = arith.constant 600 : i32
        %add3A_959 = arith.addi %add3A_958, %scan3A_955 : i32
        %get3A = arith.constant 0 : i32
        %get3A_960 = arith.index_cast %get3A : i32 to index
        %get3A_961 = arith.index_cast %add3A_959 : i32 to index
        %get3A_962 = arith.constant 0 : index
        %get3A_963 = tpu.vector_load %arg6[%get3A_960, %get3A_961, %get3A_962] {strides = array<i32>} : memref<2x1600x32xf32, #tpu.memory_space<vmem>>, vector<16xf32>,
        %add3A_964 = arith.addf %scan3A_956, %get3A_963 : vector<16xf32>
        %add3A_965 = arith.constant 600 : i32
        %add3A_966 = arith.addi %add3A_965, %scan3A_955 : i32
        %get3A_967 = arith.constant 0 : i32
        %get3A_968 = arith.index_cast %get3A_967 : i32 to index
        %get3A_969 = arith.index_cast %add3A_966 : i32 to index
        %get3A_970 = arith.constant 16 : index
        %get3A_971 = tpu.vector_load %arg6[%get3A_968, %get3A_969, %get3A_970] {strides = array<i32>} : memref<2x1600x32xf32, #tpu.memory_space<vmem>>, vector<16xf32>,
        %add3A_972 = arith.addf %scan3A_957, %get3A_971 : vector<16xf32>
        %scan3A_973 = arith.constant 1 : i32
        %scan3A_974 = arith.addi %scan3A_955, %scan3A_973 : i32
        %add3A_975 = arith.constant 600 : i32
        %add3A_976 = arith.addi %add3A_975, %scan3A_974 : i32
        %get3A_977 = arith.constant 0 : i32
        %get3A_978 = arith.index_cast %get3A_977 : i32 to index
        %get3A_979 = arith.index_cast %add3A_976 : i32 to index
        %get3A_980 = arith.constant 0 : index
        %get3A_981 = tpu.vector_load %arg6[%get3A_978, %get3A_979, %get3A_980] {strides = array<i32>} : memref<2x1600x32xf32, #tpu.memory_space<vmem>>, vector<16xf32>,
        %add3A_982 = arith.addf %add3A_964, %get3A_981 : vector<16xf32>
        %add3A_983 = arith.constant 600 : i32
        %add3A_984 = arith.addi %add3A_983, %scan3A_974 : i32
        %get3A_985 = arith.constant 0 : i32
        %get3A_986 = arith.index_cast %get3A_985 : i32 to index
        %get3A_987 = arith.index_cast %add3A_984 : i32 to index
        %get3A_988 = arith.constant 16 : index
        %get3A_989 = tpu.vector_load %arg6[%get3A_986, %get3A_987, %get3A_988] {strides = array<i32>} : memref<2x1600x32xf32, #tpu.memory_space<vmem>>, vector<16xf32>,
        %add3A_990 = arith.addf %add3A_972, %get3A_989 : vector<16xf32>
        %scan3A_991 = arith.constant 2 : i32
        %scan3A_992 = arith.addi %scan3A_955, %scan3A_991 : i32
        %add3A_993 = arith.constant 600 : i32
        %add3A_994 = arith.addi %add3A_993, %scan3A_992 : i32
        %get3A_995 = arith.constant 0 : i32
        %get3A_996 = arith.index_cast %get3A_995 : i32 to index
        %get3A_997 = arith.index_cast %add3A_994 : i32 to index
        %get3A_998 = arith.constant 0 : index
        %get3A_999 = tpu.vector_load %arg6[%get3A_996, %get3A_997, %get3A_998] {strides = array<i32>} : memref<2x1600x32xf32, #tpu.memory_space<vmem>>, vector<16xf32>,
        %add3A_1000 = arith.addf %add3A_982, %get3A_999 : vector<16xf32>
        %add3A_1001 = arith.constant 600 : i32
        %add3A_1002 = arith.addi %add3A_1001, %scan3A_992 : i32
        %get3A_1003 = arith.constant 0 : i32
        %get3A_1004 = arith.index_cast %get3A_1003 : i32 to index
        %get3A_1005 = arith.index_cast %add3A_1002 : i32 to index
        %get3A_1006 = arith.constant 16 : index
        %get3A_1007 = tpu.vector_load %arg6[%get3A_1004, %get3A_1005, %get3A_1006] {strides = array<i32>} : memref<2x1600x32xf32, #tpu.memory_space<vmem>>, vector<16xf32>,
        %add3A_1008 = arith.addf %add3A_990, %get3A_1007 : vector<16xf32>
        %scan3A_1009 = arith.constant 3 : i32
        %scan3A_1010 = arith.addi %scan3A_955, %scan3A_1009 : i32
        %add3A_1011 = arith.constant 600 : i32
        %add3A_1012 = arith.addi %add3A_1011, %scan3A_1010 : i32
        %get3A_1013 = arith.constant 0 : i32
        %get3A_1014 = arith.index_cast %get3A_1013 : i32 to index
        %get3A_1015 = arith.index_cast %add3A_1012 : i32 to index
        %get3A_1016 = arith.constant 0 : index
        %get3A_1017 = tpu.vector_load %arg6[%get3A_1014, %get3A_1015, %get3A_1016] {strides = array<i32>} : memref<2x1600x32xf32, #tpu.memory_space<vmem>>, vector<16xf32>,
        %add3A_1018 = arith.addf %add3A_1000, %get3A_1017 : vector<16xf32>
        %add3A_1019 = arith.constant 600 : i32
        %add3A_1020 = arith.addi %add3A_1019, %scan3A_1010 : i32
        %get3A_1021 = arith.constant 0 : i32
        %get3A_1022 = arith.index_cast %get3A_1021 : i32 to index
        %get3A_1023 = arith.index_cast %add3A_1020 : i32 to index
        %get3A_1024 = arith.constant 16 : index
        %get3A_1025 = tpu.vector_load %arg6[%get3A_1022, %get3A_1023, %get3A_1024] {strides = array<i32>} : memref<2x1600x32xf32, #tpu.memory_space<vmem>>, vector<16xf32>,
        %add3A_1026 = arith.addf %add3A_1008, %get3A_1025 : vector<16xf32>
        %scan3A_1027 = arith.constant 4 : i32
        %scan3A_1028 = arith.addi %scan3A_955, %scan3A_1027 : i32
        %add3A_1029 = arith.constant 600 : i32
        %add3A_1030 = arith.addi %add3A_1029, %scan3A_1028 : i32
        %get3A_1031 = arith.constant 0 : i32
        %get3A_1032 = arith.index_cast %get3A_1031 : i32 to index
        %get3A_1033 = arith.index_cast %add3A_1030 : i32 to index
        %get3A_1034 = arith.constant 0 : index
        %get3A_1035 = tpu.vector_load %arg6[%get3A_1032, %get3A_1033, %get3A_1034] {strides = array<i32>} : memref<2x1600x32xf32, #tpu.memory_space<vmem>>, vector<16xf32>,
        %add3A_1036 = arith.addf %add3A_1018, %get3A_1035 : vector<16xf32>
        %add3A_1037 = arith.constant 600 : i32
        %add3A_1038 = arith.addi %add3A_1037, %scan3A_1028 : i32
        %get3A_1039 = arith.constant 0 : i32
        %get3A_1040 = arith.index_cast %get3A_1039 : i32 to index
        %get3A_1041 = arith.index_cast %add3A_1038 : i32 to index
        %get3A_1042 = arith.constant 16 : index
        %get3A_1043 = tpu.vector_load %arg6[%get3A_1040, %get3A_1041, %get3A_1042] {strides = array<i32>} : memref<2x1600x32xf32, #tpu.memory_space<vmem>>, vector<16xf32>,
        %add3A_1044 = arith.addf %add3A_1026, %get3A_1043 : vector<16xf32>
        %scan3A_1045 = arith.constant 5 : i32
        %scan3A_1046 = arith.addi %scan3A_955, %scan3A_1045 : i32
        %add3A_1047 = arith.constant 600 : i32
        %add3A_1048 = arith.addi %add3A_1047, %scan3A_1046 : i32
        %get3A_1049 = arith.constant 0 : i32
        %get3A_1050 = arith.index_cast %get3A_1049 : i32 to index
        %get3A_1051 = arith.index_cast %add3A_1048 : i32 to index
        %get3A_1052 = arith.constant 0 : index
        %get3A_1053 = tpu.vector_load %arg6[%get3A_1050, %get3A_1051, %get3A_1052] {strides = array<i32>} : memref<2x1600x32xf32, #tpu.memory_space<vmem>>, vector<16xf32>,
        %add3A_1054 = arith.addf %add3A_1036, %get3A_1053 : vector<16xf32>
        %add3A_1055 = arith.constant 600 : i32
        %add3A_1056 = arith.addi %add3A_1055, %scan3A_1046 : i32
        %get3A_1057 = arith.constant 0 : i32
        %get3A_1058 = arith.index_cast %get3A_1057 : i32 to index
        %get3A_1059 = arith.index_cast %add3A_1056 : i32 to index
        %get3A_1060 = arith.constant 16 : index
        %get3A_1061 = tpu.vector_load %arg6[%get3A_1058, %get3A_1059, %get3A_1060] {strides = array<i32>} : memref<2x1600x32xf32, #tpu.memory_space<vmem>>, vector<16xf32>,
        %add3A_1062 = arith.addf %add3A_1044, %get3A_1061 : vector<16xf32>
        %scan3A_1063 = arith.constant 6 : i32
        %scan3A_1064 = arith.addi %scan3A_955, %scan3A_1063 : i32
        %add3A_1065 = arith.constant 600 : i32
        %add3A_1066 = arith.addi %add3A_1065, %scan3A_1064 : i32
        %get3A_1067 = arith.constant 0 : i32
        %get3A_1068 = arith.index_cast %get3A_1067 : i32 to index
        %get3A_1069 = arith.index_cast %add3A_1066 : i32 to index
        %get3A_1070 = arith.constant 0 : index
        %get3A_1071 = tpu.vector_load %arg6[%get3A_1068, %get3A_1069, %get3A_1070] {strides = array<i32>} : memref<2x1600x32xf32, #tpu.memory_space<vmem>>, vector<16xf32>,
        %add3A_1072 = arith.addf %add3A_1054, %get3A_1071 : vector<16xf32>
        %add3A_1073 = arith.constant 600 : i32
        %add3A_1074 = arith.addi %add3A_1073, %scan3A_1064 : i32
        %get3A_1075 = arith.constant 0 : i32
        %get3A_1076 = arith.index_cast %get3A_1075 : i32 to index
        %get3A_1077 = arith.index_cast %add3A_1074 : i32 to index
        %get3A_1078 = arith.constant 16 : index
        %get3A_1079 = tpu.vector_load %arg6[%get3A_1076, %get3A_1077, %get3A_1078] {strides = array<i32>} : memref<2x1600x32xf32, #tpu.memory_space<vmem>>, vector<16xf32>,
        %add3A_1080 = arith.addf %add3A_1062, %get3A_1079 : vector<16xf32>
        %scan3A_1081 = arith.constant 7 : i32
        %scan3A_1082 = arith.addi %scan3A_955, %scan3A_1081 : i32
        %add3A_1083 = arith.constant 600 : i32
        %add3A_1084 = arith.addi %add3A_1083, %scan3A_1082 : i32
        %get3A_1085 = arith.constant 0 : i32
        %get3A_1086 = arith.index_cast %get3A_1085 : i32 to index
        %get3A_1087 = arith.index_cast %add3A_1084 : i32 to index
        %get3A_1088 = arith.constant 0 : index
        %get3A_1089 = tpu.vector_load %arg6[%get3A_1086, %get3A_1087, %get3A_1088] {strides = array<i32>} : memref<2x1600x32xf32, #tpu.memory_space<vmem>>, vector<16xf32>,
        %add3A_1090 = arith.addf %add3A_1072, %get3A_1089 : vector<16xf32>
        %add3A_1091 = arith.constant 600 : i32
        %add3A_1092 = arith.addi %add3A_1091, %scan3A_1082 : i32
        %get3A_1093 = arith.constant 0 : i32
        %get3A_1094 = arith.index_cast %get3A_1093 : i32 to index
        %get3A_1095 = arith.index_cast %add3A_1092 : i32 to index
        %get3A_1096 = arith.constant 16 : index
        %get3A_1097 = tpu.vector_load %arg6[%get3A_1094, %get3A_1095, %get3A_1096] {strides = array<i32>} : memref<2x1600x32xf32, #tpu.memory_space<vmem>>, vector<16xf32>,
        %add3A_1098 = arith.addf %add3A_1080, %get3A_1097 : vector<16xf32>
        scf.yield %add3A_1090, %add3A_1098 : vector<16xf32>, vector<16xf32>
      }
      %scan3A_500 = arith.constant 200 : i32
      %swap3A_501 = arith.constant 0 : i32
      %swap3A_502 = arith.index_cast %swap3A_501 : i32 to index
      %swap3A_503 = arith.constant 96 : index
      %swap3A_504 = tpu.vector_load %arg7[%swap3A_502, %swap3A_503] {strides = array<i32>} : memref<2x128xf32, #tpu.memory_space<vmem>>, vector<16xf32>,
      tpu.vector_store %arg7[%swap3A_502, %swap3A_503], %scan3A_499#0 {strides = array<i32>} : memref<2x128xf32, #tpu.memory_space<vmem>>, vector<16xf32>,
      %swap3A_505 = arith.constant 0 : i32
      %swap3A_506 = arith.index_cast %swap3A_505 : i32 to index
      %swap3A_507 = arith.constant 112 : index
      %swap3A_508 = tpu.vector_load %arg7[%swap3A_506, %swap3A_507] {strides = array<i32>} : memref<2x128xf32, #tpu.memory_space<vmem>>, vector<16xf32>,
      tpu.vector_store %arg7[%swap3A_506, %swap3A_507], %scan3A_499#1 {strides = array<i32>} : memref<2x128xf32, #tpu.memory_space<vmem>>, vector<16xf32>,
      %broadcast_in_dim3A_509 = arith.constant 0.000000e+00 : f32
      %broadcast_in_dim3A_510 = vector.broadcast %broadcast_in_dim3A_509 : f32 to vector<16xf32>
      %scan3A_511 = arith.constant 0 : i32
      %scan3A_512 = arith.constant 200 : i32
      %scan3A_513 = arith.addi %scan3A_511, %scan3A_512 : i32
      %scan3A_514 = arith.constant 8 : i32
      %scan3A_515:2 = scf.for %scan3A_955 = %scan3A_511 to %scan3A_513 step %scan3A_514 iter_args(%scan3A_956 = %broadcast_in_dim3A_510, %scan3A_957 = %broadcast_in_dim3A_510) -> (vector<16xf32>, vector<16xf32>)  : i32 {
        %add3A_958 = arith.constant 800 : i32
        %add3A_959 = arith.addi %add3A_958, %scan3A_955 : i32
        %get3A = arith.constant 0 : i32
        %get3A_960 = arith.index_cast %get3A : i32 to index
        %get3A_961 = arith.index_cast %add3A_959 : i32 to index
        %get3A_962 = arith.constant 0 : index
        %get3A_963 = tpu.vector_load %arg6[%get3A_960, %get3A_961, %get3A_962] {strides = array<i32>} : memref<2x1600x32xf32, #tpu.memory_space<vmem>>, vector<16xf32>,
        %add3A_964 = arith.addf %scan3A_956, %get3A_963 : vector<16xf32>
        %add3A_965 = arith.constant 800 : i32
        %add3A_966 = arith.addi %add3A_965, %scan3A_955 : i32
        %get3A_967 = arith.constant 0 : i32
        %get3A_968 = arith.index_cast %get3A_967 : i32 to index
        %get3A_969 = arith.index_cast %add3A_966 : i32 to index
        %get3A_970 = arith.constant 16 : index
        %get3A_971 = tpu.vector_load %arg6[%get3A_968, %get3A_969, %get3A_970] {strides = array<i32>} : memref<2x1600x32xf32, #tpu.memory_space<vmem>>, vector<16xf32>,
        %add3A_972 = arith.addf %scan3A_957, %get3A_971 : vector<16xf32>
        %scan3A_973 = arith.constant 1 : i32
        %scan3A_974 = arith.addi %scan3A_955, %scan3A_973 : i32
        %add3A_975 = arith.constant 800 : i32
        %add3A_976 = arith.addi %add3A_975, %scan3A_974 : i32
        %get3A_977 = arith.constant 0 : i32
        %get3A_978 = arith.index_cast %get3A_977 : i32 to index
        %get3A_979 = arith.index_cast %add3A_976 : i32 to index
        %get3A_980 = arith.constant 0 : index
        %get3A_981 = tpu.vector_load %arg6[%get3A_978, %get3A_979, %get3A_980] {strides = array<i32>} : memref<2x1600x32xf32, #tpu.memory_space<vmem>>, vector<16xf32>,
        %add3A_982 = arith.addf %add3A_964, %get3A_981 : vector<16xf32>
        %add3A_983 = arith.constant 800 : i32
        %add3A_984 = arith.addi %add3A_983, %scan3A_974 : i32
        %get3A_985 = arith.constant 0 : i32
        %get3A_986 = arith.index_cast %get3A_985 : i32 to index
        %get3A_987 = arith.index_cast %add3A_984 : i32 to index
        %get3A_988 = arith.constant 16 : index
        %get3A_989 = tpu.vector_load %arg6[%get3A_986, %get3A_987, %get3A_988] {strides = array<i32>} : memref<2x1600x32xf32, #tpu.memory_space<vmem>>, vector<16xf32>,
        %add3A_990 = arith.addf %add3A_972, %get3A_989 : vector<16xf32>
        %scan3A_991 = arith.constant 2 : i32
        %scan3A_992 = arith.addi %scan3A_955, %scan3A_991 : i32
        %add3A_993 = arith.constant 800 : i32
        %add3A_994 = arith.addi %add3A_993, %scan3A_992 : i32
        %get3A_995 = arith.constant 0 : i32
        %get3A_996 = arith.index_cast %get3A_995 : i32 to index
        %get3A_997 = arith.index_cast %add3A_994 : i32 to index
        %get3A_998 = arith.constant 0 : index
        %get3A_999 = tpu.vector_load %arg6[%get3A_996, %get3A_997, %get3A_998] {strides = array<i32>} : memref<2x1600x32xf32, #tpu.memory_space<vmem>>, vector<16xf32>,
        %add3A_1000 = arith.addf %add3A_982, %get3A_999 : vector<16xf32>
        %add3A_1001 = arith.constant 800 : i32
        %add3A_1002 = arith.addi %add3A_1001, %scan3A_992 : i32
        %get3A_1003 = arith.constant 0 : i32
        %get3A_1004 = arith.index_cast %get3A_1003 : i32 to index
        %get3A_1005 = arith.index_cast %add3A_1002 : i32 to index
        %get3A_1006 = arith.constant 16 : index
        %get3A_1007 = tpu.vector_load %arg6[%get3A_1004, %get3A_1005, %get3A_1006] {strides = array<i32>} : memref<2x1600x32xf32, #tpu.memory_space<vmem>>, vector<16xf32>,
        %add3A_1008 = arith.addf %add3A_990, %get3A_1007 : vector<16xf32>
        %scan3A_1009 = arith.constant 3 : i32
        %scan3A_1010 = arith.addi %scan3A_955, %scan3A_1009 : i32
        %add3A_1011 = arith.constant 800 : i32
        %add3A_1012 = arith.addi %add3A_1011, %scan3A_1010 : i32
        %get3A_1013 = arith.constant 0 : i32
        %get3A_1014 = arith.index_cast %get3A_1013 : i32 to index
        %get3A_1015 = arith.index_cast %add3A_1012 : i32 to index
        %get3A_1016 = arith.constant 0 : index
        %get3A_1017 = tpu.vector_load %arg6[%get3A_1014, %get3A_1015, %get3A_1016] {strides = array<i32>} : memref<2x1600x32xf32, #tpu.memory_space<vmem>>, vector<16xf32>,
        %add3A_1018 = arith.addf %add3A_1000, %get3A_1017 : vector<16xf32>
        %add3A_1019 = arith.constant 800 : i32
        %add3A_1020 = arith.addi %add3A_1019, %scan3A_1010 : i32
        %get3A_1021 = arith.constant 0 : i32
        %get3A_1022 = arith.index_cast %get3A_1021 : i32 to index
        %get3A_1023 = arith.index_cast %add3A_1020 : i32 to index
        %get3A_1024 = arith.constant 16 : index
        %get3A_1025 = tpu.vector_load %arg6[%get3A_1022, %get3A_1023, %get3A_1024] {strides = array<i32>} : memref<2x1600x32xf32, #tpu.memory_space<vmem>>, vector<16xf32>,
        %add3A_1026 = arith.addf %add3A_1008, %get3A_1025 : vector<16xf32>
        %scan3A_1027 = arith.constant 4 : i32
        %scan3A_1028 = arith.addi %scan3A_955, %scan3A_1027 : i32
        %add3A_1029 = arith.constant 800 : i32
        %add3A_1030 = arith.addi %add3A_1029, %scan3A_1028 : i32
        %get3A_1031 = arith.constant 0 : i32
        %get3A_1032 = arith.index_cast %get3A_1031 : i32 to index
        %get3A_1033 = arith.index_cast %add3A_1030 : i32 to index
        %get3A_1034 = arith.constant 0 : index
        %get3A_1035 = tpu.vector_load %arg6[%get3A_1032, %get3A_1033, %get3A_1034] {strides = array<i32>} : memref<2x1600x32xf32, #tpu.memory_space<vmem>>, vector<16xf32>,
        %add3A_1036 = arith.addf %add3A_1018, %get3A_1035 : vector<16xf32>
        %add3A_1037 = arith.constant 800 : i32
        %add3A_1038 = arith.addi %add3A_1037, %scan3A_1028 : i32
        %get3A_1039 = arith.constant 0 : i32
        %get3A_1040 = arith.index_cast %get3A_1039 : i32 to index
        %get3A_1041 = arith.index_cast %add3A_1038 : i32 to index
        %get3A_1042 = arith.constant 16 : index
        %get3A_1043 = tpu.vector_load %arg6[%get3A_1040, %get3A_1041, %get3A_1042] {strides = array<i32>} : memref<2x1600x32xf32, #tpu.memory_space<vmem>>, vector<16xf32>,
        %add3A_1044 = arith.addf %add3A_1026, %get3A_1043 : vector<16xf32>
        %scan3A_1045 = arith.constant 5 : i32
        %scan3A_1046 = arith.addi %scan3A_955, %scan3A_1045 : i32
        %add3A_1047 = arith.constant 800 : i32
        %add3A_1048 = arith.addi %add3A_1047, %scan3A_1046 : i32
        %get3A_1049 = arith.constant 0 : i32
        %get3A_1050 = arith.index_cast %get3A_1049 : i32 to index
        %get3A_1051 = arith.index_cast %add3A_1048 : i32 to index
        %get3A_1052 = arith.constant 0 : index
        %get3A_1053 = tpu.vector_load %arg6[%get3A_1050, %get3A_1051, %get3A_1052] {strides = array<i32>} : memref<2x1600x32xf32, #tpu.memory_space<vmem>>, vector<16xf32>,
        %add3A_1054 = arith.addf %add3A_1036, %get3A_1053 : vector<16xf32>
        %add3A_1055 = arith.constant 800 : i32
        %add3A_1056 = arith.addi %add3A_1055, %scan3A_1046 : i32
        %get3A_1057 = arith.constant 0 : i32
        %get3A_1058 = arith.index_cast %get3A_1057 : i32 to index
        %get3A_1059 = arith.index_cast %add3A_1056 : i32 to index
        %get3A_1060 = arith.constant 16 : index
        %get3A_1061 = tpu.vector_load %arg6[%get3A_1058, %get3A_1059, %get3A_1060] {strides = array<i32>} : memref<2x1600x32xf32, #tpu.memory_space<vmem>>, vector<16xf32>,
        %add3A_1062 = arith.addf %add3A_1044, %get3A_1061 : vector<16xf32>
        %scan3A_1063 = arith.constant 6 : i32
        %scan3A_1064 = arith.addi %scan3A_955, %scan3A_1063 : i32
        %add3A_1065 = arith.constant 800 : i32
        %add3A_1066 = arith.addi %add3A_1065, %scan3A_1064 : i32
        %get3A_1067 = arith.constant 0 : i32
        %get3A_1068 = arith.index_cast %get3A_1067 : i32 to index
        %get3A_1069 = arith.index_cast %add3A_1066 : i32 to index
        %get3A_1070 = arith.constant 0 : index
        %get3A_1071 = tpu.vector_load %arg6[%get3A_1068, %get3A_1069, %get3A_1070] {strides = array<i32>} : memref<2x1600x32xf32, #tpu.memory_space<vmem>>, vector<16xf32>,
        %add3A_1072 = arith.addf %add3A_1054, %get3A_1071 : vector<16xf32>
        %add3A_1073 = arith.constant 800 : i32
        %add3A_1074 = arith.addi %add3A_1073, %scan3A_1064 : i32
        %get3A_1075 = arith.constant 0 : i32
        %get3A_1076 = arith.index_cast %get3A_1075 : i32 to index
        %get3A_1077 = arith.index_cast %add3A_1074 : i32 to index
        %get3A_1078 = arith.constant 16 : index
        %get3A_1079 = tpu.vector_load %arg6[%get3A_1076, %get3A_1077, %get3A_1078] {strides = array<i32>} : memref<2x1600x32xf32, #tpu.memory_space<vmem>>, vector<16xf32>,
        %add3A_1080 = arith.addf %add3A_1062, %get3A_1079 : vector<16xf32>
        %scan3A_1081 = arith.constant 7 : i32
        %scan3A_1082 = arith.addi %scan3A_955, %scan3A_1081 : i32
        %add3A_1083 = arith.constant 800 : i32
        %add3A_1084 = arith.addi %add3A_1083, %scan3A_1082 : i32
        %get3A_1085 = arith.constant 0 : i32
        %get3A_1086 = arith.index_cast %get3A_1085 : i32 to index
        %get3A_1087 = arith.index_cast %add3A_1084 : i32 to index
        %get3A_1088 = arith.constant 0 : index
        %get3A_1089 = tpu.vector_load %arg6[%get3A_1086, %get3A_1087, %get3A_1088] {strides = array<i32>} : memref<2x1600x32xf32, #tpu.memory_space<vmem>>, vector<16xf32>,
        %add3A_1090 = arith.addf %add3A_1072, %get3A_1089 : vector<16xf32>
        %add3A_1091 = arith.constant 800 : i32
        %add3A_1092 = arith.addi %add3A_1091, %scan3A_1082 : i32
        %get3A_1093 = arith.constant 0 : i32
        %get3A_1094 = arith.index_cast %get3A_1093 : i32 to index
        %get3A_1095 = arith.index_cast %add3A_1092 : i32 to index
        %get3A_1096 = arith.constant 16 : index
        %get3A_1097 = tpu.vector_load %arg6[%get3A_1094, %get3A_1095, %get3A_1096] {strides = array<i32>} : memref<2x1600x32xf32, #tpu.memory_space<vmem>>, vector<16xf32>,
        %add3A_1098 = arith.addf %add3A_1080, %get3A_1097 : vector<16xf32>
        scf.yield %add3A_1090, %add3A_1098 : vector<16xf32>, vector<16xf32>
      }
      %scan3A_516 = arith.constant 200 : i32
      %swap3A_517 = arith.constant 1 : i32
      %swap3A_518 = arith.index_cast %swap3A_517 : i32 to index
      %swap3A_519 = arith.constant 0 : index
      %swap3A_520 = tpu.vector_load %arg7[%swap3A_518, %swap3A_519] {strides = array<i32>} : memref<2x128xf32, #tpu.memory_space<vmem>>, vector<16xf32>,
      tpu.vector_store %arg7[%swap3A_518, %swap3A_519], %scan3A_515#0 {strides = array<i32>} : memref<2x128xf32, #tpu.memory_space<vmem>>, vector<16xf32>,
      %swap3A_521 = arith.constant 1 : i32
      %swap3A_522 = arith.index_cast %swap3A_521 : i32 to index
      %swap3A_523 = arith.constant 16 : index
      %swap3A_524 = tpu.vector_load %arg7[%swap3A_522, %swap3A_523] {strides = array<i32>} : memref<2x128xf32, #tpu.memory_space<vmem>>, vector<16xf32>,
      tpu.vector_store %arg7[%swap3A_522, %swap3A_523], %scan3A_515#1 {strides = array<i32>} : memref<2x128xf32, #tpu.memory_space<vmem>>, vector<16xf32>,
      %broadcast_in_dim3A_525 = arith.constant 0.000000e+00 : f32
      %broadcast_in_dim3A_526 = vector.broadcast %broadcast_in_dim3A_525 : f32 to vector<16xf32>
      %scan3A_527 = arith.constant 0 : i32
      %scan3A_528 = arith.constant 200 : i32
      %scan3A_529 = arith.addi %scan3A_527, %scan3A_528 : i32
      %scan3A_530 = arith.constant 8 : i32
      %scan3A_531:2 = scf.for %scan3A_955 = %scan3A_527 to %scan3A_529 step %scan3A_530 iter_args(%scan3A_956 = %broadcast_in_dim3A_526, %scan3A_957 = %broadcast_in_dim3A_526) -> (vector<16xf32>, vector<16xf32>)  : i32 {
        %add3A_958 = arith.constant 1000 : i32
        %add3A_959 = arith.addi %add3A_958, %scan3A_955 : i32
        %get3A = arith.constant 0 : i32
        %get3A_960 = arith.index_cast %get3A : i32 to index
        %get3A_961 = arith.index_cast %add3A_959 : i32 to index
        %get3A_962 = arith.constant 0 : index
        %get3A_963 = tpu.vector_load %arg6[%get3A_960, %get3A_961, %get3A_962] {strides = array<i32>} : memref<2x1600x32xf32, #tpu.memory_space<vmem>>, vector<16xf32>,
        %add3A_964 = arith.addf %scan3A_956, %get3A_963 : vector<16xf32>
        %add3A_965 = arith.constant 1000 : i32
        %add3A_966 = arith.addi %add3A_965, %scan3A_955 : i32
        %get3A_967 = arith.constant 0 : i32
        %get3A_968 = arith.index_cast %get3A_967 : i32 to index
        %get3A_969 = arith.index_cast %add3A_966 : i32 to index
        %get3A_970 = arith.constant 16 : index
        %get3A_971 = tpu.vector_load %arg6[%get3A_968, %get3A_969, %get3A_970] {strides = array<i32>} : memref<2x1600x32xf32, #tpu.memory_space<vmem>>, vector<16xf32>,
        %add3A_972 = arith.addf %scan3A_957, %get3A_971 : vector<16xf32>
        %scan3A_973 = arith.constant 1 : i32
        %scan3A_974 = arith.addi %scan3A_955, %scan3A_973 : i32
        %add3A_975 = arith.constant 1000 : i32
        %add3A_976 = arith.addi %add3A_975, %scan3A_974 : i32
        %get3A_977 = arith.constant 0 : i32
        %get3A_978 = arith.index_cast %get3A_977 : i32 to index
        %get3A_979 = arith.index_cast %add3A_976 : i32 to index
        %get3A_980 = arith.constant 0 : index
        %get3A_981 = tpu.vector_load %arg6[%get3A_978, %get3A_979, %get3A_980] {strides = array<i32>} : memref<2x1600x32xf32, #tpu.memory_space<vmem>>, vector<16xf32>,
        %add3A_982 = arith.addf %add3A_964, %get3A_981 : vector<16xf32>
        %add3A_983 = arith.constant 1000 : i32
        %add3A_984 = arith.addi %add3A_983, %scan3A_974 : i32
        %get3A_985 = arith.constant 0 : i32
        %get3A_986 = arith.index_cast %get3A_985 : i32 to index
        %get3A_987 = arith.index_cast %add3A_984 : i32 to index
        %get3A_988 = arith.constant 16 : index
        %get3A_989 = tpu.vector_load %arg6[%get3A_986, %get3A_987, %get3A_988] {strides = array<i32>} : memref<2x1600x32xf32, #tpu.memory_space<vmem>>, vector<16xf32>,
        %add3A_990 = arith.addf %add3A_972, %get3A_989 : vector<16xf32>
        %scan3A_991 = arith.constant 2 : i32
        %scan3A_992 = arith.addi %scan3A_955, %scan3A_991 : i32
        %add3A_993 = arith.constant 1000 : i32
        %add3A_994 = arith.addi %add3A_993, %scan3A_992 : i32
        %get3A_995 = arith.constant 0 : i32
        %get3A_996 = arith.index_cast %get3A_995 : i32 to index
        %get3A_997 = arith.index_cast %add3A_994 : i32 to index
        %get3A_998 = arith.constant 0 : index
        %get3A_999 = tpu.vector_load %arg6[%get3A_996, %get3A_997, %get3A_998] {strides = array<i32>} : memref<2x1600x32xf32, #tpu.memory_space<vmem>>, vector<16xf32>,
        %add3A_1000 = arith.addf %add3A_982, %get3A_999 : vector<16xf32>
        %add3A_1001 = arith.constant 1000 : i32
        %add3A_1002 = arith.addi %add3A_1001, %scan3A_992 : i32
        %get3A_1003 = arith.constant 0 : i32
        %get3A_1004 = arith.index_cast %get3A_1003 : i32 to index
        %get3A_1005 = arith.index_cast %add3A_1002 : i32 to index
        %get3A_1006 = arith.constant 16 : index
        %get3A_1007 = tpu.vector_load %arg6[%get3A_1004, %get3A_1005, %get3A_1006] {strides = array<i32>} : memref<2x1600x32xf32, #tpu.memory_space<vmem>>, vector<16xf32>,
        %add3A_1008 = arith.addf %add3A_990, %get3A_1007 : vector<16xf32>
        %scan3A_1009 = arith.constant 3 : i32
        %scan3A_1010 = arith.addi %scan3A_955, %scan3A_1009 : i32
        %add3A_1011 = arith.constant 1000 : i32
        %add3A_1012 = arith.addi %add3A_1011, %scan3A_1010 : i32
        %get3A_1013 = arith.constant 0 : i32
        %get3A_1014 = arith.index_cast %get3A_1013 : i32 to index
        %get3A_1015 = arith.index_cast %add3A_1012 : i32 to index
        %get3A_1016 = arith.constant 0 : index
        %get3A_1017 = tpu.vector_load %arg6[%get3A_1014, %get3A_1015, %get3A_1016] {strides = array<i32>} : memref<2x1600x32xf32, #tpu.memory_space<vmem>>, vector<16xf32>,
        %add3A_1018 = arith.addf %add3A_1000, %get3A_1017 : vector<16xf32>
        %add3A_1019 = arith.constant 1000 : i32
        %add3A_1020 = arith.addi %add3A_1019, %scan3A_1010 : i32
        %get3A_1021 = arith.constant 0 : i32
        %get3A_1022 = arith.index_cast %get3A_1021 : i32 to index
        %get3A_1023 = arith.index_cast %add3A_1020 : i32 to index
        %get3A_1024 = arith.constant 16 : index
        %get3A_1025 = tpu.vector_load %arg6[%get3A_1022, %get3A_1023, %get3A_1024] {strides = array<i32>} : memref<2x1600x32xf32, #tpu.memory_space<vmem>>, vector<16xf32>,
        %add3A_1026 = arith.addf %add3A_1008, %get3A_1025 : vector<16xf32>
        %scan3A_1027 = arith.constant 4 : i32
        %scan3A_1028 = arith.addi %scan3A_955, %scan3A_1027 : i32
        %add3A_1029 = arith.constant 1000 : i32
        %add3A_1030 = arith.addi %add3A_1029, %scan3A_1028 : i32
        %get3A_1031 = arith.constant 0 : i32
        %get3A_1032 = arith.index_cast %get3A_1031 : i32 to index
        %get3A_1033 = arith.index_cast %add3A_1030 : i32 to index
        %get3A_1034 = arith.constant 0 : index
        %get3A_1035 = tpu.vector_load %arg6[%get3A_1032, %get3A_1033, %get3A_1034] {strides = array<i32>} : memref<2x1600x32xf32, #tpu.memory_space<vmem>>, vector<16xf32>,
        %add3A_1036 = arith.addf %add3A_1018, %get3A_1035 : vector<16xf32>
        %add3A_1037 = arith.constant 1000 : i32
        %add3A_1038 = arith.addi %add3A_1037, %scan3A_1028 : i32
        %get3A_1039 = arith.constant 0 : i32
        %get3A_1040 = arith.index_cast %get3A_1039 : i32 to index
        %get3A_1041 = arith.index_cast %add3A_1038 : i32 to index
        %get3A_1042 = arith.constant 16 : index
        %get3A_1043 = tpu.vector_load %arg6[%get3A_1040, %get3A_1041, %get3A_1042] {strides = array<i32>} : memref<2x1600x32xf32, #tpu.memory_space<vmem>>, vector<16xf32>,
        %add3A_1044 = arith.addf %add3A_1026, %get3A_1043 : vector<16xf32>
        %scan3A_1045 = arith.constant 5 : i32
        %scan3A_1046 = arith.addi %scan3A_955, %scan3A_1045 : i32
        %add3A_1047 = arith.constant 1000 : i32
        %add3A_1048 = arith.addi %add3A_1047, %scan3A_1046 : i32
        %get3A_1049 = arith.constant 0 : i32
        %get3A_1050 = arith.index_cast %get3A_1049 : i32 to index
        %get3A_1051 = arith.index_cast %add3A_1048 : i32 to index
        %get3A_1052 = arith.constant 0 : index
        %get3A_1053 = tpu.vector_load %arg6[%get3A_1050, %get3A_1051, %get3A_1052] {strides = array<i32>} : memref<2x1600x32xf32, #tpu.memory_space<vmem>>, vector<16xf32>,
        %add3A_1054 = arith.addf %add3A_1036, %get3A_1053 : vector<16xf32>
        %add3A_1055 = arith.constant 1000 : i32
        %add3A_1056 = arith.addi %add3A_1055, %scan3A_1046 : i32
        %get3A_1057 = arith.constant 0 : i32
        %get3A_1058 = arith.index_cast %get3A_1057 : i32 to index
        %get3A_1059 = arith.index_cast %add3A_1056 : i32 to index
        %get3A_1060 = arith.constant 16 : index
        %get3A_1061 = tpu.vector_load %arg6[%get3A_1058, %get3A_1059, %get3A_1060] {strides = array<i32>} : memref<2x1600x32xf32, #tpu.memory_space<vmem>>, vector<16xf32>,
        %add3A_1062 = arith.addf %add3A_1044, %get3A_1061 : vector<16xf32>
        %scan3A_1063 = arith.constant 6 : i32
        %scan3A_1064 = arith.addi %scan3A_955, %scan3A_1063 : i32
        %add3A_1065 = arith.constant 1000 : i32
        %add3A_1066 = arith.addi %add3A_1065, %scan3A_1064 : i32
        %get3A_1067 = arith.constant 0 : i32
        %get3A_1068 = arith.index_cast %get3A_1067 : i32 to index
        %get3A_1069 = arith.index_cast %add3A_1066 : i32 to index
        %get3A_1070 = arith.constant 0 : index
        %get3A_1071 = tpu.vector_load %arg6[%get3A_1068, %get3A_1069, %get3A_1070] {strides = array<i32>} : memref<2x1600x32xf32, #tpu.memory_space<vmem>>, vector<16xf32>,
        %add3A_1072 = arith.addf %add3A_1054, %get3A_1071 : vector<16xf32>
        %add3A_1073 = arith.constant 1000 : i32
        %add3A_1074 = arith.addi %add3A_1073, %scan3A_1064 : i32
        %get3A_1075 = arith.constant 0 : i32
        %get3A_1076 = arith.index_cast %get3A_1075 : i32 to index
        %get3A_1077 = arith.index_cast %add3A_1074 : i32 to index
        %get3A_1078 = arith.constant 16 : index
        %get3A_1079 = tpu.vector_load %arg6[%get3A_1076, %get3A_1077, %get3A_1078] {strides = array<i32>} : memref<2x1600x32xf32, #tpu.memory_space<vmem>>, vector<16xf32>,
        %add3A_1080 = arith.addf %add3A_1062, %get3A_1079 : vector<16xf32>
        %scan3A_1081 = arith.constant 7 : i32
        %scan3A_1082 = arith.addi %scan3A_955, %scan3A_1081 : i32
        %add3A_1083 = arith.constant 1000 : i32
        %add3A_1084 = arith.addi %add3A_1083, %scan3A_1082 : i32
        %get3A_1085 = arith.constant 0 : i32
        %get3A_1086 = arith.index_cast %get3A_1085 : i32 to index
        %get3A_1087 = arith.index_cast %add3A_1084 : i32 to index
        %get3A_1088 = arith.constant 0 : index
        %get3A_1089 = tpu.vector_load %arg6[%get3A_1086, %get3A_1087, %get3A_1088] {strides = array<i32>} : memref<2x1600x32xf32, #tpu.memory_space<vmem>>, vector<16xf32>,
        %add3A_1090 = arith.addf %add3A_1072, %get3A_1089 : vector<16xf32>
        %add3A_1091 = arith.constant 1000 : i32
        %add3A_1092 = arith.addi %add3A_1091, %scan3A_1082 : i32
        %get3A_1093 = arith.constant 0 : i32
        %get3A_1094 = arith.index_cast %get3A_1093 : i32 to index
        %get3A_1095 = arith.index_cast %add3A_1092 : i32 to index
        %get3A_1096 = arith.constant 16 : index
        %get3A_1097 = tpu.vector_load %arg6[%get3A_1094, %get3A_1095, %get3A_1096] {strides = array<i32>} : memref<2x1600x32xf32, #tpu.memory_space<vmem>>, vector<16xf32>,
        %add3A_1098 = arith.addf %add3A_1080, %get3A_1097 : vector<16xf32>
        scf.yield %add3A_1090, %add3A_1098 : vector<16xf32>, vector<16xf32>
      }
      %scan3A_532 = arith.constant 200 : i32
      %swap3A_533 = arith.constant 1 : i32
      %swap3A_534 = arith.index_cast %swap3A_533 : i32 to index
      %swap3A_535 = arith.constant 32 : index
      %swap3A_536 = tpu.vector_load %arg7[%swap3A_534, %swap3A_535] {strides = array<i32>} : memref<2x128xf32, #tpu.memory_space<vmem>>, vector<16xf32>,
      tpu.vector_store %arg7[%swap3A_534, %swap3A_535], %scan3A_531#0 {strides = array<i32>} : memref<2x128xf32, #tpu.memory_space<vmem>>, vector<16xf32>,
      %swap3A_537 = arith.constant 1 : i32
      %swap3A_538 = arith.index_cast %swap3A_537 : i32 to index
      %swap3A_539 = arith.constant 48 : index
      %swap3A_540 = tpu.vector_load %arg7[%swap3A_538, %swap3A_539] {strides = array<i32>} : memref<2x128xf32, #tpu.memory_space<vmem>>, vector<16xf32>,
      tpu.vector_store %arg7[%swap3A_538, %swap3A_539], %scan3A_531#1 {strides = array<i32>} : memref<2x128xf32, #tpu.memory_space<vmem>>, vector<16xf32>,
      %broadcast_in_dim3A_541 = arith.constant 0.000000e+00 : f32
      %broadcast_in_dim3A_542 = vector.broadcast %broadcast_in_dim3A_541 : f32 to vector<16xf32>
      %scan3A_543 = arith.constant 0 : i32
      %scan3A_544 = arith.constant 200 : i32
      %scan3A_545 = arith.addi %scan3A_543, %scan3A_544 : i32
      %scan3A_546 = arith.constant 8 : i32
      %scan3A_547:2 = scf.for %scan3A_955 = %scan3A_543 to %scan3A_545 step %scan3A_546 iter_args(%scan3A_956 = %broadcast_in_dim3A_542, %scan3A_957 = %broadcast_in_dim3A_542) -> (vector<16xf32>, vector<16xf32>)  : i32 {
        %add3A_958 = arith.constant 1200 : i32
        %add3A_959 = arith.addi %add3A_958, %scan3A_955 : i32
        %get3A = arith.constant 0 : i32
        %get3A_960 = arith.index_cast %get3A : i32 to index
        %get3A_961 = arith.index_cast %add3A_959 : i32 to index
        %get3A_962 = arith.constant 0 : index
        %get3A_963 = tpu.vector_load %arg6[%get3A_960, %get3A_961, %get3A_962] {strides = array<i32>} : memref<2x1600x32xf32, #tpu.memory_space<vmem>>, vector<16xf32>,
        %add3A_964 = arith.addf %scan3A_956, %get3A_963 : vector<16xf32>
        %add3A_965 = arith.constant 1200 : i32
        %add3A_966 = arith.addi %add3A_965, %scan3A_955 : i32
        %get3A_967 = arith.constant 0 : i32
        %get3A_968 = arith.index_cast %get3A_967 : i32 to index
        %get3A_969 = arith.index_cast %add3A_966 : i32 to index
        %get3A_970 = arith.constant 16 : index
        %get3A_971 = tpu.vector_load %arg6[%get3A_968, %get3A_969, %get3A_970] {strides = array<i32>} : memref<2x1600x32xf32, #tpu.memory_space<vmem>>, vector<16xf32>,
        %add3A_972 = arith.addf %scan3A_957, %get3A_971 : vector<16xf32>
        %scan3A_973 = arith.constant 1 : i32
        %scan3A_974 = arith.addi %scan3A_955, %scan3A_973 : i32
        %add3A_975 = arith.constant 1200 : i32
        %add3A_976 = arith.addi %add3A_975, %scan3A_974 : i32
        %get3A_977 = arith.constant 0 : i32
        %get3A_978 = arith.index_cast %get3A_977 : i32 to index
        %get3A_979 = arith.index_cast %add3A_976 : i32 to index
        %get3A_980 = arith.constant 0 : index
        %get3A_981 = tpu.vector_load %arg6[%get3A_978, %get3A_979, %get3A_980] {strides = array<i32>} : memref<2x1600x32xf32, #tpu.memory_space<vmem>>, vector<16xf32>,
        %add3A_982 = arith.addf %add3A_964, %get3A_981 : vector<16xf32>
        %add3A_983 = arith.constant 1200 : i32
        %add3A_984 = arith.addi %add3A_983, %scan3A_974 : i32
        %get3A_985 = arith.constant 0 : i32
        %get3A_986 = arith.index_cast %get3A_985 : i32 to index
        %get3A_987 = arith.index_cast %add3A_984 : i32 to index
        %get3A_988 = arith.constant 16 : index
        %get3A_989 = tpu.vector_load %arg6[%get3A_986, %get3A_987, %get3A_988] {strides = array<i32>} : memref<2x1600x32xf32, #tpu.memory_space<vmem>>, vector<16xf32>,
        %add3A_990 = arith.addf %add3A_972, %get3A_989 : vector<16xf32>
        %scan3A_991 = arith.constant 2 : i32
        %scan3A_992 = arith.addi %scan3A_955, %scan3A_991 : i32
        %add3A_993 = arith.constant 1200 : i32
        %add3A_994 = arith.addi %add3A_993, %scan3A_992 : i32
        %get3A_995 = arith.constant 0 : i32
        %get3A_996 = arith.index_cast %get3A_995 : i32 to index
        %get3A_997 = arith.index_cast %add3A_994 : i32 to index
        %get3A_998 = arith.constant 0 : index
        %get3A_999 = tpu.vector_load %arg6[%get3A_996, %get3A_997, %get3A_998] {strides = array<i32>} : memref<2x1600x32xf32, #tpu.memory_space<vmem>>, vector<16xf32>,
        %add3A_1000 = arith.addf %add3A_982, %get3A_999 : vector<16xf32>
        %add3A_1001 = arith.constant 1200 : i32
        %add3A_1002 = arith.addi %add3A_1001, %scan3A_992 : i32
        %get3A_1003 = arith.constant 0 : i32
        %get3A_1004 = arith.index_cast %get3A_1003 : i32 to index
        %get3A_1005 = arith.index_cast %add3A_1002 : i32 to index
        %get3A_1006 = arith.constant 16 : index
        %get3A_1007 = tpu.vector_load %arg6[%get3A_1004, %get3A_1005, %get3A_1006] {strides = array<i32>} : memref<2x1600x32xf32, #tpu.memory_space<vmem>>, vector<16xf32>,
        %add3A_1008 = arith.addf %add3A_990, %get3A_1007 : vector<16xf32>
        %scan3A_1009 = arith.constant 3 : i32
        %scan3A_1010 = arith.addi %scan3A_955, %scan3A_1009 : i32
        %add3A_1011 = arith.constant 1200 : i32
        %add3A_1012 = arith.addi %add3A_1011, %scan3A_1010 : i32
        %get3A_1013 = arith.constant 0 : i32
        %get3A_1014 = arith.index_cast %get3A_1013 : i32 to index
        %get3A_1015 = arith.index_cast %add3A_1012 : i32 to index
        %get3A_1016 = arith.constant 0 : index
        %get3A_1017 = tpu.vector_load %arg6[%get3A_1014, %get3A_1015, %get3A_1016] {strides = array<i32>} : memref<2x1600x32xf32, #tpu.memory_space<vmem>>, vector<16xf32>,
        %add3A_1018 = arith.addf %add3A_1000, %get3A_1017 : vector<16xf32>
        %add3A_1019 = arith.constant 1200 : i32
        %add3A_1020 = arith.addi %add3A_1019, %scan3A_1010 : i32
        %get3A_1021 = arith.constant 0 : i32
        %get3A_1022 = arith.index_cast %get3A_1021 : i32 to index
        %get3A_1023 = arith.index_cast %add3A_1020 : i32 to index
        %get3A_1024 = arith.constant 16 : index
        %get3A_1025 = tpu.vector_load %arg6[%get3A_1022, %get3A_1023, %get3A_1024] {strides = array<i32>} : memref<2x1600x32xf32, #tpu.memory_space<vmem>>, vector<16xf32>,
        %add3A_1026 = arith.addf %add3A_1008, %get3A_1025 : vector<16xf32>
        %scan3A_1027 = arith.constant 4 : i32
        %scan3A_1028 = arith.addi %scan3A_955, %scan3A_1027 : i32
        %add3A_1029 = arith.constant 1200 : i32
        %add3A_1030 = arith.addi %add3A_1029, %scan3A_1028 : i32
        %get3A_1031 = arith.constant 0 : i32
        %get3A_1032 = arith.index_cast %get3A_1031 : i32 to index
        %get3A_1033 = arith.index_cast %add3A_1030 : i32 to index
        %get3A_1034 = arith.constant 0 : index
        %get3A_1035 = tpu.vector_load %arg6[%get3A_1032, %get3A_1033, %get3A_1034] {strides = array<i32>} : memref<2x1600x32xf32, #tpu.memory_space<vmem>>, vector<16xf32>,
        %add3A_1036 = arith.addf %add3A_1018, %get3A_1035 : vector<16xf32>
        %add3A_1037 = arith.constant 1200 : i32
        %add3A_1038 = arith.addi %add3A_1037, %scan3A_1028 : i32
        %get3A_1039 = arith.constant 0 : i32
        %get3A_1040 = arith.index_cast %get3A_1039 : i32 to index
        %get3A_1041 = arith.index_cast %add3A_1038 : i32 to index
        %get3A_1042 = arith.constant 16 : index
        %get3A_1043 = tpu.vector_load %arg6[%get3A_1040, %get3A_1041, %get3A_1042] {strides = array<i32>} : memref<2x1600x32xf32, #tpu.memory_space<vmem>>, vector<16xf32>,
        %add3A_1044 = arith.addf %add3A_1026, %get3A_1043 : vector<16xf32>
        %scan3A_1045 = arith.constant 5 : i32
        %scan3A_1046 = arith.addi %scan3A_955, %scan3A_1045 : i32
        %add3A_1047 = arith.constant 1200 : i32
        %add3A_1048 = arith.addi %add3A_1047, %scan3A_1046 : i32
        %get3A_1049 = arith.constant 0 : i32
        %get3A_1050 = arith.index_cast %get3A_1049 : i32 to index
        %get3A_1051 = arith.index_cast %add3A_1048 : i32 to index
        %get3A_1052 = arith.constant 0 : index
        %get3A_1053 = tpu.vector_load %arg6[%get3A_1050, %get3A_1051, %get3A_1052] {strides = array<i32>} : memref<2x1600x32xf32, #tpu.memory_space<vmem>>, vector<16xf32>,
        %add3A_1054 = arith.addf %add3A_1036, %get3A_1053 : vector<16xf32>
        %add3A_1055 = arith.constant 1200 : i32
        %add3A_1056 = arith.addi %add3A_1055, %scan3A_1046 : i32
        %get3A_1057 = arith.constant 0 : i32
        %get3A_1058 = arith.index_cast %get3A_1057 : i32 to index
        %get3A_1059 = arith.index_cast %add3A_1056 : i32 to index
        %get3A_1060 = arith.constant 16 : index
        %get3A_1061 = tpu.vector_load %arg6[%get3A_1058, %get3A_1059, %get3A_1060] {strides = array<i32>} : memref<2x1600x32xf32, #tpu.memory_space<vmem>>, vector<16xf32>,
        %add3A_1062 = arith.addf %add3A_1044, %get3A_1061 : vector<16xf32>
        %scan3A_1063 = arith.constant 6 : i32
        %scan3A_1064 = arith.addi %scan3A_955, %scan3A_1063 : i32
        %add3A_1065 = arith.constant 1200 : i32
        %add3A_1066 = arith.addi %add3A_1065, %scan3A_1064 : i32
        %get3A_1067 = arith.constant 0 : i32
        %get3A_1068 = arith.index_cast %get3A_1067 : i32 to index
        %get3A_1069 = arith.index_cast %add3A_1066 : i32 to index
        %get3A_1070 = arith.constant 0 : index
        %get3A_1071 = tpu.vector_load %arg6[%get3A_1068, %get3A_1069, %get3A_1070] {strides = array<i32>} : memref<2x1600x32xf32, #tpu.memory_space<vmem>>, vector<16xf32>,
        %add3A_1072 = arith.addf %add3A_1054, %get3A_1071 : vector<16xf32>
        %add3A_1073 = arith.constant 1200 : i32
        %add3A_1074 = arith.addi %add3A_1073, %scan3A_1064 : i32
        %get3A_1075 = arith.constant 0 : i32
        %get3A_1076 = arith.index_cast %get3A_1075 : i32 to index
        %get3A_1077 = arith.index_cast %add3A_1074 : i32 to index
        %get3A_1078 = arith.constant 16 : index
        %get3A_1079 = tpu.vector_load %arg6[%get3A_1076, %get3A_1077, %get3A_1078] {strides = array<i32>} : memref<2x1600x32xf32, #tpu.memory_space<vmem>>, vector<16xf32>,
        %add3A_1080 = arith.addf %add3A_1062, %get3A_1079 : vector<16xf32>
        %scan3A_1081 = arith.constant 7 : i32
        %scan3A_1082 = arith.addi %scan3A_955, %scan3A_1081 : i32
        %add3A_1083 = arith.constant 1200 : i32
        %add3A_1084 = arith.addi %add3A_1083, %scan3A_1082 : i32
        %get3A_1085 = arith.constant 0 : i32
        %get3A_1086 = arith.index_cast %get3A_1085 : i32 to index
        %get3A_1087 = arith.index_cast %add3A_1084 : i32 to index
        %get3A_1088 = arith.constant 0 : index
        %get3A_1089 = tpu.vector_load %arg6[%get3A_1086, %get3A_1087, %get3A_1088] {strides = array<i32>} : memref<2x1600x32xf32, #tpu.memory_space<vmem>>, vector<16xf32>,
        %add3A_1090 = arith.addf %add3A_1072, %get3A_1089 : vector<16xf32>
        %add3A_1091 = arith.constant 1200 : i32
        %add3A_1092 = arith.addi %add3A_1091, %scan3A_1082 : i32
        %get3A_1093 = arith.constant 0 : i32
        %get3A_1094 = arith.index_cast %get3A_1093 : i32 to index
        %get3A_1095 = arith.index_cast %add3A_1092 : i32 to index
        %get3A_1096 = arith.constant 16 : index
        %get3A_1097 = tpu.vector_load %arg6[%get3A_1094, %get3A_1095, %get3A_1096] {strides = array<i32>} : memref<2x1600x32xf32, #tpu.memory_space<vmem>>, vector<16xf32>,
        %add3A_1098 = arith.addf %add3A_1080, %get3A_1097 : vector<16xf32>
        scf.yield %add3A_1090, %add3A_1098 : vector<16xf32>, vector<16xf32>
      }
      %scan3A_548 = arith.constant 200 : i32
      %swap3A_549 = arith.constant 1 : i32
      %swap3A_550 = arith.index_cast %swap3A_549 : i32 to index
      %swap3A_551 = arith.constant 64 : index
      %swap3A_552 = tpu.vector_load %arg7[%swap3A_550, %swap3A_551] {strides = array<i32>} : memref<2x128xf32, #tpu.memory_space<vmem>>, vector<16xf32>,
      tpu.vector_store %arg7[%swap3A_550, %swap3A_551], %scan3A_547#0 {strides = array<i32>} : memref<2x128xf32, #tpu.memory_space<vmem>>, vector<16xf32>,
      %swap3A_553 = arith.constant 1 : i32
      %swap3A_554 = arith.index_cast %swap3A_553 : i32 to index
      %swap3A_555 = arith.constant 80 : index
      %swap3A_556 = tpu.vector_load %arg7[%swap3A_554, %swap3A_555] {strides = array<i32>} : memref<2x128xf32, #tpu.memory_space<vmem>>, vector<16xf32>,
      tpu.vector_store %arg7[%swap3A_554, %swap3A_555], %scan3A_547#1 {strides = array<i32>} : memref<2x128xf32, #tpu.memory_space<vmem>>, vector<16xf32>,
      %broadcast_in_dim3A_557 = arith.constant 0.000000e+00 : f32
      %broadcast_in_dim3A_558 = vector.broadcast %broadcast_in_dim3A_557 : f32 to vector<16xf32>
      %scan3A_559 = arith.constant 0 : i32
      %scan3A_560 = arith.constant 200 : i32
      %scan3A_561 = arith.addi %scan3A_559, %scan3A_560 : i32
      %scan3A_562 = arith.constant 8 : i32
      %scan3A_563:2 = scf.for %scan3A_955 = %scan3A_559 to %scan3A_561 step %scan3A_562 iter_args(%scan3A_956 = %broadcast_in_dim3A_558, %scan3A_957 = %broadcast_in_dim3A_558) -> (vector<16xf32>, vector<16xf32>)  : i32 {
        %add3A_958 = arith.constant 1400 : i32
        %add3A_959 = arith.addi %add3A_958, %scan3A_955 : i32
        %get3A = arith.constant 0 : i32
        %get3A_960 = arith.index_cast %get3A : i32 to index
        %get3A_961 = arith.index_cast %add3A_959 : i32 to index
        %get3A_962 = arith.constant 0 : index
        %get3A_963 = tpu.vector_load %arg6[%get3A_960, %get3A_961, %get3A_962] {strides = array<i32>} : memref<2x1600x32xf32, #tpu.memory_space<vmem>>, vector<16xf32>,
        %add3A_964 = arith.addf %scan3A_956, %get3A_963 : vector<16xf32>
        %add3A_965 = arith.constant 1400 : i32
        %add3A_966 = arith.addi %add3A_965, %scan3A_955 : i32
        %get3A_967 = arith.constant 0 : i32
        %get3A_968 = arith.index_cast %get3A_967 : i32 to index
        %get3A_969 = arith.index_cast %add3A_966 : i32 to index
        %get3A_970 = arith.constant 16 : index
        %get3A_971 = tpu.vector_load %arg6[%get3A_968, %get3A_969, %get3A_970] {strides = array<i32>} : memref<2x1600x32xf32, #tpu.memory_space<vmem>>, vector<16xf32>,
        %add3A_972 = arith.addf %scan3A_957, %get3A_971 : vector<16xf32>
        %scan3A_973 = arith.constant 1 : i32
        %scan3A_974 = arith.addi %scan3A_955, %scan3A_973 : i32
        %add3A_975 = arith.constant 1400 : i32
        %add3A_976 = arith.addi %add3A_975, %scan3A_974 : i32
        %get3A_977 = arith.constant 0 : i32
        %get3A_978 = arith.index_cast %get3A_977 : i32 to index
        %get3A_979 = arith.index_cast %add3A_976 : i32 to index
        %get3A_980 = arith.constant 0 : index
        %get3A_981 = tpu.vector_load %arg6[%get3A_978, %get3A_979, %get3A_980] {strides = array<i32>} : memref<2x1600x32xf32, #tpu.memory_space<vmem>>, vector<16xf32>,
        %add3A_982 = arith.addf %add3A_964, %get3A_981 : vector<16xf32>
        %add3A_983 = arith.constant 1400 : i32
        %add3A_984 = arith.addi %add3A_983, %scan3A_974 : i32
        %get3A_985 = arith.constant 0 : i32
        %get3A_986 = arith.index_cast %get3A_985 : i32 to index
        %get3A_987 = arith.index_cast %add3A_984 : i32 to index
        %get3A_988 = arith.constant 16 : index
        %get3A_989 = tpu.vector_load %arg6[%get3A_986, %get3A_987, %get3A_988] {strides = array<i32>} : memref<2x1600x32xf32, #tpu.memory_space<vmem>>, vector<16xf32>,
        %add3A_990 = arith.addf %add3A_972, %get3A_989 : vector<16xf32>
        %scan3A_991 = arith.constant 2 : i32
        %scan3A_992 = arith.addi %scan3A_955, %scan3A_991 : i32
        %add3A_993 = arith.constant 1400 : i32
        %add3A_994 = arith.addi %add3A_993, %scan3A_992 : i32
        %get3A_995 = arith.constant 0 : i32
        %get3A_996 = arith.index_cast %get3A_995 : i32 to index
        %get3A_997 = arith.index_cast %add3A_994 : i32 to index
        %get3A_998 = arith.constant 0 : index
        %get3A_999 = tpu.vector_load %arg6[%get3A_996, %get3A_997, %get3A_998] {strides = array<i32>} : memref<2x1600x32xf32, #tpu.memory_space<vmem>>, vector<16xf32>,
        %add3A_1000 = arith.addf %add3A_982, %get3A_999 : vector<16xf32>
        %add3A_1001 = arith.constant 1400 : i32
        %add3A_1002 = arith.addi %add3A_1001, %scan3A_992 : i32
        %get3A_1003 = arith.constant 0 : i32
        %get3A_1004 = arith.index_cast %get3A_1003 : i32 to index
        %get3A_1005 = arith.index_cast %add3A_1002 : i32 to index
        %get3A_1006 = arith.constant 16 : index
        %get3A_1007 = tpu.vector_load %arg6[%get3A_1004, %get3A_1005, %get3A_1006] {strides = array<i32>} : memref<2x1600x32xf32, #tpu.memory_space<vmem>>, vector<16xf32>,
        %add3A_1008 = arith.addf %add3A_990, %get3A_1007 : vector<16xf32>
        %scan3A_1009 = arith.constant 3 : i32
        %scan3A_1010 = arith.addi %scan3A_955, %scan3A_1009 : i32
        %add3A_1011 = arith.constant 1400 : i32
        %add3A_1012 = arith.addi %add3A_1011, %scan3A_1010 : i32
        %get3A_1013 = arith.constant 0 : i32
        %get3A_1014 = arith.index_cast %get3A_1013 : i32 to index
        %get3A_1015 = arith.index_cast %add3A_1012 : i32 to index
        %get3A_1016 = arith.constant 0 : index
        %get3A_1017 = tpu.vector_load %arg6[%get3A_1014, %get3A_1015, %get3A_1016] {strides = array<i32>} : memref<2x1600x32xf32, #tpu.memory_space<vmem>>, vector<16xf32>,
        %add3A_1018 = arith.addf %add3A_1000, %get3A_1017 : vector<16xf32>
        %add3A_1019 = arith.constant 1400 : i32
        %add3A_1020 = arith.addi %add3A_1019, %scan3A_1010 : i32
        %get3A_1021 = arith.constant 0 : i32
        %get3A_1022 = arith.index_cast %get3A_1021 : i32 to index
        %get3A_1023 = arith.index_cast %add3A_1020 : i32 to index
        %get3A_1024 = arith.constant 16 : index
        %get3A_1025 = tpu.vector_load %arg6[%get3A_1022, %get3A_1023, %get3A_1024] {strides = array<i32>} : memref<2x1600x32xf32, #tpu.memory_space<vmem>>, vector<16xf32>,
        %add3A_1026 = arith.addf %add3A_1008, %get3A_1025 : vector<16xf32>
        %scan3A_1027 = arith.constant 4 : i32
        %scan3A_1028 = arith.addi %scan3A_955, %scan3A_1027 : i32
        %add3A_1029 = arith.constant 1400 : i32
        %add3A_1030 = arith.addi %add3A_1029, %scan3A_1028 : i32
        %get3A_1031 = arith.constant 0 : i32
        %get3A_1032 = arith.index_cast %get3A_1031 : i32 to index
        %get3A_1033 = arith.index_cast %add3A_1030 : i32 to index
        %get3A_1034 = arith.constant 0 : index
        %get3A_1035 = tpu.vector_load %arg6[%get3A_1032, %get3A_1033, %get3A_1034] {strides = array<i32>} : memref<2x1600x32xf32, #tpu.memory_space<vmem>>, vector<16xf32>,
        %add3A_1036 = arith.addf %add3A_1018, %get3A_1035 : vector<16xf32>
        %add3A_1037 = arith.constant 1400 : i32
        %add3A_1038 = arith.addi %add3A_1037, %scan3A_1028 : i32
        %get3A_1039 = arith.constant 0 : i32
        %get3A_1040 = arith.index_cast %get3A_1039 : i32 to index
        %get3A_1041 = arith.index_cast %add3A_1038 : i32 to index
        %get3A_1042 = arith.constant 16 : index
        %get3A_1043 = tpu.vector_load %arg6[%get3A_1040, %get3A_1041, %get3A_1042] {strides = array<i32>} : memref<2x1600x32xf32, #tpu.memory_space<vmem>>, vector<16xf32>,
        %add3A_1044 = arith.addf %add3A_1026, %get3A_1043 : vector<16xf32>
        %scan3A_1045 = arith.constant 5 : i32
        %scan3A_1046 = arith.addi %scan3A_955, %scan3A_1045 : i32
        %add3A_1047 = arith.constant 1400 : i32
        %add3A_1048 = arith.addi %add3A_1047, %scan3A_1046 : i32
        %get3A_1049 = arith.constant 0 : i32
        %get3A_1050 = arith.index_cast %get3A_1049 : i32 to index
        %get3A_1051 = arith.index_cast %add3A_1048 : i32 to index
        %get3A_1052 = arith.constant 0 : index
        %get3A_1053 = tpu.vector_load %arg6[%get3A_1050, %get3A_1051, %get3A_1052] {strides = array<i32>} : memref<2x1600x32xf32, #tpu.memory_space<vmem>>, vector<16xf32>,
        %add3A_1054 = arith.addf %add3A_1036, %get3A_1053 : vector<16xf32>
        %add3A_1055 = arith.constant 1400 : i32
        %add3A_1056 = arith.addi %add3A_1055, %scan3A_1046 : i32
        %get3A_1057 = arith.constant 0 : i32
        %get3A_1058 = arith.index_cast %get3A_1057 : i32 to index
        %get3A_1059 = arith.index_cast %add3A_1056 : i32 to index
        %get3A_1060 = arith.constant 16 : index
        %get3A_1061 = tpu.vector_load %arg6[%get3A_1058, %get3A_1059, %get3A_1060] {strides = array<i32>} : memref<2x1600x32xf32, #tpu.memory_space<vmem>>, vector<16xf32>,
        %add3A_1062 = arith.addf %add3A_1044, %get3A_1061 : vector<16xf32>
        %scan3A_1063 = arith.constant 6 : i32
        %scan3A_1064 = arith.addi %scan3A_955, %scan3A_1063 : i32
        %add3A_1065 = arith.constant 1400 : i32
        %add3A_1066 = arith.addi %add3A_1065, %scan3A_1064 : i32
        %get3A_1067 = arith.constant 0 : i32
        %get3A_1068 = arith.index_cast %get3A_1067 : i32 to index
        %get3A_1069 = arith.index_cast %add3A_1066 : i32 to index
        %get3A_1070 = arith.constant 0 : index
        %get3A_1071 = tpu.vector_load %arg6[%get3A_1068, %get3A_1069, %get3A_1070] {strides = array<i32>} : memref<2x1600x32xf32, #tpu.memory_space<vmem>>, vector<16xf32>,
        %add3A_1072 = arith.addf %add3A_1054, %get3A_1071 : vector<16xf32>
        %add3A_1073 = arith.constant 1400 : i32
        %add3A_1074 = arith.addi %add3A_1073, %scan3A_1064 : i32
        %get3A_1075 = arith.constant 0 : i32
        %get3A_1076 = arith.index_cast %get3A_1075 : i32 to index
        %get3A_1077 = arith.index_cast %add3A_1074 : i32 to index
        %get3A_1078 = arith.constant 16 : index
        %get3A_1079 = tpu.vector_load %arg6[%get3A_1076, %get3A_1077, %get3A_1078] {strides = array<i32>} : memref<2x1600x32xf32, #tpu.memory_space<vmem>>, vector<16xf32>,
        %add3A_1080 = arith.addf %add3A_1062, %get3A_1079 : vector<16xf32>
        %scan3A_1081 = arith.constant 7 : i32
        %scan3A_1082 = arith.addi %scan3A_955, %scan3A_1081 : i32
        %add3A_1083 = arith.constant 1400 : i32
        %add3A_1084 = arith.addi %add3A_1083, %scan3A_1082 : i32
        %get3A_1085 = arith.constant 0 : i32
        %get3A_1086 = arith.index_cast %get3A_1085 : i32 to index
        %get3A_1087 = arith.index_cast %add3A_1084 : i32 to index
        %get3A_1088 = arith.constant 0 : index
        %get3A_1089 = tpu.vector_load %arg6[%get3A_1086, %get3A_1087, %get3A_1088] {strides = array<i32>} : memref<2x1600x32xf32, #tpu.memory_space<vmem>>, vector<16xf32>,
        %add3A_1090 = arith.addf %add3A_1072, %get3A_1089 : vector<16xf32>
        %add3A_1091 = arith.constant 1400 : i32
        %add3A_1092 = arith.addi %add3A_1091, %scan3A_1082 : i32
        %get3A_1093 = arith.constant 0 : i32
        %get3A_1094 = arith.index_cast %get3A_1093 : i32 to index
        %get3A_1095 = arith.index_cast %add3A_1092 : i32 to index
        %get3A_1096 = arith.constant 16 : index
        %get3A_1097 = tpu.vector_load %arg6[%get3A_1094, %get3A_1095, %get3A_1096] {strides = array<i32>} : memref<2x1600x32xf32, #tpu.memory_space<vmem>>, vector<16xf32>,
        %add3A_1098 = arith.addf %add3A_1080, %get3A_1097 : vector<16xf32>
        scf.yield %add3A_1090, %add3A_1098 : vector<16xf32>, vector<16xf32>
      }
      %scan3A_564 = arith.constant 200 : i32
      %swap3A_565 = arith.constant 1 : i32
      %swap3A_566 = arith.index_cast %swap3A_565 : i32 to index
      %swap3A_567 = arith.constant 96 : index
      %swap3A_568 = tpu.vector_load %arg7[%swap3A_566, %swap3A_567] {strides = array<i32>} : memref<2x128xf32, #tpu.memory_space<vmem>>, vector<16xf32>,
      tpu.vector_store %arg7[%swap3A_566, %swap3A_567], %scan3A_563#0 {strides = array<i32>} : memref<2x128xf32, #tpu.memory_space<vmem>>, vector<16xf32>,
      %swap3A_569 = arith.constant 1 : i32
      %swap3A_570 = arith.index_cast %swap3A_569 : i32 to index
      %swap3A_571 = arith.constant 112 : index
      %swap3A_572 = tpu.vector_load %arg7[%swap3A_570, %swap3A_571] {strides = array<i32>} : memref<2x128xf32, #tpu.memory_space<vmem>>, vector<16xf32>,
      tpu.vector_store %arg7[%swap3A_570, %swap3A_571], %scan3A_563#1 {strides = array<i32>} : memref<2x128xf32, #tpu.memory_space<vmem>>, vector<16xf32>,
      %mul3A_573 = arith.constant 8 : i32
      %mul3A_574 = arith.muli %add3A_243, %mul3A_573 : i32
      %add3A_575 = arith.addi %mul3A_2, %mul3A_574 : i32
      %jit3A = arith.constant 4 : i32
      %div3A = arith.divsi %add3A_575, %jit3A : i32
      %sign3A = arith.constant 0 : i32
      %sign3A_576 = arith.cmpi sgt, %add3A_575, %sign3A : i32
      %sign3A_577 = arith.extui %sign3A_576 : i1 to i32
      %sign3A_578 = arith.constant 0 : i32
      %sign3A_579 = arith.cmpi slt, %add3A_575, %sign3A_578 : i32
      %sign3A_580 = arith.extui %sign3A_579 : i1 to i32
      %sign3A_581 = arith.subi %sign3A_577, %sign3A_580 : i32
      %sign3A_582 = arith.constant 0 : i32
      %sign3A_583 = arith.cmpi sgt, %jit3A, %sign3A_582 : i32
      %sign3A_584 = arith.extui %sign3A_583 : i1 to i32
      %sign3A_585 = arith.constant 0 : i32
      %sign3A_586 = arith.cmpi slt, %jit3A, %sign3A_585 : i32
      %sign3A_587 = arith.extui %sign3A_586 : i1 to i32
      %sign3A_588 = arith.subi %sign3A_584, %sign3A_587 : i32
      %ne3A = arith.cmpi ne, %sign3A_581, %sign3A_588 : i32
      %rem3A = arith.remsi %add3A_575, %jit3A : i32
      %ne3A_589 = arith.constant 0 : i32
      %ne3A_590 = arith.cmpi ne, %rem3A, %ne3A_589 : i32
      %and3A = arith.andi %ne3A, %ne3A_590 : i1
      %sub3A = arith.constant 1 : i32
      %sub3A_591 = arith.subi %div3A, %sub3A : i32
      %select_n3A = arith.select %and3A, %sub3A_591, %div3A : i32
      "tpu.region"() ({
        %run_scoped3A = tpu.sem_alloc : memref<!tpu.dma_semaphore, #tpu.memory_space<semaphore_mem>>
        %dma_start3A_955 = arith.constant 0 : i32
        %dma_start3A_956 = tpu.memref_slice %arg4[%select_n3A, %dma_start3A_955] : memref<4096x128xf32, #tpu.memory_space<hbm>> -> memref<2x128xf32, #tpu.memory_space<hbm>>
        %dma_start3A_957 = arith.constant 0 : i32
        %dma_start3A_958 = tpu.memref_slice %arg4[%select_n3A, %dma_start3A_957] : memref<4096x128xf32, #tpu.memory_space<hbm>> -> memref<2x128xf32, #tpu.memory_space<hbm>>
        tpu.enqueue_dma source(%arg7 : memref<2x128xf32, #tpu.memory_space<vmem>>) target(%dma_start3A_958 : memref<2x128xf32, #tpu.memory_space<hbm>>) target_semaphore(%run_scoped3A : memref<!tpu.dma_semaphore, #tpu.memory_space<semaphore_mem>>)
        %dma_wait3A_959 = arith.constant 0 : i32
        %dma_wait3A_960 = tpu.memref_slice %arg4[%select_n3A, %dma_wait3A_959] : memref<4096x128xf32, #tpu.memory_space<hbm>> -> memref<2x128xf32, #tpu.memory_space<hbm>>
        %dma_wait3A_961 = arith.constant 0 : i32
        %dma_wait3A_962 = tpu.memref_slice %arg4[%select_n3A, %dma_wait3A_961] : memref<4096x128xf32, #tpu.memory_space<hbm>> -> memref<2x128xf32, #tpu.memory_space<hbm>>
        tpu.wait_dma2 semaphore(%run_scoped3A : memref<!tpu.dma_semaphore, #tpu.memory_space<semaphore_mem>>) src(%arg7 : memref<2x128xf32, #tpu.memory_space<vmem>>) dst(%dma_wait3A_962 : memref<2x128xf32, #tpu.memory_space<hbm>>)
        tpu.yield
      }) : () -> ()
      %add3A_592 = arith.constant 1 : i32
      %add3A_593 = arith.addi %add3A_241, %add3A_592 : i32
      %add3A_594 = arith.constant 1 : i32
      %add3A_595 = arith.addi %add3A_593, %add3A_594 : i32
      %lt3A_596 = arith.constant 64 : i32
      %lt3A_597 = arith.cmpi slt, %add3A_595, %lt3A_596 : i32
      %convert_element_type3A_598 = arith.extui %lt3A_597 : i1 to i32
      %cond3A_599 = arith.constant 0 : i32
      %cond3A_600 = arith.cmpi ne, %convert_element_type3A_598, %cond3A_599 : i32
      scf.if %cond3A_600 {
        %add3A_955 = arith.constant 1 : i32
        %add3A_956 = arith.addi %add3A_593, %add3A_955 : i32
        %mul3A_957 = arith.constant 1600 : i32
        %mul3A_958 = arith.muli %add3A_956, %mul3A_957 : i32
        %add3A_959 = arith.addi %mul3A_4, %mul3A_958 : i32
        %dma_wait3A_960 = arith.constant 0 : i32
        %dma_wait3A_961 = arith.constant 0 : i32
        %dma_wait3A_962 = tpu.memref_slice %arg5[%dma_wait3A_960, %dma_wait3A_961] : memref<2x1600xi32, #tpu.memory_space<vmem>> -> memref<1x1600xi32, #tpu.memory_space<vmem>>
        %dma_wait3A_963 = tpu.memref_squeeze %dma_wait3A_962 : memref<1x1600xi32, #tpu.memory_space<vmem>> -> memref<1600xi32, #tpu.memory_space<vmem>>
        %dma_wait3A_964 = tpu.memref_slice %arg3[%add3A_959] : memref<3276800xi32, #tpu.memory_space<hbm>> -> memref<1600xi32, #tpu.memory_space<hbm>>
        %dma_wait3A_965 = arith.constant 0 : i32
        %dma_wait3A_966 = tpu.memref_slice %arg5[%dma_wait3A_960, %dma_wait3A_965] : memref<2x1600xi32, #tpu.memory_space<vmem>> -> memref<1x1600xi32, #tpu.memory_space<vmem>>
        %dma_wait3A_967 = tpu.memref_squeeze %dma_wait3A_966 : memref<1x1600xi32, #tpu.memory_space<vmem>> -> memref<1600xi32, #tpu.memory_space<vmem>>
        %dma_wait3A_968 = tpu.memref_slice %arg3[%add3A_959] : memref<3276800xi32, #tpu.memory_space<hbm>> -> memref<1600xi32, #tpu.memory_space<hbm>>
        tpu.wait_dma2 semaphore(%arg10 : memref<!tpu.dma_semaphore, #tpu.memory_space<semaphore_mem>>) src(%dma_wait3A_968 : memref<1600xi32, #tpu.memory_space<hbm>>) dst(%dma_wait3A_967 : memref<1600xi32, #tpu.memory_space<vmem>>)
        %scan3A_969 = arith.constant 0 : i32
        %scan3A_970 = arith.constant 100 : i32
        %scan3A_971 = arith.addi %scan3A_969, %scan3A_970 : i32
        %scan3A_972 = arith.constant 4 : i32
        scf.for %scan3A_1166 = %scan3A_969 to %scan3A_971 step %scan3A_972  : i32 {
          %mul3A_1167 = arith.constant 1 : i32
          %mul3A_1168 = arith.muli %scan3A_1166, %mul3A_1167 : i32
          %add3A_1169 = arith.constant 0 : i32
          %add3A_1170 = arith.addi %add3A_1169, %mul3A_1168 : i32
          %mul3A_1171 = arith.constant 16 : i32
          %mul3A_1172 = arith.muli %add3A_1170, %mul3A_1171 : i32
          %get3A = arith.constant 0 : i32
          %get3A_1173 = arith.index_cast %get3A : i32 to index
          %get3A_1174 = arith.index_cast %mul3A_1172 : i32 to index
          %get3A_1175 = tpu.vector_load %arg5[%get3A_1173, %get3A_1174] {strides = array<i32>} : memref<2x1600xi32, #tpu.memory_space<vmem>>, vector<16xi32>,
          %ge3A = arith.constant 250000 : i32
          %ge3A_1176 = vector.broadcast %ge3A : i32 to vector<16xi32>
          %ge3A_1177 = arith.cmpi sge, %get3A_1175, %ge3A_1176 : vector<16xi32>
          %convert_element_type3A_1178 = arith.extui %ge3A_1177 : vector<16xi1> to vector<16xi32>
          %ge3A_1179 = arith.constant 500000 : i32
          %ge3A_1180 = vector.broadcast %ge3A_1179 : i32 to vector<16xi32>
          %ge3A_1181 = arith.cmpi sge, %get3A_1175, %ge3A_1180 : vector<16xi32>
          %convert_element_type3A_1182 = arith.extui %ge3A_1181 : vector<16xi1> to vector<16xi32>
          %add3A_1183 = arith.addi %convert_element_type3A_1178, %convert_element_type3A_1182 : vector<16xi32>
          %ge3A_1184 = arith.constant 750000 : i32
          %ge3A_1185 = vector.broadcast %ge3A_1184 : i32 to vector<16xi32>
          %ge3A_1186 = arith.cmpi sge, %get3A_1175, %ge3A_1185 : vector<16xi32>
          %convert_element_type3A_1187 = arith.extui %ge3A_1186 : vector<16xi1> to vector<16xi32>
          %add3A_1188 = arith.addi %add3A_1183, %convert_element_type3A_1187 : vector<16xi32>
          %shift_left3A = arith.constant 2 : i32
          %shift_left3A_1189 = vector.broadcast %shift_left3A : i32 to vector<16xi32>
          %shift_left3A_1190 = arith.shli %get3A_1175, %shift_left3A_1189 : vector<16xi32>
          %mul3A_1191 = arith.constant 999999 : i32
          %mul3A_1192 = vector.broadcast %mul3A_1191 : i32 to vector<16xi32>
          %mul3A_1193 = arith.muli %mul3A_1192, %add3A_1188 : vector<16xi32>
          %sub3A_1194 = arith.subi %shift_left3A_1190, %mul3A_1193 : vector<16xi32>
          %mul3A_1195 = arith.constant 16 : i32
          %mul3A_1196 = arith.muli %add3A_1170, %mul3A_1195 : i32
          %swap3A_1197 = arith.constant 0 : i32
          %swap3A_1198 = arith.index_cast %swap3A_1197 : i32 to index
          %swap3A_1199 = arith.index_cast %mul3A_1196 : i32 to index
          %swap3A_1200 = tpu.vector_load %arg5[%swap3A_1198, %swap3A_1199] {strides = array<i32>} : memref<2x1600xi32, #tpu.memory_space<vmem>>, vector<16xi32>,
          tpu.vector_store %arg5[%swap3A_1198, %swap3A_1199], %sub3A_1194 {strides = array<i32>} : memref<2x1600xi32, #tpu.memory_space<vmem>>, vector<16xi32>,
          %scan3A_1201 = arith.constant 1 : i32
          %scan3A_1202 = arith.addi %scan3A_1166, %scan3A_1201 : i32
          %mul3A_1203 = arith.constant 1 : i32
          %mul3A_1204 = arith.muli %scan3A_1202, %mul3A_1203 : i32
          %add3A_1205 = arith.constant 0 : i32
          %add3A_1206 = arith.addi %add3A_1205, %mul3A_1204 : i32
          %mul3A_1207 = arith.constant 16 : i32
          %mul3A_1208 = arith.muli %add3A_1206, %mul3A_1207 : i32
          %get3A_1209 = arith.constant 0 : i32
          %get3A_1210 = arith.index_cast %get3A_1209 : i32 to index
          %get3A_1211 = arith.index_cast %mul3A_1208 : i32 to index
          %get3A_1212 = tpu.vector_load %arg5[%get3A_1210, %get3A_1211] {strides = array<i32>} : memref<2x1600xi32, #tpu.memory_space<vmem>>, vector<16xi32>,
          %ge3A_1213 = arith.constant 250000 : i32
          %ge3A_1214 = vector.broadcast %ge3A_1213 : i32 to vector<16xi32>
          %ge3A_1215 = arith.cmpi sge, %get3A_1212, %ge3A_1214 : vector<16xi32>
          %convert_element_type3A_1216 = arith.extui %ge3A_1215 : vector<16xi1> to vector<16xi32>
          %ge3A_1217 = arith.constant 500000 : i32
          %ge3A_1218 = vector.broadcast %ge3A_1217 : i32 to vector<16xi32>
          %ge3A_1219 = arith.cmpi sge, %get3A_1212, %ge3A_1218 : vector<16xi32>
          %convert_element_type3A_1220 = arith.extui %ge3A_1219 : vector<16xi1> to vector<16xi32>
          %add3A_1221 = arith.addi %convert_element_type3A_1216, %convert_element_type3A_1220 : vector<16xi32>
          %ge3A_1222 = arith.constant 750000 : i32
          %ge3A_1223 = vector.broadcast %ge3A_1222 : i32 to vector<16xi32>
          %ge3A_1224 = arith.cmpi sge, %get3A_1212, %ge3A_1223 : vector<16xi32>
          %convert_element_type3A_1225 = arith.extui %ge3A_1224 : vector<16xi1> to vector<16xi32>
          %add3A_1226 = arith.addi %add3A_1221, %convert_element_type3A_1225 : vector<16xi32>
          %shift_left3A_1227 = arith.constant 2 : i32
          %shift_left3A_1228 = vector.broadcast %shift_left3A_1227 : i32 to vector<16xi32>
          %shift_left3A_1229 = arith.shli %get3A_1212, %shift_left3A_1228 : vector<16xi32>
          %mul3A_1230 = arith.constant 999999 : i32
          %mul3A_1231 = vector.broadcast %mul3A_1230 : i32 to vector<16xi32>
          %mul3A_1232 = arith.muli %mul3A_1231, %add3A_1226 : vector<16xi32>
          %sub3A_1233 = arith.subi %shift_left3A_1229, %mul3A_1232 : vector<16xi32>
          %mul3A_1234 = arith.constant 16 : i32
          %mul3A_1235 = arith.muli %add3A_1206, %mul3A_1234 : i32
          %swap3A_1236 = arith.constant 0 : i32
          %swap3A_1237 = arith.index_cast %swap3A_1236 : i32 to index
          %swap3A_1238 = arith.index_cast %mul3A_1235 : i32 to index
          %swap3A_1239 = tpu.vector_load %arg5[%swap3A_1237, %swap3A_1238] {strides = array<i32>} : memref<2x1600xi32, #tpu.memory_space<vmem>>, vector<16xi32>,
          tpu.vector_store %arg5[%swap3A_1237, %swap3A_1238], %sub3A_1233 {strides = array<i32>} : memref<2x1600xi32, #tpu.memory_space<vmem>>, vector<16xi32>,
          %scan3A_1240 = arith.constant 2 : i32
          %scan3A_1241 = arith.addi %scan3A_1166, %scan3A_1240 : i32
          %mul3A_1242 = arith.constant 1 : i32
          %mul3A_1243 = arith.muli %scan3A_1241, %mul3A_1242 : i32
          %add3A_1244 = arith.constant 0 : i32
          %add3A_1245 = arith.addi %add3A_1244, %mul3A_1243 : i32
          %mul3A_1246 = arith.constant 16 : i32
          %mul3A_1247 = arith.muli %add3A_1245, %mul3A_1246 : i32
          %get3A_1248 = arith.constant 0 : i32
          %get3A_1249 = arith.index_cast %get3A_1248 : i32 to index
          %get3A_1250 = arith.index_cast %mul3A_1247 : i32 to index
          %get3A_1251 = tpu.vector_load %arg5[%get3A_1249, %get3A_1250] {strides = array<i32>} : memref<2x1600xi32, #tpu.memory_space<vmem>>, vector<16xi32>,
          %ge3A_1252 = arith.constant 250000 : i32
          %ge3A_1253 = vector.broadcast %ge3A_1252 : i32 to vector<16xi32>
          %ge3A_1254 = arith.cmpi sge, %get3A_1251, %ge3A_1253 : vector<16xi32>
          %convert_element_type3A_1255 = arith.extui %ge3A_1254 : vector<16xi1> to vector<16xi32>
          %ge3A_1256 = arith.constant 500000 : i32
          %ge3A_1257 = vector.broadcast %ge3A_1256 : i32 to vector<16xi32>
          %ge3A_1258 = arith.cmpi sge, %get3A_1251, %ge3A_1257 : vector<16xi32>
          %convert_element_type3A_1259 = arith.extui %ge3A_1258 : vector<16xi1> to vector<16xi32>
          %add3A_1260 = arith.addi %convert_element_type3A_1255, %convert_element_type3A_1259 : vector<16xi32>
          %ge3A_1261 = arith.constant 750000 : i32
          %ge3A_1262 = vector.broadcast %ge3A_1261 : i32 to vector<16xi32>
          %ge3A_1263 = arith.cmpi sge, %get3A_1251, %ge3A_1262 : vector<16xi32>
          %convert_element_type3A_1264 = arith.extui %ge3A_1263 : vector<16xi1> to vector<16xi32>
          %add3A_1265 = arith.addi %add3A_1260, %convert_element_type3A_1264 : vector<16xi32>
          %shift_left3A_1266 = arith.constant 2 : i32
          %shift_left3A_1267 = vector.broadcast %shift_left3A_1266 : i32 to vector<16xi32>
          %shift_left3A_1268 = arith.shli %get3A_1251, %shift_left3A_1267 : vector<16xi32>
          %mul3A_1269 = arith.constant 999999 : i32
          %mul3A_1270 = vector.broadcast %mul3A_1269 : i32 to vector<16xi32>
          %mul3A_1271 = arith.muli %mul3A_1270, %add3A_1265 : vector<16xi32>
          %sub3A_1272 = arith.subi %shift_left3A_1268, %mul3A_1271 : vector<16xi32>
          %mul3A_1273 = arith.constant 16 : i32
          %mul3A_1274 = arith.muli %add3A_1245, %mul3A_1273 : i32
          %swap3A_1275 = arith.constant 0 : i32
          %swap3A_1276 = arith.index_cast %swap3A_1275 : i32 to index
          %swap3A_1277 = arith.index_cast %mul3A_1274 : i32 to index
          %swap3A_1278 = tpu.vector_load %arg5[%swap3A_1276, %swap3A_1277] {strides = array<i32>} : memref<2x1600xi32, #tpu.memory_space<vmem>>, vector<16xi32>,
          tpu.vector_store %arg5[%swap3A_1276, %swap3A_1277], %sub3A_1272 {strides = array<i32>} : memref<2x1600xi32, #tpu.memory_space<vmem>>, vector<16xi32>,
          %scan3A_1279 = arith.constant 3 : i32
          %scan3A_1280 = arith.addi %scan3A_1166, %scan3A_1279 : i32
          %mul3A_1281 = arith.constant 1 : i32
          %mul3A_1282 = arith.muli %scan3A_1280, %mul3A_1281 : i32
          %add3A_1283 = arith.constant 0 : i32
          %add3A_1284 = arith.addi %add3A_1283, %mul3A_1282 : i32
          %mul3A_1285 = arith.constant 16 : i32
          %mul3A_1286 = arith.muli %add3A_1284, %mul3A_1285 : i32
          %get3A_1287 = arith.constant 0 : i32
          %get3A_1288 = arith.index_cast %get3A_1287 : i32 to index
          %get3A_1289 = arith.index_cast %mul3A_1286 : i32 to index
          %get3A_1290 = tpu.vector_load %arg5[%get3A_1288, %get3A_1289] {strides = array<i32>} : memref<2x1600xi32, #tpu.memory_space<vmem>>, vector<16xi32>,
          %ge3A_1291 = arith.constant 250000 : i32
          %ge3A_1292 = vector.broadcast %ge3A_1291 : i32 to vector<16xi32>
          %ge3A_1293 = arith.cmpi sge, %get3A_1290, %ge3A_1292 : vector<16xi32>
          %convert_element_type3A_1294 = arith.extui %ge3A_1293 : vector<16xi1> to vector<16xi32>
          %ge3A_1295 = arith.constant 500000 : i32
          %ge3A_1296 = vector.broadcast %ge3A_1295 : i32 to vector<16xi32>
          %ge3A_1297 = arith.cmpi sge, %get3A_1290, %ge3A_1296 : vector<16xi32>
          %convert_element_type3A_1298 = arith.extui %ge3A_1297 : vector<16xi1> to vector<16xi32>
          %add3A_1299 = arith.addi %convert_element_type3A_1294, %convert_element_type3A_1298 : vector<16xi32>
          %ge3A_1300 = arith.constant 750000 : i32
          %ge3A_1301 = vector.broadcast %ge3A_1300 : i32 to vector<16xi32>
          %ge3A_1302 = arith.cmpi sge, %get3A_1290, %ge3A_1301 : vector<16xi32>
          %convert_element_type3A_1303 = arith.extui %ge3A_1302 : vector<16xi1> to vector<16xi32>
          %add3A_1304 = arith.addi %add3A_1299, %convert_element_type3A_1303 : vector<16xi32>
          %shift_left3A_1305 = arith.constant 2 : i32
          %shift_left3A_1306 = vector.broadcast %shift_left3A_1305 : i32 to vector<16xi32>
          %shift_left3A_1307 = arith.shli %get3A_1290, %shift_left3A_1306 : vector<16xi32>
          %mul3A_1308 = arith.constant 999999 : i32
          %mul3A_1309 = vector.broadcast %mul3A_1308 : i32 to vector<16xi32>
          %mul3A_1310 = arith.muli %mul3A_1309, %add3A_1304 : vector<16xi32>
          %sub3A_1311 = arith.subi %shift_left3A_1307, %mul3A_1310 : vector<16xi32>
          %mul3A_1312 = arith.constant 16 : i32
          %mul3A_1313 = arith.muli %add3A_1284, %mul3A_1312 : i32
          %swap3A_1314 = arith.constant 0 : i32
          %swap3A_1315 = arith.index_cast %swap3A_1314 : i32 to index
          %swap3A_1316 = arith.index_cast %mul3A_1313 : i32 to index
          %swap3A_1317 = tpu.vector_load %arg5[%swap3A_1315, %swap3A_1316] {strides = array<i32>} : memref<2x1600xi32, #tpu.memory_space<vmem>>, vector<16xi32>,
          tpu.vector_store %arg5[%swap3A_1315, %swap3A_1316], %sub3A_1311 {strides = array<i32>} : memref<2x1600xi32, #tpu.memory_space<vmem>>, vector<16xi32>,
        }
        %scan3A_973 = arith.constant 100 : i32
        %dma_start3A_974 = arith.constant 0 : i32
        %dma_start3A_975 = arith.constant 0 : i32
        %dma_start3A_976 = arith.constant 0 : i32
        %dma_start3A_977 = arith.constant 0 : i32
        %dma_start3A_978 = tpu.memref_slice %arg6[%dma_start3A_975, %dma_start3A_976, %dma_start3A_977] : memref<2x1600x32xf32, #tpu.memory_space<vmem>> -> memref<1x128x32xf32, #tpu.memory_space<vmem>>
        %dma_start3A_979 = tpu.memref_squeeze %dma_start3A_978 : memref<1x128x32xf32, #tpu.memory_space<vmem>> -> memref<128x32xf32, #tpu.memory_space<vmem>>
        %dma_start3A_980 = arith.constant 0 : i32
        %dma_start3A_981 = tpu.memref_slice %arg5[%dma_start3A_974, %dma_start3A_980] : memref<2x1600xi32, #tpu.memory_space<vmem>> -> memref<1x128xi32, #tpu.memory_space<vmem>>
        %dma_start3A_982 = tpu.memref_squeeze %dma_start3A_981 : memref<1x128xi32, #tpu.memory_space<vmem>> -> memref<128xi32, #tpu.memory_space<vmem>>
        %dma_start3A_983 = arith.constant 0 : i32
        %dma_start3A_984 = arith.constant 0 : i32
        %dma_start3A_985 = tpu.memref_slice %arg2[%dma_start3A_983, %dma_start3A_984] : memref<1000000x32xf32, #tpu.memory_space<hbm>> -> memref<1000000x32xf32, #tpu.memory_space<hbm>>
        tpu.enqueue_indirect_dma source(%dma_start3A_985 : memref<1000000x32xf32, #tpu.memory_space<hbm>>) target(%dma_start3A_979 : memref<128x32xf32, #tpu.memory_space<vmem>>) offsets(%dma_start3A_982 : memref<128xi32, #tpu.memory_space<vmem>>) semaphore(%arg8 : memref<!tpu.dma_semaphore, #tpu.memory_space<semaphore_mem>>)
        %dma_start3A_986 = arith.constant 0 : i32
        %dma_start3A_987 = arith.constant 0 : i32
        %dma_start3A_988 = arith.constant 128 : i32
        %dma_start3A_989 = arith.constant 0 : i32
        %dma_start3A_990 = tpu.memref_slice %arg6[%dma_start3A_987, %dma_start3A_988, %dma_start3A_989] : memref<2x1600x32xf32, #tpu.memory_space<vmem>> -> memref<1x72x32xf32, #tpu.memory_space<vmem>>
        %dma_start3A_991 = tpu.memref_squeeze %dma_start3A_990 : memref<1x72x32xf32, #tpu.memory_space<vmem>> -> memref<72x32xf32, #tpu.memory_space<vmem>>
        %dma_start3A_992 = arith.constant 128 : i32
        %dma_start3A_993 = tpu.memref_slice %arg5[%dma_start3A_986, %dma_start3A_992] : memref<2x1600xi32, #tpu.memory_space<vmem>> -> memref<1x72xi32, #tpu.memory_space<vmem>>
        %dma_start3A_994 = tpu.memref_squeeze %dma_start3A_993 : memref<1x72xi32, #tpu.memory_space<vmem>> -> memref<72xi32, #tpu.memory_space<vmem>>
        %dma_start3A_995 = arith.constant 0 : i32
        %dma_start3A_996 = arith.constant 0 : i32
        %dma_start3A_997 = tpu.memref_slice %arg2[%dma_start3A_995, %dma_start3A_996] : memref<1000000x32xf32, #tpu.memory_space<hbm>> -> memref<1000000x32xf32, #tpu.memory_space<hbm>>
        tpu.enqueue_indirect_dma source(%dma_start3A_997 : memref<1000000x32xf32, #tpu.memory_space<hbm>>) target(%dma_start3A_991 : memref<72x32xf32, #tpu.memory_space<vmem>>) offsets(%dma_start3A_994 : memref<72xi32, #tpu.memory_space<vmem>>) semaphore(%arg8 : memref<!tpu.dma_semaphore, #tpu.memory_space<semaphore_mem>>)
        %dma_start3A_998 = arith.constant 0 : i32
        %dma_start3A_999 = arith.constant 0 : i32
        %dma_start3A_1000 = arith.constant 200 : i32
        %dma_start3A_1001 = arith.constant 0 : i32
        %dma_start3A_1002 = tpu.memref_slice %arg6[%dma_start3A_999, %dma_start3A_1000, %dma_start3A_1001] : memref<2x1600x32xf32, #tpu.memory_space<vmem>> -> memref<1x128x32xf32, #tpu.memory_space<vmem>>
        %dma_start3A_1003 = tpu.memref_squeeze %dma_start3A_1002 : memref<1x128x32xf32, #tpu.memory_space<vmem>> -> memref<128x32xf32, #tpu.memory_space<vmem>>
        %dma_start3A_1004 = arith.constant 200 : i32
        %dma_start3A_1005 = tpu.memref_slice %arg5[%dma_start3A_998, %dma_start3A_1004] : memref<2x1600xi32, #tpu.memory_space<vmem>> -> memref<1x128xi32, #tpu.memory_space<vmem>>
        %dma_start3A_1006 = tpu.memref_squeeze %dma_start3A_1005 : memref<1x128xi32, #tpu.memory_space<vmem>> -> memref<128xi32, #tpu.memory_space<vmem>>
        %dma_start3A_1007 = arith.constant 0 : i32
        %dma_start3A_1008 = arith.constant 0 : i32
        %dma_start3A_1009 = tpu.memref_slice %arg2[%dma_start3A_1007, %dma_start3A_1008] : memref<1000000x32xf32, #tpu.memory_space<hbm>> -> memref<1000000x32xf32, #tpu.memory_space<hbm>>
        tpu.enqueue_indirect_dma source(%dma_start3A_1009 : memref<1000000x32xf32, #tpu.memory_space<hbm>>) target(%dma_start3A_1003 : memref<128x32xf32, #tpu.memory_space<vmem>>) offsets(%dma_start3A_1006 : memref<128xi32, #tpu.memory_space<vmem>>) semaphore(%arg8 : memref<!tpu.dma_semaphore, #tpu.memory_space<semaphore_mem>>)
        %dma_start3A_1010 = arith.constant 0 : i32
        %dma_start3A_1011 = arith.constant 0 : i32
        %dma_start3A_1012 = arith.constant 328 : i32
        %dma_start3A_1013 = arith.constant 0 : i32
        %dma_start3A_1014 = tpu.memref_slice %arg6[%dma_start3A_1011, %dma_start3A_1012, %dma_start3A_1013] : memref<2x1600x32xf32, #tpu.memory_space<vmem>> -> memref<1x72x32xf32, #tpu.memory_space<vmem>>
        %dma_start3A_1015 = tpu.memref_squeeze %dma_start3A_1014 : memref<1x72x32xf32, #tpu.memory_space<vmem>> -> memref<72x32xf32, #tpu.memory_space<vmem>>
        %dma_start3A_1016 = arith.constant 328 : i32
        %dma_start3A_1017 = tpu.memref_slice %arg5[%dma_start3A_1010, %dma_start3A_1016] : memref<2x1600xi32, #tpu.memory_space<vmem>> -> memref<1x72xi32, #tpu.memory_space<vmem>>
        %dma_start3A_1018 = tpu.memref_squeeze %dma_start3A_1017 : memref<1x72xi32, #tpu.memory_space<vmem>> -> memref<72xi32, #tpu.memory_space<vmem>>
        %dma_start3A_1019 = arith.constant 0 : i32
        %dma_start3A_1020 = arith.constant 0 : i32
        %dma_start3A_1021 = tpu.memref_slice %arg2[%dma_start3A_1019, %dma_start3A_1020] : memref<1000000x32xf32, #tpu.memory_space<hbm>> -> memref<1000000x32xf32, #tpu.memory_space<hbm>>
        tpu.enqueue_indirect_dma source(%dma_start3A_1021 : memref<1000000x32xf32, #tpu.memory_space<hbm>>) target(%dma_start3A_1015 : memref<72x32xf32, #tpu.memory_space<vmem>>) offsets(%dma_start3A_1018 : memref<72xi32, #tpu.memory_space<vmem>>) semaphore(%arg8 : memref<!tpu.dma_semaphore, #tpu.memory_space<semaphore_mem>>)
        %dma_start3A_1022 = arith.constant 0 : i32
        %dma_start3A_1023 = arith.constant 0 : i32
        %dma_start3A_1024 = arith.constant 400 : i32
        %dma_start3A_1025 = arith.constant 0 : i32
        %dma_start3A_1026 = tpu.memref_slice %arg6[%dma_start3A_1023, %dma_start3A_1024, %dma_start3A_1025] : memref<2x1600x32xf32, #tpu.memory_space<vmem>> -> memref<1x128x32xf32, #tpu.memory_space<vmem>>
        %dma_start3A_1027 = tpu.memref_squeeze %dma_start3A_1026 : memref<1x128x32xf32, #tpu.memory_space<vmem>> -> memref<128x32xf32, #tpu.memory_space<vmem>>
        %dma_start3A_1028 = arith.constant 400 : i32
        %dma_start3A_1029 = tpu.memref_slice %arg5[%dma_start3A_1022, %dma_start3A_1028] : memref<2x1600xi32, #tpu.memory_space<vmem>> -> memref<1x128xi32, #tpu.memory_space<vmem>>
        %dma_start3A_1030 = tpu.memref_squeeze %dma_start3A_1029 : memref<1x128xi32, #tpu.memory_space<vmem>> -> memref<128xi32, #tpu.memory_space<vmem>>
        %dma_start3A_1031 = arith.constant 0 : i32
        %dma_start3A_1032 = arith.constant 0 : i32
        %dma_start3A_1033 = tpu.memref_slice %arg2[%dma_start3A_1031, %dma_start3A_1032] : memref<1000000x32xf32, #tpu.memory_space<hbm>> -> memref<1000000x32xf32, #tpu.memory_space<hbm>>
        tpu.enqueue_indirect_dma source(%dma_start3A_1033 : memref<1000000x32xf32, #tpu.memory_space<hbm>>) target(%dma_start3A_1027 : memref<128x32xf32, #tpu.memory_space<vmem>>) offsets(%dma_start3A_1030 : memref<128xi32, #tpu.memory_space<vmem>>) semaphore(%arg8 : memref<!tpu.dma_semaphore, #tpu.memory_space<semaphore_mem>>)
        %dma_start3A_1034 = arith.constant 0 : i32
        %dma_start3A_1035 = arith.constant 0 : i32
        %dma_start3A_1036 = arith.constant 528 : i32
        %dma_start3A_1037 = arith.constant 0 : i32
        %dma_start3A_1038 = tpu.memref_slice %arg6[%dma_start3A_1035, %dma_start3A_1036, %dma_start3A_1037] : memref<2x1600x32xf32, #tpu.memory_space<vmem>> -> memref<1x72x32xf32, #tpu.memory_space<vmem>>
        %dma_start3A_1039 = tpu.memref_squeeze %dma_start3A_1038 : memref<1x72x32xf32, #tpu.memory_space<vmem>> -> memref<72x32xf32, #tpu.memory_space<vmem>>
        %dma_start3A_1040 = arith.constant 528 : i32
        %dma_start3A_1041 = tpu.memref_slice %arg5[%dma_start3A_1034, %dma_start3A_1040] : memref<2x1600xi32, #tpu.memory_space<vmem>> -> memref<1x72xi32, #tpu.memory_space<vmem>>
        %dma_start3A_1042 = tpu.memref_squeeze %dma_start3A_1041 : memref<1x72xi32, #tpu.memory_space<vmem>> -> memref<72xi32, #tpu.memory_space<vmem>>
        %dma_start3A_1043 = arith.constant 0 : i32
        %dma_start3A_1044 = arith.constant 0 : i32
        %dma_start3A_1045 = tpu.memref_slice %arg2[%dma_start3A_1043, %dma_start3A_1044] : memref<1000000x32xf32, #tpu.memory_space<hbm>> -> memref<1000000x32xf32, #tpu.memory_space<hbm>>
        tpu.enqueue_indirect_dma source(%dma_start3A_1045 : memref<1000000x32xf32, #tpu.memory_space<hbm>>) target(%dma_start3A_1039 : memref<72x32xf32, #tpu.memory_space<vmem>>) offsets(%dma_start3A_1042 : memref<72xi32, #tpu.memory_space<vmem>>) semaphore(%arg8 : memref<!tpu.dma_semaphore, #tpu.memory_space<semaphore_mem>>)
        %dma_start3A_1046 = arith.constant 0 : i32
        %dma_start3A_1047 = arith.constant 0 : i32
        %dma_start3A_1048 = arith.constant 600 : i32
        %dma_start3A_1049 = arith.constant 0 : i32
        %dma_start3A_1050 = tpu.memref_slice %arg6[%dma_start3A_1047, %dma_start3A_1048, %dma_start3A_1049] : memref<2x1600x32xf32, #tpu.memory_space<vmem>> -> memref<1x128x32xf32, #tpu.memory_space<vmem>>
        %dma_start3A_1051 = tpu.memref_squeeze %dma_start3A_1050 : memref<1x128x32xf32, #tpu.memory_space<vmem>> -> memref<128x32xf32, #tpu.memory_space<vmem>>
        %dma_start3A_1052 = arith.constant 600 : i32
        %dma_start3A_1053 = tpu.memref_slice %arg5[%dma_start3A_1046, %dma_start3A_1052] : memref<2x1600xi32, #tpu.memory_space<vmem>> -> memref<1x128xi32, #tpu.memory_space<vmem>>
        %dma_start3A_1054 = tpu.memref_squeeze %dma_start3A_1053 : memref<1x128xi32, #tpu.memory_space<vmem>> -> memref<128xi32, #tpu.memory_space<vmem>>
        %dma_start3A_1055 = arith.constant 0 : i32
        %dma_start3A_1056 = arith.constant 0 : i32
        %dma_start3A_1057 = tpu.memref_slice %arg2[%dma_start3A_1055, %dma_start3A_1056] : memref<1000000x32xf32, #tpu.memory_space<hbm>> -> memref<1000000x32xf32, #tpu.memory_space<hbm>>
        tpu.enqueue_indirect_dma source(%dma_start3A_1057 : memref<1000000x32xf32, #tpu.memory_space<hbm>>) target(%dma_start3A_1051 : memref<128x32xf32, #tpu.memory_space<vmem>>) offsets(%dma_start3A_1054 : memref<128xi32, #tpu.memory_space<vmem>>) semaphore(%arg8 : memref<!tpu.dma_semaphore, #tpu.memory_space<semaphore_mem>>)
        %dma_start3A_1058 = arith.constant 0 : i32
        %dma_start3A_1059 = arith.constant 0 : i32
        %dma_start3A_1060 = arith.constant 728 : i32
        %dma_start3A_1061 = arith.constant 0 : i32
        %dma_start3A_1062 = tpu.memref_slice %arg6[%dma_start3A_1059, %dma_start3A_1060, %dma_start3A_1061] : memref<2x1600x32xf32, #tpu.memory_space<vmem>> -> memref<1x72x32xf32, #tpu.memory_space<vmem>>
        %dma_start3A_1063 = tpu.memref_squeeze %dma_start3A_1062 : memref<1x72x32xf32, #tpu.memory_space<vmem>> -> memref<72x32xf32, #tpu.memory_space<vmem>>
        %dma_start3A_1064 = arith.constant 728 : i32
        %dma_start3A_1065 = tpu.memref_slice %arg5[%dma_start3A_1058, %dma_start3A_1064] : memref<2x1600xi32, #tpu.memory_space<vmem>> -> memref<1x72xi32, #tpu.memory_space<vmem>>
        %dma_start3A_1066 = tpu.memref_squeeze %dma_start3A_1065 : memref<1x72xi32, #tpu.memory_space<vmem>> -> memref<72xi32, #tpu.memory_space<vmem>>
        %dma_start3A_1067 = arith.constant 0 : i32
        %dma_start3A_1068 = arith.constant 0 : i32
        %dma_start3A_1069 = tpu.memref_slice %arg2[%dma_start3A_1067, %dma_start3A_1068] : memref<1000000x32xf32, #tpu.memory_space<hbm>> -> memref<1000000x32xf32, #tpu.memory_space<hbm>>
        tpu.enqueue_indirect_dma source(%dma_start3A_1069 : memref<1000000x32xf32, #tpu.memory_space<hbm>>) target(%dma_start3A_1063 : memref<72x32xf32, #tpu.memory_space<vmem>>) offsets(%dma_start3A_1066 : memref<72xi32, #tpu.memory_space<vmem>>) semaphore(%arg8 : memref<!tpu.dma_semaphore, #tpu.memory_space<semaphore_mem>>)
        %dma_start3A_1070 = arith.constant 0 : i32
        %dma_start3A_1071 = arith.constant 0 : i32
        %dma_start3A_1072 = arith.constant 800 : i32
        %dma_start3A_1073 = arith.constant 0 : i32
        %dma_start3A_1074 = tpu.memref_slice %arg6[%dma_start3A_1071, %dma_start3A_1072, %dma_start3A_1073] : memref<2x1600x32xf32, #tpu.memory_space<vmem>> -> memref<1x128x32xf32, #tpu.memory_space<vmem>>
        %dma_start3A_1075 = tpu.memref_squeeze %dma_start3A_1074 : memref<1x128x32xf32, #tpu.memory_space<vmem>> -> memref<128x32xf32, #tpu.memory_space<vmem>>
        %dma_start3A_1076 = arith.constant 800 : i32
        %dma_start3A_1077 = tpu.memref_slice %arg5[%dma_start3A_1070, %dma_start3A_1076] : memref<2x1600xi32, #tpu.memory_space<vmem>> -> memref<1x128xi32, #tpu.memory_space<vmem>>
        %dma_start3A_1078 = tpu.memref_squeeze %dma_start3A_1077 : memref<1x128xi32, #tpu.memory_space<vmem>> -> memref<128xi32, #tpu.memory_space<vmem>>
        %dma_start3A_1079 = arith.constant 0 : i32
        %dma_start3A_1080 = arith.constant 0 : i32
        %dma_start3A_1081 = tpu.memref_slice %arg2[%dma_start3A_1079, %dma_start3A_1080] : memref<1000000x32xf32, #tpu.memory_space<hbm>> -> memref<1000000x32xf32, #tpu.memory_space<hbm>>
        tpu.enqueue_indirect_dma source(%dma_start3A_1081 : memref<1000000x32xf32, #tpu.memory_space<hbm>>) target(%dma_start3A_1075 : memref<128x32xf32, #tpu.memory_space<vmem>>) offsets(%dma_start3A_1078 : memref<128xi32, #tpu.memory_space<vmem>>) semaphore(%arg8 : memref<!tpu.dma_semaphore, #tpu.memory_space<semaphore_mem>>)
        %dma_start3A_1082 = arith.constant 0 : i32
        %dma_start3A_1083 = arith.constant 0 : i32
        %dma_start3A_1084 = arith.constant 928 : i32
        %dma_start3A_1085 = arith.constant 0 : i32
        %dma_start3A_1086 = tpu.memref_slice %arg6[%dma_start3A_1083, %dma_start3A_1084, %dma_start3A_1085] : memref<2x1600x32xf32, #tpu.memory_space<vmem>> -> memref<1x72x32xf32, #tpu.memory_space<vmem>>
        %dma_start3A_1087 = tpu.memref_squeeze %dma_start3A_1086 : memref<1x72x32xf32, #tpu.memory_space<vmem>> -> memref<72x32xf32, #tpu.memory_space<vmem>>
        %dma_start3A_1088 = arith.constant 928 : i32
        %dma_start3A_1089 = tpu.memref_slice %arg5[%dma_start3A_1082, %dma_start3A_1088] : memref<2x1600xi32, #tpu.memory_space<vmem>> -> memref<1x72xi32, #tpu.memory_space<vmem>>
        %dma_start3A_1090 = tpu.memref_squeeze %dma_start3A_1089 : memref<1x72xi32, #tpu.memory_space<vmem>> -> memref<72xi32, #tpu.memory_space<vmem>>
        %dma_start3A_1091 = arith.constant 0 : i32
        %dma_start3A_1092 = arith.constant 0 : i32
        %dma_start3A_1093 = tpu.memref_slice %arg2[%dma_start3A_1091, %dma_start3A_1092] : memref<1000000x32xf32, #tpu.memory_space<hbm>> -> memref<1000000x32xf32, #tpu.memory_space<hbm>>
        tpu.enqueue_indirect_dma source(%dma_start3A_1093 : memref<1000000x32xf32, #tpu.memory_space<hbm>>) target(%dma_start3A_1087 : memref<72x32xf32, #tpu.memory_space<vmem>>) offsets(%dma_start3A_1090 : memref<72xi32, #tpu.memory_space<vmem>>) semaphore(%arg8 : memref<!tpu.dma_semaphore, #tpu.memory_space<semaphore_mem>>)
        %dma_start3A_1094 = arith.constant 0 : i32
        %dma_start3A_1095 = arith.constant 0 : i32
        %dma_start3A_1096 = arith.constant 1000 : i32
        %dma_start3A_1097 = arith.constant 0 : i32
        %dma_start3A_1098 = tpu.memref_slice %arg6[%dma_start3A_1095, %dma_start3A_1096, %dma_start3A_1097] : memref<2x1600x32xf32, #tpu.memory_space<vmem>> -> memref<1x128x32xf32, #tpu.memory_space<vmem>>
        %dma_start3A_1099 = tpu.memref_squeeze %dma_start3A_1098 : memref<1x128x32xf32, #tpu.memory_space<vmem>> -> memref<128x32xf32, #tpu.memory_space<vmem>>
        %dma_start3A_1100 = arith.constant 1000 : i32
        %dma_start3A_1101 = tpu.memref_slice %arg5[%dma_start3A_1094, %dma_start3A_1100] : memref<2x1600xi32, #tpu.memory_space<vmem>> -> memref<1x128xi32, #tpu.memory_space<vmem>>
        %dma_start3A_1102 = tpu.memref_squeeze %dma_start3A_1101 : memref<1x128xi32, #tpu.memory_space<vmem>> -> memref<128xi32, #tpu.memory_space<vmem>>
        %dma_start3A_1103 = arith.constant 0 : i32
        %dma_start3A_1104 = arith.constant 0 : i32
        %dma_start3A_1105 = tpu.memref_slice %arg2[%dma_start3A_1103, %dma_start3A_1104] : memref<1000000x32xf32, #tpu.memory_space<hbm>> -> memref<1000000x32xf32, #tpu.memory_space<hbm>>
        tpu.enqueue_indirect_dma source(%dma_start3A_1105 : memref<1000000x32xf32, #tpu.memory_space<hbm>>) target(%dma_start3A_1099 : memref<128x32xf32, #tpu.memory_space<vmem>>) offsets(%dma_start3A_1102 : memref<128xi32, #tpu.memory_space<vmem>>) semaphore(%arg8 : memref<!tpu.dma_semaphore, #tpu.memory_space<semaphore_mem>>)
        %dma_start3A_1106 = arith.constant 0 : i32
        %dma_start3A_1107 = arith.constant 0 : i32
        %dma_start3A_1108 = arith.constant 1128 : i32
        %dma_start3A_1109 = arith.constant 0 : i32
        %dma_start3A_1110 = tpu.memref_slice %arg6[%dma_start3A_1107, %dma_start3A_1108, %dma_start3A_1109] : memref<2x1600x32xf32, #tpu.memory_space<vmem>> -> memref<1x72x32xf32, #tpu.memory_space<vmem>>
        %dma_start3A_1111 = tpu.memref_squeeze %dma_start3A_1110 : memref<1x72x32xf32, #tpu.memory_space<vmem>> -> memref<72x32xf32, #tpu.memory_space<vmem>>
        %dma_start3A_1112 = arith.constant 1128 : i32
        %dma_start3A_1113 = tpu.memref_slice %arg5[%dma_start3A_1106, %dma_start3A_1112] : memref<2x1600xi32, #tpu.memory_space<vmem>> -> memref<1x72xi32, #tpu.memory_space<vmem>>
        %dma_start3A_1114 = tpu.memref_squeeze %dma_start3A_1113 : memref<1x72xi32, #tpu.memory_space<vmem>> -> memref<72xi32, #tpu.memory_space<vmem>>
        %dma_start3A_1115 = arith.constant 0 : i32
        %dma_start3A_1116 = arith.constant 0 : i32
        %dma_start3A_1117 = tpu.memref_slice %arg2[%dma_start3A_1115, %dma_start3A_1116] : memref<1000000x32xf32, #tpu.memory_space<hbm>> -> memref<1000000x32xf32, #tpu.memory_space<hbm>>
        tpu.enqueue_indirect_dma source(%dma_start3A_1117 : memref<1000000x32xf32, #tpu.memory_space<hbm>>) target(%dma_start3A_1111 : memref<72x32xf32, #tpu.memory_space<vmem>>) offsets(%dma_start3A_1114 : memref<72xi32, #tpu.memory_space<vmem>>) semaphore(%arg8 : memref<!tpu.dma_semaphore, #tpu.memory_space<semaphore_mem>>)
        %dma_start3A_1118 = arith.constant 0 : i32
        %dma_start3A_1119 = arith.constant 0 : i32
        %dma_start3A_1120 = arith.constant 1200 : i32
        %dma_start3A_1121 = arith.constant 0 : i32
        %dma_start3A_1122 = tpu.memref_slice %arg6[%dma_start3A_1119, %dma_start3A_1120, %dma_start3A_1121] : memref<2x1600x32xf32, #tpu.memory_space<vmem>> -> memref<1x128x32xf32, #tpu.memory_space<vmem>>
        %dma_start3A_1123 = tpu.memref_squeeze %dma_start3A_1122 : memref<1x128x32xf32, #tpu.memory_space<vmem>> -> memref<128x32xf32, #tpu.memory_space<vmem>>
        %dma_start3A_1124 = arith.constant 1200 : i32
        %dma_start3A_1125 = tpu.memref_slice %arg5[%dma_start3A_1118, %dma_start3A_1124] : memref<2x1600xi32, #tpu.memory_space<vmem>> -> memref<1x128xi32, #tpu.memory_space<vmem>>
        %dma_start3A_1126 = tpu.memref_squeeze %dma_start3A_1125 : memref<1x128xi32, #tpu.memory_space<vmem>> -> memref<128xi32, #tpu.memory_space<vmem>>
        %dma_start3A_1127 = arith.constant 0 : i32
        %dma_start3A_1128 = arith.constant 0 : i32
        %dma_start3A_1129 = tpu.memref_slice %arg2[%dma_start3A_1127, %dma_start3A_1128] : memref<1000000x32xf32, #tpu.memory_space<hbm>> -> memref<1000000x32xf32, #tpu.memory_space<hbm>>
        tpu.enqueue_indirect_dma source(%dma_start3A_1129 : memref<1000000x32xf32, #tpu.memory_space<hbm>>) target(%dma_start3A_1123 : memref<128x32xf32, #tpu.memory_space<vmem>>) offsets(%dma_start3A_1126 : memref<128xi32, #tpu.memory_space<vmem>>) semaphore(%arg8 : memref<!tpu.dma_semaphore, #tpu.memory_space<semaphore_mem>>)
        %dma_start3A_1130 = arith.constant 0 : i32
        %dma_start3A_1131 = arith.constant 0 : i32
        %dma_start3A_1132 = arith.constant 1328 : i32
        %dma_start3A_1133 = arith.constant 0 : i32
        %dma_start3A_1134 = tpu.memref_slice %arg6[%dma_start3A_1131, %dma_start3A_1132, %dma_start3A_1133] : memref<2x1600x32xf32, #tpu.memory_space<vmem>> -> memref<1x72x32xf32, #tpu.memory_space<vmem>>
        %dma_start3A_1135 = tpu.memref_squeeze %dma_start3A_1134 : memref<1x72x32xf32, #tpu.memory_space<vmem>> -> memref<72x32xf32, #tpu.memory_space<vmem>>
        %dma_start3A_1136 = arith.constant 1328 : i32
        %dma_start3A_1137 = tpu.memref_slice %arg5[%dma_start3A_1130, %dma_start3A_1136] : memref<2x1600xi32, #tpu.memory_space<vmem>> -> memref<1x72xi32, #tpu.memory_space<vmem>>
        %dma_start3A_1138 = tpu.memref_squeeze %dma_start3A_1137 : memref<1x72xi32, #tpu.memory_space<vmem>> -> memref<72xi32, #tpu.memory_space<vmem>>
        %dma_start3A_1139 = arith.constant 0 : i32
        %dma_start3A_1140 = arith.constant 0 : i32
        %dma_start3A_1141 = tpu.memref_slice %arg2[%dma_start3A_1139, %dma_start3A_1140] : memref<1000000x32xf32, #tpu.memory_space<hbm>> -> memref<1000000x32xf32, #tpu.memory_space<hbm>>
        tpu.enqueue_indirect_dma source(%dma_start3A_1141 : memref<1000000x32xf32, #tpu.memory_space<hbm>>) target(%dma_start3A_1135 : memref<72x32xf32, #tpu.memory_space<vmem>>) offsets(%dma_start3A_1138 : memref<72xi32, #tpu.memory_space<vmem>>) semaphore(%arg8 : memref<!tpu.dma_semaphore, #tpu.memory_space<semaphore_mem>>)
        %dma_start3A_1142 = arith.constant 0 : i32
        %dma_start3A_1143 = arith.constant 0 : i32
        %dma_start3A_1144 = arith.constant 1400 : i32
        %dma_start3A_1145 = arith.constant 0 : i32
        %dma_start3A_1146 = tpu.memref_slice %arg6[%dma_start3A_1143, %dma_start3A_1144, %dma_start3A_1145] : memref<2x1600x32xf32, #tpu.memory_space<vmem>> -> memref<1x128x32xf32, #tpu.memory_space<vmem>>
        %dma_start3A_1147 = tpu.memref_squeeze %dma_start3A_1146 : memref<1x128x32xf32, #tpu.memory_space<vmem>> -> memref<128x32xf32, #tpu.memory_space<vmem>>
        %dma_start3A_1148 = arith.constant 1400 : i32
        %dma_start3A_1149 = tpu.memref_slice %arg5[%dma_start3A_1142, %dma_start3A_1148] : memref<2x1600xi32, #tpu.memory_space<vmem>> -> memref<1x128xi32, #tpu.memory_space<vmem>>
        %dma_start3A_1150 = tpu.memref_squeeze %dma_start3A_1149 : memref<1x128xi32, #tpu.memory_space<vmem>> -> memref<128xi32, #tpu.memory_space<vmem>>
        %dma_start3A_1151 = arith.constant 0 : i32
        %dma_start3A_1152 = arith.constant 0 : i32
        %dma_start3A_1153 = tpu.memref_slice %arg2[%dma_start3A_1151, %dma_start3A_1152] : memref<1000000x32xf32, #tpu.memory_space<hbm>> -> memref<1000000x32xf32, #tpu.memory_space<hbm>>
        tpu.enqueue_indirect_dma source(%dma_start3A_1153 : memref<1000000x32xf32, #tpu.memory_space<hbm>>) target(%dma_start3A_1147 : memref<128x32xf32, #tpu.memory_space<vmem>>) offsets(%dma_start3A_1150 : memref<128xi32, #tpu.memory_space<vmem>>) semaphore(%arg8 : memref<!tpu.dma_semaphore, #tpu.memory_space<semaphore_mem>>)
        %dma_start3A_1154 = arith.constant 0 : i32
        %dma_start3A_1155 = arith.constant 0 : i32
        %dma_start3A_1156 = arith.constant 1528 : i32
        %dma_start3A_1157 = arith.constant 0 : i32
        %dma_start3A_1158 = tpu.memref_slice %arg6[%dma_start3A_1155, %dma_start3A_1156, %dma_start3A_1157] : memref<2x1600x32xf32, #tpu.memory_space<vmem>> -> memref<1x72x32xf32, #tpu.memory_space<vmem>>
        %dma_start3A_1159 = tpu.memref_squeeze %dma_start3A_1158 : memref<1x72x32xf32, #tpu.memory_space<vmem>> -> memref<72x32xf32, #tpu.memory_space<vmem>>
        %dma_start3A_1160 = arith.constant 1528 : i32
        %dma_start3A_1161 = tpu.memref_slice %arg5[%dma_start3A_1154, %dma_start3A_1160] : memref<2x1600xi32, #tpu.memory_space<vmem>> -> memref<1x72xi32, #tpu.memory_space<vmem>>
        %dma_start3A_1162 = tpu.memref_squeeze %dma_start3A_1161 : memref<1x72xi32, #tpu.memory_space<vmem>> -> memref<72xi32, #tpu.memory_space<vmem>>
        %dma_start3A_1163 = arith.constant 0 : i32
        %dma_start3A_1164 = arith.constant 0 : i32
        %dma_start3A_1165 = tpu.memref_slice %arg2[%dma_start3A_1163, %dma_start3A_1164] : memref<1000000x32xf32, #tpu.memory_space<hbm>> -> memref<1000000x32xf32, #tpu.memory_space<hbm>>
        tpu.enqueue_indirect_dma source(%dma_start3A_1165 : memref<1000000x32xf32, #tpu.memory_space<hbm>>) target(%dma_start3A_1159 : memref<72x32xf32, #tpu.memory_space<vmem>>) offsets(%dma_start3A_1162 : memref<72xi32, #tpu.memory_space<vmem>>) semaphore(%arg8 : memref<!tpu.dma_semaphore, #tpu.memory_space<semaphore_mem>>)
      } else {
      }
      %dma_wait3A_601 = arith.constant 1 : i32
      %dma_wait3A_602 = arith.constant 1 : i32
      %dma_wait3A_603 = arith.constant 0 : i32
      %dma_wait3A_604 = arith.constant 0 : i32
      %dma_wait3A_605 = tpu.memref_slice %arg6[%dma_wait3A_602, %dma_wait3A_603, %dma_wait3A_604] : memref<2x1600x32xf32, #tpu.memory_space<vmem>> -> memref<1x128x32xf32, #tpu.memory_space<vmem>>
      %dma_wait3A_606 = tpu.memref_squeeze %dma_wait3A_605 : memref<1x128x32xf32, #tpu.memory_space<vmem>> -> memref<128x32xf32, #tpu.memory_space<vmem>>
      %dma_wait3A_607 = arith.constant 0 : i32
      %dma_wait3A_608 = tpu.memref_slice %arg5[%dma_wait3A_601, %dma_wait3A_607] : memref<2x1600xi32, #tpu.memory_space<vmem>> -> memref<1x128xi32, #tpu.memory_space<vmem>>
      %dma_wait3A_609 = tpu.memref_squeeze %dma_wait3A_608 : memref<1x128xi32, #tpu.memory_space<vmem>> -> memref<128xi32, #tpu.memory_space<vmem>>
      %dma_wait3A_610 = arith.constant 0 : i32
      %dma_wait3A_611 = arith.constant 0 : i32
      %dma_wait3A_612 = tpu.memref_slice %arg2[%dma_wait3A_610, %dma_wait3A_611] : memref<1000000x32xf32, #tpu.memory_space<hbm>> -> memref<1000000x32xf32, #tpu.memory_space<hbm>>
      tpu.wait_indirect_dma semaphore(%arg9 : memref<!tpu.dma_semaphore, #tpu.memory_space<semaphore_mem>>) src(%dma_wait3A_612 : memref<1000000x32xf32, #tpu.memory_space<hbm>>) dst(%dma_wait3A_606 : memref<128x32xf32, #tpu.memory_space<vmem>>)
      %dma_wait3A_613 = arith.constant 1 : i32
      %dma_wait3A_614 = arith.constant 1 : i32
      %dma_wait3A_615 = arith.constant 128 : i32
      %dma_wait3A_616 = arith.constant 0 : i32
      %dma_wait3A_617 = tpu.memref_slice %arg6[%dma_wait3A_614, %dma_wait3A_615, %dma_wait3A_616] : memref<2x1600x32xf32, #tpu.memory_space<vmem>> -> memref<1x72x32xf32, #tpu.memory_space<vmem>>
      %dma_wait3A_618 = tpu.memref_squeeze %dma_wait3A_617 : memref<1x72x32xf32, #tpu.memory_space<vmem>> -> memref<72x32xf32, #tpu.memory_space<vmem>>
      %dma_wait3A_619 = arith.constant 128 : i32
      %dma_wait3A_620 = tpu.memref_slice %arg5[%dma_wait3A_613, %dma_wait3A_619] : memref<2x1600xi32, #tpu.memory_space<vmem>> -> memref<1x72xi32, #tpu.memory_space<vmem>>
      %dma_wait3A_621 = tpu.memref_squeeze %dma_wait3A_620 : memref<1x72xi32, #tpu.memory_space<vmem>> -> memref<72xi32, #tpu.memory_space<vmem>>
      %dma_wait3A_622 = arith.constant 0 : i32
      %dma_wait3A_623 = arith.constant 0 : i32
      %dma_wait3A_624 = tpu.memref_slice %arg2[%dma_wait3A_622, %dma_wait3A_623] : memref<1000000x32xf32, #tpu.memory_space<hbm>> -> memref<1000000x32xf32, #tpu.memory_space<hbm>>
      tpu.wait_indirect_dma semaphore(%arg9 : memref<!tpu.dma_semaphore, #tpu.memory_space<semaphore_mem>>) src(%dma_wait3A_624 : memref<1000000x32xf32, #tpu.memory_space<hbm>>) dst(%dma_wait3A_618 : memref<72x32xf32, #tpu.memory_space<vmem>>)
      %dma_wait3A_625 = arith.constant 1 : i32
      %dma_wait3A_626 = arith.constant 1 : i32
      %dma_wait3A_627 = arith.constant 200 : i32
      %dma_wait3A_628 = arith.constant 0 : i32
      %dma_wait3A_629 = tpu.memref_slice %arg6[%dma_wait3A_626, %dma_wait3A_627, %dma_wait3A_628] : memref<2x1600x32xf32, #tpu.memory_space<vmem>> -> memref<1x128x32xf32, #tpu.memory_space<vmem>>
      %dma_wait3A_630 = tpu.memref_squeeze %dma_wait3A_629 : memref<1x128x32xf32, #tpu.memory_space<vmem>> -> memref<128x32xf32, #tpu.memory_space<vmem>>
      %dma_wait3A_631 = arith.constant 200 : i32
      %dma_wait3A_632 = tpu.memref_slice %arg5[%dma_wait3A_625, %dma_wait3A_631] : memref<2x1600xi32, #tpu.memory_space<vmem>> -> memref<1x128xi32, #tpu.memory_space<vmem>>
      %dma_wait3A_633 = tpu.memref_squeeze %dma_wait3A_632 : memref<1x128xi32, #tpu.memory_space<vmem>> -> memref<128xi32, #tpu.memory_space<vmem>>
      %dma_wait3A_634 = arith.constant 0 : i32
      %dma_wait3A_635 = arith.constant 0 : i32
      %dma_wait3A_636 = tpu.memref_slice %arg2[%dma_wait3A_634, %dma_wait3A_635] : memref<1000000x32xf32, #tpu.memory_space<hbm>> -> memref<1000000x32xf32, #tpu.memory_space<hbm>>
      tpu.wait_indirect_dma semaphore(%arg9 : memref<!tpu.dma_semaphore, #tpu.memory_space<semaphore_mem>>) src(%dma_wait3A_636 : memref<1000000x32xf32, #tpu.memory_space<hbm>>) dst(%dma_wait3A_630 : memref<128x32xf32, #tpu.memory_space<vmem>>)
      %dma_wait3A_637 = arith.constant 1 : i32
      %dma_wait3A_638 = arith.constant 1 : i32
      %dma_wait3A_639 = arith.constant 328 : i32
      %dma_wait3A_640 = arith.constant 0 : i32
      %dma_wait3A_641 = tpu.memref_slice %arg6[%dma_wait3A_638, %dma_wait3A_639, %dma_wait3A_640] : memref<2x1600x32xf32, #tpu.memory_space<vmem>> -> memref<1x72x32xf32, #tpu.memory_space<vmem>>
      %dma_wait3A_642 = tpu.memref_squeeze %dma_wait3A_641 : memref<1x72x32xf32, #tpu.memory_space<vmem>> -> memref<72x32xf32, #tpu.memory_space<vmem>>
      %dma_wait3A_643 = arith.constant 328 : i32
      %dma_wait3A_644 = tpu.memref_slice %arg5[%dma_wait3A_637, %dma_wait3A_643] : memref<2x1600xi32, #tpu.memory_space<vmem>> -> memref<1x72xi32, #tpu.memory_space<vmem>>
      %dma_wait3A_645 = tpu.memref_squeeze %dma_wait3A_644 : memref<1x72xi32, #tpu.memory_space<vmem>> -> memref<72xi32, #tpu.memory_space<vmem>>
      %dma_wait3A_646 = arith.constant 0 : i32
      %dma_wait3A_647 = arith.constant 0 : i32
      %dma_wait3A_648 = tpu.memref_slice %arg2[%dma_wait3A_646, %dma_wait3A_647] : memref<1000000x32xf32, #tpu.memory_space<hbm>> -> memref<1000000x32xf32, #tpu.memory_space<hbm>>
      tpu.wait_indirect_dma semaphore(%arg9 : memref<!tpu.dma_semaphore, #tpu.memory_space<semaphore_mem>>) src(%dma_wait3A_648 : memref<1000000x32xf32, #tpu.memory_space<hbm>>) dst(%dma_wait3A_642 : memref<72x32xf32, #tpu.memory_space<vmem>>)
      %dma_wait3A_649 = arith.constant 1 : i32
      %dma_wait3A_650 = arith.constant 1 : i32
      %dma_wait3A_651 = arith.constant 400 : i32
      %dma_wait3A_652 = arith.constant 0 : i32
      %dma_wait3A_653 = tpu.memref_slice %arg6[%dma_wait3A_650, %dma_wait3A_651, %dma_wait3A_652] : memref<2x1600x32xf32, #tpu.memory_space<vmem>> -> memref<1x128x32xf32, #tpu.memory_space<vmem>>
      %dma_wait3A_654 = tpu.memref_squeeze %dma_wait3A_653 : memref<1x128x32xf32, #tpu.memory_space<vmem>> -> memref<128x32xf32, #tpu.memory_space<vmem>>
      %dma_wait3A_655 = arith.constant 400 : i32
      %dma_wait3A_656 = tpu.memref_slice %arg5[%dma_wait3A_649, %dma_wait3A_655] : memref<2x1600xi32, #tpu.memory_space<vmem>> -> memref<1x128xi32, #tpu.memory_space<vmem>>
      %dma_wait3A_657 = tpu.memref_squeeze %dma_wait3A_656 : memref<1x128xi32, #tpu.memory_space<vmem>> -> memref<128xi32, #tpu.memory_space<vmem>>
      %dma_wait3A_658 = arith.constant 0 : i32
      %dma_wait3A_659 = arith.constant 0 : i32
      %dma_wait3A_660 = tpu.memref_slice %arg2[%dma_wait3A_658, %dma_wait3A_659] : memref<1000000x32xf32, #tpu.memory_space<hbm>> -> memref<1000000x32xf32, #tpu.memory_space<hbm>>
      tpu.wait_indirect_dma semaphore(%arg9 : memref<!tpu.dma_semaphore, #tpu.memory_space<semaphore_mem>>) src(%dma_wait3A_660 : memref<1000000x32xf32, #tpu.memory_space<hbm>>) dst(%dma_wait3A_654 : memref<128x32xf32, #tpu.memory_space<vmem>>)
      %dma_wait3A_661 = arith.constant 1 : i32
      %dma_wait3A_662 = arith.constant 1 : i32
      %dma_wait3A_663 = arith.constant 528 : i32
      %dma_wait3A_664 = arith.constant 0 : i32
      %dma_wait3A_665 = tpu.memref_slice %arg6[%dma_wait3A_662, %dma_wait3A_663, %dma_wait3A_664] : memref<2x1600x32xf32, #tpu.memory_space<vmem>> -> memref<1x72x32xf32, #tpu.memory_space<vmem>>
      %dma_wait3A_666 = tpu.memref_squeeze %dma_wait3A_665 : memref<1x72x32xf32, #tpu.memory_space<vmem>> -> memref<72x32xf32, #tpu.memory_space<vmem>>
      %dma_wait3A_667 = arith.constant 528 : i32
      %dma_wait3A_668 = tpu.memref_slice %arg5[%dma_wait3A_661, %dma_wait3A_667] : memref<2x1600xi32, #tpu.memory_space<vmem>> -> memref<1x72xi32, #tpu.memory_space<vmem>>
      %dma_wait3A_669 = tpu.memref_squeeze %dma_wait3A_668 : memref<1x72xi32, #tpu.memory_space<vmem>> -> memref<72xi32, #tpu.memory_space<vmem>>
      %dma_wait3A_670 = arith.constant 0 : i32
      %dma_wait3A_671 = arith.constant 0 : i32
      %dma_wait3A_672 = tpu.memref_slice %arg2[%dma_wait3A_670, %dma_wait3A_671] : memref<1000000x32xf32, #tpu.memory_space<hbm>> -> memref<1000000x32xf32, #tpu.memory_space<hbm>>
      tpu.wait_indirect_dma semaphore(%arg9 : memref<!tpu.dma_semaphore, #tpu.memory_space<semaphore_mem>>) src(%dma_wait3A_672 : memref<1000000x32xf32, #tpu.memory_space<hbm>>) dst(%dma_wait3A_666 : memref<72x32xf32, #tpu.memory_space<vmem>>)
      %dma_wait3A_673 = arith.constant 1 : i32
      %dma_wait3A_674 = arith.constant 1 : i32
      %dma_wait3A_675 = arith.constant 600 : i32
      %dma_wait3A_676 = arith.constant 0 : i32
      %dma_wait3A_677 = tpu.memref_slice %arg6[%dma_wait3A_674, %dma_wait3A_675, %dma_wait3A_676] : memref<2x1600x32xf32, #tpu.memory_space<vmem>> -> memref<1x128x32xf32, #tpu.memory_space<vmem>>
      %dma_wait3A_678 = tpu.memref_squeeze %dma_wait3A_677 : memref<1x128x32xf32, #tpu.memory_space<vmem>> -> memref<128x32xf32, #tpu.memory_space<vmem>>
      %dma_wait3A_679 = arith.constant 600 : i32
      %dma_wait3A_680 = tpu.memref_slice %arg5[%dma_wait3A_673, %dma_wait3A_679] : memref<2x1600xi32, #tpu.memory_space<vmem>> -> memref<1x128xi32, #tpu.memory_space<vmem>>
      %dma_wait3A_681 = tpu.memref_squeeze %dma_wait3A_680 : memref<1x128xi32, #tpu.memory_space<vmem>> -> memref<128xi32, #tpu.memory_space<vmem>>
      %dma_wait3A_682 = arith.constant 0 : i32
      %dma_wait3A_683 = arith.constant 0 : i32
      %dma_wait3A_684 = tpu.memref_slice %arg2[%dma_wait3A_682, %dma_wait3A_683] : memref<1000000x32xf32, #tpu.memory_space<hbm>> -> memref<1000000x32xf32, #tpu.memory_space<hbm>>
      tpu.wait_indirect_dma semaphore(%arg9 : memref<!tpu.dma_semaphore, #tpu.memory_space<semaphore_mem>>) src(%dma_wait3A_684 : memref<1000000x32xf32, #tpu.memory_space<hbm>>) dst(%dma_wait3A_678 : memref<128x32xf32, #tpu.memory_space<vmem>>)
      %dma_wait3A_685 = arith.constant 1 : i32
      %dma_wait3A_686 = arith.constant 1 : i32
      %dma_wait3A_687 = arith.constant 728 : i32
      %dma_wait3A_688 = arith.constant 0 : i32
      %dma_wait3A_689 = tpu.memref_slice %arg6[%dma_wait3A_686, %dma_wait3A_687, %dma_wait3A_688] : memref<2x1600x32xf32, #tpu.memory_space<vmem>> -> memref<1x72x32xf32, #tpu.memory_space<vmem>>
      %dma_wait3A_690 = tpu.memref_squeeze %dma_wait3A_689 : memref<1x72x32xf32, #tpu.memory_space<vmem>> -> memref<72x32xf32, #tpu.memory_space<vmem>>
      %dma_wait3A_691 = arith.constant 728 : i32
      %dma_wait3A_692 = tpu.memref_slice %arg5[%dma_wait3A_685, %dma_wait3A_691] : memref<2x1600xi32, #tpu.memory_space<vmem>> -> memref<1x72xi32, #tpu.memory_space<vmem>>
      %dma_wait3A_693 = tpu.memref_squeeze %dma_wait3A_692 : memref<1x72xi32, #tpu.memory_space<vmem>> -> memref<72xi32, #tpu.memory_space<vmem>>
      %dma_wait3A_694 = arith.constant 0 : i32
      %dma_wait3A_695 = arith.constant 0 : i32
      %dma_wait3A_696 = tpu.memref_slice %arg2[%dma_wait3A_694, %dma_wait3A_695] : memref<1000000x32xf32, #tpu.memory_space<hbm>> -> memref<1000000x32xf32, #tpu.memory_space<hbm>>
      tpu.wait_indirect_dma semaphore(%arg9 : memref<!tpu.dma_semaphore, #tpu.memory_space<semaphore_mem>>) src(%dma_wait3A_696 : memref<1000000x32xf32, #tpu.memory_space<hbm>>) dst(%dma_wait3A_690 : memref<72x32xf32, #tpu.memory_space<vmem>>)
      %dma_wait3A_697 = arith.constant 1 : i32
      %dma_wait3A_698 = arith.constant 1 : i32
      %dma_wait3A_699 = arith.constant 800 : i32
      %dma_wait3A_700 = arith.constant 0 : i32
      %dma_wait3A_701 = tpu.memref_slice %arg6[%dma_wait3A_698, %dma_wait3A_699, %dma_wait3A_700] : memref<2x1600x32xf32, #tpu.memory_space<vmem>> -> memref<1x128x32xf32, #tpu.memory_space<vmem>>
      %dma_wait3A_702 = tpu.memref_squeeze %dma_wait3A_701 : memref<1x128x32xf32, #tpu.memory_space<vmem>> -> memref<128x32xf32, #tpu.memory_space<vmem>>
      %dma_wait3A_703 = arith.constant 800 : i32
      %dma_wait3A_704 = tpu.memref_slice %arg5[%dma_wait3A_697, %dma_wait3A_703] : memref<2x1600xi32, #tpu.memory_space<vmem>> -> memref<1x128xi32, #tpu.memory_space<vmem>>
      %dma_wait3A_705 = tpu.memref_squeeze %dma_wait3A_704 : memref<1x128xi32, #tpu.memory_space<vmem>> -> memref<128xi32, #tpu.memory_space<vmem>>
      %dma_wait3A_706 = arith.constant 0 : i32
      %dma_wait3A_707 = arith.constant 0 : i32
      %dma_wait3A_708 = tpu.memref_slice %arg2[%dma_wait3A_706, %dma_wait3A_707] : memref<1000000x32xf32, #tpu.memory_space<hbm>> -> memref<1000000x32xf32, #tpu.memory_space<hbm>>
      tpu.wait_indirect_dma semaphore(%arg9 : memref<!tpu.dma_semaphore, #tpu.memory_space<semaphore_mem>>) src(%dma_wait3A_708 : memref<1000000x32xf32, #tpu.memory_space<hbm>>) dst(%dma_wait3A_702 : memref<128x32xf32, #tpu.memory_space<vmem>>)
      %dma_wait3A_709 = arith.constant 1 : i32
      %dma_wait3A_710 = arith.constant 1 : i32
      %dma_wait3A_711 = arith.constant 928 : i32
      %dma_wait3A_712 = arith.constant 0 : i32
      %dma_wait3A_713 = tpu.memref_slice %arg6[%dma_wait3A_710, %dma_wait3A_711, %dma_wait3A_712] : memref<2x1600x32xf32, #tpu.memory_space<vmem>> -> memref<1x72x32xf32, #tpu.memory_space<vmem>>
      %dma_wait3A_714 = tpu.memref_squeeze %dma_wait3A_713 : memref<1x72x32xf32, #tpu.memory_space<vmem>> -> memref<72x32xf32, #tpu.memory_space<vmem>>
      %dma_wait3A_715 = arith.constant 928 : i32
      %dma_wait3A_716 = tpu.memref_slice %arg5[%dma_wait3A_709, %dma_wait3A_715] : memref<2x1600xi32, #tpu.memory_space<vmem>> -> memref<1x72xi32, #tpu.memory_space<vmem>>
      %dma_wait3A_717 = tpu.memref_squeeze %dma_wait3A_716 : memref<1x72xi32, #tpu.memory_space<vmem>> -> memref<72xi32, #tpu.memory_space<vmem>>
      %dma_wait3A_718 = arith.constant 0 : i32
      %dma_wait3A_719 = arith.constant 0 : i32
      %dma_wait3A_720 = tpu.memref_slice %arg2[%dma_wait3A_718, %dma_wait3A_719] : memref<1000000x32xf32, #tpu.memory_space<hbm>> -> memref<1000000x32xf32, #tpu.memory_space<hbm>>
      tpu.wait_indirect_dma semaphore(%arg9 : memref<!tpu.dma_semaphore, #tpu.memory_space<semaphore_mem>>) src(%dma_wait3A_720 : memref<1000000x32xf32, #tpu.memory_space<hbm>>) dst(%dma_wait3A_714 : memref<72x32xf32, #tpu.memory_space<vmem>>)
      %dma_wait3A_721 = arith.constant 1 : i32
      %dma_wait3A_722 = arith.constant 1 : i32
      %dma_wait3A_723 = arith.constant 1000 : i32
      %dma_wait3A_724 = arith.constant 0 : i32
      %dma_wait3A_725 = tpu.memref_slice %arg6[%dma_wait3A_722, %dma_wait3A_723, %dma_wait3A_724] : memref<2x1600x32xf32, #tpu.memory_space<vmem>> -> memref<1x128x32xf32, #tpu.memory_space<vmem>>
      %dma_wait3A_726 = tpu.memref_squeeze %dma_wait3A_725 : memref<1x128x32xf32, #tpu.memory_space<vmem>> -> memref<128x32xf32, #tpu.memory_space<vmem>>
      %dma_wait3A_727 = arith.constant 1000 : i32
      %dma_wait3A_728 = tpu.memref_slice %arg5[%dma_wait3A_721, %dma_wait3A_727] : memref<2x1600xi32, #tpu.memory_space<vmem>> -> memref<1x128xi32, #tpu.memory_space<vmem>>
      %dma_wait3A_729 = tpu.memref_squeeze %dma_wait3A_728 : memref<1x128xi32, #tpu.memory_space<vmem>> -> memref<128xi32, #tpu.memory_space<vmem>>
      %dma_wait3A_730 = arith.constant 0 : i32
      %dma_wait3A_731 = arith.constant 0 : i32
      %dma_wait3A_732 = tpu.memref_slice %arg2[%dma_wait3A_730, %dma_wait3A_731] : memref<1000000x32xf32, #tpu.memory_space<hbm>> -> memref<1000000x32xf32, #tpu.memory_space<hbm>>
      tpu.wait_indirect_dma semaphore(%arg9 : memref<!tpu.dma_semaphore, #tpu.memory_space<semaphore_mem>>) src(%dma_wait3A_732 : memref<1000000x32xf32, #tpu.memory_space<hbm>>) dst(%dma_wait3A_726 : memref<128x32xf32, #tpu.memory_space<vmem>>)
      %dma_wait3A_733 = arith.constant 1 : i32
      %dma_wait3A_734 = arith.constant 1 : i32
      %dma_wait3A_735 = arith.constant 1128 : i32
      %dma_wait3A_736 = arith.constant 0 : i32
      %dma_wait3A_737 = tpu.memref_slice %arg6[%dma_wait3A_734, %dma_wait3A_735, %dma_wait3A_736] : memref<2x1600x32xf32, #tpu.memory_space<vmem>> -> memref<1x72x32xf32, #tpu.memory_space<vmem>>
      %dma_wait3A_738 = tpu.memref_squeeze %dma_wait3A_737 : memref<1x72x32xf32, #tpu.memory_space<vmem>> -> memref<72x32xf32, #tpu.memory_space<vmem>>
      %dma_wait3A_739 = arith.constant 1128 : i32
      %dma_wait3A_740 = tpu.memref_slice %arg5[%dma_wait3A_733, %dma_wait3A_739] : memref<2x1600xi32, #tpu.memory_space<vmem>> -> memref<1x72xi32, #tpu.memory_space<vmem>>
      %dma_wait3A_741 = tpu.memref_squeeze %dma_wait3A_740 : memref<1x72xi32, #tpu.memory_space<vmem>> -> memref<72xi32, #tpu.memory_space<vmem>>
      %dma_wait3A_742 = arith.constant 0 : i32
      %dma_wait3A_743 = arith.constant 0 : i32
      %dma_wait3A_744 = tpu.memref_slice %arg2[%dma_wait3A_742, %dma_wait3A_743] : memref<1000000x32xf32, #tpu.memory_space<hbm>> -> memref<1000000x32xf32, #tpu.memory_space<hbm>>
      tpu.wait_indirect_dma semaphore(%arg9 : memref<!tpu.dma_semaphore, #tpu.memory_space<semaphore_mem>>) src(%dma_wait3A_744 : memref<1000000x32xf32, #tpu.memory_space<hbm>>) dst(%dma_wait3A_738 : memref<72x32xf32, #tpu.memory_space<vmem>>)
      %dma_wait3A_745 = arith.constant 1 : i32
      %dma_wait3A_746 = arith.constant 1 : i32
      %dma_wait3A_747 = arith.constant 1200 : i32
      %dma_wait3A_748 = arith.constant 0 : i32
      %dma_wait3A_749 = tpu.memref_slice %arg6[%dma_wait3A_746, %dma_wait3A_747, %dma_wait3A_748] : memref<2x1600x32xf32, #tpu.memory_space<vmem>> -> memref<1x128x32xf32, #tpu.memory_space<vmem>>
      %dma_wait3A_750 = tpu.memref_squeeze %dma_wait3A_749 : memref<1x128x32xf32, #tpu.memory_space<vmem>> -> memref<128x32xf32, #tpu.memory_space<vmem>>
      %dma_wait3A_751 = arith.constant 1200 : i32
      %dma_wait3A_752 = tpu.memref_slice %arg5[%dma_wait3A_745, %dma_wait3A_751] : memref<2x1600xi32, #tpu.memory_space<vmem>> -> memref<1x128xi32, #tpu.memory_space<vmem>>
      %dma_wait3A_753 = tpu.memref_squeeze %dma_wait3A_752 : memref<1x128xi32, #tpu.memory_space<vmem>> -> memref<128xi32, #tpu.memory_space<vmem>>
      %dma_wait3A_754 = arith.constant 0 : i32
      %dma_wait3A_755 = arith.constant 0 : i32
      %dma_wait3A_756 = tpu.memref_slice %arg2[%dma_wait3A_754, %dma_wait3A_755] : memref<1000000x32xf32, #tpu.memory_space<hbm>> -> memref<1000000x32xf32, #tpu.memory_space<hbm>>
      tpu.wait_indirect_dma semaphore(%arg9 : memref<!tpu.dma_semaphore, #tpu.memory_space<semaphore_mem>>) src(%dma_wait3A_756 : memref<1000000x32xf32, #tpu.memory_space<hbm>>) dst(%dma_wait3A_750 : memref<128x32xf32, #tpu.memory_space<vmem>>)
      %dma_wait3A_757 = arith.constant 1 : i32
      %dma_wait3A_758 = arith.constant 1 : i32
      %dma_wait3A_759 = arith.constant 1328 : i32
      %dma_wait3A_760 = arith.constant 0 : i32
      %dma_wait3A_761 = tpu.memref_slice %arg6[%dma_wait3A_758, %dma_wait3A_759, %dma_wait3A_760] : memref<2x1600x32xf32, #tpu.memory_space<vmem>> -> memref<1x72x32xf32, #tpu.memory_space<vmem>>
      %dma_wait3A_762 = tpu.memref_squeeze %dma_wait3A_761 : memref<1x72x32xf32, #tpu.memory_space<vmem>> -> memref<72x32xf32, #tpu.memory_space<vmem>>
      %dma_wait3A_763 = arith.constant 1328 : i32
      %dma_wait3A_764 = tpu.memref_slice %arg5[%dma_wait3A_757, %dma_wait3A_763] : memref<2x1600xi32, #tpu.memory_space<vmem>> -> memref<1x72xi32, #tpu.memory_space<vmem>>
      %dma_wait3A_765 = tpu.memref_squeeze %dma_wait3A_764 : memref<1x72xi32, #tpu.memory_space<vmem>> -> memref<72xi32, #tpu.memory_space<vmem>>
      %dma_wait3A_766 = arith.constant 0 : i32
      %dma_wait3A_767 = arith.constant 0 : i32
      %dma_wait3A_768 = tpu.memref_slice %arg2[%dma_wait3A_766, %dma_wait3A_767] : memref<1000000x32xf32, #tpu.memory_space<hbm>> -> memref<1000000x32xf32, #tpu.memory_space<hbm>>
      tpu.wait_indirect_dma semaphore(%arg9 : memref<!tpu.dma_semaphore, #tpu.memory_space<semaphore_mem>>) src(%dma_wait3A_768 : memref<1000000x32xf32, #tpu.memory_space<hbm>>) dst(%dma_wait3A_762 : memref<72x32xf32, #tpu.memory_space<vmem>>)
      %dma_wait3A_769 = arith.constant 1 : i32
      %dma_wait3A_770 = arith.constant 1 : i32
      %dma_wait3A_771 = arith.constant 1400 : i32
      %dma_wait3A_772 = arith.constant 0 : i32
      %dma_wait3A_773 = tpu.memref_slice %arg6[%dma_wait3A_770, %dma_wait3A_771, %dma_wait3A_772] : memref<2x1600x32xf32, #tpu.memory_space<vmem>> -> memref<1x128x32xf32, #tpu.memory_space<vmem>>
      %dma_wait3A_774 = tpu.memref_squeeze %dma_wait3A_773 : memref<1x128x32xf32, #tpu.memory_space<vmem>> -> memref<128x32xf32, #tpu.memory_space<vmem>>
      %dma_wait3A_775 = arith.constant 1400 : i32
      %dma_wait3A_776 = tpu.memref_slice %arg5[%dma_wait3A_769, %dma_wait3A_775] : memref<2x1600xi32, #tpu.memory_space<vmem>> -> memref<1x128xi32, #tpu.memory_space<vmem>>
      %dma_wait3A_777 = tpu.memref_squeeze %dma_wait3A_776 : memref<1x128xi32, #tpu.memory_space<vmem>> -> memref<128xi32, #tpu.memory_space<vmem>>
      %dma_wait3A_778 = arith.constant 0 : i32
      %dma_wait3A_779 = arith.constant 0 : i32
      %dma_wait3A_780 = tpu.memref_slice %arg2[%dma_wait3A_778, %dma_wait3A_779] : memref<1000000x32xf32, #tpu.memory_space<hbm>> -> memref<1000000x32xf32, #tpu.memory_space<hbm>>
      tpu.wait_indirect_dma semaphore(%arg9 : memref<!tpu.dma_semaphore, #tpu.memory_space<semaphore_mem>>) src(%dma_wait3A_780 : memref<1000000x32xf32, #tpu.memory_space<hbm>>) dst(%dma_wait3A_774 : memref<128x32xf32, #tpu.memory_space<vmem>>)
      %dma_wait3A_781 = arith.constant 1 : i32
      %dma_wait3A_782 = arith.constant 1 : i32
      %dma_wait3A_783 = arith.constant 1528 : i32
      %dma_wait3A_784 = arith.constant 0 : i32
      %dma_wait3A_785 = tpu.memref_slice %arg6[%dma_wait3A_782, %dma_wait3A_783, %dma_wait3A_784] : memref<2x1600x32xf32, #tpu.memory_space<vmem>> -> memref<1x72x32xf32, #tpu.memory_space<vmem>>
      %dma_wait3A_786 = tpu.memref_squeeze %dma_wait3A_785 : memref<1x72x32xf32, #tpu.memory_space<vmem>> -> memref<72x32xf32, #tpu.memory_space<vmem>>
      %dma_wait3A_787 = arith.constant 1528 : i32
      %dma_wait3A_788 = tpu.memref_slice %arg5[%dma_wait3A_781, %dma_wait3A_787] : memref<2x1600xi32, #tpu.memory_space<vmem>> -> memref<1x72xi32, #tpu.memory_space<vmem>>
      %dma_wait3A_789 = tpu.memref_squeeze %dma_wait3A_788 : memref<1x72xi32, #tpu.memory_space<vmem>> -> memref<72xi32, #tpu.memory_space<vmem>>
      %dma_wait3A_790 = arith.constant 0 : i32
      %dma_wait3A_791 = arith.constant 0 : i32
      %dma_wait3A_792 = tpu.memref_slice %arg2[%dma_wait3A_790, %dma_wait3A_791] : memref<1000000x32xf32, #tpu.memory_space<hbm>> -> memref<1000000x32xf32, #tpu.memory_space<hbm>>
      tpu.wait_indirect_dma semaphore(%arg9 : memref<!tpu.dma_semaphore, #tpu.memory_space<semaphore_mem>>) src(%dma_wait3A_792 : memref<1000000x32xf32, #tpu.memory_space<hbm>>) dst(%dma_wait3A_786 : memref<72x32xf32, #tpu.memory_space<vmem>>)
      %add3A_793 = arith.constant 2 : i32
      %add3A_794 = arith.addi %add3A_593, %add3A_793 : i32
      %lt3A_795 = arith.constant 64 : i32
      %lt3A_796 = arith.cmpi slt, %add3A_794, %lt3A_795 : i32
      %convert_element_type3A_797 = arith.extui %lt3A_796 : i1 to i32
      %cond3A_798 = arith.constant 0 : i32
      %cond3A_799 = arith.cmpi ne, %convert_element_type3A_797, %cond3A_798 : i32
      scf.if %cond3A_799 {
        %add3A_955 = arith.constant 2 : i32
        %add3A_956 = arith.addi %add3A_593, %add3A_955 : i32
        %mul3A_957 = arith.constant 1600 : i32
        %mul3A_958 = arith.muli %add3A_956, %mul3A_957 : i32
        %add3A_959 = arith.addi %mul3A_4, %mul3A_958 : i32
        %dma_start3A_960 = arith.constant 1 : i32
        %dma_start3A_961 = arith.constant 0 : i32
        %dma_start3A_962 = tpu.memref_slice %arg5[%dma_start3A_960, %dma_start3A_961] : memref<2x1600xi32, #tpu.memory_space<vmem>> -> memref<1x1600xi32, #tpu.memory_space<vmem>>
        %dma_start3A_963 = tpu.memref_squeeze %dma_start3A_962 : memref<1x1600xi32, #tpu.memory_space<vmem>> -> memref<1600xi32, #tpu.memory_space<vmem>>
        %dma_start3A_964 = tpu.memref_slice %arg3[%add3A_959] : memref<3276800xi32, #tpu.memory_space<hbm>> -> memref<1600xi32, #tpu.memory_space<hbm>>
        %dma_start3A_965 = arith.constant 0 : i32
        %dma_start3A_966 = tpu.memref_slice %arg5[%dma_start3A_960, %dma_start3A_965] : memref<2x1600xi32, #tpu.memory_space<vmem>> -> memref<1x1600xi32, #tpu.memory_space<vmem>>
        %dma_start3A_967 = tpu.memref_squeeze %dma_start3A_966 : memref<1x1600xi32, #tpu.memory_space<vmem>> -> memref<1600xi32, #tpu.memory_space<vmem>>
        %dma_start3A_968 = tpu.memref_slice %arg3[%add3A_959] : memref<3276800xi32, #tpu.memory_space<hbm>> -> memref<1600xi32, #tpu.memory_space<hbm>>
        tpu.enqueue_dma source(%dma_start3A_968 : memref<1600xi32, #tpu.memory_space<hbm>>) target(%dma_start3A_967 : memref<1600xi32, #tpu.memory_space<vmem>>) target_semaphore(%arg11 : memref<!tpu.dma_semaphore, #tpu.memory_space<semaphore_mem>>)
      } else {
      }
      %broadcast_in_dim3A_800 = arith.constant 0.000000e+00 : f32
      %broadcast_in_dim3A_801 = vector.broadcast %broadcast_in_dim3A_800 : f32 to vector<16xf32>
      %scan3A_802 = arith.constant 0 : i32
      %scan3A_803 = arith.constant 200 : i32
      %scan3A_804 = arith.addi %scan3A_802, %scan3A_803 : i32
      %scan3A_805 = arith.constant 8 : i32
      %scan3A_806:2 = scf.for %scan3A_955 = %scan3A_802 to %scan3A_804 step %scan3A_805 iter_args(%scan3A_956 = %broadcast_in_dim3A_801, %scan3A_957 = %broadcast_in_dim3A_801) -> (vector<16xf32>, vector<16xf32>)  : i32 {
        %add3A_958 = arith.constant 0 : i32
        %add3A_959 = arith.addi %add3A_958, %scan3A_955 : i32
        %get3A = arith.constant 1 : i32
        %get3A_960 = arith.index_cast %get3A : i32 to index
        %get3A_961 = arith.index_cast %add3A_959 : i32 to index
        %get3A_962 = arith.constant 0 : index
        %get3A_963 = tpu.vector_load %arg6[%get3A_960, %get3A_961, %get3A_962] {strides = array<i32>} : memref<2x1600x32xf32, #tpu.memory_space<vmem>>, vector<16xf32>,
        %add3A_964 = arith.addf %scan3A_956, %get3A_963 : vector<16xf32>
        %add3A_965 = arith.constant 0 : i32
        %add3A_966 = arith.addi %add3A_965, %scan3A_955 : i32
        %get3A_967 = arith.constant 1 : i32
        %get3A_968 = arith.index_cast %get3A_967 : i32 to index
        %get3A_969 = arith.index_cast %add3A_966 : i32 to index
        %get3A_970 = arith.constant 16 : index
        %get3A_971 = tpu.vector_load %arg6[%get3A_968, %get3A_969, %get3A_970] {strides = array<i32>} : memref<2x1600x32xf32, #tpu.memory_space<vmem>>, vector<16xf32>,
        %add3A_972 = arith.addf %scan3A_957, %get3A_971 : vector<16xf32>
        %scan3A_973 = arith.constant 1 : i32
        %scan3A_974 = arith.addi %scan3A_955, %scan3A_973 : i32
        %add3A_975 = arith.constant 0 : i32
        %add3A_976 = arith.addi %add3A_975, %scan3A_974 : i32
        %get3A_977 = arith.constant 1 : i32
        %get3A_978 = arith.index_cast %get3A_977 : i32 to index
        %get3A_979 = arith.index_cast %add3A_976 : i32 to index
        %get3A_980 = arith.constant 0 : index
        %get3A_981 = tpu.vector_load %arg6[%get3A_978, %get3A_979, %get3A_980] {strides = array<i32>} : memref<2x1600x32xf32, #tpu.memory_space<vmem>>, vector<16xf32>,
        %add3A_982 = arith.addf %add3A_964, %get3A_981 : vector<16xf32>
        %add3A_983 = arith.constant 0 : i32
        %add3A_984 = arith.addi %add3A_983, %scan3A_974 : i32
        %get3A_985 = arith.constant 1 : i32
        %get3A_986 = arith.index_cast %get3A_985 : i32 to index
        %get3A_987 = arith.index_cast %add3A_984 : i32 to index
        %get3A_988 = arith.constant 16 : index
        %get3A_989 = tpu.vector_load %arg6[%get3A_986, %get3A_987, %get3A_988] {strides = array<i32>} : memref<2x1600x32xf32, #tpu.memory_space<vmem>>, vector<16xf32>,
        %add3A_990 = arith.addf %add3A_972, %get3A_989 : vector<16xf32>
        %scan3A_991 = arith.constant 2 : i32
        %scan3A_992 = arith.addi %scan3A_955, %scan3A_991 : i32
        %add3A_993 = arith.constant 0 : i32
        %add3A_994 = arith.addi %add3A_993, %scan3A_992 : i32
        %get3A_995 = arith.constant 1 : i32
        %get3A_996 = arith.index_cast %get3A_995 : i32 to index
        %get3A_997 = arith.index_cast %add3A_994 : i32 to index
        %get3A_998 = arith.constant 0 : index
        %get3A_999 = tpu.vector_load %arg6[%get3A_996, %get3A_997, %get3A_998] {strides = array<i32>} : memref<2x1600x32xf32, #tpu.memory_space<vmem>>, vector<16xf32>,
        %add3A_1000 = arith.addf %add3A_982, %get3A_999 : vector<16xf32>
        %add3A_1001 = arith.constant 0 : i32
        %add3A_1002 = arith.addi %add3A_1001, %scan3A_992 : i32
        %get3A_1003 = arith.constant 1 : i32
        %get3A_1004 = arith.index_cast %get3A_1003 : i32 to index
        %get3A_1005 = arith.index_cast %add3A_1002 : i32 to index
        %get3A_1006 = arith.constant 16 : index
        %get3A_1007 = tpu.vector_load %arg6[%get3A_1004, %get3A_1005, %get3A_1006] {strides = array<i32>} : memref<2x1600x32xf32, #tpu.memory_space<vmem>>, vector<16xf32>,
        %add3A_1008 = arith.addf %add3A_990, %get3A_1007 : vector<16xf32>
        %scan3A_1009 = arith.constant 3 : i32
        %scan3A_1010 = arith.addi %scan3A_955, %scan3A_1009 : i32
        %add3A_1011 = arith.constant 0 : i32
        %add3A_1012 = arith.addi %add3A_1011, %scan3A_1010 : i32
        %get3A_1013 = arith.constant 1 : i32
        %get3A_1014 = arith.index_cast %get3A_1013 : i32 to index
        %get3A_1015 = arith.index_cast %add3A_1012 : i32 to index
        %get3A_1016 = arith.constant 0 : index
        %get3A_1017 = tpu.vector_load %arg6[%get3A_1014, %get3A_1015, %get3A_1016] {strides = array<i32>} : memref<2x1600x32xf32, #tpu.memory_space<vmem>>, vector<16xf32>,
        %add3A_1018 = arith.addf %add3A_1000, %get3A_1017 : vector<16xf32>
        %add3A_1019 = arith.constant 0 : i32
        %add3A_1020 = arith.addi %add3A_1019, %scan3A_1010 : i32
        %get3A_1021 = arith.constant 1 : i32
        %get3A_1022 = arith.index_cast %get3A_1021 : i32 to index
        %get3A_1023 = arith.index_cast %add3A_1020 : i32 to index
        %get3A_1024 = arith.constant 16 : index
        %get3A_1025 = tpu.vector_load %arg6[%get3A_1022, %get3A_1023, %get3A_1024] {strides = array<i32>} : memref<2x1600x32xf32, #tpu.memory_space<vmem>>, vector<16xf32>,
        %add3A_1026 = arith.addf %add3A_1008, %get3A_1025 : vector<16xf32>
        %scan3A_1027 = arith.constant 4 : i32
        %scan3A_1028 = arith.addi %scan3A_955, %scan3A_1027 : i32
        %add3A_1029 = arith.constant 0 : i32
        %add3A_1030 = arith.addi %add3A_1029, %scan3A_1028 : i32
        %get3A_1031 = arith.constant 1 : i32
        %get3A_1032 = arith.index_cast %get3A_1031 : i32 to index
        %get3A_1033 = arith.index_cast %add3A_1030 : i32 to index
        %get3A_1034 = arith.constant 0 : index
        %get3A_1035 = tpu.vector_load %arg6[%get3A_1032, %get3A_1033, %get3A_1034] {strides = array<i32>} : memref<2x1600x32xf32, #tpu.memory_space<vmem>>, vector<16xf32>,
        %add3A_1036 = arith.addf %add3A_1018, %get3A_1035 : vector<16xf32>
        %add3A_1037 = arith.constant 0 : i32
        %add3A_1038 = arith.addi %add3A_1037, %scan3A_1028 : i32
        %get3A_1039 = arith.constant 1 : i32
        %get3A_1040 = arith.index_cast %get3A_1039 : i32 to index
        %get3A_1041 = arith.index_cast %add3A_1038 : i32 to index
        %get3A_1042 = arith.constant 16 : index
        %get3A_1043 = tpu.vector_load %arg6[%get3A_1040, %get3A_1041, %get3A_1042] {strides = array<i32>} : memref<2x1600x32xf32, #tpu.memory_space<vmem>>, vector<16xf32>,
        %add3A_1044 = arith.addf %add3A_1026, %get3A_1043 : vector<16xf32>
        %scan3A_1045 = arith.constant 5 : i32
        %scan3A_1046 = arith.addi %scan3A_955, %scan3A_1045 : i32
        %add3A_1047 = arith.constant 0 : i32
        %add3A_1048 = arith.addi %add3A_1047, %scan3A_1046 : i32
        %get3A_1049 = arith.constant 1 : i32
        %get3A_1050 = arith.index_cast %get3A_1049 : i32 to index
        %get3A_1051 = arith.index_cast %add3A_1048 : i32 to index
        %get3A_1052 = arith.constant 0 : index
        %get3A_1053 = tpu.vector_load %arg6[%get3A_1050, %get3A_1051, %get3A_1052] {strides = array<i32>} : memref<2x1600x32xf32, #tpu.memory_space<vmem>>, vector<16xf32>,
        %add3A_1054 = arith.addf %add3A_1036, %get3A_1053 : vector<16xf32>
        %add3A_1055 = arith.constant 0 : i32
        %add3A_1056 = arith.addi %add3A_1055, %scan3A_1046 : i32
        %get3A_1057 = arith.constant 1 : i32
        %get3A_1058 = arith.index_cast %get3A_1057 : i32 to index
        %get3A_1059 = arith.index_cast %add3A_1056 : i32 to index
        %get3A_1060 = arith.constant 16 : index
        %get3A_1061 = tpu.vector_load %arg6[%get3A_1058, %get3A_1059, %get3A_1060] {strides = array<i32>} : memref<2x1600x32xf32, #tpu.memory_space<vmem>>, vector<16xf32>,
        %add3A_1062 = arith.addf %add3A_1044, %get3A_1061 : vector<16xf32>
        %scan3A_1063 = arith.constant 6 : i32
        %scan3A_1064 = arith.addi %scan3A_955, %scan3A_1063 : i32
        %add3A_1065 = arith.constant 0 : i32
        %add3A_1066 = arith.addi %add3A_1065, %scan3A_1064 : i32
        %get3A_1067 = arith.constant 1 : i32
        %get3A_1068 = arith.index_cast %get3A_1067 : i32 to index
        %get3A_1069 = arith.index_cast %add3A_1066 : i32 to index
        %get3A_1070 = arith.constant 0 : index
        %get3A_1071 = tpu.vector_load %arg6[%get3A_1068, %get3A_1069, %get3A_1070] {strides = array<i32>} : memref<2x1600x32xf32, #tpu.memory_space<vmem>>, vector<16xf32>,
        %add3A_1072 = arith.addf %add3A_1054, %get3A_1071 : vector<16xf32>
        %add3A_1073 = arith.constant 0 : i32
        %add3A_1074 = arith.addi %add3A_1073, %scan3A_1064 : i32
        %get3A_1075 = arith.constant 1 : i32
        %get3A_1076 = arith.index_cast %get3A_1075 : i32 to index
        %get3A_1077 = arith.index_cast %add3A_1074 : i32 to index
        %get3A_1078 = arith.constant 16 : index
        %get3A_1079 = tpu.vector_load %arg6[%get3A_1076, %get3A_1077, %get3A_1078] {strides = array<i32>} : memref<2x1600x32xf32, #tpu.memory_space<vmem>>, vector<16xf32>,
        %add3A_1080 = arith.addf %add3A_1062, %get3A_1079 : vector<16xf32>
        %scan3A_1081 = arith.constant 7 : i32
        %scan3A_1082 = arith.addi %scan3A_955, %scan3A_1081 : i32
        %add3A_1083 = arith.constant 0 : i32
        %add3A_1084 = arith.addi %add3A_1083, %scan3A_1082 : i32
        %get3A_1085 = arith.constant 1 : i32
        %get3A_1086 = arith.index_cast %get3A_1085 : i32 to index
        %get3A_1087 = arith.index_cast %add3A_1084 : i32 to index
        %get3A_1088 = arith.constant 0 : index
        %get3A_1089 = tpu.vector_load %arg6[%get3A_1086, %get3A_1087, %get3A_1088] {strides = array<i32>} : memref<2x1600x32xf32, #tpu.memory_space<vmem>>, vector<16xf32>,
        %add3A_1090 = arith.addf %add3A_1072, %get3A_1089 : vector<16xf32>
        %add3A_1091 = arith.constant 0 : i32
        %add3A_1092 = arith.addi %add3A_1091, %scan3A_1082 : i32
        %get3A_1093 = arith.constant 1 : i32
        %get3A_1094 = arith.index_cast %get3A_1093 : i32 to index
        %get3A_1095 = arith.index_cast %add3A_1092 : i32 to index
        %get3A_1096 = arith.constant 16 : index
        %get3A_1097 = tpu.vector_load %arg6[%get3A_1094, %get3A_1095, %get3A_1096] {strides = array<i32>} : memref<2x1600x32xf32, #tpu.memory_space<vmem>>, vector<16xf32>,
        %add3A_1098 = arith.addf %add3A_1080, %get3A_1097 : vector<16xf32>
        scf.yield %add3A_1090, %add3A_1098 : vector<16xf32>, vector<16xf32>
      }
      %scan3A_807 = arith.constant 200 : i32
      %swap3A_808 = arith.constant 0 : i32
      %swap3A_809 = arith.index_cast %swap3A_808 : i32 to index
      %swap3A_810 = arith.constant 0 : index
      %swap3A_811 = tpu.vector_load %arg7[%swap3A_809, %swap3A_810] {strides = array<i32>} : memref<2x128xf32, #tpu.memory_space<vmem>>, vector<16xf32>,
      tpu.vector_store %arg7[%swap3A_809, %swap3A_810], %scan3A_806#0 {strides = array<i32>} : memref<2x128xf32, #tpu.memory_space<vmem>>, vector<16xf32>,
      %swap3A_812 = arith.constant 0 : i32
      %swap3A_813 = arith.index_cast %swap3A_812 : i32 to index
      %swap3A_814 = arith.constant 16 : index
      %swap3A_815 = tpu.vector_load %arg7[%swap3A_813, %swap3A_814] {strides = array<i32>} : memref<2x128xf32, #tpu.memory_space<vmem>>, vector<16xf32>,
      tpu.vector_store %arg7[%swap3A_813, %swap3A_814], %scan3A_806#1 {strides = array<i32>} : memref<2x128xf32, #tpu.memory_space<vmem>>, vector<16xf32>,
      %broadcast_in_dim3A_816 = arith.constant 0.000000e+00 : f32
      %broadcast_in_dim3A_817 = vector.broadcast %broadcast_in_dim3A_816 : f32 to vector<16xf32>
      %scan3A_818 = arith.constant 0 : i32
      %scan3A_819 = arith.constant 200 : i32
      %scan3A_820 = arith.addi %scan3A_818, %scan3A_819 : i32
      %scan3A_821 = arith.constant 8 : i32
      %scan3A_822:2 = scf.for %scan3A_955 = %scan3A_818 to %scan3A_820 step %scan3A_821 iter_args(%scan3A_956 = %broadcast_in_dim3A_817, %scan3A_957 = %broadcast_in_dim3A_817) -> (vector<16xf32>, vector<16xf32>)  : i32 {
        %add3A_958 = arith.constant 200 : i32
        %add3A_959 = arith.addi %add3A_958, %scan3A_955 : i32
        %get3A = arith.constant 1 : i32
        %get3A_960 = arith.index_cast %get3A : i32 to index
        %get3A_961 = arith.index_cast %add3A_959 : i32 to index
        %get3A_962 = arith.constant 0 : index
        %get3A_963 = tpu.vector_load %arg6[%get3A_960, %get3A_961, %get3A_962] {strides = array<i32>} : memref<2x1600x32xf32, #tpu.memory_space<vmem>>, vector<16xf32>,
        %add3A_964 = arith.addf %scan3A_956, %get3A_963 : vector<16xf32>
        %add3A_965 = arith.constant 200 : i32
        %add3A_966 = arith.addi %add3A_965, %scan3A_955 : i32
        %get3A_967 = arith.constant 1 : i32
        %get3A_968 = arith.index_cast %get3A_967 : i32 to index
        %get3A_969 = arith.index_cast %add3A_966 : i32 to index
        %get3A_970 = arith.constant 16 : index
        %get3A_971 = tpu.vector_load %arg6[%get3A_968, %get3A_969, %get3A_970] {strides = array<i32>} : memref<2x1600x32xf32, #tpu.memory_space<vmem>>, vector<16xf32>,
        %add3A_972 = arith.addf %scan3A_957, %get3A_971 : vector<16xf32>
        %scan3A_973 = arith.constant 1 : i32
        %scan3A_974 = arith.addi %scan3A_955, %scan3A_973 : i32
        %add3A_975 = arith.constant 200 : i32
        %add3A_976 = arith.addi %add3A_975, %scan3A_974 : i32
        %get3A_977 = arith.constant 1 : i32
        %get3A_978 = arith.index_cast %get3A_977 : i32 to index
        %get3A_979 = arith.index_cast %add3A_976 : i32 to index
        %get3A_980 = arith.constant 0 : index
        %get3A_981 = tpu.vector_load %arg6[%get3A_978, %get3A_979, %get3A_980] {strides = array<i32>} : memref<2x1600x32xf32, #tpu.memory_space<vmem>>, vector<16xf32>,
        %add3A_982 = arith.addf %add3A_964, %get3A_981 : vector<16xf32>
        %add3A_983 = arith.constant 200 : i32
        %add3A_984 = arith.addi %add3A_983, %scan3A_974 : i32
        %get3A_985 = arith.constant 1 : i32
        %get3A_986 = arith.index_cast %get3A_985 : i32 to index
        %get3A_987 = arith.index_cast %add3A_984 : i32 to index
        %get3A_988 = arith.constant 16 : index
        %get3A_989 = tpu.vector_load %arg6[%get3A_986, %get3A_987, %get3A_988] {strides = array<i32>} : memref<2x1600x32xf32, #tpu.memory_space<vmem>>, vector<16xf32>,
        %add3A_990 = arith.addf %add3A_972, %get3A_989 : vector<16xf32>
        %scan3A_991 = arith.constant 2 : i32
        %scan3A_992 = arith.addi %scan3A_955, %scan3A_991 : i32
        %add3A_993 = arith.constant 200 : i32
        %add3A_994 = arith.addi %add3A_993, %scan3A_992 : i32
        %get3A_995 = arith.constant 1 : i32
        %get3A_996 = arith.index_cast %get3A_995 : i32 to index
        %get3A_997 = arith.index_cast %add3A_994 : i32 to index
        %get3A_998 = arith.constant 0 : index
        %get3A_999 = tpu.vector_load %arg6[%get3A_996, %get3A_997, %get3A_998] {strides = array<i32>} : memref<2x1600x32xf32, #tpu.memory_space<vmem>>, vector<16xf32>,
        %add3A_1000 = arith.addf %add3A_982, %get3A_999 : vector<16xf32>
        %add3A_1001 = arith.constant 200 : i32
        %add3A_1002 = arith.addi %add3A_1001, %scan3A_992 : i32
        %get3A_1003 = arith.constant 1 : i32
        %get3A_1004 = arith.index_cast %get3A_1003 : i32 to index
        %get3A_1005 = arith.index_cast %add3A_1002 : i32 to index
        %get3A_1006 = arith.constant 16 : index
        %get3A_1007 = tpu.vector_load %arg6[%get3A_1004, %get3A_1005, %get3A_1006] {strides = array<i32>} : memref<2x1600x32xf32, #tpu.memory_space<vmem>>, vector<16xf32>,
        %add3A_1008 = arith.addf %add3A_990, %get3A_1007 : vector<16xf32>
        %scan3A_1009 = arith.constant 3 : i32
        %scan3A_1010 = arith.addi %scan3A_955, %scan3A_1009 : i32
        %add3A_1011 = arith.constant 200 : i32
        %add3A_1012 = arith.addi %add3A_1011, %scan3A_1010 : i32
        %get3A_1013 = arith.constant 1 : i32
        %get3A_1014 = arith.index_cast %get3A_1013 : i32 to index
        %get3A_1015 = arith.index_cast %add3A_1012 : i32 to index
        %get3A_1016 = arith.constant 0 : index
        %get3A_1017 = tpu.vector_load %arg6[%get3A_1014, %get3A_1015, %get3A_1016] {strides = array<i32>} : memref<2x1600x32xf32, #tpu.memory_space<vmem>>, vector<16xf32>,
        %add3A_1018 = arith.addf %add3A_1000, %get3A_1017 : vector<16xf32>
        %add3A_1019 = arith.constant 200 : i32
        %add3A_1020 = arith.addi %add3A_1019, %scan3A_1010 : i32
        %get3A_1021 = arith.constant 1 : i32
        %get3A_1022 = arith.index_cast %get3A_1021 : i32 to index
        %get3A_1023 = arith.index_cast %add3A_1020 : i32 to index
        %get3A_1024 = arith.constant 16 : index
        %get3A_1025 = tpu.vector_load %arg6[%get3A_1022, %get3A_1023, %get3A_1024] {strides = array<i32>} : memref<2x1600x32xf32, #tpu.memory_space<vmem>>, vector<16xf32>,
        %add3A_1026 = arith.addf %add3A_1008, %get3A_1025 : vector<16xf32>
        %scan3A_1027 = arith.constant 4 : i32
        %scan3A_1028 = arith.addi %scan3A_955, %scan3A_1027 : i32
        %add3A_1029 = arith.constant 200 : i32
        %add3A_1030 = arith.addi %add3A_1029, %scan3A_1028 : i32
        %get3A_1031 = arith.constant 1 : i32
        %get3A_1032 = arith.index_cast %get3A_1031 : i32 to index
        %get3A_1033 = arith.index_cast %add3A_1030 : i32 to index
        %get3A_1034 = arith.constant 0 : index
        %get3A_1035 = tpu.vector_load %arg6[%get3A_1032, %get3A_1033, %get3A_1034] {strides = array<i32>} : memref<2x1600x32xf32, #tpu.memory_space<vmem>>, vector<16xf32>,
        %add3A_1036 = arith.addf %add3A_1018, %get3A_1035 : vector<16xf32>
        %add3A_1037 = arith.constant 200 : i32
        %add3A_1038 = arith.addi %add3A_1037, %scan3A_1028 : i32
        %get3A_1039 = arith.constant 1 : i32
        %get3A_1040 = arith.index_cast %get3A_1039 : i32 to index
        %get3A_1041 = arith.index_cast %add3A_1038 : i32 to index
        %get3A_1042 = arith.constant 16 : index
        %get3A_1043 = tpu.vector_load %arg6[%get3A_1040, %get3A_1041, %get3A_1042] {strides = array<i32>} : memref<2x1600x32xf32, #tpu.memory_space<vmem>>, vector<16xf32>,
        %add3A_1044 = arith.addf %add3A_1026, %get3A_1043 : vector<16xf32>
        %scan3A_1045 = arith.constant 5 : i32
        %scan3A_1046 = arith.addi %scan3A_955, %scan3A_1045 : i32
        %add3A_1047 = arith.constant 200 : i32
        %add3A_1048 = arith.addi %add3A_1047, %scan3A_1046 : i32
        %get3A_1049 = arith.constant 1 : i32
        %get3A_1050 = arith.index_cast %get3A_1049 : i32 to index
        %get3A_1051 = arith.index_cast %add3A_1048 : i32 to index
        %get3A_1052 = arith.constant 0 : index
        %get3A_1053 = tpu.vector_load %arg6[%get3A_1050, %get3A_1051, %get3A_1052] {strides = array<i32>} : memref<2x1600x32xf32, #tpu.memory_space<vmem>>, vector<16xf32>,
        %add3A_1054 = arith.addf %add3A_1036, %get3A_1053 : vector<16xf32>
        %add3A_1055 = arith.constant 200 : i32
        %add3A_1056 = arith.addi %add3A_1055, %scan3A_1046 : i32
        %get3A_1057 = arith.constant 1 : i32
        %get3A_1058 = arith.index_cast %get3A_1057 : i32 to index
        %get3A_1059 = arith.index_cast %add3A_1056 : i32 to index
        %get3A_1060 = arith.constant 16 : index
        %get3A_1061 = tpu.vector_load %arg6[%get3A_1058, %get3A_1059, %get3A_1060] {strides = array<i32>} : memref<2x1600x32xf32, #tpu.memory_space<vmem>>, vector<16xf32>,
        %add3A_1062 = arith.addf %add3A_1044, %get3A_1061 : vector<16xf32>
        %scan3A_1063 = arith.constant 6 : i32
        %scan3A_1064 = arith.addi %scan3A_955, %scan3A_1063 : i32
        %add3A_1065 = arith.constant 200 : i32
        %add3A_1066 = arith.addi %add3A_1065, %scan3A_1064 : i32
        %get3A_1067 = arith.constant 1 : i32
        %get3A_1068 = arith.index_cast %get3A_1067 : i32 to index
        %get3A_1069 = arith.index_cast %add3A_1066 : i32 to index
        %get3A_1070 = arith.constant 0 : index
        %get3A_1071 = tpu.vector_load %arg6[%get3A_1068, %get3A_1069, %get3A_1070] {strides = array<i32>} : memref<2x1600x32xf32, #tpu.memory_space<vmem>>, vector<16xf32>,
        %add3A_1072 = arith.addf %add3A_1054, %get3A_1071 : vector<16xf32>
        %add3A_1073 = arith.constant 200 : i32
        %add3A_1074 = arith.addi %add3A_1073, %scan3A_1064 : i32
        %get3A_1075 = arith.constant 1 : i32
        %get3A_1076 = arith.index_cast %get3A_1075 : i32 to index
        %get3A_1077 = arith.index_cast %add3A_1074 : i32 to index
        %get3A_1078 = arith.constant 16 : index
        %get3A_1079 = tpu.vector_load %arg6[%get3A_1076, %get3A_1077, %get3A_1078] {strides = array<i32>} : memref<2x1600x32xf32, #tpu.memory_space<vmem>>, vector<16xf32>,
        %add3A_1080 = arith.addf %add3A_1062, %get3A_1079 : vector<16xf32>
        %scan3A_1081 = arith.constant 7 : i32
        %scan3A_1082 = arith.addi %scan3A_955, %scan3A_1081 : i32
        %add3A_1083 = arith.constant 200 : i32
        %add3A_1084 = arith.addi %add3A_1083, %scan3A_1082 : i32
        %get3A_1085 = arith.constant 1 : i32
        %get3A_1086 = arith.index_cast %get3A_1085 : i32 to index
        %get3A_1087 = arith.index_cast %add3A_1084 : i32 to index
        %get3A_1088 = arith.constant 0 : index
        %get3A_1089 = tpu.vector_load %arg6[%get3A_1086, %get3A_1087, %get3A_1088] {strides = array<i32>} : memref<2x1600x32xf32, #tpu.memory_space<vmem>>, vector<16xf32>,
        %add3A_1090 = arith.addf %add3A_1072, %get3A_1089 : vector<16xf32>
        %add3A_1091 = arith.constant 200 : i32
        %add3A_1092 = arith.addi %add3A_1091, %scan3A_1082 : i32
        %get3A_1093 = arith.constant 1 : i32
        %get3A_1094 = arith.index_cast %get3A_1093 : i32 to index
        %get3A_1095 = arith.index_cast %add3A_1092 : i32 to index
        %get3A_1096 = arith.constant 16 : index
        %get3A_1097 = tpu.vector_load %arg6[%get3A_1094, %get3A_1095, %get3A_1096] {strides = array<i32>} : memref<2x1600x32xf32, #tpu.memory_space<vmem>>, vector<16xf32>,
        %add3A_1098 = arith.addf %add3A_1080, %get3A_1097 : vector<16xf32>
        scf.yield %add3A_1090, %add3A_1098 : vector<16xf32>, vector<16xf32>
      }
      %scan3A_823 = arith.constant 200 : i32
      %swap3A_824 = arith.constant 0 : i32
      %swap3A_825 = arith.index_cast %swap3A_824 : i32 to index
      %swap3A_826 = arith.constant 32 : index
      %swap3A_827 = tpu.vector_load %arg7[%swap3A_825, %swap3A_826] {strides = array<i32>} : memref<2x128xf32, #tpu.memory_space<vmem>>, vector<16xf32>,
      tpu.vector_store %arg7[%swap3A_825, %swap3A_826], %scan3A_822#0 {strides = array<i32>} : memref<2x128xf32, #tpu.memory_space<vmem>>, vector<16xf32>,
      %swap3A_828 = arith.constant 0 : i32
      %swap3A_829 = arith.index_cast %swap3A_828 : i32 to index
      %swap3A_830 = arith.constant 48 : index
      %swap3A_831 = tpu.vector_load %arg7[%swap3A_829, %swap3A_830] {strides = array<i32>} : memref<2x128xf32, #tpu.memory_space<vmem>>, vector<16xf32>,
      tpu.vector_store %arg7[%swap3A_829, %swap3A_830], %scan3A_822#1 {strides = array<i32>} : memref<2x128xf32, #tpu.memory_space<vmem>>, vector<16xf32>,
      %broadcast_in_dim3A_832 = arith.constant 0.000000e+00 : f32
      %broadcast_in_dim3A_833 = vector.broadcast %broadcast_in_dim3A_832 : f32 to vector<16xf32>
      %scan3A_834 = arith.constant 0 : i32
      %scan3A_835 = arith.constant 200 : i32
      %scan3A_836 = arith.addi %scan3A_834, %scan3A_835 : i32
      %scan3A_837 = arith.constant 8 : i32
      %scan3A_838:2 = scf.for %scan3A_955 = %scan3A_834 to %scan3A_836 step %scan3A_837 iter_args(%scan3A_956 = %broadcast_in_dim3A_833, %scan3A_957 = %broadcast_in_dim3A_833) -> (vector<16xf32>, vector<16xf32>)  : i32 {
        %add3A_958 = arith.constant 400 : i32
        %add3A_959 = arith.addi %add3A_958, %scan3A_955 : i32
        %get3A = arith.constant 1 : i32
        %get3A_960 = arith.index_cast %get3A : i32 to index
        %get3A_961 = arith.index_cast %add3A_959 : i32 to index
        %get3A_962 = arith.constant 0 : index
        %get3A_963 = tpu.vector_load %arg6[%get3A_960, %get3A_961, %get3A_962] {strides = array<i32>} : memref<2x1600x32xf32, #tpu.memory_space<vmem>>, vector<16xf32>,
        %add3A_964 = arith.addf %scan3A_956, %get3A_963 : vector<16xf32>
        %add3A_965 = arith.constant 400 : i32
        %add3A_966 = arith.addi %add3A_965, %scan3A_955 : i32
        %get3A_967 = arith.constant 1 : i32
        %get3A_968 = arith.index_cast %get3A_967 : i32 to index
        %get3A_969 = arith.index_cast %add3A_966 : i32 to index
        %get3A_970 = arith.constant 16 : index
        %get3A_971 = tpu.vector_load %arg6[%get3A_968, %get3A_969, %get3A_970] {strides = array<i32>} : memref<2x1600x32xf32, #tpu.memory_space<vmem>>, vector<16xf32>,
        %add3A_972 = arith.addf %scan3A_957, %get3A_971 : vector<16xf32>
        %scan3A_973 = arith.constant 1 : i32
        %scan3A_974 = arith.addi %scan3A_955, %scan3A_973 : i32
        %add3A_975 = arith.constant 400 : i32
        %add3A_976 = arith.addi %add3A_975, %scan3A_974 : i32
        %get3A_977 = arith.constant 1 : i32
        %get3A_978 = arith.index_cast %get3A_977 : i32 to index
        %get3A_979 = arith.index_cast %add3A_976 : i32 to index
        %get3A_980 = arith.constant 0 : index
        %get3A_981 = tpu.vector_load %arg6[%get3A_978, %get3A_979, %get3A_980] {strides = array<i32>} : memref<2x1600x32xf32, #tpu.memory_space<vmem>>, vector<16xf32>,
        %add3A_982 = arith.addf %add3A_964, %get3A_981 : vector<16xf32>
        %add3A_983 = arith.constant 400 : i32
        %add3A_984 = arith.addi %add3A_983, %scan3A_974 : i32
        %get3A_985 = arith.constant 1 : i32
        %get3A_986 = arith.index_cast %get3A_985 : i32 to index
        %get3A_987 = arith.index_cast %add3A_984 : i32 to index
        %get3A_988 = arith.constant 16 : index
        %get3A_989 = tpu.vector_load %arg6[%get3A_986, %get3A_987, %get3A_988] {strides = array<i32>} : memref<2x1600x32xf32, #tpu.memory_space<vmem>>, vector<16xf32>,
        %add3A_990 = arith.addf %add3A_972, %get3A_989 : vector<16xf32>
        %scan3A_991 = arith.constant 2 : i32
        %scan3A_992 = arith.addi %scan3A_955, %scan3A_991 : i32
        %add3A_993 = arith.constant 400 : i32
        %add3A_994 = arith.addi %add3A_993, %scan3A_992 : i32
        %get3A_995 = arith.constant 1 : i32
        %get3A_996 = arith.index_cast %get3A_995 : i32 to index
        %get3A_997 = arith.index_cast %add3A_994 : i32 to index
        %get3A_998 = arith.constant 0 : index
        %get3A_999 = tpu.vector_load %arg6[%get3A_996, %get3A_997, %get3A_998] {strides = array<i32>} : memref<2x1600x32xf32, #tpu.memory_space<vmem>>, vector<16xf32>,
        %add3A_1000 = arith.addf %add3A_982, %get3A_999 : vector<16xf32>
        %add3A_1001 = arith.constant 400 : i32
        %add3A_1002 = arith.addi %add3A_1001, %scan3A_992 : i32
        %get3A_1003 = arith.constant 1 : i32
        %get3A_1004 = arith.index_cast %get3A_1003 : i32 to index
        %get3A_1005 = arith.index_cast %add3A_1002 : i32 to index
        %get3A_1006 = arith.constant 16 : index
        %get3A_1007 = tpu.vector_load %arg6[%get3A_1004, %get3A_1005, %get3A_1006] {strides = array<i32>} : memref<2x1600x32xf32, #tpu.memory_space<vmem>>, vector<16xf32>,
        %add3A_1008 = arith.addf %add3A_990, %get3A_1007 : vector<16xf32>
        %scan3A_1009 = arith.constant 3 : i32
        %scan3A_1010 = arith.addi %scan3A_955, %scan3A_1009 : i32
        %add3A_1011 = arith.constant 400 : i32
        %add3A_1012 = arith.addi %add3A_1011, %scan3A_1010 : i32
        %get3A_1013 = arith.constant 1 : i32
        %get3A_1014 = arith.index_cast %get3A_1013 : i32 to index
        %get3A_1015 = arith.index_cast %add3A_1012 : i32 to index
        %get3A_1016 = arith.constant 0 : index
        %get3A_1017 = tpu.vector_load %arg6[%get3A_1014, %get3A_1015, %get3A_1016] {strides = array<i32>} : memref<2x1600x32xf32, #tpu.memory_space<vmem>>, vector<16xf32>,
        %add3A_1018 = arith.addf %add3A_1000, %get3A_1017 : vector<16xf32>
        %add3A_1019 = arith.constant 400 : i32
        %add3A_1020 = arith.addi %add3A_1019, %scan3A_1010 : i32
        %get3A_1021 = arith.constant 1 : i32
        %get3A_1022 = arith.index_cast %get3A_1021 : i32 to index
        %get3A_1023 = arith.index_cast %add3A_1020 : i32 to index
        %get3A_1024 = arith.constant 16 : index
        %get3A_1025 = tpu.vector_load %arg6[%get3A_1022, %get3A_1023, %get3A_1024] {strides = array<i32>} : memref<2x1600x32xf32, #tpu.memory_space<vmem>>, vector<16xf32>,
        %add3A_1026 = arith.addf %add3A_1008, %get3A_1025 : vector<16xf32>
        %scan3A_1027 = arith.constant 4 : i32
        %scan3A_1028 = arith.addi %scan3A_955, %scan3A_1027 : i32
        %add3A_1029 = arith.constant 400 : i32
        %add3A_1030 = arith.addi %add3A_1029, %scan3A_1028 : i32
        %get3A_1031 = arith.constant 1 : i32
        %get3A_1032 = arith.index_cast %get3A_1031 : i32 to index
        %get3A_1033 = arith.index_cast %add3A_1030 : i32 to index
        %get3A_1034 = arith.constant 0 : index
        %get3A_1035 = tpu.vector_load %arg6[%get3A_1032, %get3A_1033, %get3A_1034] {strides = array<i32>} : memref<2x1600x32xf32, #tpu.memory_space<vmem>>, vector<16xf32>,
        %add3A_1036 = arith.addf %add3A_1018, %get3A_1035 : vector<16xf32>
        %add3A_1037 = arith.constant 400 : i32
        %add3A_1038 = arith.addi %add3A_1037, %scan3A_1028 : i32
        %get3A_1039 = arith.constant 1 : i32
        %get3A_1040 = arith.index_cast %get3A_1039 : i32 to index
        %get3A_1041 = arith.index_cast %add3A_1038 : i32 to index
        %get3A_1042 = arith.constant 16 : index
        %get3A_1043 = tpu.vector_load %arg6[%get3A_1040, %get3A_1041, %get3A_1042] {strides = array<i32>} : memref<2x1600x32xf32, #tpu.memory_space<vmem>>, vector<16xf32>,
        %add3A_1044 = arith.addf %add3A_1026, %get3A_1043 : vector<16xf32>
        %scan3A_1045 = arith.constant 5 : i32
        %scan3A_1046 = arith.addi %scan3A_955, %scan3A_1045 : i32
        %add3A_1047 = arith.constant 400 : i32
        %add3A_1048 = arith.addi %add3A_1047, %scan3A_1046 : i32
        %get3A_1049 = arith.constant 1 : i32
        %get3A_1050 = arith.index_cast %get3A_1049 : i32 to index
        %get3A_1051 = arith.index_cast %add3A_1048 : i32 to index
        %get3A_1052 = arith.constant 0 : index
        %get3A_1053 = tpu.vector_load %arg6[%get3A_1050, %get3A_1051, %get3A_1052] {strides = array<i32>} : memref<2x1600x32xf32, #tpu.memory_space<vmem>>, vector<16xf32>,
        %add3A_1054 = arith.addf %add3A_1036, %get3A_1053 : vector<16xf32>
        %add3A_1055 = arith.constant 400 : i32
        %add3A_1056 = arith.addi %add3A_1055, %scan3A_1046 : i32
        %get3A_1057 = arith.constant 1 : i32
        %get3A_1058 = arith.index_cast %get3A_1057 : i32 to index
        %get3A_1059 = arith.index_cast %add3A_1056 : i32 to index
        %get3A_1060 = arith.constant 16 : index
        %get3A_1061 = tpu.vector_load %arg6[%get3A_1058, %get3A_1059, %get3A_1060] {strides = array<i32>} : memref<2x1600x32xf32, #tpu.memory_space<vmem>>, vector<16xf32>,
        %add3A_1062 = arith.addf %add3A_1044, %get3A_1061 : vector<16xf32>
        %scan3A_1063 = arith.constant 6 : i32
        %scan3A_1064 = arith.addi %scan3A_955, %scan3A_1063 : i32
        %add3A_1065 = arith.constant 400 : i32
        %add3A_1066 = arith.addi %add3A_1065, %scan3A_1064 : i32
        %get3A_1067 = arith.constant 1 : i32
        %get3A_1068 = arith.index_cast %get3A_1067 : i32 to index
        %get3A_1069 = arith.index_cast %add3A_1066 : i32 to index
        %get3A_1070 = arith.constant 0 : index
        %get3A_1071 = tpu.vector_load %arg6[%get3A_1068, %get3A_1069, %get3A_1070] {strides = array<i32>} : memref<2x1600x32xf32, #tpu.memory_space<vmem>>, vector<16xf32>,
        %add3A_1072 = arith.addf %add3A_1054, %get3A_1071 : vector<16xf32>
        %add3A_1073 = arith.constant 400 : i32
        %add3A_1074 = arith.addi %add3A_1073, %scan3A_1064 : i32
        %get3A_1075 = arith.constant 1 : i32
        %get3A_1076 = arith.index_cast %get3A_1075 : i32 to index
        %get3A_1077 = arith.index_cast %add3A_1074 : i32 to index
        %get3A_1078 = arith.constant 16 : index
        %get3A_1079 = tpu.vector_load %arg6[%get3A_1076, %get3A_1077, %get3A_1078] {strides = array<i32>} : memref<2x1600x32xf32, #tpu.memory_space<vmem>>, vector<16xf32>,
        %add3A_1080 = arith.addf %add3A_1062, %get3A_1079 : vector<16xf32>
        %scan3A_1081 = arith.constant 7 : i32
        %scan3A_1082 = arith.addi %scan3A_955, %scan3A_1081 : i32
        %add3A_1083 = arith.constant 400 : i32
        %add3A_1084 = arith.addi %add3A_1083, %scan3A_1082 : i32
        %get3A_1085 = arith.constant 1 : i32
        %get3A_1086 = arith.index_cast %get3A_1085 : i32 to index
        %get3A_1087 = arith.index_cast %add3A_1084 : i32 to index
        %get3A_1088 = arith.constant 0 : index
        %get3A_1089 = tpu.vector_load %arg6[%get3A_1086, %get3A_1087, %get3A_1088] {strides = array<i32>} : memref<2x1600x32xf32, #tpu.memory_space<vmem>>, vector<16xf32>,
        %add3A_1090 = arith.addf %add3A_1072, %get3A_1089 : vector<16xf32>
        %add3A_1091 = arith.constant 400 : i32
        %add3A_1092 = arith.addi %add3A_1091, %scan3A_1082 : i32
        %get3A_1093 = arith.constant 1 : i32
        %get3A_1094 = arith.index_cast %get3A_1093 : i32 to index
        %get3A_1095 = arith.index_cast %add3A_1092 : i32 to index
        %get3A_1096 = arith.constant 16 : index
        %get3A_1097 = tpu.vector_load %arg6[%get3A_1094, %get3A_1095, %get3A_1096] {strides = array<i32>} : memref<2x1600x32xf32, #tpu.memory_space<vmem>>, vector<16xf32>,
        %add3A_1098 = arith.addf %add3A_1080, %get3A_1097 : vector<16xf32>
        scf.yield %add3A_1090, %add3A_1098 : vector<16xf32>, vector<16xf32>
      }
      %scan3A_839 = arith.constant 200 : i32
      %swap3A_840 = arith.constant 0 : i32
      %swap3A_841 = arith.index_cast %swap3A_840 : i32 to index
      %swap3A_842 = arith.constant 64 : index
      %swap3A_843 = tpu.vector_load %arg7[%swap3A_841, %swap3A_842] {strides = array<i32>} : memref<2x128xf32, #tpu.memory_space<vmem>>, vector<16xf32>,
      tpu.vector_store %arg7[%swap3A_841, %swap3A_842], %scan3A_838#0 {strides = array<i32>} : memref<2x128xf32, #tpu.memory_space<vmem>>, vector<16xf32>,
      %swap3A_844 = arith.constant 0 : i32
      %swap3A_845 = arith.index_cast %swap3A_844 : i32 to index
      %swap3A_846 = arith.constant 80 : index
      %swap3A_847 = tpu.vector_load %arg7[%swap3A_845, %swap3A_846] {strides = array<i32>} : memref<2x128xf32, #tpu.memory_space<vmem>>, vector<16xf32>,
      tpu.vector_store %arg7[%swap3A_845, %swap3A_846], %scan3A_838#1 {strides = array<i32>} : memref<2x128xf32, #tpu.memory_space<vmem>>, vector<16xf32>,
      %broadcast_in_dim3A_848 = arith.constant 0.000000e+00 : f32
      %broadcast_in_dim3A_849 = vector.broadcast %broadcast_in_dim3A_848 : f32 to vector<16xf32>
      %scan3A_850 = arith.constant 0 : i32
      %scan3A_851 = arith.constant 200 : i32
      %scan3A_852 = arith.addi %scan3A_850, %scan3A_851 : i32
      %scan3A_853 = arith.constant 8 : i32
      %scan3A_854:2 = scf.for %scan3A_955 = %scan3A_850 to %scan3A_852 step %scan3A_853 iter_args(%scan3A_956 = %broadcast_in_dim3A_849, %scan3A_957 = %broadcast_in_dim3A_849) -> (vector<16xf32>, vector<16xf32>)  : i32 {
        %add3A_958 = arith.constant 600 : i32
        %add3A_959 = arith.addi %add3A_958, %scan3A_955 : i32
        %get3A = arith.constant 1 : i32
        %get3A_960 = arith.index_cast %get3A : i32 to index
        %get3A_961 = arith.index_cast %add3A_959 : i32 to index
        %get3A_962 = arith.constant 0 : index
        %get3A_963 = tpu.vector_load %arg6[%get3A_960, %get3A_961, %get3A_962] {strides = array<i32>} : memref<2x1600x32xf32, #tpu.memory_space<vmem>>, vector<16xf32>,
        %add3A_964 = arith.addf %scan3A_956, %get3A_963 : vector<16xf32>
        %add3A_965 = arith.constant 600 : i32
        %add3A_966 = arith.addi %add3A_965, %scan3A_955 : i32
        %get3A_967 = arith.constant 1 : i32
        %get3A_968 = arith.index_cast %get3A_967 : i32 to index
        %get3A_969 = arith.index_cast %add3A_966 : i32 to index
        %get3A_970 = arith.constant 16 : index
        %get3A_971 = tpu.vector_load %arg6[%get3A_968, %get3A_969, %get3A_970] {strides = array<i32>} : memref<2x1600x32xf32, #tpu.memory_space<vmem>>, vector<16xf32>,
        %add3A_972 = arith.addf %scan3A_957, %get3A_971 : vector<16xf32>
        %scan3A_973 = arith.constant 1 : i32
        %scan3A_974 = arith.addi %scan3A_955, %scan3A_973 : i32
        %add3A_975 = arith.constant 600 : i32
        %add3A_976 = arith.addi %add3A_975, %scan3A_974 : i32
        %get3A_977 = arith.constant 1 : i32
        %get3A_978 = arith.index_cast %get3A_977 : i32 to index
        %get3A_979 = arith.index_cast %add3A_976 : i32 to index
        %get3A_980 = arith.constant 0 : index
        %get3A_981 = tpu.vector_load %arg6[%get3A_978, %get3A_979, %get3A_980] {strides = array<i32>} : memref<2x1600x32xf32, #tpu.memory_space<vmem>>, vector<16xf32>,
        %add3A_982 = arith.addf %add3A_964, %get3A_981 : vector<16xf32>
        %add3A_983 = arith.constant 600 : i32
        %add3A_984 = arith.addi %add3A_983, %scan3A_974 : i32
        %get3A_985 = arith.constant 1 : i32
        %get3A_986 = arith.index_cast %get3A_985 : i32 to index
        %get3A_987 = arith.index_cast %add3A_984 : i32 to index
        %get3A_988 = arith.constant 16 : index
        %get3A_989 = tpu.vector_load %arg6[%get3A_986, %get3A_987, %get3A_988] {strides = array<i32>} : memref<2x1600x32xf32, #tpu.memory_space<vmem>>, vector<16xf32>,
        %add3A_990 = arith.addf %add3A_972, %get3A_989 : vector<16xf32>
        %scan3A_991 = arith.constant 2 : i32
        %scan3A_992 = arith.addi %scan3A_955, %scan3A_991 : i32
        %add3A_993 = arith.constant 600 : i32
        %add3A_994 = arith.addi %add3A_993, %scan3A_992 : i32
        %get3A_995 = arith.constant 1 : i32
        %get3A_996 = arith.index_cast %get3A_995 : i32 to index
        %get3A_997 = arith.index_cast %add3A_994 : i32 to index
        %get3A_998 = arith.constant 0 : index
        %get3A_999 = tpu.vector_load %arg6[%get3A_996, %get3A_997, %get3A_998] {strides = array<i32>} : memref<2x1600x32xf32, #tpu.memory_space<vmem>>, vector<16xf32>,
        %add3A_1000 = arith.addf %add3A_982, %get3A_999 : vector<16xf32>
        %add3A_1001 = arith.constant 600 : i32
        %add3A_1002 = arith.addi %add3A_1001, %scan3A_992 : i32
        %get3A_1003 = arith.constant 1 : i32
        %get3A_1004 = arith.index_cast %get3A_1003 : i32 to index
        %get3A_1005 = arith.index_cast %add3A_1002 : i32 to index
        %get3A_1006 = arith.constant 16 : index
        %get3A_1007 = tpu.vector_load %arg6[%get3A_1004, %get3A_1005, %get3A_1006] {strides = array<i32>} : memref<2x1600x32xf32, #tpu.memory_space<vmem>>, vector<16xf32>,
        %add3A_1008 = arith.addf %add3A_990, %get3A_1007 : vector<16xf32>
        %scan3A_1009 = arith.constant 3 : i32
        %scan3A_1010 = arith.addi %scan3A_955, %scan3A_1009 : i32
        %add3A_1011 = arith.constant 600 : i32
        %add3A_1012 = arith.addi %add3A_1011, %scan3A_1010 : i32
        %get3A_1013 = arith.constant 1 : i32
        %get3A_1014 = arith.index_cast %get3A_1013 : i32 to index
        %get3A_1015 = arith.index_cast %add3A_1012 : i32 to index
        %get3A_1016 = arith.constant 0 : index
        %get3A_1017 = tpu.vector_load %arg6[%get3A_1014, %get3A_1015, %get3A_1016] {strides = array<i32>} : memref<2x1600x32xf32, #tpu.memory_space<vmem>>, vector<16xf32>,
        %add3A_1018 = arith.addf %add3A_1000, %get3A_1017 : vector<16xf32>
        %add3A_1019 = arith.constant 600 : i32
        %add3A_1020 = arith.addi %add3A_1019, %scan3A_1010 : i32
        %get3A_1021 = arith.constant 1 : i32
        %get3A_1022 = arith.index_cast %get3A_1021 : i32 to index
        %get3A_1023 = arith.index_cast %add3A_1020 : i32 to index
        %get3A_1024 = arith.constant 16 : index
        %get3A_1025 = tpu.vector_load %arg6[%get3A_1022, %get3A_1023, %get3A_1024] {strides = array<i32>} : memref<2x1600x32xf32, #tpu.memory_space<vmem>>, vector<16xf32>,
        %add3A_1026 = arith.addf %add3A_1008, %get3A_1025 : vector<16xf32>
        %scan3A_1027 = arith.constant 4 : i32
        %scan3A_1028 = arith.addi %scan3A_955, %scan3A_1027 : i32
        %add3A_1029 = arith.constant 600 : i32
        %add3A_1030 = arith.addi %add3A_1029, %scan3A_1028 : i32
        %get3A_1031 = arith.constant 1 : i32
        %get3A_1032 = arith.index_cast %get3A_1031 : i32 to index
        %get3A_1033 = arith.index_cast %add3A_1030 : i32 to index
        %get3A_1034 = arith.constant 0 : index
        %get3A_1035 = tpu.vector_load %arg6[%get3A_1032, %get3A_1033, %get3A_1034] {strides = array<i32>} : memref<2x1600x32xf32, #tpu.memory_space<vmem>>, vector<16xf32>,
        %add3A_1036 = arith.addf %add3A_1018, %get3A_1035 : vector<16xf32>
        %add3A_1037 = arith.constant 600 : i32
        %add3A_1038 = arith.addi %add3A_1037, %scan3A_1028 : i32
        %get3A_1039 = arith.constant 1 : i32
        %get3A_1040 = arith.index_cast %get3A_1039 : i32 to index
        %get3A_1041 = arith.index_cast %add3A_1038 : i32 to index
        %get3A_1042 = arith.constant 16 : index
        %get3A_1043 = tpu.vector_load %arg6[%get3A_1040, %get3A_1041, %get3A_1042] {strides = array<i32>} : memref<2x1600x32xf32, #tpu.memory_space<vmem>>, vector<16xf32>,
        %add3A_1044 = arith.addf %add3A_1026, %get3A_1043 : vector<16xf32>
        %scan3A_1045 = arith.constant 5 : i32
        %scan3A_1046 = arith.addi %scan3A_955, %scan3A_1045 : i32
        %add3A_1047 = arith.constant 600 : i32
        %add3A_1048 = arith.addi %add3A_1047, %scan3A_1046 : i32
        %get3A_1049 = arith.constant 1 : i32
        %get3A_1050 = arith.index_cast %get3A_1049 : i32 to index
        %get3A_1051 = arith.index_cast %add3A_1048 : i32 to index
        %get3A_1052 = arith.constant 0 : index
        %get3A_1053 = tpu.vector_load %arg6[%get3A_1050, %get3A_1051, %get3A_1052] {strides = array<i32>} : memref<2x1600x32xf32, #tpu.memory_space<vmem>>, vector<16xf32>,
        %add3A_1054 = arith.addf %add3A_1036, %get3A_1053 : vector<16xf32>
        %add3A_1055 = arith.constant 600 : i32
        %add3A_1056 = arith.addi %add3A_1055, %scan3A_1046 : i32
        %get3A_1057 = arith.constant 1 : i32
        %get3A_1058 = arith.index_cast %get3A_1057 : i32 to index
        %get3A_1059 = arith.index_cast %add3A_1056 : i32 to index
        %get3A_1060 = arith.constant 16 : index
        %get3A_1061 = tpu.vector_load %arg6[%get3A_1058, %get3A_1059, %get3A_1060] {strides = array<i32>} : memref<2x1600x32xf32, #tpu.memory_space<vmem>>, vector<16xf32>,
        %add3A_1062 = arith.addf %add3A_1044, %get3A_1061 : vector<16xf32>
        %scan3A_1063 = arith.constant 6 : i32
        %scan3A_1064 = arith.addi %scan3A_955, %scan3A_1063 : i32
        %add3A_1065 = arith.constant 600 : i32
        %add3A_1066 = arith.addi %add3A_1065, %scan3A_1064 : i32
        %get3A_1067 = arith.constant 1 : i32
        %get3A_1068 = arith.index_cast %get3A_1067 : i32 to index
        %get3A_1069 = arith.index_cast %add3A_1066 : i32 to index
        %get3A_1070 = arith.constant 0 : index
        %get3A_1071 = tpu.vector_load %arg6[%get3A_1068, %get3A_1069, %get3A_1070] {strides = array<i32>} : memref<2x1600x32xf32, #tpu.memory_space<vmem>>, vector<16xf32>,
        %add3A_1072 = arith.addf %add3A_1054, %get3A_1071 : vector<16xf32>
        %add3A_1073 = arith.constant 600 : i32
        %add3A_1074 = arith.addi %add3A_1073, %scan3A_1064 : i32
        %get3A_1075 = arith.constant 1 : i32
        %get3A_1076 = arith.index_cast %get3A_1075 : i32 to index
        %get3A_1077 = arith.index_cast %add3A_1074 : i32 to index
        %get3A_1078 = arith.constant 16 : index
        %get3A_1079 = tpu.vector_load %arg6[%get3A_1076, %get3A_1077, %get3A_1078] {strides = array<i32>} : memref<2x1600x32xf32, #tpu.memory_space<vmem>>, vector<16xf32>,
        %add3A_1080 = arith.addf %add3A_1062, %get3A_1079 : vector<16xf32>
        %scan3A_1081 = arith.constant 7 : i32
        %scan3A_1082 = arith.addi %scan3A_955, %scan3A_1081 : i32
        %add3A_1083 = arith.constant 600 : i32
        %add3A_1084 = arith.addi %add3A_1083, %scan3A_1082 : i32
        %get3A_1085 = arith.constant 1 : i32
        %get3A_1086 = arith.index_cast %get3A_1085 : i32 to index
        %get3A_1087 = arith.index_cast %add3A_1084 : i32 to index
        %get3A_1088 = arith.constant 0 : index
        %get3A_1089 = tpu.vector_load %arg6[%get3A_1086, %get3A_1087, %get3A_1088] {strides = array<i32>} : memref<2x1600x32xf32, #tpu.memory_space<vmem>>, vector<16xf32>,
        %add3A_1090 = arith.addf %add3A_1072, %get3A_1089 : vector<16xf32>
        %add3A_1091 = arith.constant 600 : i32
        %add3A_1092 = arith.addi %add3A_1091, %scan3A_1082 : i32
        %get3A_1093 = arith.constant 1 : i32
        %get3A_1094 = arith.index_cast %get3A_1093 : i32 to index
        %get3A_1095 = arith.index_cast %add3A_1092 : i32 to index
        %get3A_1096 = arith.constant 16 : index
        %get3A_1097 = tpu.vector_load %arg6[%get3A_1094, %get3A_1095, %get3A_1096] {strides = array<i32>} : memref<2x1600x32xf32, #tpu.memory_space<vmem>>, vector<16xf32>,
        %add3A_1098 = arith.addf %add3A_1080, %get3A_1097 : vector<16xf32>
        scf.yield %add3A_1090, %add3A_1098 : vector<16xf32>, vector<16xf32>
      }
      %scan3A_855 = arith.constant 200 : i32
      %swap3A_856 = arith.constant 0 : i32
      %swap3A_857 = arith.index_cast %swap3A_856 : i32 to index
      %swap3A_858 = arith.constant 96 : index
      %swap3A_859 = tpu.vector_load %arg7[%swap3A_857, %swap3A_858] {strides = array<i32>} : memref<2x128xf32, #tpu.memory_space<vmem>>, vector<16xf32>,
      tpu.vector_store %arg7[%swap3A_857, %swap3A_858], %scan3A_854#0 {strides = array<i32>} : memref<2x128xf32, #tpu.memory_space<vmem>>, vector<16xf32>,
      %swap3A_860 = arith.constant 0 : i32
      %swap3A_861 = arith.index_cast %swap3A_860 : i32 to index
      %swap3A_862 = arith.constant 112 : index
      %swap3A_863 = tpu.vector_load %arg7[%swap3A_861, %swap3A_862] {strides = array<i32>} : memref<2x128xf32, #tpu.memory_space<vmem>>, vector<16xf32>,
      tpu.vector_store %arg7[%swap3A_861, %swap3A_862], %scan3A_854#1 {strides = array<i32>} : memref<2x128xf32, #tpu.memory_space<vmem>>, vector<16xf32>,
      %broadcast_in_dim3A_864 = arith.constant 0.000000e+00 : f32
      %broadcast_in_dim3A_865 = vector.broadcast %broadcast_in_dim3A_864 : f32 to vector<16xf32>
      %scan3A_866 = arith.constant 0 : i32
      %scan3A_867 = arith.constant 200 : i32
      %scan3A_868 = arith.addi %scan3A_866, %scan3A_867 : i32
      %scan3A_869 = arith.constant 8 : i32
      %scan3A_870:2 = scf.for %scan3A_955 = %scan3A_866 to %scan3A_868 step %scan3A_869 iter_args(%scan3A_956 = %broadcast_in_dim3A_865, %scan3A_957 = %broadcast_in_dim3A_865) -> (vector<16xf32>, vector<16xf32>)  : i32 {
        %add3A_958 = arith.constant 800 : i32
        %add3A_959 = arith.addi %add3A_958, %scan3A_955 : i32
        %get3A = arith.constant 1 : i32
        %get3A_960 = arith.index_cast %get3A : i32 to index
        %get3A_961 = arith.index_cast %add3A_959 : i32 to index
        %get3A_962 = arith.constant 0 : index
        %get3A_963 = tpu.vector_load %arg6[%get3A_960, %get3A_961, %get3A_962] {strides = array<i32>} : memref<2x1600x32xf32, #tpu.memory_space<vmem>>, vector<16xf32>,
        %add3A_964 = arith.addf %scan3A_956, %get3A_963 : vector<16xf32>
        %add3A_965 = arith.constant 800 : i32
        %add3A_966 = arith.addi %add3A_965, %scan3A_955 : i32
        %get3A_967 = arith.constant 1 : i32
        %get3A_968 = arith.index_cast %get3A_967 : i32 to index
        %get3A_969 = arith.index_cast %add3A_966 : i32 to index
        %get3A_970 = arith.constant 16 : index
        %get3A_971 = tpu.vector_load %arg6[%get3A_968, %get3A_969, %get3A_970] {strides = array<i32>} : memref<2x1600x32xf32, #tpu.memory_space<vmem>>, vector<16xf32>,
        %add3A_972 = arith.addf %scan3A_957, %get3A_971 : vector<16xf32>
        %scan3A_973 = arith.constant 1 : i32
        %scan3A_974 = arith.addi %scan3A_955, %scan3A_973 : i32
        %add3A_975 = arith.constant 800 : i32
        %add3A_976 = arith.addi %add3A_975, %scan3A_974 : i32
        %get3A_977 = arith.constant 1 : i32
        %get3A_978 = arith.index_cast %get3A_977 : i32 to index
        %get3A_979 = arith.index_cast %add3A_976 : i32 to index
        %get3A_980 = arith.constant 0 : index
        %get3A_981 = tpu.vector_load %arg6[%get3A_978, %get3A_979, %get3A_980] {strides = array<i32>} : memref<2x1600x32xf32, #tpu.memory_space<vmem>>, vector<16xf32>,
        %add3A_982 = arith.addf %add3A_964, %get3A_981 : vector<16xf32>
        %add3A_983 = arith.constant 800 : i32
        %add3A_984 = arith.addi %add3A_983, %scan3A_974 : i32
        %get3A_985 = arith.constant 1 : i32
        %get3A_986 = arith.index_cast %get3A_985 : i32 to index
        %get3A_987 = arith.index_cast %add3A_984 : i32 to index
        %get3A_988 = arith.constant 16 : index
        %get3A_989 = tpu.vector_load %arg6[%get3A_986, %get3A_987, %get3A_988] {strides = array<i32>} : memref<2x1600x32xf32, #tpu.memory_space<vmem>>, vector<16xf32>,
        %add3A_990 = arith.addf %add3A_972, %get3A_989 : vector<16xf32>
        %scan3A_991 = arith.constant 2 : i32
        %scan3A_992 = arith.addi %scan3A_955, %scan3A_991 : i32
        %add3A_993 = arith.constant 800 : i32
        %add3A_994 = arith.addi %add3A_993, %scan3A_992 : i32
        %get3A_995 = arith.constant 1 : i32
        %get3A_996 = arith.index_cast %get3A_995 : i32 to index
        %get3A_997 = arith.index_cast %add3A_994 : i32 to index
        %get3A_998 = arith.constant 0 : index
        %get3A_999 = tpu.vector_load %arg6[%get3A_996, %get3A_997, %get3A_998] {strides = array<i32>} : memref<2x1600x32xf32, #tpu.memory_space<vmem>>, vector<16xf32>,
        %add3A_1000 = arith.addf %add3A_982, %get3A_999 : vector<16xf32>
        %add3A_1001 = arith.constant 800 : i32
        %add3A_1002 = arith.addi %add3A_1001, %scan3A_992 : i32
        %get3A_1003 = arith.constant 1 : i32
        %get3A_1004 = arith.index_cast %get3A_1003 : i32 to index
        %get3A_1005 = arith.index_cast %add3A_1002 : i32 to index
        %get3A_1006 = arith.constant 16 : index
        %get3A_1007 = tpu.vector_load %arg6[%get3A_1004, %get3A_1005, %get3A_1006] {strides = array<i32>} : memref<2x1600x32xf32, #tpu.memory_space<vmem>>, vector<16xf32>,
        %add3A_1008 = arith.addf %add3A_990, %get3A_1007 : vector<16xf32>
        %scan3A_1009 = arith.constant 3 : i32
        %scan3A_1010 = arith.addi %scan3A_955, %scan3A_1009 : i32
        %add3A_1011 = arith.constant 800 : i32
        %add3A_1012 = arith.addi %add3A_1011, %scan3A_1010 : i32
        %get3A_1013 = arith.constant 1 : i32
        %get3A_1014 = arith.index_cast %get3A_1013 : i32 to index
        %get3A_1015 = arith.index_cast %add3A_1012 : i32 to index
        %get3A_1016 = arith.constant 0 : index
        %get3A_1017 = tpu.vector_load %arg6[%get3A_1014, %get3A_1015, %get3A_1016] {strides = array<i32>} : memref<2x1600x32xf32, #tpu.memory_space<vmem>>, vector<16xf32>,
        %add3A_1018 = arith.addf %add3A_1000, %get3A_1017 : vector<16xf32>
        %add3A_1019 = arith.constant 800 : i32
        %add3A_1020 = arith.addi %add3A_1019, %scan3A_1010 : i32
        %get3A_1021 = arith.constant 1 : i32
        %get3A_1022 = arith.index_cast %get3A_1021 : i32 to index
        %get3A_1023 = arith.index_cast %add3A_1020 : i32 to index
        %get3A_1024 = arith.constant 16 : index
        %get3A_1025 = tpu.vector_load %arg6[%get3A_1022, %get3A_1023, %get3A_1024] {strides = array<i32>} : memref<2x1600x32xf32, #tpu.memory_space<vmem>>, vector<16xf32>,
        %add3A_1026 = arith.addf %add3A_1008, %get3A_1025 : vector<16xf32>
        %scan3A_1027 = arith.constant 4 : i32
        %scan3A_1028 = arith.addi %scan3A_955, %scan3A_1027 : i32
        %add3A_1029 = arith.constant 800 : i32
        %add3A_1030 = arith.addi %add3A_1029, %scan3A_1028 : i32
        %get3A_1031 = arith.constant 1 : i32
        %get3A_1032 = arith.index_cast %get3A_1031 : i32 to index
        %get3A_1033 = arith.index_cast %add3A_1030 : i32 to index
        %get3A_1034 = arith.constant 0 : index
        %get3A_1035 = tpu.vector_load %arg6[%get3A_1032, %get3A_1033, %get3A_1034] {strides = array<i32>} : memref<2x1600x32xf32, #tpu.memory_space<vmem>>, vector<16xf32>,
        %add3A_1036 = arith.addf %add3A_1018, %get3A_1035 : vector<16xf32>
        %add3A_1037 = arith.constant 800 : i32
        %add3A_1038 = arith.addi %add3A_1037, %scan3A_1028 : i32
        %get3A_1039 = arith.constant 1 : i32
        %get3A_1040 = arith.index_cast %get3A_1039 : i32 to index
        %get3A_1041 = arith.index_cast %add3A_1038 : i32 to index
        %get3A_1042 = arith.constant 16 : index
        %get3A_1043 = tpu.vector_load %arg6[%get3A_1040, %get3A_1041, %get3A_1042] {strides = array<i32>} : memref<2x1600x32xf32, #tpu.memory_space<vmem>>, vector<16xf32>,
        %add3A_1044 = arith.addf %add3A_1026, %get3A_1043 : vector<16xf32>
        %scan3A_1045 = arith.constant 5 : i32
        %scan3A_1046 = arith.addi %scan3A_955, %scan3A_1045 : i32
        %add3A_1047 = arith.constant 800 : i32
        %add3A_1048 = arith.addi %add3A_1047, %scan3A_1046 : i32
        %get3A_1049 = arith.constant 1 : i32
        %get3A_1050 = arith.index_cast %get3A_1049 : i32 to index
        %get3A_1051 = arith.index_cast %add3A_1048 : i32 to index
        %get3A_1052 = arith.constant 0 : index
        %get3A_1053 = tpu.vector_load %arg6[%get3A_1050, %get3A_1051, %get3A_1052] {strides = array<i32>} : memref<2x1600x32xf32, #tpu.memory_space<vmem>>, vector<16xf32>,
        %add3A_1054 = arith.addf %add3A_1036, %get3A_1053 : vector<16xf32>
        %add3A_1055 = arith.constant 800 : i32
        %add3A_1056 = arith.addi %add3A_1055, %scan3A_1046 : i32
        %get3A_1057 = arith.constant 1 : i32
        %get3A_1058 = arith.index_cast %get3A_1057 : i32 to index
        %get3A_1059 = arith.index_cast %add3A_1056 : i32 to index
        %get3A_1060 = arith.constant 16 : index
        %get3A_1061 = tpu.vector_load %arg6[%get3A_1058, %get3A_1059, %get3A_1060] {strides = array<i32>} : memref<2x1600x32xf32, #tpu.memory_space<vmem>>, vector<16xf32>,
        %add3A_1062 = arith.addf %add3A_1044, %get3A_1061 : vector<16xf32>
        %scan3A_1063 = arith.constant 6 : i32
        %scan3A_1064 = arith.addi %scan3A_955, %scan3A_1063 : i32
        %add3A_1065 = arith.constant 800 : i32
        %add3A_1066 = arith.addi %add3A_1065, %scan3A_1064 : i32
        %get3A_1067 = arith.constant 1 : i32
        %get3A_1068 = arith.index_cast %get3A_1067 : i32 to index
        %get3A_1069 = arith.index_cast %add3A_1066 : i32 to index
        %get3A_1070 = arith.constant 0 : index
        %get3A_1071 = tpu.vector_load %arg6[%get3A_1068, %get3A_1069, %get3A_1070] {strides = array<i32>} : memref<2x1600x32xf32, #tpu.memory_space<vmem>>, vector<16xf32>,
        %add3A_1072 = arith.addf %add3A_1054, %get3A_1071 : vector<16xf32>
        %add3A_1073 = arith.constant 800 : i32
        %add3A_1074 = arith.addi %add3A_1073, %scan3A_1064 : i32
        %get3A_1075 = arith.constant 1 : i32
        %get3A_1076 = arith.index_cast %get3A_1075 : i32 to index
        %get3A_1077 = arith.index_cast %add3A_1074 : i32 to index
        %get3A_1078 = arith.constant 16 : index
        %get3A_1079 = tpu.vector_load %arg6[%get3A_1076, %get3A_1077, %get3A_1078] {strides = array<i32>} : memref<2x1600x32xf32, #tpu.memory_space<vmem>>, vector<16xf32>,
        %add3A_1080 = arith.addf %add3A_1062, %get3A_1079 : vector<16xf32>
        %scan3A_1081 = arith.constant 7 : i32
        %scan3A_1082 = arith.addi %scan3A_955, %scan3A_1081 : i32
        %add3A_1083 = arith.constant 800 : i32
        %add3A_1084 = arith.addi %add3A_1083, %scan3A_1082 : i32
        %get3A_1085 = arith.constant 1 : i32
        %get3A_1086 = arith.index_cast %get3A_1085 : i32 to index
        %get3A_1087 = arith.index_cast %add3A_1084 : i32 to index
        %get3A_1088 = arith.constant 0 : index
        %get3A_1089 = tpu.vector_load %arg6[%get3A_1086, %get3A_1087, %get3A_1088] {strides = array<i32>} : memref<2x1600x32xf32, #tpu.memory_space<vmem>>, vector<16xf32>,
        %add3A_1090 = arith.addf %add3A_1072, %get3A_1089 : vector<16xf32>
        %add3A_1091 = arith.constant 800 : i32
        %add3A_1092 = arith.addi %add3A_1091, %scan3A_1082 : i32
        %get3A_1093 = arith.constant 1 : i32
        %get3A_1094 = arith.index_cast %get3A_1093 : i32 to index
        %get3A_1095 = arith.index_cast %add3A_1092 : i32 to index
        %get3A_1096 = arith.constant 16 : index
        %get3A_1097 = tpu.vector_load %arg6[%get3A_1094, %get3A_1095, %get3A_1096] {strides = array<i32>} : memref<2x1600x32xf32, #tpu.memory_space<vmem>>, vector<16xf32>,
        %add3A_1098 = arith.addf %add3A_1080, %get3A_1097 : vector<16xf32>
        scf.yield %add3A_1090, %add3A_1098 : vector<16xf32>, vector<16xf32>
      }
      %scan3A_871 = arith.constant 200 : i32
      %swap3A_872 = arith.constant 1 : i32
      %swap3A_873 = arith.index_cast %swap3A_872 : i32 to index
      %swap3A_874 = arith.constant 0 : index
      %swap3A_875 = tpu.vector_load %arg7[%swap3A_873, %swap3A_874] {strides = array<i32>} : memref<2x128xf32, #tpu.memory_space<vmem>>, vector<16xf32>,
      tpu.vector_store %arg7[%swap3A_873, %swap3A_874], %scan3A_870#0 {strides = array<i32>} : memref<2x128xf32, #tpu.memory_space<vmem>>, vector<16xf32>,
      %swap3A_876 = arith.constant 1 : i32
      %swap3A_877 = arith.index_cast %swap3A_876 : i32 to index
      %swap3A_878 = arith.constant 16 : index
      %swap3A_879 = tpu.vector_load %arg7[%swap3A_877, %swap3A_878] {strides = array<i32>} : memref<2x128xf32, #tpu.memory_space<vmem>>, vector<16xf32>,
      tpu.vector_store %arg7[%swap3A_877, %swap3A_878], %scan3A_870#1 {strides = array<i32>} : memref<2x128xf32, #tpu.memory_space<vmem>>, vector<16xf32>,
      %broadcast_in_dim3A_880 = arith.constant 0.000000e+00 : f32
      %broadcast_in_dim3A_881 = vector.broadcast %broadcast_in_dim3A_880 : f32 to vector<16xf32>
      %scan3A_882 = arith.constant 0 : i32
      %scan3A_883 = arith.constant 200 : i32
      %scan3A_884 = arith.addi %scan3A_882, %scan3A_883 : i32
      %scan3A_885 = arith.constant 8 : i32
      %scan3A_886:2 = scf.for %scan3A_955 = %scan3A_882 to %scan3A_884 step %scan3A_885 iter_args(%scan3A_956 = %broadcast_in_dim3A_881, %scan3A_957 = %broadcast_in_dim3A_881) -> (vector<16xf32>, vector<16xf32>)  : i32 {
        %add3A_958 = arith.constant 1000 : i32
        %add3A_959 = arith.addi %add3A_958, %scan3A_955 : i32
        %get3A = arith.constant 1 : i32
        %get3A_960 = arith.index_cast %get3A : i32 to index
        %get3A_961 = arith.index_cast %add3A_959 : i32 to index
        %get3A_962 = arith.constant 0 : index
        %get3A_963 = tpu.vector_load %arg6[%get3A_960, %get3A_961, %get3A_962] {strides = array<i32>} : memref<2x1600x32xf32, #tpu.memory_space<vmem>>, vector<16xf32>,
        %add3A_964 = arith.addf %scan3A_956, %get3A_963 : vector<16xf32>
        %add3A_965 = arith.constant 1000 : i32
        %add3A_966 = arith.addi %add3A_965, %scan3A_955 : i32
        %get3A_967 = arith.constant 1 : i32
        %get3A_968 = arith.index_cast %get3A_967 : i32 to index
        %get3A_969 = arith.index_cast %add3A_966 : i32 to index
        %get3A_970 = arith.constant 16 : index
        %get3A_971 = tpu.vector_load %arg6[%get3A_968, %get3A_969, %get3A_970] {strides = array<i32>} : memref<2x1600x32xf32, #tpu.memory_space<vmem>>, vector<16xf32>,
        %add3A_972 = arith.addf %scan3A_957, %get3A_971 : vector<16xf32>
        %scan3A_973 = arith.constant 1 : i32
        %scan3A_974 = arith.addi %scan3A_955, %scan3A_973 : i32
        %add3A_975 = arith.constant 1000 : i32
        %add3A_976 = arith.addi %add3A_975, %scan3A_974 : i32
        %get3A_977 = arith.constant 1 : i32
        %get3A_978 = arith.index_cast %get3A_977 : i32 to index
        %get3A_979 = arith.index_cast %add3A_976 : i32 to index
        %get3A_980 = arith.constant 0 : index
        %get3A_981 = tpu.vector_load %arg6[%get3A_978, %get3A_979, %get3A_980] {strides = array<i32>} : memref<2x1600x32xf32, #tpu.memory_space<vmem>>, vector<16xf32>,
        %add3A_982 = arith.addf %add3A_964, %get3A_981 : vector<16xf32>
        %add3A_983 = arith.constant 1000 : i32
        %add3A_984 = arith.addi %add3A_983, %scan3A_974 : i32
        %get3A_985 = arith.constant 1 : i32
        %get3A_986 = arith.index_cast %get3A_985 : i32 to index
        %get3A_987 = arith.index_cast %add3A_984 : i32 to index
        %get3A_988 = arith.constant 16 : index
        %get3A_989 = tpu.vector_load %arg6[%get3A_986, %get3A_987, %get3A_988] {strides = array<i32>} : memref<2x1600x32xf32, #tpu.memory_space<vmem>>, vector<16xf32>,
        %add3A_990 = arith.addf %add3A_972, %get3A_989 : vector<16xf32>
        %scan3A_991 = arith.constant 2 : i32
        %scan3A_992 = arith.addi %scan3A_955, %scan3A_991 : i32
        %add3A_993 = arith.constant 1000 : i32
        %add3A_994 = arith.addi %add3A_993, %scan3A_992 : i32
        %get3A_995 = arith.constant 1 : i32
        %get3A_996 = arith.index_cast %get3A_995 : i32 to index
        %get3A_997 = arith.index_cast %add3A_994 : i32 to index
        %get3A_998 = arith.constant 0 : index
        %get3A_999 = tpu.vector_load %arg6[%get3A_996, %get3A_997, %get3A_998] {strides = array<i32>} : memref<2x1600x32xf32, #tpu.memory_space<vmem>>, vector<16xf32>,
        %add3A_1000 = arith.addf %add3A_982, %get3A_999 : vector<16xf32>
        %add3A_1001 = arith.constant 1000 : i32
        %add3A_1002 = arith.addi %add3A_1001, %scan3A_992 : i32
        %get3A_1003 = arith.constant 1 : i32
        %get3A_1004 = arith.index_cast %get3A_1003 : i32 to index
        %get3A_1005 = arith.index_cast %add3A_1002 : i32 to index
        %get3A_1006 = arith.constant 16 : index
        %get3A_1007 = tpu.vector_load %arg6[%get3A_1004, %get3A_1005, %get3A_1006] {strides = array<i32>} : memref<2x1600x32xf32, #tpu.memory_space<vmem>>, vector<16xf32>,
        %add3A_1008 = arith.addf %add3A_990, %get3A_1007 : vector<16xf32>
        %scan3A_1009 = arith.constant 3 : i32
        %scan3A_1010 = arith.addi %scan3A_955, %scan3A_1009 : i32
        %add3A_1011 = arith.constant 1000 : i32
        %add3A_1012 = arith.addi %add3A_1011, %scan3A_1010 : i32
        %get3A_1013 = arith.constant 1 : i32
        %get3A_1014 = arith.index_cast %get3A_1013 : i32 to index
        %get3A_1015 = arith.index_cast %add3A_1012 : i32 to index
        %get3A_1016 = arith.constant 0 : index
        %get3A_1017 = tpu.vector_load %arg6[%get3A_1014, %get3A_1015, %get3A_1016] {strides = array<i32>} : memref<2x1600x32xf32, #tpu.memory_space<vmem>>, vector<16xf32>,
        %add3A_1018 = arith.addf %add3A_1000, %get3A_1017 : vector<16xf32>
        %add3A_1019 = arith.constant 1000 : i32
        %add3A_1020 = arith.addi %add3A_1019, %scan3A_1010 : i32
        %get3A_1021 = arith.constant 1 : i32
        %get3A_1022 = arith.index_cast %get3A_1021 : i32 to index
        %get3A_1023 = arith.index_cast %add3A_1020 : i32 to index
        %get3A_1024 = arith.constant 16 : index
        %get3A_1025 = tpu.vector_load %arg6[%get3A_1022, %get3A_1023, %get3A_1024] {strides = array<i32>} : memref<2x1600x32xf32, #tpu.memory_space<vmem>>, vector<16xf32>,
        %add3A_1026 = arith.addf %add3A_1008, %get3A_1025 : vector<16xf32>
        %scan3A_1027 = arith.constant 4 : i32
        %scan3A_1028 = arith.addi %scan3A_955, %scan3A_1027 : i32
        %add3A_1029 = arith.constant 1000 : i32
        %add3A_1030 = arith.addi %add3A_1029, %scan3A_1028 : i32
        %get3A_1031 = arith.constant 1 : i32
        %get3A_1032 = arith.index_cast %get3A_1031 : i32 to index
        %get3A_1033 = arith.index_cast %add3A_1030 : i32 to index
        %get3A_1034 = arith.constant 0 : index
        %get3A_1035 = tpu.vector_load %arg6[%get3A_1032, %get3A_1033, %get3A_1034] {strides = array<i32>} : memref<2x1600x32xf32, #tpu.memory_space<vmem>>, vector<16xf32>,
        %add3A_1036 = arith.addf %add3A_1018, %get3A_1035 : vector<16xf32>
        %add3A_1037 = arith.constant 1000 : i32
        %add3A_1038 = arith.addi %add3A_1037, %scan3A_1028 : i32
        %get3A_1039 = arith.constant 1 : i32
        %get3A_1040 = arith.index_cast %get3A_1039 : i32 to index
        %get3A_1041 = arith.index_cast %add3A_1038 : i32 to index
        %get3A_1042 = arith.constant 16 : index
        %get3A_1043 = tpu.vector_load %arg6[%get3A_1040, %get3A_1041, %get3A_1042] {strides = array<i32>} : memref<2x1600x32xf32, #tpu.memory_space<vmem>>, vector<16xf32>,
        %add3A_1044 = arith.addf %add3A_1026, %get3A_1043 : vector<16xf32>
        %scan3A_1045 = arith.constant 5 : i32
        %scan3A_1046 = arith.addi %scan3A_955, %scan3A_1045 : i32
        %add3A_1047 = arith.constant 1000 : i32
        %add3A_1048 = arith.addi %add3A_1047, %scan3A_1046 : i32
        %get3A_1049 = arith.constant 1 : i32
        %get3A_1050 = arith.index_cast %get3A_1049 : i32 to index
        %get3A_1051 = arith.index_cast %add3A_1048 : i32 to index
        %get3A_1052 = arith.constant 0 : index
        %get3A_1053 = tpu.vector_load %arg6[%get3A_1050, %get3A_1051, %get3A_1052] {strides = array<i32>} : memref<2x1600x32xf32, #tpu.memory_space<vmem>>, vector<16xf32>,
        %add3A_1054 = arith.addf %add3A_1036, %get3A_1053 : vector<16xf32>
        %add3A_1055 = arith.constant 1000 : i32
        %add3A_1056 = arith.addi %add3A_1055, %scan3A_1046 : i32
        %get3A_1057 = arith.constant 1 : i32
        %get3A_1058 = arith.index_cast %get3A_1057 : i32 to index
        %get3A_1059 = arith.index_cast %add3A_1056 : i32 to index
        %get3A_1060 = arith.constant 16 : index
        %get3A_1061 = tpu.vector_load %arg6[%get3A_1058, %get3A_1059, %get3A_1060] {strides = array<i32>} : memref<2x1600x32xf32, #tpu.memory_space<vmem>>, vector<16xf32>,
        %add3A_1062 = arith.addf %add3A_1044, %get3A_1061 : vector<16xf32>
        %scan3A_1063 = arith.constant 6 : i32
        %scan3A_1064 = arith.addi %scan3A_955, %scan3A_1063 : i32
        %add3A_1065 = arith.constant 1000 : i32
        %add3A_1066 = arith.addi %add3A_1065, %scan3A_1064 : i32
        %get3A_1067 = arith.constant 1 : i32
        %get3A_1068 = arith.index_cast %get3A_1067 : i32 to index
        %get3A_1069 = arith.index_cast %add3A_1066 : i32 to index
        %get3A_1070 = arith.constant 0 : index
        %get3A_1071 = tpu.vector_load %arg6[%get3A_1068, %get3A_1069, %get3A_1070] {strides = array<i32>} : memref<2x1600x32xf32, #tpu.memory_space<vmem>>, vector<16xf32>,
        %add3A_1072 = arith.addf %add3A_1054, %get3A_1071 : vector<16xf32>
        %add3A_1073 = arith.constant 1000 : i32
        %add3A_1074 = arith.addi %add3A_1073, %scan3A_1064 : i32
        %get3A_1075 = arith.constant 1 : i32
        %get3A_1076 = arith.index_cast %get3A_1075 : i32 to index
        %get3A_1077 = arith.index_cast %add3A_1074 : i32 to index
        %get3A_1078 = arith.constant 16 : index
        %get3A_1079 = tpu.vector_load %arg6[%get3A_1076, %get3A_1077, %get3A_1078] {strides = array<i32>} : memref<2x1600x32xf32, #tpu.memory_space<vmem>>, vector<16xf32>,
        %add3A_1080 = arith.addf %add3A_1062, %get3A_1079 : vector<16xf32>
        %scan3A_1081 = arith.constant 7 : i32
        %scan3A_1082 = arith.addi %scan3A_955, %scan3A_1081 : i32
        %add3A_1083 = arith.constant 1000 : i32
        %add3A_1084 = arith.addi %add3A_1083, %scan3A_1082 : i32
        %get3A_1085 = arith.constant 1 : i32
        %get3A_1086 = arith.index_cast %get3A_1085 : i32 to index
        %get3A_1087 = arith.index_cast %add3A_1084 : i32 to index
        %get3A_1088 = arith.constant 0 : index
        %get3A_1089 = tpu.vector_load %arg6[%get3A_1086, %get3A_1087, %get3A_1088] {strides = array<i32>} : memref<2x1600x32xf32, #tpu.memory_space<vmem>>, vector<16xf32>,
        %add3A_1090 = arith.addf %add3A_1072, %get3A_1089 : vector<16xf32>
        %add3A_1091 = arith.constant 1000 : i32
        %add3A_1092 = arith.addi %add3A_1091, %scan3A_1082 : i32
        %get3A_1093 = arith.constant 1 : i32
        %get3A_1094 = arith.index_cast %get3A_1093 : i32 to index
        %get3A_1095 = arith.index_cast %add3A_1092 : i32 to index
        %get3A_1096 = arith.constant 16 : index
        %get3A_1097 = tpu.vector_load %arg6[%get3A_1094, %get3A_1095, %get3A_1096] {strides = array<i32>} : memref<2x1600x32xf32, #tpu.memory_space<vmem>>, vector<16xf32>,
        %add3A_1098 = arith.addf %add3A_1080, %get3A_1097 : vector<16xf32>
        scf.yield %add3A_1090, %add3A_1098 : vector<16xf32>, vector<16xf32>
      }
      %scan3A_887 = arith.constant 200 : i32
      %swap3A_888 = arith.constant 1 : i32
      %swap3A_889 = arith.index_cast %swap3A_888 : i32 to index
      %swap3A_890 = arith.constant 32 : index
      %swap3A_891 = tpu.vector_load %arg7[%swap3A_889, %swap3A_890] {strides = array<i32>} : memref<2x128xf32, #tpu.memory_space<vmem>>, vector<16xf32>,
      tpu.vector_store %arg7[%swap3A_889, %swap3A_890], %scan3A_886#0 {strides = array<i32>} : memref<2x128xf32, #tpu.memory_space<vmem>>, vector<16xf32>,
      %swap3A_892 = arith.constant 1 : i32
      %swap3A_893 = arith.index_cast %swap3A_892 : i32 to index
      %swap3A_894 = arith.constant 48 : index
      %swap3A_895 = tpu.vector_load %arg7[%swap3A_893, %swap3A_894] {strides = array<i32>} : memref<2x128xf32, #tpu.memory_space<vmem>>, vector<16xf32>,
      tpu.vector_store %arg7[%swap3A_893, %swap3A_894], %scan3A_886#1 {strides = array<i32>} : memref<2x128xf32, #tpu.memory_space<vmem>>, vector<16xf32>,
      %broadcast_in_dim3A_896 = arith.constant 0.000000e+00 : f32
      %broadcast_in_dim3A_897 = vector.broadcast %broadcast_in_dim3A_896 : f32 to vector<16xf32>
      %scan3A_898 = arith.constant 0 : i32
      %scan3A_899 = arith.constant 200 : i32
      %scan3A_900 = arith.addi %scan3A_898, %scan3A_899 : i32
      %scan3A_901 = arith.constant 8 : i32
      %scan3A_902:2 = scf.for %scan3A_955 = %scan3A_898 to %scan3A_900 step %scan3A_901 iter_args(%scan3A_956 = %broadcast_in_dim3A_897, %scan3A_957 = %broadcast_in_dim3A_897) -> (vector<16xf32>, vector<16xf32>)  : i32 {
        %add3A_958 = arith.constant 1200 : i32
        %add3A_959 = arith.addi %add3A_958, %scan3A_955 : i32
        %get3A = arith.constant 1 : i32
        %get3A_960 = arith.index_cast %get3A : i32 to index
        %get3A_961 = arith.index_cast %add3A_959 : i32 to index
        %get3A_962 = arith.constant 0 : index
        %get3A_963 = tpu.vector_load %arg6[%get3A_960, %get3A_961, %get3A_962] {strides = array<i32>} : memref<2x1600x32xf32, #tpu.memory_space<vmem>>, vector<16xf32>,
        %add3A_964 = arith.addf %scan3A_956, %get3A_963 : vector<16xf32>
        %add3A_965 = arith.constant 1200 : i32
        %add3A_966 = arith.addi %add3A_965, %scan3A_955 : i32
        %get3A_967 = arith.constant 1 : i32
        %get3A_968 = arith.index_cast %get3A_967 : i32 to index
        %get3A_969 = arith.index_cast %add3A_966 : i32 to index
        %get3A_970 = arith.constant 16 : index
        %get3A_971 = tpu.vector_load %arg6[%get3A_968, %get3A_969, %get3A_970] {strides = array<i32>} : memref<2x1600x32xf32, #tpu.memory_space<vmem>>, vector<16xf32>,
        %add3A_972 = arith.addf %scan3A_957, %get3A_971 : vector<16xf32>
        %scan3A_973 = arith.constant 1 : i32
        %scan3A_974 = arith.addi %scan3A_955, %scan3A_973 : i32
        %add3A_975 = arith.constant 1200 : i32
        %add3A_976 = arith.addi %add3A_975, %scan3A_974 : i32
        %get3A_977 = arith.constant 1 : i32
        %get3A_978 = arith.index_cast %get3A_977 : i32 to index
        %get3A_979 = arith.index_cast %add3A_976 : i32 to index
        %get3A_980 = arith.constant 0 : index
        %get3A_981 = tpu.vector_load %arg6[%get3A_978, %get3A_979, %get3A_980] {strides = array<i32>} : memref<2x1600x32xf32, #tpu.memory_space<vmem>>, vector<16xf32>,
        %add3A_982 = arith.addf %add3A_964, %get3A_981 : vector<16xf32>
        %add3A_983 = arith.constant 1200 : i32
        %add3A_984 = arith.addi %add3A_983, %scan3A_974 : i32
        %get3A_985 = arith.constant 1 : i32
        %get3A_986 = arith.index_cast %get3A_985 : i32 to index
        %get3A_987 = arith.index_cast %add3A_984 : i32 to index
        %get3A_988 = arith.constant 16 : index
        %get3A_989 = tpu.vector_load %arg6[%get3A_986, %get3A_987, %get3A_988] {strides = array<i32>} : memref<2x1600x32xf32, #tpu.memory_space<vmem>>, vector<16xf32>,
        %add3A_990 = arith.addf %add3A_972, %get3A_989 : vector<16xf32>
        %scan3A_991 = arith.constant 2 : i32
        %scan3A_992 = arith.addi %scan3A_955, %scan3A_991 : i32
        %add3A_993 = arith.constant 1200 : i32
        %add3A_994 = arith.addi %add3A_993, %scan3A_992 : i32
        %get3A_995 = arith.constant 1 : i32
        %get3A_996 = arith.index_cast %get3A_995 : i32 to index
        %get3A_997 = arith.index_cast %add3A_994 : i32 to index
        %get3A_998 = arith.constant 0 : index
        %get3A_999 = tpu.vector_load %arg6[%get3A_996, %get3A_997, %get3A_998] {strides = array<i32>} : memref<2x1600x32xf32, #tpu.memory_space<vmem>>, vector<16xf32>,
        %add3A_1000 = arith.addf %add3A_982, %get3A_999 : vector<16xf32>
        %add3A_1001 = arith.constant 1200 : i32
        %add3A_1002 = arith.addi %add3A_1001, %scan3A_992 : i32
        %get3A_1003 = arith.constant 1 : i32
        %get3A_1004 = arith.index_cast %get3A_1003 : i32 to index
        %get3A_1005 = arith.index_cast %add3A_1002 : i32 to index
        %get3A_1006 = arith.constant 16 : index
        %get3A_1007 = tpu.vector_load %arg6[%get3A_1004, %get3A_1005, %get3A_1006] {strides = array<i32>} : memref<2x1600x32xf32, #tpu.memory_space<vmem>>, vector<16xf32>,
        %add3A_1008 = arith.addf %add3A_990, %get3A_1007 : vector<16xf32>
        %scan3A_1009 = arith.constant 3 : i32
        %scan3A_1010 = arith.addi %scan3A_955, %scan3A_1009 : i32
        %add3A_1011 = arith.constant 1200 : i32
        %add3A_1012 = arith.addi %add3A_1011, %scan3A_1010 : i32
        %get3A_1013 = arith.constant 1 : i32
        %get3A_1014 = arith.index_cast %get3A_1013 : i32 to index
        %get3A_1015 = arith.index_cast %add3A_1012 : i32 to index
        %get3A_1016 = arith.constant 0 : index
        %get3A_1017 = tpu.vector_load %arg6[%get3A_1014, %get3A_1015, %get3A_1016] {strides = array<i32>} : memref<2x1600x32xf32, #tpu.memory_space<vmem>>, vector<16xf32>,
        %add3A_1018 = arith.addf %add3A_1000, %get3A_1017 : vector<16xf32>
        %add3A_1019 = arith.constant 1200 : i32
        %add3A_1020 = arith.addi %add3A_1019, %scan3A_1010 : i32
        %get3A_1021 = arith.constant 1 : i32
        %get3A_1022 = arith.index_cast %get3A_1021 : i32 to index
        %get3A_1023 = arith.index_cast %add3A_1020 : i32 to index
        %get3A_1024 = arith.constant 16 : index
        %get3A_1025 = tpu.vector_load %arg6[%get3A_1022, %get3A_1023, %get3A_1024] {strides = array<i32>} : memref<2x1600x32xf32, #tpu.memory_space<vmem>>, vector<16xf32>,
        %add3A_1026 = arith.addf %add3A_1008, %get3A_1025 : vector<16xf32>
        %scan3A_1027 = arith.constant 4 : i32
        %scan3A_1028 = arith.addi %scan3A_955, %scan3A_1027 : i32
        %add3A_1029 = arith.constant 1200 : i32
        %add3A_1030 = arith.addi %add3A_1029, %scan3A_1028 : i32
        %get3A_1031 = arith.constant 1 : i32
        %get3A_1032 = arith.index_cast %get3A_1031 : i32 to index
        %get3A_1033 = arith.index_cast %add3A_1030 : i32 to index
        %get3A_1034 = arith.constant 0 : index
        %get3A_1035 = tpu.vector_load %arg6[%get3A_1032, %get3A_1033, %get3A_1034] {strides = array<i32>} : memref<2x1600x32xf32, #tpu.memory_space<vmem>>, vector<16xf32>,
        %add3A_1036 = arith.addf %add3A_1018, %get3A_1035 : vector<16xf32>
        %add3A_1037 = arith.constant 1200 : i32
        %add3A_1038 = arith.addi %add3A_1037, %scan3A_1028 : i32
        %get3A_1039 = arith.constant 1 : i32
        %get3A_1040 = arith.index_cast %get3A_1039 : i32 to index
        %get3A_1041 = arith.index_cast %add3A_1038 : i32 to index
        %get3A_1042 = arith.constant 16 : index
        %get3A_1043 = tpu.vector_load %arg6[%get3A_1040, %get3A_1041, %get3A_1042] {strides = array<i32>} : memref<2x1600x32xf32, #tpu.memory_space<vmem>>, vector<16xf32>,
        %add3A_1044 = arith.addf %add3A_1026, %get3A_1043 : vector<16xf32>
        %scan3A_1045 = arith.constant 5 : i32
        %scan3A_1046 = arith.addi %scan3A_955, %scan3A_1045 : i32
        %add3A_1047 = arith.constant 1200 : i32
        %add3A_1048 = arith.addi %add3A_1047, %scan3A_1046 : i32
        %get3A_1049 = arith.constant 1 : i32
        %get3A_1050 = arith.index_cast %get3A_1049 : i32 to index
        %get3A_1051 = arith.index_cast %add3A_1048 : i32 to index
        %get3A_1052 = arith.constant 0 : index
        %get3A_1053 = tpu.vector_load %arg6[%get3A_1050, %get3A_1051, %get3A_1052] {strides = array<i32>} : memref<2x1600x32xf32, #tpu.memory_space<vmem>>, vector<16xf32>,
        %add3A_1054 = arith.addf %add3A_1036, %get3A_1053 : vector<16xf32>
        %add3A_1055 = arith.constant 1200 : i32
        %add3A_1056 = arith.addi %add3A_1055, %scan3A_1046 : i32
        %get3A_1057 = arith.constant 1 : i32
        %get3A_1058 = arith.index_cast %get3A_1057 : i32 to index
        %get3A_1059 = arith.index_cast %add3A_1056 : i32 to index
        %get3A_1060 = arith.constant 16 : index
        %get3A_1061 = tpu.vector_load %arg6[%get3A_1058, %get3A_1059, %get3A_1060] {strides = array<i32>} : memref<2x1600x32xf32, #tpu.memory_space<vmem>>, vector<16xf32>,
        %add3A_1062 = arith.addf %add3A_1044, %get3A_1061 : vector<16xf32>
        %scan3A_1063 = arith.constant 6 : i32
        %scan3A_1064 = arith.addi %scan3A_955, %scan3A_1063 : i32
        %add3A_1065 = arith.constant 1200 : i32
        %add3A_1066 = arith.addi %add3A_1065, %scan3A_1064 : i32
        %get3A_1067 = arith.constant 1 : i32
        %get3A_1068 = arith.index_cast %get3A_1067 : i32 to index
        %get3A_1069 = arith.index_cast %add3A_1066 : i32 to index
        %get3A_1070 = arith.constant 0 : index
        %get3A_1071 = tpu.vector_load %arg6[%get3A_1068, %get3A_1069, %get3A_1070] {strides = array<i32>} : memref<2x1600x32xf32, #tpu.memory_space<vmem>>, vector<16xf32>,
        %add3A_1072 = arith.addf %add3A_1054, %get3A_1071 : vector<16xf32>
        %add3A_1073 = arith.constant 1200 : i32
        %add3A_1074 = arith.addi %add3A_1073, %scan3A_1064 : i32
        %get3A_1075 = arith.constant 1 : i32
        %get3A_1076 = arith.index_cast %get3A_1075 : i32 to index
        %get3A_1077 = arith.index_cast %add3A_1074 : i32 to index
        %get3A_1078 = arith.constant 16 : index
        %get3A_1079 = tpu.vector_load %arg6[%get3A_1076, %get3A_1077, %get3A_1078] {strides = array<i32>} : memref<2x1600x32xf32, #tpu.memory_space<vmem>>, vector<16xf32>,
        %add3A_1080 = arith.addf %add3A_1062, %get3A_1079 : vector<16xf32>
        %scan3A_1081 = arith.constant 7 : i32
        %scan3A_1082 = arith.addi %scan3A_955, %scan3A_1081 : i32
        %add3A_1083 = arith.constant 1200 : i32
        %add3A_1084 = arith.addi %add3A_1083, %scan3A_1082 : i32
        %get3A_1085 = arith.constant 1 : i32
        %get3A_1086 = arith.index_cast %get3A_1085 : i32 to index
        %get3A_1087 = arith.index_cast %add3A_1084 : i32 to index
        %get3A_1088 = arith.constant 0 : index
        %get3A_1089 = tpu.vector_load %arg6[%get3A_1086, %get3A_1087, %get3A_1088] {strides = array<i32>} : memref<2x1600x32xf32, #tpu.memory_space<vmem>>, vector<16xf32>,
        %add3A_1090 = arith.addf %add3A_1072, %get3A_1089 : vector<16xf32>
        %add3A_1091 = arith.constant 1200 : i32
        %add3A_1092 = arith.addi %add3A_1091, %scan3A_1082 : i32
        %get3A_1093 = arith.constant 1 : i32
        %get3A_1094 = arith.index_cast %get3A_1093 : i32 to index
        %get3A_1095 = arith.index_cast %add3A_1092 : i32 to index
        %get3A_1096 = arith.constant 16 : index
        %get3A_1097 = tpu.vector_load %arg6[%get3A_1094, %get3A_1095, %get3A_1096] {strides = array<i32>} : memref<2x1600x32xf32, #tpu.memory_space<vmem>>, vector<16xf32>,
        %add3A_1098 = arith.addf %add3A_1080, %get3A_1097 : vector<16xf32>
        scf.yield %add3A_1090, %add3A_1098 : vector<16xf32>, vector<16xf32>
      }
      %scan3A_903 = arith.constant 200 : i32
      %swap3A_904 = arith.constant 1 : i32
      %swap3A_905 = arith.index_cast %swap3A_904 : i32 to index
      %swap3A_906 = arith.constant 64 : index
      %swap3A_907 = tpu.vector_load %arg7[%swap3A_905, %swap3A_906] {strides = array<i32>} : memref<2x128xf32, #tpu.memory_space<vmem>>, vector<16xf32>,
      tpu.vector_store %arg7[%swap3A_905, %swap3A_906], %scan3A_902#0 {strides = array<i32>} : memref<2x128xf32, #tpu.memory_space<vmem>>, vector<16xf32>,
      %swap3A_908 = arith.constant 1 : i32
      %swap3A_909 = arith.index_cast %swap3A_908 : i32 to index
      %swap3A_910 = arith.constant 80 : index
      %swap3A_911 = tpu.vector_load %arg7[%swap3A_909, %swap3A_910] {strides = array<i32>} : memref<2x128xf32, #tpu.memory_space<vmem>>, vector<16xf32>,
      tpu.vector_store %arg7[%swap3A_909, %swap3A_910], %scan3A_902#1 {strides = array<i32>} : memref<2x128xf32, #tpu.memory_space<vmem>>, vector<16xf32>,
      %broadcast_in_dim3A_912 = arith.constant 0.000000e+00 : f32
      %broadcast_in_dim3A_913 = vector.broadcast %broadcast_in_dim3A_912 : f32 to vector<16xf32>
      %scan3A_914 = arith.constant 0 : i32
      %scan3A_915 = arith.constant 200 : i32
      %scan3A_916 = arith.addi %scan3A_914, %scan3A_915 : i32
      %scan3A_917 = arith.constant 8 : i32
      %scan3A_918:2 = scf.for %scan3A_955 = %scan3A_914 to %scan3A_916 step %scan3A_917 iter_args(%scan3A_956 = %broadcast_in_dim3A_913, %scan3A_957 = %broadcast_in_dim3A_913) -> (vector<16xf32>, vector<16xf32>)  : i32 {
        %add3A_958 = arith.constant 1400 : i32
        %add3A_959 = arith.addi %add3A_958, %scan3A_955 : i32
        %get3A = arith.constant 1 : i32
        %get3A_960 = arith.index_cast %get3A : i32 to index
        %get3A_961 = arith.index_cast %add3A_959 : i32 to index
        %get3A_962 = arith.constant 0 : index
        %get3A_963 = tpu.vector_load %arg6[%get3A_960, %get3A_961, %get3A_962] {strides = array<i32>} : memref<2x1600x32xf32, #tpu.memory_space<vmem>>, vector<16xf32>,
        %add3A_964 = arith.addf %scan3A_956, %get3A_963 : vector<16xf32>
        %add3A_965 = arith.constant 1400 : i32
        %add3A_966 = arith.addi %add3A_965, %scan3A_955 : i32
        %get3A_967 = arith.constant 1 : i32
        %get3A_968 = arith.index_cast %get3A_967 : i32 to index
        %get3A_969 = arith.index_cast %add3A_966 : i32 to index
        %get3A_970 = arith.constant 16 : index
        %get3A_971 = tpu.vector_load %arg6[%get3A_968, %get3A_969, %get3A_970] {strides = array<i32>} : memref<2x1600x32xf32, #tpu.memory_space<vmem>>, vector<16xf32>,
        %add3A_972 = arith.addf %scan3A_957, %get3A_971 : vector<16xf32>
        %scan3A_973 = arith.constant 1 : i32
        %scan3A_974 = arith.addi %scan3A_955, %scan3A_973 : i32
        %add3A_975 = arith.constant 1400 : i32
        %add3A_976 = arith.addi %add3A_975, %scan3A_974 : i32
        %get3A_977 = arith.constant 1 : i32
        %get3A_978 = arith.index_cast %get3A_977 : i32 to index
        %get3A_979 = arith.index_cast %add3A_976 : i32 to index
        %get3A_980 = arith.constant 0 : index
        %get3A_981 = tpu.vector_load %arg6[%get3A_978, %get3A_979, %get3A_980] {strides = array<i32>} : memref<2x1600x32xf32, #tpu.memory_space<vmem>>, vector<16xf32>,
        %add3A_982 = arith.addf %add3A_964, %get3A_981 : vector<16xf32>
        %add3A_983 = arith.constant 1400 : i32
        %add3A_984 = arith.addi %add3A_983, %scan3A_974 : i32
        %get3A_985 = arith.constant 1 : i32
        %get3A_986 = arith.index_cast %get3A_985 : i32 to index
        %get3A_987 = arith.index_cast %add3A_984 : i32 to index
        %get3A_988 = arith.constant 16 : index
        %get3A_989 = tpu.vector_load %arg6[%get3A_986, %get3A_987, %get3A_988] {strides = array<i32>} : memref<2x1600x32xf32, #tpu.memory_space<vmem>>, vector<16xf32>,
        %add3A_990 = arith.addf %add3A_972, %get3A_989 : vector<16xf32>
        %scan3A_991 = arith.constant 2 : i32
        %scan3A_992 = arith.addi %scan3A_955, %scan3A_991 : i32
        %add3A_993 = arith.constant 1400 : i32
        %add3A_994 = arith.addi %add3A_993, %scan3A_992 : i32
        %get3A_995 = arith.constant 1 : i32
        %get3A_996 = arith.index_cast %get3A_995 : i32 to index
        %get3A_997 = arith.index_cast %add3A_994 : i32 to index
        %get3A_998 = arith.constant 0 : index
        %get3A_999 = tpu.vector_load %arg6[%get3A_996, %get3A_997, %get3A_998] {strides = array<i32>} : memref<2x1600x32xf32, #tpu.memory_space<vmem>>, vector<16xf32>,
        %add3A_1000 = arith.addf %add3A_982, %get3A_999 : vector<16xf32>
        %add3A_1001 = arith.constant 1400 : i32
        %add3A_1002 = arith.addi %add3A_1001, %scan3A_992 : i32
        %get3A_1003 = arith.constant 1 : i32
        %get3A_1004 = arith.index_cast %get3A_1003 : i32 to index
        %get3A_1005 = arith.index_cast %add3A_1002 : i32 to index
        %get3A_1006 = arith.constant 16 : index
        %get3A_1007 = tpu.vector_load %arg6[%get3A_1004, %get3A_1005, %get3A_1006] {strides = array<i32>} : memref<2x1600x32xf32, #tpu.memory_space<vmem>>, vector<16xf32>,
        %add3A_1008 = arith.addf %add3A_990, %get3A_1007 : vector<16xf32>
        %scan3A_1009 = arith.constant 3 : i32
        %scan3A_1010 = arith.addi %scan3A_955, %scan3A_1009 : i32
        %add3A_1011 = arith.constant 1400 : i32
        %add3A_1012 = arith.addi %add3A_1011, %scan3A_1010 : i32
        %get3A_1013 = arith.constant 1 : i32
        %get3A_1014 = arith.index_cast %get3A_1013 : i32 to index
        %get3A_1015 = arith.index_cast %add3A_1012 : i32 to index
        %get3A_1016 = arith.constant 0 : index
        %get3A_1017 = tpu.vector_load %arg6[%get3A_1014, %get3A_1015, %get3A_1016] {strides = array<i32>} : memref<2x1600x32xf32, #tpu.memory_space<vmem>>, vector<16xf32>,
        %add3A_1018 = arith.addf %add3A_1000, %get3A_1017 : vector<16xf32>
        %add3A_1019 = arith.constant 1400 : i32
        %add3A_1020 = arith.addi %add3A_1019, %scan3A_1010 : i32
        %get3A_1021 = arith.constant 1 : i32
        %get3A_1022 = arith.index_cast %get3A_1021 : i32 to index
        %get3A_1023 = arith.index_cast %add3A_1020 : i32 to index
        %get3A_1024 = arith.constant 16 : index
        %get3A_1025 = tpu.vector_load %arg6[%get3A_1022, %get3A_1023, %get3A_1024] {strides = array<i32>} : memref<2x1600x32xf32, #tpu.memory_space<vmem>>, vector<16xf32>,
        %add3A_1026 = arith.addf %add3A_1008, %get3A_1025 : vector<16xf32>
        %scan3A_1027 = arith.constant 4 : i32
        %scan3A_1028 = arith.addi %scan3A_955, %scan3A_1027 : i32
        %add3A_1029 = arith.constant 1400 : i32
        %add3A_1030 = arith.addi %add3A_1029, %scan3A_1028 : i32
        %get3A_1031 = arith.constant 1 : i32
        %get3A_1032 = arith.index_cast %get3A_1031 : i32 to index
        %get3A_1033 = arith.index_cast %add3A_1030 : i32 to index
        %get3A_1034 = arith.constant 0 : index
        %get3A_1035 = tpu.vector_load %arg6[%get3A_1032, %get3A_1033, %get3A_1034] {strides = array<i32>} : memref<2x1600x32xf32, #tpu.memory_space<vmem>>, vector<16xf32>,
        %add3A_1036 = arith.addf %add3A_1018, %get3A_1035 : vector<16xf32>
        %add3A_1037 = arith.constant 1400 : i32
        %add3A_1038 = arith.addi %add3A_1037, %scan3A_1028 : i32
        %get3A_1039 = arith.constant 1 : i32
        %get3A_1040 = arith.index_cast %get3A_1039 : i32 to index
        %get3A_1041 = arith.index_cast %add3A_1038 : i32 to index
        %get3A_1042 = arith.constant 16 : index
        %get3A_1043 = tpu.vector_load %arg6[%get3A_1040, %get3A_1041, %get3A_1042] {strides = array<i32>} : memref<2x1600x32xf32, #tpu.memory_space<vmem>>, vector<16xf32>,
        %add3A_1044 = arith.addf %add3A_1026, %get3A_1043 : vector<16xf32>
        %scan3A_1045 = arith.constant 5 : i32
        %scan3A_1046 = arith.addi %scan3A_955, %scan3A_1045 : i32
        %add3A_1047 = arith.constant 1400 : i32
        %add3A_1048 = arith.addi %add3A_1047, %scan3A_1046 : i32
        %get3A_1049 = arith.constant 1 : i32
        %get3A_1050 = arith.index_cast %get3A_1049 : i32 to index
        %get3A_1051 = arith.index_cast %add3A_1048 : i32 to index
        %get3A_1052 = arith.constant 0 : index
        %get3A_1053 = tpu.vector_load %arg6[%get3A_1050, %get3A_1051, %get3A_1052] {strides = array<i32>} : memref<2x1600x32xf32, #tpu.memory_space<vmem>>, vector<16xf32>,
        %add3A_1054 = arith.addf %add3A_1036, %get3A_1053 : vector<16xf32>
        %add3A_1055 = arith.constant 1400 : i32
        %add3A_1056 = arith.addi %add3A_1055, %scan3A_1046 : i32
        %get3A_1057 = arith.constant 1 : i32
        %get3A_1058 = arith.index_cast %get3A_1057 : i32 to index
        %get3A_1059 = arith.index_cast %add3A_1056 : i32 to index
        %get3A_1060 = arith.constant 16 : index
        %get3A_1061 = tpu.vector_load %arg6[%get3A_1058, %get3A_1059, %get3A_1060] {strides = array<i32>} : memref<2x1600x32xf32, #tpu.memory_space<vmem>>, vector<16xf32>,
        %add3A_1062 = arith.addf %add3A_1044, %get3A_1061 : vector<16xf32>
        %scan3A_1063 = arith.constant 6 : i32
        %scan3A_1064 = arith.addi %scan3A_955, %scan3A_1063 : i32
        %add3A_1065 = arith.constant 1400 : i32
        %add3A_1066 = arith.addi %add3A_1065, %scan3A_1064 : i32
        %get3A_1067 = arith.constant 1 : i32
        %get3A_1068 = arith.index_cast %get3A_1067 : i32 to index
        %get3A_1069 = arith.index_cast %add3A_1066 : i32 to index
        %get3A_1070 = arith.constant 0 : index
        %get3A_1071 = tpu.vector_load %arg6[%get3A_1068, %get3A_1069, %get3A_1070] {strides = array<i32>} : memref<2x1600x32xf32, #tpu.memory_space<vmem>>, vector<16xf32>,
        %add3A_1072 = arith.addf %add3A_1054, %get3A_1071 : vector<16xf32>
        %add3A_1073 = arith.constant 1400 : i32
        %add3A_1074 = arith.addi %add3A_1073, %scan3A_1064 : i32
        %get3A_1075 = arith.constant 1 : i32
        %get3A_1076 = arith.index_cast %get3A_1075 : i32 to index
        %get3A_1077 = arith.index_cast %add3A_1074 : i32 to index
        %get3A_1078 = arith.constant 16 : index
        %get3A_1079 = tpu.vector_load %arg6[%get3A_1076, %get3A_1077, %get3A_1078] {strides = array<i32>} : memref<2x1600x32xf32, #tpu.memory_space<vmem>>, vector<16xf32>,
        %add3A_1080 = arith.addf %add3A_1062, %get3A_1079 : vector<16xf32>
        %scan3A_1081 = arith.constant 7 : i32
        %scan3A_1082 = arith.addi %scan3A_955, %scan3A_1081 : i32
        %add3A_1083 = arith.constant 1400 : i32
        %add3A_1084 = arith.addi %add3A_1083, %scan3A_1082 : i32
        %get3A_1085 = arith.constant 1 : i32
        %get3A_1086 = arith.index_cast %get3A_1085 : i32 to index
        %get3A_1087 = arith.index_cast %add3A_1084 : i32 to index
        %get3A_1088 = arith.constant 0 : index
        %get3A_1089 = tpu.vector_load %arg6[%get3A_1086, %get3A_1087, %get3A_1088] {strides = array<i32>} : memref<2x1600x32xf32, #tpu.memory_space<vmem>>, vector<16xf32>,
        %add3A_1090 = arith.addf %add3A_1072, %get3A_1089 : vector<16xf32>
        %add3A_1091 = arith.constant 1400 : i32
        %add3A_1092 = arith.addi %add3A_1091, %scan3A_1082 : i32
        %get3A_1093 = arith.constant 1 : i32
        %get3A_1094 = arith.index_cast %get3A_1093 : i32 to index
        %get3A_1095 = arith.index_cast %add3A_1092 : i32 to index
        %get3A_1096 = arith.constant 16 : index
        %get3A_1097 = tpu.vector_load %arg6[%get3A_1094, %get3A_1095, %get3A_1096] {strides = array<i32>} : memref<2x1600x32xf32, #tpu.memory_space<vmem>>, vector<16xf32>,
        %add3A_1098 = arith.addf %add3A_1080, %get3A_1097 : vector<16xf32>
        scf.yield %add3A_1090, %add3A_1098 : vector<16xf32>, vector<16xf32>
      }
      %scan3A_919 = arith.constant 200 : i32
      %swap3A_920 = arith.constant 1 : i32
      %swap3A_921 = arith.index_cast %swap3A_920 : i32 to index
      %swap3A_922 = arith.constant 96 : index
      %swap3A_923 = tpu.vector_load %arg7[%swap3A_921, %swap3A_922] {strides = array<i32>} : memref<2x128xf32, #tpu.memory_space<vmem>>, vector<16xf32>,
      tpu.vector_store %arg7[%swap3A_921, %swap3A_922], %scan3A_918#0 {strides = array<i32>} : memref<2x128xf32, #tpu.memory_space<vmem>>, vector<16xf32>,
      %swap3A_924 = arith.constant 1 : i32
      %swap3A_925 = arith.index_cast %swap3A_924 : i32 to index
      %swap3A_926 = arith.constant 112 : index
      %swap3A_927 = tpu.vector_load %arg7[%swap3A_925, %swap3A_926] {strides = array<i32>} : memref<2x128xf32, #tpu.memory_space<vmem>>, vector<16xf32>,
      tpu.vector_store %arg7[%swap3A_925, %swap3A_926], %scan3A_918#1 {strides = array<i32>} : memref<2x128xf32, #tpu.memory_space<vmem>>, vector<16xf32>,
      %mul3A_928 = arith.constant 8 : i32
      %mul3A_929 = arith.muli %add3A_593, %mul3A_928 : i32
      %add3A_930 = arith.addi %mul3A_2, %mul3A_929 : i32
      %jit3A_931 = arith.constant 4 : i32
      %div3A_932 = arith.divsi %add3A_930, %jit3A_931 : i32
      %sign3A_933 = arith.constant 0 : i32
      %sign3A_934 = arith.cmpi sgt, %add3A_930, %sign3A_933 : i32
      %sign3A_935 = arith.extui %sign3A_934 : i1 to i32
      %sign3A_936 = arith.constant 0 : i32
      %sign3A_937 = arith.cmpi slt, %add3A_930, %sign3A_936 : i32
      %sign3A_938 = arith.extui %sign3A_937 : i1 to i32
      %sign3A_939 = arith.subi %sign3A_935, %sign3A_938 : i32
      %sign3A_940 = arith.constant 0 : i32
      %sign3A_941 = arith.cmpi sgt, %jit3A_931, %sign3A_940 : i32
      %sign3A_942 = arith.extui %sign3A_941 : i1 to i32
      %sign3A_943 = arith.constant 0 : i32
      %sign3A_944 = arith.cmpi slt, %jit3A_931, %sign3A_943 : i32
      %sign3A_945 = arith.extui %sign3A_944 : i1 to i32
      %sign3A_946 = arith.subi %sign3A_942, %sign3A_945 : i32
      %ne3A_947 = arith.cmpi ne, %sign3A_939, %sign3A_946 : i32
      %rem3A_948 = arith.remsi %add3A_930, %jit3A_931 : i32
      %ne3A_949 = arith.constant 0 : i32
      %ne3A_950 = arith.cmpi ne, %rem3A_948, %ne3A_949 : i32
      %and3A_951 = arith.andi %ne3A_947, %ne3A_950 : i1
      %sub3A_952 = arith.constant 1 : i32
      %sub3A_953 = arith.subi %div3A_932, %sub3A_952 : i32
      %select_n3A_954 = arith.select %and3A_951, %sub3A_953, %div3A_932 : i32
      "tpu.region"() ({
        %run_scoped3A = tpu.sem_alloc : memref<!tpu.dma_semaphore, #tpu.memory_space<semaphore_mem>>
        %dma_start3A_955 = arith.constant 0 : i32
        %dma_start3A_956 = tpu.memref_slice %arg4[%select_n3A_954, %dma_start3A_955] : memref<4096x128xf32, #tpu.memory_space<hbm>> -> memref<2x128xf32, #tpu.memory_space<hbm>>
        %dma_start3A_957 = arith.constant 0 : i32
        %dma_start3A_958 = tpu.memref_slice %arg4[%select_n3A_954, %dma_start3A_957] : memref<4096x128xf32, #tpu.memory_space<hbm>> -> memref<2x128xf32, #tpu.memory_space<hbm>>
        tpu.enqueue_dma source(%arg7 : memref<2x128xf32, #tpu.memory_space<vmem>>) target(%dma_start3A_958 : memref<2x128xf32, #tpu.memory_space<hbm>>) target_semaphore(%run_scoped3A : memref<!tpu.dma_semaphore, #tpu.memory_space<semaphore_mem>>)
        %dma_wait3A_959 = arith.constant 0 : i32
        %dma_wait3A_960 = tpu.memref_slice %arg4[%select_n3A_954, %dma_wait3A_959] : memref<4096x128xf32, #tpu.memory_space<hbm>> -> memref<2x128xf32, #tpu.memory_space<hbm>>
        %dma_wait3A_961 = arith.constant 0 : i32
        %dma_wait3A_962 = tpu.memref_slice %arg4[%select_n3A_954, %dma_wait3A_961] : memref<4096x128xf32, #tpu.memory_space<hbm>> -> memref<2x128xf32, #tpu.memory_space<hbm>>
        tpu.wait_dma2 semaphore(%run_scoped3A : memref<!tpu.dma_semaphore, #tpu.memory_space<semaphore_mem>>) src(%arg7 : memref<2x128xf32, #tpu.memory_space<vmem>>) dst(%dma_wait3A_962 : memref<2x128xf32, #tpu.memory_space<hbm>>)
        tpu.yield
      }) : () -> ()
    }
    %scan3A_236 = arith.constant 32 : i32
    return
  }
}

module attributes {stable_mosaic.version = 14 : i64} {
  func.func @_head_body(%arg0: i32, %arg1: memref<2048x128xf32, #tpu.memory_space<vmem>>, %arg2: memref<1x128xf32, #tpu.memory_space<vmem>>, %arg3: memref<1x128xf32, #tpu.memory_space<vmem>>, %arg4: memref<1x1xf32, #tpu.memory_space<vmem>>, %arg5: memref<2048x4xf32, #tpu.memory_space<vmem>>) attributes {dimension_semantics = [#tpu.dimension_semantics<arbitrary>], iteration_bounds = array<i64: 2>, scalar_prefetch = 0 : i64, scratch_operands = 0 : i64, tpu.core_type = #tpu.core_type<tc>, window_params = [{transform_indices = @transform_0, window_bounds = array<i64: 2048, 128>}, {pipeline_mode = #tpu.pipeline_mode<synchronous>, transform_indices = @transform_1, window_bounds = array<i64: 1, 128>}, {pipeline_mode = #tpu.pipeline_mode<synchronous>, transform_indices = @transform_2, window_bounds = array<i64: 1, 128>}, {pipeline_mode = #tpu.pipeline_mode<synchronous>, transform_indices = @transform_3, window_bounds = array<i64: 1, 1>}, {transform_indices = @transform_4, window_bounds = array<i64: 2048, 4>}]} {
    %get3A = arith.constant 0 : index
    %get3A_0 = arith.constant 0 : index
    %get3A_1 = vector.load %arg1[%get3A, %get3A_0] : memref<2048x128xf32, #tpu.memory_space<vmem>>, vector<2048x128xf32>
    %get3A_2 = arith.constant 0 : index
    %get3A_3 = arith.constant 0 : index
    %get3A_4 = vector.load %arg2[%get3A_2, %get3A_3] : memref<1x128xf32, #tpu.memory_space<vmem>>, vector<1x128xf32>
    %add3A = vector.broadcast %get3A_4 : vector<1x128xf32> to vector<2048x128xf32>
    %add3A_5 = arith.addf %get3A_1, %add3A : vector<2048x128xf32>
    %max3A = arith.constant 0.000000e+00 : f32
    %max3A_6 = vector.broadcast %max3A : f32 to vector<2048x128xf32>
    %max3A_7 = arith.maximumf %add3A_5, %max3A_6 : vector<2048x128xf32>
    %get3A_8 = arith.constant 0 : index
    %get3A_9 = arith.constant 0 : index
    %get3A_10 = vector.load %arg3[%get3A_8, %get3A_9] : memref<1x128xf32, #tpu.memory_space<vmem>>, vector<1x128xf32>
    %mul3A = vector.broadcast %get3A_10 : vector<1x128xf32> to vector<2048x128xf32>
    %mul3A_11 = arith.mulf %max3A_7, %mul3A : vector<2048x128xf32>
    %iota3A = tpu.iota {dimensions = array<i32: 0>} : vector<128x4xi32>
    %iota3A_12 = tpu.iota {dimensions = array<i32: 1>} : vector<128x4xi32>
    %jit3A = arith.constant 32 : i32
    %div3A = vector.broadcast %jit3A : i32 to vector<128x4xi32>
    %div3A_13 = arith.divsi %iota3A, %div3A : vector<128x4xi32>
    %sign3A = arith.constant 0 : i32
    %sign3A_14 = vector.broadcast %sign3A : i32 to vector<128x4xi32>
    %sign3A_15 = arith.cmpi sgt, %iota3A, %sign3A_14 : vector<128x4xi32>
    %sign3A_16 = arith.extui %sign3A_15 : vector<128x4xi1> to vector<128x4xi32>
    %sign3A_17 = arith.constant 0 : i32
    %sign3A_18 = vector.broadcast %sign3A_17 : i32 to vector<128x4xi32>
    %sign3A_19 = arith.cmpi slt, %iota3A, %sign3A_18 : vector<128x4xi32>
    %sign3A_20 = arith.extui %sign3A_19 : vector<128x4xi1> to vector<128x4xi32>
    %sign3A_21 = arith.subi %sign3A_16, %sign3A_20 : vector<128x4xi32>
    %sign3A_22 = arith.constant 0 : i32
    %sign3A_23 = arith.cmpi sgt, %jit3A, %sign3A_22 : i32
    %sign3A_24 = arith.extui %sign3A_23 : i1 to i32
    %sign3A_25 = arith.constant 0 : i32
    %sign3A_26 = arith.cmpi slt, %jit3A, %sign3A_25 : i32
    %sign3A_27 = arith.extui %sign3A_26 : i1 to i32
    %sign3A_28 = arith.subi %sign3A_24, %sign3A_27 : i32
    %ne3A = vector.broadcast %sign3A_28 : i32 to vector<128x4xi32>
    %ne3A_29 = arith.cmpi ne, %sign3A_21, %ne3A : vector<128x4xi32>
    %rem3A = vector.broadcast %jit3A : i32 to vector<128x4xi32>
    %rem3A_30 = arith.remsi %iota3A, %rem3A : vector<128x4xi32>
    %ne3A_31 = arith.constant 0 : i32
    %ne3A_32 = vector.broadcast %ne3A_31 : i32 to vector<128x4xi32>
    %ne3A_33 = arith.cmpi ne, %rem3A_30, %ne3A_32 : vector<128x4xi32>
    %and3A = arith.andi %ne3A_29, %ne3A_33 : vector<128x4xi1>
    %sub3A = arith.constant 1 : i32
    %sub3A_34 = vector.broadcast %sub3A : i32 to vector<128x4xi32>
    %sub3A_35 = arith.subi %div3A_13, %sub3A_34 : vector<128x4xi32>
    %select_n3A = arith.select %and3A, %sub3A_35, %div3A_13 : vector<128x4xi1>, vector<128x4xi32>
    %eq3A = arith.cmpi eq, %select_n3A, %iota3A_12 : vector<128x4xi32>
    %convert_element_type3A = arith.extui %eq3A : vector<128x4xi1> to vector<128x4xi32>
    %convert_element_type3A_36 = arith.sitofp %convert_element_type3A : vector<128x4xi32> to vector<128x4xf32>
    %dot_general3A = arith.constant dense<0.000000e+00> : vector<2048x4xf32>
    %dot_general3A_37 = tpu.matmul %mul3A_11, %convert_element_type3A_36, %dot_general3A {dimension_numbers = #tpu.dot_dimension_numbers<[1], [0], [0], [1], [0, 0, 1, 1], [], []>, transpose_lhs_hint = false} : vector<2048x128xf32>, vector<128x4xf32>, vector<2048x4xf32> -> vector<2048x4xf32>
    %get3A_38 = arith.constant 0 : index
    %get3A_39 = arith.constant 0 : index
    %get3A_40 = vector.load %arg4[%get3A_38, %get3A_39] : memref<1x1xf32, #tpu.memory_space<vmem>>, vector<1x1xf32>
    %get3A_41 = vector.extract %get3A_40[0, 0] : f32 from vector<1x1xf32>
    %add3A_42 = vector.broadcast %get3A_41 : f32 to vector<2048x4xf32>
    %add3A_43 = arith.addf %dot_general3A_37, %add3A_42 : vector<2048x4xf32>
    %logistic3A = arith.negf %add3A_43 : vector<2048x4xf32>
    %logistic3A_44 = math.exp %logistic3A : vector<2048x4xf32>
    %logistic3A_45 = arith.constant 1.000000e+00 : f32
    %logistic3A_46 = vector.broadcast %logistic3A_45 : f32 to vector<2048x4xf32>
    %logistic3A_47 = arith.addf %logistic3A_46, %logistic3A_44 : vector<2048x4xf32>
    %logistic3A_48 = arith.divf %logistic3A_46, %logistic3A_47 : vector<2048x4xf32>
    %swap3A = arith.constant 0 : index
    %swap3A_49 = arith.constant 0 : index
    %swap3A_50 = vector.load %arg5[%swap3A, %swap3A_49] : memref<2048x4xf32, #tpu.memory_space<vmem>>, vector<2048x4xf32>
    tpu.vector_store %arg5[%swap3A, %swap3A_49], %logistic3A_48 {strides = array<i32>} : memref<2048x4xf32, #tpu.memory_space<vmem>>, vector<2048x4xf32>,
    return
  }
  func.func @transform_0(%arg0: i32) -> (i32, i32) {
    %c0_i32 = arith.constant 0 : i32
    %c0_i32_0 = arith.constant 0 : i32
    return %arg0, %c0_i32 : i32, i32
  }
  func.func @transform_1(%arg0: i32) -> (i32, i32) {
    %c0_i32 = arith.constant 0 : i32
    %c0_i32_0 = arith.constant 0 : i32
    %c0_i32_1 = arith.constant 0 : i32
    return %c0_i32, %c0_i32_0 : i32, i32
  }
  func.func @transform_2(%arg0: i32) -> (i32, i32) {
    %c0_i32 = arith.constant 0 : i32
    %c0_i32_0 = arith.constant 0 : i32
    %c0_i32_1 = arith.constant 0 : i32
    return %c0_i32, %c0_i32_0 : i32, i32
  }
  func.func @transform_3(%arg0: i32) -> (i32, i32) {
    %c0_i32 = arith.constant 0 : i32
    %c0_i32_0 = arith.constant 0 : i32
    %c0_i32_1 = arith.constant 0 : i32
    return %c0_i32, %c0_i32_0 : i32, i32
  }
  func.func @transform_4(%arg0: i32) -> (i32, i32) {
    %c0_i32 = arith.constant 0 : i32
    %c0_i32_0 = arith.constant 0 : i32
    return %arg0, %c0_i32 : i32, i32
  }
}

module attributes {stable_mosaic.version = 14 : i64} {
  func.func @_proj_body(%arg0: i32, %arg1: memref<2000x128xf32, #tpu.memory_space<vmem>>, %arg2: memref<2000x128xf32, #tpu.memory_space<vmem>>, %arg3: memref<2000x128xf32, #tpu.memory_space<vmem>>, %arg4: memref<2000x128xf32, #tpu.memory_space<vmem>>, %arg5: memref<32x128xf32, #tpu.memory_space<vmem>>, %arg6: memref<2000x128xf32, #tpu.memory_space<vmem>>) attributes {dimension_semantics = [#tpu.dimension_semantics<arbitrary>], iteration_bounds = array<i64: 125>, scalar_prefetch = 0 : i64, scratch_operands = 0 : i64, tpu.core_type = #tpu.core_type<tc>, window_params = [{transform_indices = @transform_0, window_bounds = array<i64: 2000, 128>}, {transform_indices = @transform_1, window_bounds = array<i64: 2000, 128>}, {transform_indices = @transform_2, window_bounds = array<i64: 2000, 128>}, {transform_indices = @transform_3, window_bounds = array<i64: 2000, 128>}, {pipeline_mode = #tpu.pipeline_mode<synchronous>, transform_indices = @transform_4, window_bounds = array<i64: 32, 128>}, {transform_indices = @transform_5, window_bounds = array<i64: 2000, 128>}]} {
    %get3A = arith.constant 0 : index
    %get3A_0 = arith.constant 0 : index
    %get3A_1 = vector.load %arg1[%get3A, %get3A_0] : memref<2000x128xf32, #tpu.memory_space<vmem>>, vector<2000x128xf32>
    %get3A_2 = arith.constant 0 : index
    %get3A_3 = arith.constant 0 : index
    %get3A_4 = vector.load %arg5[%get3A_2, %get3A_3] : memref<32x128xf32, #tpu.memory_space<vmem>>, vector<32x128xf32>
    %dot_general3A = arith.constant dense<0.000000e+00> : vector<2000x32xf32>
    %dot_general3A_5 = tpu.matmul %get3A_1, %get3A_4, %dot_general3A {dimension_numbers = #tpu.dot_dimension_numbers<[1], [1], [0], [0], [0, 0, 1, 0], [], []>, transpose_lhs_hint = false} : vector<2000x128xf32>, vector<32x128xf32>, vector<2000x32xf32> -> vector<2000x32xf32>
    %mul3A = arith.constant 5.000000e-03 : f32
    %mul3A_6 = vector.broadcast %mul3A : f32 to vector<2000x32xf32>
    %mul3A_7 = arith.mulf %dot_general3A_5, %mul3A_6 : vector<2000x32xf32>
    %get3A_8 = arith.constant 0 : index
    %get3A_9 = arith.constant 0 : index
    %get3A_10 = vector.load %arg2[%get3A_8, %get3A_9] : memref<2000x128xf32, #tpu.memory_space<vmem>>, vector<2000x128xf32>
    %get3A_11 = arith.constant 0 : index
    %get3A_12 = arith.constant 0 : index
    %get3A_13 = vector.load %arg5[%get3A_11, %get3A_12] : memref<32x128xf32, #tpu.memory_space<vmem>>, vector<32x128xf32>
    %dot_general3A_14 = arith.constant dense<0.000000e+00> : vector<2000x32xf32>
    %dot_general3A_15 = tpu.matmul %get3A_10, %get3A_13, %dot_general3A_14 {dimension_numbers = #tpu.dot_dimension_numbers<[1], [1], [0], [0], [0, 0, 1, 0], [], []>, transpose_lhs_hint = false} : vector<2000x128xf32>, vector<32x128xf32>, vector<2000x32xf32> -> vector<2000x32xf32>
    %mul3A_16 = arith.constant 5.000000e-03 : f32
    %mul3A_17 = vector.broadcast %mul3A_16 : f32 to vector<2000x32xf32>
    %mul3A_18 = arith.mulf %dot_general3A_15, %mul3A_17 : vector<2000x32xf32>
    %get3A_19 = arith.constant 0 : index
    %get3A_20 = arith.constant 0 : index
    %get3A_21 = vector.load %arg3[%get3A_19, %get3A_20] : memref<2000x128xf32, #tpu.memory_space<vmem>>, vector<2000x128xf32>
    %get3A_22 = arith.constant 0 : index
    %get3A_23 = arith.constant 0 : index
    %get3A_24 = vector.load %arg5[%get3A_22, %get3A_23] : memref<32x128xf32, #tpu.memory_space<vmem>>, vector<32x128xf32>
    %dot_general3A_25 = arith.constant dense<0.000000e+00> : vector<2000x32xf32>
    %dot_general3A_26 = tpu.matmul %get3A_21, %get3A_24, %dot_general3A_25 {dimension_numbers = #tpu.dot_dimension_numbers<[1], [1], [0], [0], [0, 0, 1, 0], [], []>, transpose_lhs_hint = false} : vector<2000x128xf32>, vector<32x128xf32>, vector<2000x32xf32> -> vector<2000x32xf32>
    %mul3A_27 = arith.constant 5.000000e-03 : f32
    %mul3A_28 = vector.broadcast %mul3A_27 : f32 to vector<2000x32xf32>
    %mul3A_29 = arith.mulf %dot_general3A_26, %mul3A_28 : vector<2000x32xf32>
    %get3A_30 = arith.constant 0 : index
    %get3A_31 = arith.constant 0 : index
    %get3A_32 = vector.load %arg4[%get3A_30, %get3A_31] : memref<2000x128xf32, #tpu.memory_space<vmem>>, vector<2000x128xf32>
    %get3A_33 = arith.constant 0 : index
    %get3A_34 = arith.constant 0 : index
    %get3A_35 = vector.load %arg5[%get3A_33, %get3A_34] : memref<32x128xf32, #tpu.memory_space<vmem>>, vector<32x128xf32>
    %dot_general3A_36 = arith.constant dense<0.000000e+00> : vector<2000x32xf32>
    %dot_general3A_37 = tpu.matmul %get3A_32, %get3A_35, %dot_general3A_36 {dimension_numbers = #tpu.dot_dimension_numbers<[1], [1], [0], [0], [0, 0, 1, 0], [], []>, transpose_lhs_hint = false} : vector<2000x128xf32>, vector<32x128xf32>, vector<2000x32xf32> -> vector<2000x32xf32>
    %mul3A_38 = arith.constant 5.000000e-03 : f32
    %mul3A_39 = vector.broadcast %mul3A_38 : f32 to vector<2000x32xf32>
    %mul3A_40 = arith.mulf %dot_general3A_37, %mul3A_39 : vector<2000x32xf32>
    %concatenate3A = tpu.concatenate %mul3A_7, %mul3A_18, %mul3A_29, %mul3A_40 in 1 : vector<2000x32xf32>, vector<2000x32xf32>, vector<2000x32xf32>, vector<2000x32xf32> -> vector<2000x128xf32>
    %swap3A = arith.constant 0 : index
    %swap3A_41 = arith.constant 0 : index
    %swap3A_42 = vector.load %arg6[%swap3A, %swap3A_41] : memref<2000x128xf32, #tpu.memory_space<vmem>>, vector<2000x128xf32>
    tpu.vector_store %arg6[%swap3A, %swap3A_41], %concatenate3A {strides = array<i32>} : memref<2000x128xf32, #tpu.memory_space<vmem>>, vector<2000x128xf32>,
    return
  }
  func.func @transform_0(%arg0: i32) -> (i32, i32) {
    %add3A = arith.constant 0 : i32
    %add3A_0 = arith.addi %arg0, %add3A : i32
    %c0_i32 = arith.constant 0 : i32
    %c0_i32_1 = arith.constant 0 : i32
    return %add3A_0, %c0_i32 : i32, i32
  }
  func.func @transform_1(%arg0: i32) -> (i32, i32) {
    %add3A = arith.constant 125 : i32
    %add3A_0 = arith.addi %arg0, %add3A : i32
    %c0_i32 = arith.constant 0 : i32
    %c0_i32_1 = arith.constant 0 : i32
    return %add3A_0, %c0_i32 : i32, i32
  }
  func.func @transform_2(%arg0: i32) -> (i32, i32) {
    %add3A = arith.constant 250 : i32
    %add3A_0 = arith.addi %arg0, %add3A : i32
    %c0_i32 = arith.constant 0 : i32
    %c0_i32_1 = arith.constant 0 : i32
    return %add3A_0, %c0_i32 : i32, i32
  }
  func.func @transform_3(%arg0: i32) -> (i32, i32) {
    %add3A = arith.constant 375 : i32
    %add3A_0 = arith.addi %arg0, %add3A : i32
    %c0_i32 = arith.constant 0 : i32
    %c0_i32_1 = arith.constant 0 : i32
    return %add3A_0, %c0_i32 : i32, i32
  }
  func.func @transform_4(%arg0: i32) -> (i32, i32) {
    %c0_i32 = arith.constant 0 : i32
    %c0_i32_0 = arith.constant 0 : i32
    %c0_i32_1 = arith.constant 0 : i32
    return %c0_i32, %c0_i32_0 : i32, i32
  }
  func.func @transform_5(%arg0: i32) -> (i32, i32) {
    %c0_i32 = arith.constant 0 : i32
    %c0_i32_0 = arith.constant 0 : i32
    return %arg0, %c0_i32 : i32, i32
  }
}

</mosaic_0001>

<sc_bundles>
// kernel: kernel.5.cloned.1.call-start
scs
__scs_entry_jumppad:
0x0: {  	(pc) =	sbr.rel $0x88, $3  }
0x1: {  	(tag) =	ssettag $0x0;
	lr =	simm.s32 $0x1  }
0x2: {  	[smem:$0x3F9B] =	sst lr;
	_ =	strace $0xD0000000  }
0x3: {  	_ = 	snop  }
0x4: {  	_ = 	snop  }
0x5: {  	_ = 	snop  }
0x6: {  	_ = 	snop  }
0x7: {  	_ = 	snop  }
__scs_overlays_trampoline_lowered:
0x8: {  	[smem:$0x3FAA] =	sst s0  }
0x9: {  	[smem:$0x3FAB] =	sst s1  }
0xa: {  	[smem:$0x3FAC] =	sst s2  }
0xb: {  	[smem:$0x3FAD] =	sst s3  }
0xc: {  	[smem:$0x3FAE] =	sst s4  }
0xd: {  	[smem:$0x3FAF] =	sst s5  }
0xe: {  	[smem:$0x3FB0] =	sst s6  }
0xf: {  	[smem:$0x3FB1] =	sst s7  }
0x10: {  	[smem:$0x3FB2] =	sst s8  }
0x11: {  	[smem:$0x3FB3] =	sst s9;
	s0 =	simm.s32 @!p0 $0x0  }
0x12: {  	s1 =	sld [smem:$0x3F99];
	s0 =	simm.s32 @p0 $0x1  }
0x13: {  	[smem:$0x3FB4] =	sst s0;
	s0 =	simm.s32 @!p1 $0x0  }
0x14: {  	s2 =	sld [smem:$0x3F98];
	s0 =	simm.s32 @p1 $0x1  }
0x15: {  	[smem:$0x3FB5] =	sst s0;
	s0 =	simm.s32 @!p2 $0x0  }
0x16: {  	s3 =	sld [smem:$0x3FDB];
	s0 =	simm.s32 @p2 $0x1  }
0x17: {  	s4 =	simm.s32 $0x1BF5;
	[smem:$0x3FB7] =	sst s0  }
0x18: {  	s0 =	sld [smem:$0x3F9A];
	_ =	swait.ge [sflag:s4], $0x0  }
0x19: {  	s7 =	sld [smem:$0x3F9B]  }
0x1a: {  	s8 =	sadd.s32 $0xFFFFE003, lr  }
0x1b: {  	s9 =	sadd.s32 $0xFFFFFEF7, lr;
	s5 =	simm.s32 $0xFFFFFFFF;
	p2 =	slt.u32 s8, $0xFFFFF086  }
0x1c: {  	p1 =	slt.u32 s9, $0xF7A;
	s5 =	simm.s32 @!p2 $0x0  }
0x1d: {  	s5 =	simm.s32 @p1 $0x1;
	p0 =	seq.s32 s7, s2  }
0x1e: {  	s7 =	smul.u32 @!p0 $0xF7A, s2;
	p2 =	seq.s32 @!p0 s5, $0x0  }
0x1f: {  	s9 =	smul.u32 $0xF7A, s1;
	s8 =	simm.s32 @!p0 $0x1BF5;
	p2 =	por !p2, p0  }
0x20: {  	[sflag:s8] =	ssyncset.s32 @!p0 $0xFFFFF086;
	s6 =	sadd.s32 @!p0 s3, s7;
	s7 =	simm.s32 @!p0 $0x108  }
0x21: {  	s3 =	sadd.s32 s3, s9;
	s6 =	sadd.s32 @!p0 $0x88, s6;
	s7 =	simm.s32 @p2 $0x1082  }
0x22: {  	[simem:s7], [sflag:s8] =	dma.local @!p0 [hbm:s6], $0xF7A  }
0x23: {  	s9 =	sor.u32 $0xD0000000, s2;
	s6 =	simm.s32 $0x108;
	_ =	swait.ge @!p0 [sflag:s8], $0x0  }
0x24: {  	s3 =	sadd.s32 $0x88, s3;
	s6 =	simm.s32 @!p1 $0x1082;
	[sflag:s4] =	ssyncset.s32 $0xFFFFF086  }
0x25: {  	[simem:s6], [sflag:s4] =	dma.local [hbm:s3], $0xF7A  }
0x26: {  	[smem:$0x3F9B] =	sst s1;
	(tag) =	ssettag s2;
	_ =	strace s9  }
0x27: {  	s1 =	sld [smem:$0x3FAB]  }
0x28: {  	s2 =	sld [smem:$0x3FAC]  }
0x29: {  	s4 =	sld [smem:$0x3FAE]  }
0x2a: {  	p0 =	seq.s32 s5, $0x0;
	s5 =	sld [smem:$0x3FAF]  }
0x2b: {  	s6 =	sld [smem:$0x3FB0]  }
0x2c: {  	s7 =	sld [smem:$0x3FB1]  }
0x2d: {  	s3 =	simm.s32 $0x108;
	s8 =	sld [smem:$0x3FB2]  }
0x2e: {  	s3 =	simm.s32 @!p0 $0x1082;
	s9 =	sld [smem:$0x3FB3]  }
0x2f: {  	lr =	sadd.s32 s0, s3;
	s0 =	sld [smem:$0x3FAA]  }
0x30: {  	s3 =	sld [smem:$0x3FAD]  }
0x31: {  	[smem:$0x3FB6] =	sst s10  }
0x32: {  	s10 =	sld [smem:$0x3FB4];
	_ =	sdelay $0x3  }
0x33: {  	p0 =	seq.s32 s10, $0x1;
	s10 =	sld [smem:$0x3FB6];
	_ =	sdelay $0x3  }
0x34: {  	[smem:$0x3FB6] =	sst s10  }
0x35: {  	s10 =	sld [smem:$0x3FB5];
	_ =	sdelay $0x3  }
0x36: {  	p1 =	seq.s32 s10, $0x1;
	s10 =	sld [smem:$0x3FB6];
	_ =	sdelay $0x3  }
0x37: {  	[smem:$0x3FB6] =	sst s10  }
0x38: {  	s10 =	sld [smem:$0x3FB7]  }
0x39: {  	_ = 	snop;
	(pc) =	sbr.ind lr, $3  }
0x3a: {  	_ = 	snop  }
0x3b: {  	_ = 	snop  }
0x3c: {  	p2 =	seq.s32 s10, $0x1;
	s10 =	sld [smem:$0x3FB6]  }
0x3d: {  	_ =	shalt  }
0x3e: {  	_ =	shalt  }
0x3f: {  	_ =	shalt  }
0x40: {  	_ =	shalt  }
0x41: {  	_ =	shalt  }
0x42: {  	_ =	shalt  }
0x43: {  	_ =	shalt  }
0x44: {  	_ =	shalt  }
0x45: {  	_ =	shalt  }
0x46: {  	_ =	shalt  }
0x47: {  	_ =	shalt  }
0x48: {  	_ =	shalt  }
0x49: {  	_ =	shalt  }
0x4a: {  	_ =	shalt  }
0x4b: {  	_ =	shalt  }
0x4c: {  	_ =	shalt  }
0x4d: {  	_ =	shalt  }
0x4e: {  	_ =	shalt  }
0x4f: {  	_ =	shalt  }
0x50: {  	_ =	shalt  }
0x51: {  	_ =	shalt  }
0x52: {  	_ =	shalt  }
0x53: {  	_ =	shalt  }
0x54: {  	_ =	shalt  }
0x55: {  	_ =	shalt  }
0x56: {  	_ =	shalt  }
0x57: {  	_ =	shalt  }
0x58: {  	_ =	shalt  }
0x59: {  	_ =	shalt  }
0x5a: {  	_ =	shalt  }
0x5b: {  	_ =	shalt  }
0x5c: {  	_ =	shalt  }
0x5d: {  	_ =	shalt  }
0x5e: {  	_ =	shalt  }
0x5f: {  	_ =	shalt  }
0x60: {  	_ =	shalt  }
0x61: {  	_ =	shalt  }
0x62: {  	_ =	shalt  }
0x63: {  	_ =	shalt  }
0x64: {  	_ =	shalt  }
0x65: {  	_ =	shalt  }
0x66: {  	_ =	shalt  }
0x67: {  	_ =	shalt  }
0x68: {  	_ =	shalt  }
0x69: {  	_ =	shalt  }
0x6a: {  	_ =	shalt  }
0x6b: {  	_ =	shalt  }
0x6c: {  	_ =	shalt  }
0x6d: {  	_ =	shalt  }
0x6e: {  	_ =	shalt  }
0x6f: {  	_ =	shalt  }
0x70: {  	_ =	shalt  }
0x71: {  	_ =	shalt  }
0x72: {  	_ =	shalt  }
0x73: {  	_ =	shalt  }
0x74: {  	_ =	shalt  }
0x75: {  	_ =	shalt  }
0x76: {  	_ =	shalt  }
0x77: {  	_ =	shalt  }
0x78: {  	_ =	shalt  }
0x79: {  	_ =	shalt  }
0x7a: {  	_ =	shalt  }
0x7b: {  	_ =	shalt  }
0x7c: {  	_ =	shalt  }
0x7d: {  	_ =	shalt  }
0x7e: {  	_ =	shalt  }
0x7f: {  	_ =	shalt  }
0x80: {  	_ =	shalt  }
0x81: {  	_ =	shalt  }
0x82: {  	_ =	shalt  }
0x83: {  	_ =	shalt  }
0x84: {  	_ =	shalt  }
0x85: {  	_ =	shalt  }
0x86: {  	_ =	shalt  }
0x87: {  	_ =	shalt  }
.Lfunc_end0:
.L_simem_size_0:
called_computation_lowered:
.L_overlay_start_0:
0x88: {  	s2 =	sld [smem:$0x3FD9]  }
0x89: {  	s3 =	sld [smem:$0x3FFE];
	_ =	sdelay $0x1  }
0x8a: {  	s1 =	srdreg.scid  }
0x8b: {  	s0 =	sand.u32 $0x1, s1  }
0x8c: {  	s16 =	sshll.u32 s0, $0xA;
	s2 =	sadd.s32 s3, s2  }
0x8d: {  	s2 =	sadd.s32 s2, s16  }
0x8e: {  	[smem:$0x3FC2] =	sst s2  }
0x8f: {  	_ = 	snop  }
0x90: {  	(tm) =	ssettm $0x1  }
0x91: {  	s17 =	sld [smem:$0x3FFB];
	_ =	sdelay $0x3  }
0x92: {  	_ =	strace s17  }
0x93: {  	s2 =	sld [smem:$0x3FFC];
	_ =	sdelay $0x3  }
0x94: {  	_ =	strace s2  }
0x95: {  	s2 =	sld [smem:$0x3FFD];
	_ =	sdelay $0x3  }
0x96: {  	_ =	strace s2  }
0x97: {  	_ =	strace $0x8FFFFFFF  }
0x98: {  	s18 =	sld [smem:$0x3FDB];
	_ =	sdelay $0x1  }
0x99: {  	s19 =	simm.s32 $_scs_section_size  }
0x9a: {  	s4 =	simm.s32 $_size__tile_overlayer_lowered;
	s5 =	simm.s32 $_tile_overlayer_lowered  }
0x9b: {  	s22 =	simm.s32 $0x1BFF;
	s21 =	sshll.u32 s5, $0x1;
	s2 =	sadd.s32 s19, s18  }
0x9c: {  	s6 =	simm.s32 $0x0;
	s20 =	sshll.u32 s4, $0x1;
	s4 =	sadd.s32 s21, s2  }
0x9d: {  	[timem:s6], [sflag:s22] =	dma.local [hbm:s4], s20  }
0x9e: {  	_ =	swait.ge [sflag:s22], s20  }
0x9f: {  	s3 =	ssub.s32 $0x0, s20;
	[sflag:s22] =	ssyncset.done $0x0  }
0xa0: {  	[sflag:s22] =	ssyncadd.s32 s3;
	_ =	sdelay $0x1  }
0xa1: {  	s23 =	simm.s32 $0x1B8B  }
0xa2: {  	_ =	swait.ge [sflag:s23], $0x1  }
0xa3: {  	[sflag:s23] =	ssyncset.done $0x0  }
0xa4: {  	s25 =	simm.s32 $0x1B8E;
	s24 =	sld [smem:$0x3FFE];
	[sflag:s23] =	ssyncadd.s32 $0xFFFFFFFF  }
0xa5: {  	s26 =	simm.s32 $execute0_lowered;
	[smem:$0x3FD2] =	sst s25  }
0xa6: {  	s4 =	sshll.u32 s26, $0x1;
	_ =	strace $0x80000046;
	[dreg:$0x1] =	wrdreg $0xFFFFFFFF  }
0xa7: {  	s28 =	simm.s32 $_size_execute0_lowered;
	s2 =	sadd.s32 s2, s4;
	[dreg:$0x0] =	wrdreg $0x0  }
0xa8: {  	s4 =	sshll.u32 s28, $0x1;
	[dreg:$0x2] =	wrdreg s2  }
0xa9: {  	[dreg:$0x3] =	wrdreg s4  }
0xaa: {  	[dreg:$0x4] =	wrdreg $0xC0  }
0xab: {  	_ =	task [dreg:s6], $0x5FFFF  }
0xac: {  	[dreg:$0x1] =	wrdreg $0xFFFFFFFF  }
0xad: {  	[dreg:$0x0] =	wrdreg $0x60  }
0xae: {  	[dreg:$0x2] =	wrdreg s24  }
0xaf: {  	[dreg:$0x3] =	wrdreg $0x9  }
0xb0: {  	_ =	task.clear_ibuf [dreg:s6], $0x4FFFF;
	_ =	strace $0x90000046  }
0xb1: {  	s29 =	simm.s32 $0x9;
	_ =	strace $0x80000048  }
0xb2: {  	_ =	swait.ge [sflag:s29], $0x1  }
0xb3: {  	[sflag:s29] =	ssyncadd.s32 $0xFFFFFFFF  }
0xb4: {  	_ =	strace $0x90000048  }
0xb5: {  	_ =	sfence  }
0xb6: {  	s30 =	sld [smem:$0x0];
	_ =	sdelay $0x2  }
0xb7: {  	s31 =	sshll.u32 s1, $0xD;
	s1 =	sshrl.u32 s1, $0x2  }
0xb8: {  	s3 =	sand.u32 $0x4000, s31;
	s1 =	sadd.s32 s1, s30  }
0xb9: {  	s0 =	sor.u32 s3, s0;
	s1 =	sshll.u32 s1, $0x11  }
0xba: {  	s0 =	sor.u32 s1, s0  }
0xbb: {  	s0 =	sadd.s32 $0x8F2B, s0  }
0xbc: {  	[sflag:s0] =	ssyncadd.remote.s32 $0x1  }
0xbd: {  	_ =	sfence.sel $0xFFFF  }
0xbe: {  	[dreg:$0x0] =	wrdreg $0xFFFFFFFF;
	(pc) =	sbr.abs _section_cstart, $3  }
0xbf: {  	[dreg:$0x1] =	wrdreg $0xFFFFFFFF  }
0xc0: {  	_ =	task.clear_ibuf [dreg:s6], $0x2FFFF;
	_ =	strace $0x9FFFFFFF  }
0xc1: {  	(tm) =	ssettm $0x7FFFFFFF  }
tec
execute0_lowered:
.L_overlay_start_1:
0x0: {  	(tag) =	ssettag $0x1  }
0x1: {  	s0 =	srdreg.scid;
	s2 =	stileid.u32  }
0x2: {  	s1 =	rddreg [dreg:$0x0];
	s11 =	simm.s32 $0x3;
	s12 =	simm.s32 $0x80  }
0x3: {  	s14 =	simm.s32 $0x48;
	s22 =	simm.s32 $0x640;
	s23 =	simm.s32 $0x4  }
0x4: {  	s25 =	simm.s32 $0xD480;
	s28 =	simm.s32 $0xAF0;
	s29 =	simm.s32 $0x16A80  }
0x5: {  	s30 =	simm.s32 $0xB70;
	s31 =	simm.s32 $0x17A80;
	s10 =	simm.s32 $0x19380  }
0x6: {  	s13 =	simm.s32 $0x19C80;
	s15 =	simm.s32 $0x5;
	s16 =	simm.s32 $0x2  }
0x7: {  	s18 =	simm.s32 $0x0;
	s0 =	sand.u32 $0x1, s0;
	s3 =	sshll.u32 s2, $0x1  }
0x8: {  	s2 =	simm.s32 $0x0;
	s4 =	sadd.s32 $0xC00, s1;
	s5 =	sor.u32 s0, s3  }
0x9: {  	[smem:$0x7FF] =	sst s2;
	s3 =	sadd.s32 $0x64C00, s1;
	s0 =	ssub.s32 $0x2, s0  }
0xa: {  	s6 =	smul.u32 $0x19000, s5;
	s5 =	sshll.u32 s5, $0xB;
	s8 =	sshrl.u32 s0, $0x1  }
0xb: {  	_ =	strace $0x80000047;
	s1 =	sadd.s32 s5, s1;
	s0 =	ssub.s32 s0, s8  }
0xc: {  	s5 =	simm.s32 $0x1;
	s7 =	sshrl.u32 s6, $0x3;
	s8 =	sadd.s32 $0x435600, s1  }
0xd: {  	s9 =	sadd.s32 $0x12C0, s6;
	s0 =	smax.u32 s0, $0x1;
	s1 =	simm.s32 $0xBB8  }
0xe: {  	s7 =	sadd.s32 s4, s7;
	[dreg:$0x4] =	wrdreg s0;
	s0 =	simm.s32 $0x18380  }
0xf: {  	[dreg:$0x2] =	wrdreg s7;
	s26 =	sadd.s32 $0xC8, s7;
	s7 =	sor.u32 $0xC80, s6  }
0x10: {  	v0 =	vimm.s32 $0x0;
	s6 =	simm.s32 $0xC38;
	[dreg:$0x3] =	wrdreg s26;
	s26 =	simm.s32 $0x6C0  }
.LBB2_1:
0x11: {  	[dreg:$0x5] =	wrdreg s18  }
0x12: {  	s17 =	rddreg [dreg:$0x2]  }
0x13: {  	[tilespmem:s2], [sflag:$0x3] =	stream.linear.gather [hbm4b:s17+s2], $0x640, $0x38;
	[tilespmem:$0x19D80] =	vst v63  }
0x14: {  	_ =	swait.ge [sflag:s11], $0x640  }
0x15: {  	[sflag:s11] =	ssyncset.done $0x0  }
0x16: {  	s19 =	simm.s32 $0x20;
	[sflag:s11] =	ssyncadd.s32 $0xFFFFF9C0  }
0x17: {  	v1 =	vld [tilespmem:s19+$0x10];
	_ =	sdelay $0x4  }
0x18: {  	vm0 =	vgt.s32 v1, $0x3D08F;
	vm1 =	vgt.s32 v1, $0x7A11F  }
0x19: {  	vm2 =	vgt.s32 v1, $0xB71AF;
	v2 =	vsel vm0, $0x1, v0;
	v3 =	vsel vm1, $0x1, v0  }
0x1a: {  	v2 =	vadd.s32 v3, v2;
	v3 =	vsel vm2, $0x1, v0  }
0x1b: {  	v2 =	vadd.s32 v3, v2  }
0x1c: {  	v2 =	vmul.u32 $0xFFF0BDC1, v2  }
0x1d: {  	s18 =	simm.s32 $0x60;
	v1 =	vshll.u32 v1, $0x2  }
0x1e: {  	v4 =	vld [tilespmem:s18+$0xFFFFFFF0];
	v1 =	vadd.s32 v1, v2  }
0x1f: {  	v3 =	vld [tilespmem:s19+$0xFFFFFFF0];
	[tilespmem:s19+$0x10] =	vst v1  }
0x20: {  	v1 =	vld [tilespmem:s18+$0x10];
	_ =	sdelay $0x2  }
0x21: {  	vm7 =	vgt.s32 v4, $0x3D08F  }
0x22: {  	vm8 =	vgt.s32 v4, $0x7A11F;
	vm9 =	vgt.s32 v4, $0xB71AF;
	vm13 =	vgt.s32 v3, $0x3D08F  }
0x23: {  	vm14 =	vgt.s32 v3, $0x7A11F;
	vm15 =	vgt.s32 v1, $0x3D08F;
	vm4 =	vgt.s32 v1, $0x7A11F  }
0x24: {  	vm6 =	vgt.s32 v1, $0xB71AF;
	v5 =	vsel vm15, $0x1, v0;
	v6 =	vsel vm4, $0x1, v0  }
0x25: {  	s17 =	simm.s32 $0xA0;
	vm5 =	vgt.s32 v3, $0xB71AF;
	v5 =	vadd.s32 v6, v5;
	v6 =	vsel vm6, $0x1, v0  }
0x26: {  	v2 =	vsel vm13, $0x1, v0;
	v7 =	vsel vm14, $0x1, v0;
	v5 =	vadd.s32 v6, v5;
	v6 =	vld [tilespmem:s17+$0xFFFFFFF0]  }
0x27: {  	v2 =	vadd.s32 v7, v2;
	v7 =	vsel vm5, $0x1, v0;
	v5 =	vmul.u32 $0xFFF0BDC1, v5  }
0x28: {  	v2 =	vadd.s32 v7, v2;
	v7 =	vsel vm8, $0x1, v0;
	v1 =	vshll.u32 v1, $0x2  }
0x29: {  	v2 =	vmul.u32 $0xFFF0BDC1, v2;
	v1 =	vadd.s32 v1, v5;
	v5 =	vsel vm7, $0x1, v0  }
0x2a: {  	[tilespmem:s18+$0x10] =	vst v1;
	v1 =	vshll.u32 v3, $0x2;
	v3 =	vadd.s32 v7, v5;
	v5 =	vsel vm9, $0x1, v0  }
0x2b: {  	v3 =	vadd.s32 v5, v3;
	vm10 =	vgt.s32 v6, $0x3D08F;
	vm11 =	vgt.s32 v6, $0x7A11F  }
0x2c: {  	v7 =	vld [tilespmem:s17+$0x10];
	vm12 =	vgt.s32 v6, $0xB71AF;
	v5 =	vsel vm10, $0x1, v0;
	v8 =	vsel vm11, $0x1, v0  }
0x2d: {  	v2 =	vadd.s32 v1, v2;
	v5 =	vadd.s32 v8, v5;
	v8 =	vsel vm12, $0x1, v0  }
0x2e: {  	v1 =	vshll.u32 v4, $0x2;
	v3 =	vmul.u32 $0xFFF0BDC1, v3;
	v4 =	vadd.s32 v8, v5  }
0x2f: {  	v8 =	vmul.u32 $0xFFF0BDC1, v4;
	v4 =	vld [tilespmem:s19+$0xFFFFFFE0]  }
0x30: {  	[tilespmem:s19+$0xFFFFFFF0] =	vst v2;
	v2 =	vshll.u32 v6, $0x2;
	v1 =	vadd.s32 v1, v3  }
0x31: {  	vm13 =	vgt.s32 v7, $0xB71AF;
	vm14 =	vgt.s32 v7, $0x3D08F;
	vm15 =	vgt.s32 v7, $0x7A11F  }
0x32: {  	v3 =	vld [tilespmem:s19+$0x0];
	v5 =	vshll.u32 v7, $0x2;
	v6 =	vsel vm14, $0x1, v0;
	v9 =	vsel vm15, $0x1, v0  }
0x33: {  	s20 =	simm.s32 $0x8;
	s21 =	simm.s32 $0xE0;
	v2 =	vadd.s32 v2, v8;
	v7 =	vsel vm13, $0x1, v0;
	v6 =	vadd.s32 v9, v6  }
.LBB2_2:
0x34: {  	s20 =	sadd.s32 $0x4, s20;
	v6 =	vadd.s32 v7, v6;
	vm0 =	vgt.s32 v4, $0x3D08F;
	vm1 =	vgt.s32 v4, $0xB71AF  }
0x35: {  	v7 =	vld [tilespmem:s21+$0xFFFFFFF0];
	p0 =	slt.u32 s20, $0x60;
	v6 =	vmul.u32 $0xFFF0BDC1, v6;
	v8 =	vsel vm0, $0x1, v0;
	vm0 =	vgt.s32 v4, $0x7A11F  }
0x36: {  	v10 =	vsel vm1, $0x1, v0;
	v4 =	vshll.u32 v4, $0x2;
	v9 =	vsel vm0, $0x1, v0  }
0x37: {  	v5 =	vadd.s32 v5, v6;
	v6 =	vadd.s32 v9, v8;
	vm0 =	vgt.s32 v3, $0x3D08F  }
0x38: {  	[tilespmem:s17+$0x10] =	vst v5;
	v5 =	vadd.s32 v10, v6;
	v6 =	vsel vm0, $0x1, v0;
	vm0 =	vgt.s32 v3, $0x7A11F  }
0x39: {  	v8 =	vld [tilespmem:s21+$0x10];
	v5 =	vmul.u32 $0xFFF0BDC1, v5;
	v9 =	vsel vm0, $0x1, v0;
	vm0 =	vgt.s32 v3, $0xB71AF  }
0x3a: {  	vm1 =	vgt.s32 v7, $0x3D08F;
	vm2 =	vgt.s32 v7, $0x7A11F;
	[tilespmem:s18+$0xFFFFFFF0] =	vst v1;
	v10 =	vsel vm0, $0x1, v0;
	v1 =	vmovc v2  }
0x3b: {  	vm0 =	vgt.s32 v7, $0xB71AF;
	v6 =	vadd.s32 v9, v6;
	v2 =	vsel vm1, $0x1, v0  }
0x3c: {  	v9 =	vsel vm2, $0x1, v0;
	v4 =	vadd.s32 v4, v5;
	v5 =	vadd.s32 v10, v6  }
0x3d: {  	v6 =	vsel vm0, $0x1, v0;
	v2 =	vadd.s32 v9, v2;
	v5 =	vmul.u32 $0xFFF0BDC1, v5;
	[tilespmem:s19+$0xFFFFFFE0] =	vst v4  }
.Ltmp0:
0x3e: {  	v3 =	vshll.u32 v3, $0x2;
	v2 =	vadd.s32 v6, v2;
	v4 =	vld [tilespmem:s18+$0xFFFFFFE0];
	(pc) =	sbr.rel @p0 .LBB2_2-.Ltmp0, $4  }
0x3f: {  	v2 =	vmul.u32 $0xFFF0BDC1, v2;
	vm0 =	vgt.s32 v8, $0xB71AF;
	v3 =	vadd.s32 v3, v5  }
0x40: {  	v6 =	vshll.u32 v7, $0x2;
	vm1 =	vgt.s32 v8, $0x3D08F;
	vm2 =	vgt.s32 v8, $0x7A11F;
	[tilespmem:s19+$0x0] =	vst v3;
	s19 =	smov.u32 s18;
	s18 =	smov.u32 s17;
	s17 =	smov.u32 s21  }
0x41: {  	v5 =	vshll.u32 v8, $0x2;
	v7 =	vsel vm1, $0x1, v0;
	v9 =	vsel vm2, $0x1, v0;
	v3 =	vld [tilespmem:s19+$0x0]  }
0x42: {  	v2 =	vadd.s32 v6, v2;
	v6 =	vadd.s32 v9, v7;
	v7 =	vsel vm0, $0x1, v0;
	s21 =	sadd.s32 $0x40, s21  }
0x43: {  	v6 =	vadd.s32 v7, v6;
	vm0 =	vgt.s32 v4, $0x3D08F  }
0x44: {  	vm1 =	vgt.s32 v4, $0xB71AF;
	vm2 =	vgt.s32 v4, $0x7A11F;
	v6 =	vmul.u32 $0xFFF0BDC1, v6  }
0x45: {  	v46 =	vsel vm0, $0x1, v0;
	v8 =	vsel vm2, $0x1, v0;
	v9 =	vsel vm1, $0x1, v0  }
0x46: {  	v47 =	vadd.s32 v8, v46;
	v5 =	vadd.s32 v5, v6;
	vm13 =	vgt.s32 v3, $0x3D08F  }
0x47: {  	v6 =	vadd.s32 v9, v47;
	vm14 =	vgt.s32 v3, $0x7A11F;
	vm15 =	vgt.s32 v3, $0xB71AF  }
0x48: {  	v48 =	vsel vm13, $0x1, v0;
	v6 =	vmul.u32 $0xFFF0BDC1, v6;
	v49 =	vsel vm14, $0x1, v0  }
0x49: {  	v50 =	vshll.u32 v4, $0x2;
	[tilespmem:s17+$0x10] =	vst v5;
	v51 =	vsel vm15, $0x1, v0;
	v7 =	vadd.s32 v49, v48  }
0x4a: {  	[tilespmem:s18+$0xFFFFFFF0] =	vst v1;
	v1 =	vadd.s32 v50, v6;
	v52 =	vadd.s32 v51, v7  }
0x4b: {  	[tilespmem:s19+$0xFFFFFFE0] =	vst v1;
	v1 =	vmul.u32 $0xFFF0BDC1, v52  }
0x4c: {  	v3 =	vshll.u32 v3, $0x2;
	v53 =	vld [tilespmem:s18+$0xFFFFFFE0]  }
0x4d: {  	v1 =	vadd.s32 v3, v1  }
0x4e: {  	[tilespmem:s19+$0x0] =	vst v1  }
0x4f: {  	v1 =	vld [tilespmem:s18+$0x0];
	_ =	sdelay $0x1  }
0x50: {  	vm4 =	vgt.s32 v53, $0x3D08F;
	vm5 =	vgt.s32 v53, $0x7A11F  }
0x51: {  	vm6 =	vgt.s32 v53, $0xB71AF;
	v3 =	vsel vm4, $0x1, v0;
	v54 =	vsel vm5, $0x1, v0  }
0x52: {  	v55 =	vsel vm6, $0x1, v0;
	v3 =	vadd.s32 v54, v3  }
0x53: {  	vm7 =	vgt.s32 v1, $0x3D08F;
	v3 =	vadd.s32 v55, v3;
	vm8 =	vgt.s32 v1, $0x7A11F  }
0x54: {  	vm9 =	vgt.s32 v1, $0xB71AF;
	v56 =	vsel vm7, $0x1, v0;
	v57 =	vsel vm8, $0x1, v0  }
0x55: {  	v3 =	vmul.u32 $0xFFF0BDC1, v3;
	v58 =	vsel vm9, $0x1, v0;
	v5 =	vadd.s32 v57, v56  }
0x56: {  	v4 =	vshll.u32 v53, $0x2;
	v5 =	vadd.s32 v58, v5  }
0x57: {  	[tilespmem:s17+$0xFFFFFFF0] =	vst v2;
	v2 =	vadd.s32 v4, v3;
	v3 =	vmul.u32 $0xFFF0BDC1, v5  }
0x58: {  	v1 =	vshll.u32 v1, $0x2;
	[tilespmem:s18+$0xFFFFFFE0] =	vst v2  }
0x59: {  	v2 =	vld [tilespmem:s17+$0xFFFFFFE0];
	v1 =	vadd.s32 v1, v3  }
0x5a: {  	[tilespmem:s18+$0x0] =	vst v1  }
0x5b: {  	v1 =	vld [tilespmem:s17+$0x0];
	_ =	sdelay $0x2  }
0x5c: {  	vm10 =	vgt.s32 v2, $0x3D08F;
	vm11 =	vgt.s32 v2, $0xB71AF;
	vm12 =	vgt.s32 v2, $0x7A11F  }
0x5d: {  	v3 =	vsel vm10, $0x1, v0;
	v59 =	vsel vm12, $0x1, v0;
	v60 =	vsel vm11, $0x1, v0  }
0x5e: {  	v3 =	vadd.s32 v59, v3;
	vm13 =	vgt.s32 v1, $0x3D08F;
	vm14 =	vgt.s32 v1, $0x7A11F  }
0x5f: {  	vm15 =	vgt.s32 v1, $0xB71AF;
	v61 =	vsel vm13, $0x1, v0;
	v62 =	vsel vm14, $0x1, v0  }
0x60: {  	v3 =	vadd.s32 v60, v3;
	v63 =	vsel vm15, $0x1, v0;
	v4 =	vadd.s32 v62, v61  }
0x61: {  	v3 =	vmul.u32 $0xFFF0BDC1, v3;
	v4 =	vadd.s32 v63, v4  }
0x62: {  	v2 =	vshll.u32 v2, $0x2;
	v4 =	vmul.u32 $0xFFF0BDC1, v4  }
0x63: {  	v1 =	vshll.u32 v1, $0x2;
	v2 =	vadd.s32 v2, v3  }
0x64: {  	[tilespmem:s17+$0xFFFFFFE0] =	vst v2;
	v1 =	vadd.s32 v1, v4  }
0x65: {  	s19 =	simm.s32 $0xC80;
	[tilespmem:s17+$0x0] =	vst v1;
	s17 =	simm.s32 $0x0  }
0x66: {  	[tilespmem:s19], [sflag:$0x1] =	stream.indirect.gather [hbm4b:s3+s12], $0x20, s17, s12, $0xb8;
	[tilespmem:$0x19D80] =	vst v63  }
0x67: {  	s20 =	simm.s32 $0x1C80  }
0x68: {  	[tilespmem:s20], [sflag:$0x1] =	stream.indirect.gather [hbm4b:s3+s14], $0x20, s12, s14, $0xb8;
	[tilespmem:$0x19D80] =	vst v63  }
0x69: {  	s21 =	simm.s32 $0xC8;
	s24 =	simm.s32 $0x2580  }
0x6a: {  	[tilespmem:s24], [sflag:$0x1] =	stream.indirect.gather [hbm4b:s3+s12], $0x20, s21, s12, $0xb8;
	[tilespmem:$0x19D80] =	vst v63  }
0x6b: {  	s19 =	simm.s32 $0x148;
	s20 =	simm.s32 $0x3580  }
0x6c: {  	[tilespmem:s20], [sflag:$0x1] =	stream.indirect.gather [hbm4b:s3+s14], $0x20, s19, s14, $0xb8;
	[tilespmem:$0x19D80] =	vst v63  }
0x6d: {  	s21 =	simm.s32 $0x190;
	s24 =	simm.s32 $0x3E80  }
0x6e: {  	[tilespmem:s24], [sflag:$0x1] =	stream.indirect.gather [hbm4b:s3+s12], $0x20, s21, s12, $0xb8;
	[tilespmem:$0x19D80] =	vst v63  }
0x6f: {  	s19 =	simm.s32 $0x210;
	s20 =	simm.s32 $0x4E80  }
0x70: {  	[tilespmem:s20], [sflag:$0x1] =	stream.indirect.gather [hbm4b:s3+s14], $0x20, s19, s14, $0xb8;
	[tilespmem:$0x19D80] =	vst v63  }
0x71: {  	s21 =	simm.s32 $0x258;
	s24 =	simm.s32 $0x5780  }
0x72: {  	[tilespmem:s24], [sflag:$0x1] =	stream.indirect.gather [hbm4b:s3+s12], $0x20, s21, s12, $0xb8;
	[tilespmem:$0x19D80] =	vst v63  }
0x73: {  	s19 =	simm.s32 $0x2D8;
	s20 =	simm.s32 $0x6780  }
0x74: {  	[tilespmem:s20], [sflag:$0x1] =	stream.indirect.gather [hbm4b:s3+s14], $0x20, s19, s14, $0xb8;
	[tilespmem:$0x19D80] =	vst v63  }
0x75: {  	s21 =	simm.s32 $0x320;
	s24 =	simm.s32 $0x7080  }
0x76: {  	[tilespmem:s24], [sflag:$0x1] =	stream.indirect.gather [hbm4b:s3+s12], $0x20, s21, s12, $0xb8;
	[tilespmem:$0x19D80] =	vst v63  }
0x77: {  	s19 =	simm.s32 $0x3A0;
	s20 =	simm.s32 $0x8080  }
0x78: {  	[tilespmem:s20], [sflag:$0x1] =	stream.indirect.gather [hbm4b:s3+s14], $0x20, s19, s14, $0xb8;
	[tilespmem:$0x19D80] =	vst v63  }
0x79: {  	s21 =	simm.s32 $0x3E8;
	s24 =	simm.s32 $0x8980  }
0x7a: {  	[tilespmem:s24], [sflag:$0x1] =	stream.indirect.gather [hbm4b:s3+s12], $0x20, s21, s12, $0xb8;
	[tilespmem:$0x19D80] =	vst v63  }
0x7b: {  	s19 =	simm.s32 $0x468;
	s20 =	simm.s32 $0x9980  }
0x7c: {  	[tilespmem:s20], [sflag:$0x1] =	stream.indirect.gather [hbm4b:s3+s14], $0x20, s19, s14, $0xb8;
	[tilespmem:$0x19D80] =	vst v63  }
0x7d: {  	s21 =	simm.s32 $0x4B0;
	s24 =	simm.s32 $0xA280  }
0x7e: {  	[tilespmem:s24], [sflag:$0x1] =	stream.indirect.gather [hbm4b:s3+s12], $0x20, s21, s12, $0xb8;
	[tilespmem:$0x19D80] =	vst v63  }
0x7f: {  	s19 =	simm.s32 $0x530;
	s20 =	simm.s32 $0xB280  }
0x80: {  	[tilespmem:s20], [sflag:$0x1] =	stream.indirect.gather [hbm4b:s3+s14], $0x20, s19, s14, $0xb8;
	[tilespmem:$0x19D80] =	vst v63  }
0x81: {  	s21 =	simm.s32 $0x578;
	s24 =	simm.s32 $0xBB80  }
0x82: {  	[tilespmem:s24], [sflag:$0x1] =	stream.indirect.gather [hbm4b:s3+s12], $0x20, s21, s12, $0xb8;
	[tilespmem:$0x19D80] =	vst v63  }
0x83: {  	s20 =	simm.s32 $0x5F8;
	s21 =	simm.s32 $0xCB80  }
0x84: {  	[tilespmem:s21], [sflag:$0x1] =	stream.indirect.gather [hbm4b:s3+s14], $0x20, s20, s14, $0xb8;
	[tilespmem:$0x19D80] =	vst v63  }
0x85: {  	s24 =	rddreg [dreg:$0x3]  }
0x86: {  	[tilespmem:s22], [sflag:$0x4] =	stream.linear.gather [hbm4b:s24+s17], $0x640, $0x38;
	[tilespmem:$0x19D80] =	vst v63  }
.LBB2_4:
0x87: {  	_ =	swait.ge [sflag:s23], $0x640  }
0x88: {  	[sflag:s23] =	ssyncset.done $0x0  }
0x89: {  	s18 =	simm.s32 $0x670;
	[sflag:s23] =	ssyncadd.s32 $0xFFFFF9C0  }
0x8a: {  	v4 =	vld [tilespmem:s18+$0x0]  }
0x8b: {  	v3 =	vld [tilespmem:s18+$0xFFFFFFF0];
	_ =	sdelay $0x2  }
0x8c: {  	v1 =	vld [tilespmem:s18+$0xFFFFFFE0]  }
0x8d: {  	vm0 =	vgt.s32 v4, $0x3D08F;
	vm1 =	vgt.s32 v4, $0x7A11F  }
0x8e: {  	vm2 =	vgt.s32 v4, $0xB71AF;
	vm3 =	vgt.s32 v3, $0x3D08F;
	vm4 =	vgt.s32 v3, $0xB71AF  }
0x8f: {  	v4 =	vshll.u32 v4, $0x2;
	v2 =	vsel vm0, $0x1, v0;
	vm0 =	vgt.s32 v3, $0x7A11F  }
0x90: {  	v5 =	vsel vm1, $0x1, v0;
	v6 =	vsel vm4, $0x1, v0;
	v7 =	vsel vm2, $0x1, v0  }
0x91: {  	v3 =	vshll.u32 v3, $0x2;
	vm1 =	vgt.s32 v1, $0xB71AF;
	v5 =	vadd.s32 v5, v2;
	v2 =	vld [tilespmem:s18+$0xFFFFFFD0]  }
0x92: {  	v8 =	vsel vm0, $0x1, v0;
	v5 =	vadd.s32 v7, v5;
	v7 =	vsel vm3, $0x1, v0  }
0x93: {  	vm0 =	vgt.s32 v1, $0x7A11F;
	v9 =	vmul.u32 $0xFFF0BDC1, v5;
	v7 =	vadd.s32 v8, v7  }
0x94: {  	vm2 =	vgt.s32 v1, $0x3D08F;
	v5 =	vsel vm0, $0x1, v0;
	v7 =	vadd.s32 v6, v7  }
0x95: {  	v6 =	vsel vm1, $0x1, v0;
	v8 =	vadd.s32 v4, v9;
	v4 =	vmul.u32 $0xFFF0BDC1, v7  }
0x96: {  	s19 =	simm.s32 $0x0;
	s20 =	simm.s32 $0x6B0;
	v7 =	vsel vm2, $0x1, v0;
	[tilespmem:s18+$0x0] =	vst v8;
	vm0 =	vgt.s32 v2, $0x3D08F;
	vm1 =	vgt.s32 v2, $0x7A11F  }
.LBB2_5:
0x97: {  	v8 =	vld [tilespmem:s20+$0x0];
	s19 =	sadd.s32 $0x4, s19;
	v9 =	vsel vm1, $0x1, v0;
	vm1 =	vgt.s32 v2, $0xB71AF;
	v5 =	vadd.s32 v5, v7  }
0x98: {  	v10 =	vsel vm0, $0x1, v0;
	v3 =	vadd.s32 v3, v4;
	v7 =	vld [tilespmem:s20+$0xFFFFFFF0];
	p0 =	slt.u32 s19, $0x60;
	v5 =	vadd.s32 v6, v5  }
0x99: {  	v4 =	vadd.s32 v9, v10;
	v6 =	vsel vm1, $0x1, v0;
	v5 =	vmul.u32 $0xFFF0BDC1, v5;
	[tilespmem:s18+$0xFFFFFFF0] =	vst v3  }
0x9a: {  	v1 =	vshll.u32 v1, $0x2;
	v3 =	vadd.s32 v6, v4  }
0x9b: {  	v2 =	vshll.u32 v2, $0x2;
	v3 =	vmul.u32 $0xFFF0BDC1, v3;
	v1 =	vadd.s32 v1, v5  }
0x9c: {  	vm0 =	vgt.s32 v8, $0x3D08F;
	vm1 =	vgt.s32 v8, $0x7A11F;
	vm2 =	vgt.s32 v8, $0xB71AF;
	[tilespmem:s18+$0xFFFFFFE0] =	vst v1  }
0x9d: {  	v2 =	vadd.s32 v2, v3;
	v1 =	vld [tilespmem:s20+$0xFFFFFFE0];
	vm3 =	vgt.s32 v7, $0x3D08F;
	v4 =	vsel vm0, $0x1, v0  }
0x9e: {  	vm0 =	vgt.s32 v7, $0x7A11F;
	vm4 =	vgt.s32 v7, $0xB71AF;
	v3 =	vsel vm1, $0x1, v0;
	[tilespmem:s18+$0xFFFFFFD0] =	vst v2;
	s18 =	smov.u32 s20  }
0x9f: {  	v5 =	vsel vm2, $0x1, v0;
	v6 =	vsel vm4, $0x1, v0;
	v4 =	vadd.s32 v3, v4;
	v2 =	vld [tilespmem:s20+$0xFFFFFFD0]  }
0xa0: {  	v9 =	vsel vm0, $0x1, v0;
	v3 =	vshll.u32 v7, $0x2;
	v4 =	vadd.s32 v5, v4  }
.Ltmp1:
0xa1: {  	v7 =	vshll.u32 v8, $0x2;
	v5 =	vsel vm3, $0x1, v0;
	v4 =	vmul.u32 $0xFFF0BDC1, v4;
	(pc) =	sbr.rel @p0 .LBB2_5-.Ltmp1, $4  }
0xa2: {  	v8 =	vadd.s32 v9, v5;
	vm0 =	vgt.s32 v1, $0x7A11F;
	vm1 =	vgt.s32 v1, $0xB71AF  }
0xa3: {  	v8 =	vadd.s32 v6, v8;
	v7 =	vadd.s32 v7, v4;
	v5 =	vsel vm0, $0x1, v0  }
0xa4: {  	vm2 =	vgt.s32 v1, $0x3D08F;
	v4 =	vmul.u32 $0xFFF0BDC1, v8;
	v6 =	vsel vm1, $0x1, v0;
	[tilespmem:s20+$0x0] =	vst v7  }
0xa5: {  	vm0 =	vgt.s32 v2, $0x3D08F;
	vm1 =	vgt.s32 v2, $0x7A11F;
	v7 =	vsel vm2, $0x1, v0;
	s20 =	sadd.s32 $0x40, s20  }
0xa6: {  	v8 =	vsel vm1, $0x1, v0  }
0xa7: {  	vm15 =	vgt.s32 v2, $0xB71AF;
	v5 =	vadd.s32 v5, v7;
	v7 =	vsel vm0, $0x1, v0  }
0xa8: {  	v5 =	vadd.s32 v6, v5;
	v6 =	vadd.s32 v8, v7;
	v7 =	vsel vm15, $0x1, v0  }
0xa9: {  	v5 =	vmul.u32 $0xFFF0BDC1, v5;
	v6 =	vadd.s32 v7, v6  }
0xaa: {  	v3 =	vadd.s32 v3, v4;
	v1 =	vshll.u32 v1, $0x2;
	v4 =	vmul.u32 $0xFFF0BDC1, v6  }
0xab: {  	v2 =	vshll.u32 v2, $0x2;
	[tilespmem:s18+$0xFFFFFFF0] =	vst v3;
	v1 =	vadd.s32 v1, v5  }
0xac: {  	[tilespmem:s18+$0xFFFFFFE0] =	vst v1;
	v1 =	vadd.s32 v2, v4  }
0xad: {  	[tilespmem:s18+$0xFFFFFFD0] =	vst v1  }
0xae: {  	[tilespmem:s25], [sflag:$0x2] =	stream.indirect.gather [hbm4b:s3+s12], $0x20, s22, s12, $0xb8;
	[tilespmem:$0x19D80] =	vst v63  }
0xaf: {  	s19 =	simm.s32 $0xE480  }
0xb0: {  	[tilespmem:s19], [sflag:$0x2] =	stream.indirect.gather [hbm4b:s3+s14], $0x20, s26, s14, $0xb8;
	[tilespmem:$0x19D80] =	vst v63  }
0xb1: {  	s20 =	simm.s32 $0x708;
	s19 =	simm.s32 $0xED80  }
0xb2: {  	[tilespmem:s19], [sflag:$0x2] =	stream.indirect.gather [hbm4b:s3+s12], $0x20, s20, s12, $0xb8;
	[tilespmem:$0x19D80] =	vst v63  }
0xb3: {  	s21 =	simm.s32 $0x788;
	s24 =	simm.s32 $0xFD80  }
0xb4: {  	[tilespmem:s24], [sflag:$0x2] =	stream.indirect.gather [hbm4b:s3+s14], $0x20, s21, s14, $0xb8;
	[tilespmem:$0x19D80] =	vst v63  }
0xb5: {  	s19 =	simm.s32 $0x7D0;
	s20 =	simm.s32 $0x10680  }
0xb6: {  	[tilespmem:s20], [sflag:$0x2] =	stream.indirect.gather [hbm4b:s3+s12], $0x20, s19, s12, $0xb8;
	[tilespmem:$0x19D80] =	vst v63  }
0xb7: {  	s21 =	simm.s32 $0x850;
	s24 =	simm.s32 $0x11680  }
0xb8: {  	[tilespmem:s24], [sflag:$0x2] =	stream.indirect.gather [hbm4b:s3+s14], $0x20, s21, s14, $0xb8;
	[tilespmem:$0x19D80] =	vst v63  }
0xb9: {  	s19 =	simm.s32 $0x898;
	s20 =	simm.s32 $0x11F80  }
0xba: {  	[tilespmem:s20], [sflag:$0x2] =	stream.indirect.gather [hbm4b:s3+s12], $0x20, s19, s12, $0xb8;
	[tilespmem:$0x19D80] =	vst v63  }
0xbb: {  	s21 =	simm.s32 $0x918;
	s24 =	simm.s32 $0x12F80  }
0xbc: {  	[tilespmem:s24], [sflag:$0x2] =	stream.indirect.gather [hbm4b:s3+s14], $0x20, s21, s14, $0xb8;
	[tilespmem:$0x19D80] =	vst v63  }
0xbd: {  	s19 =	simm.s32 $0x960;
	s20 =	simm.s32 $0x13880  }
0xbe: {  	[tilespmem:s20], [sflag:$0x2] =	stream.indirect.gather [hbm4b:s3+s12], $0x20, s19, s12, $0xb8;
	[tilespmem:$0x19D80] =	vst v63  }
0xbf: {  	s21 =	simm.s32 $0x9E0;
	s24 =	simm.s32 $0x14880  }
0xc0: {  	[tilespmem:s24], [sflag:$0x2] =	stream.indirect.gather [hbm4b:s3+s14], $0x20, s21, s14, $0xb8;
	[tilespmem:$0x19D80] =	vst v63  }
0xc1: {  	s19 =	simm.s32 $0xA28;
	s20 =	simm.s32 $0x15180  }
0xc2: {  	[tilespmem:s20], [sflag:$0x2] =	stream.indirect.gather [hbm4b:s3+s12], $0x20, s19, s12, $0xb8;
	[tilespmem:$0x19D80] =	vst v63  }
0xc3: {  	s21 =	simm.s32 $0xAA8;
	s24 =	simm.s32 $0x16180  }
0xc4: {  	[tilespmem:s24], [sflag:$0x2] =	stream.indirect.gather [hbm4b:s3+s14], $0x20, s21, s14, $0xb8;
	[tilespmem:$0x19D80] =	vst v63  }
0xc5: {  	_ = 	snop  }
0xc6: {  	[tilespmem:s29], [sflag:$0x2] =	stream.indirect.gather [hbm4b:s3+s12], $0x20, s28, s12, $0xb8;
	[tilespmem:$0x19D80] =	vst v63  }
0xc7: {  	_ = 	snop  }
0xc8: {  	[tilespmem:s31], [sflag:$0x2] =	stream.indirect.gather [hbm4b:s3+s14], $0x20, s30, s14, $0xb8;
	[tilespmem:$0x19D80] =	vst v63  }
0xc9: {  	_ = 	snop  }
0xca: {  	[tilespmem:s0], [sflag:$0x2] =	stream.indirect.gather [hbm4b:s3+s12], $0x20, s1, s12, $0xb8;
	[tilespmem:$0x19D80] =	vst v63  }
0xcb: {  	_ = 	snop  }
0xcc: {  	[tilespmem:s10], [sflag:$0x2] =	stream.indirect.gather [hbm4b:s3+s14], $0x20, s6, s14, $0xb8;
	[tilespmem:$0x19D80] =	vst v63  }
0xcd: {  	_ =	swait.ge [sflag:s5], $0x1000  }
0xce: {  	[sflag:s5] =	ssyncset.done $0x0  }
0xcf: {  	[sflag:s5] =	ssyncadd.s32 $0xFFFFF000  }
0xd0: {  	_ =	swait.ge [sflag:s5], $0x900  }
0xd1: {  	[sflag:s5] =	ssyncset.done $0x0  }
0xd2: {  	[sflag:s5] =	ssyncadd.s32 $0xFFFFF700  }
0xd3: {  	_ =	swait.ge [sflag:s5], $0x1000  }
0xd4: {  	[sflag:s5] =	ssyncset.done $0x0  }
0xd5: {  	[sflag:s5] =	ssyncadd.s32 $0xFFFFF000  }
0xd6: {  	_ =	swait.ge [sflag:s5], $0x900  }
0xd7: {  	[sflag:s5] =	ssyncset.done $0x0  }
0xd8: {  	[sflag:s5] =	ssyncadd.s32 $0xFFFFF700  }
0xd9: {  	_ =	swait.ge [sflag:s5], $0x1000  }
0xda: {  	[sflag:s5] =	ssyncset.done $0x0  }
0xdb: {  	[sflag:s5] =	ssyncadd.s32 $0xFFFFF000  }
0xdc: {  	_ =	swait.ge [sflag:s5], $0x900  }
0xdd: {  	[sflag:s5] =	ssyncset.done $0x0  }
0xde: {  	[sflag:s5] =	ssyncadd.s32 $0xFFFFF700  }
0xdf: {  	_ =	swait.ge [sflag:s5], $0x1000  }
0xe0: {  	[sflag:s5] =	ssyncset.done $0x0  }
0xe1: {  	[sflag:s5] =	ssyncadd.s32 $0xFFFFF000  }
0xe2: {  	_ =	swait.ge [sflag:s5], $0x900  }
0xe3: {  	[sflag:s5] =	ssyncset.done $0x0  }
0xe4: {  	[sflag:s5] =	ssyncadd.s32 $0xFFFFF700  }
0xe5: {  	_ =	swait.ge [sflag:s5], $0x1000  }
0xe6: {  	[sflag:s5] =	ssyncset.done $0x0  }
0xe7: {  	[sflag:s5] =	ssyncadd.s32 $0xFFFFF000  }
0xe8: {  	_ =	swait.ge [sflag:s5], $0x900  }
0xe9: {  	[sflag:s5] =	ssyncset.done $0x0  }
0xea: {  	[sflag:s5] =	ssyncadd.s32 $0xFFFFF700  }
0xeb: {  	_ =	swait.ge [sflag:s5], $0x1000  }
0xec: {  	[sflag:s5] =	ssyncset.done $0x0  }
0xed: {  	[sflag:s5] =	ssyncadd.s32 $0xFFFFF000  }
0xee: {  	_ =	swait.ge [sflag:s5], $0x900  }
0xef: {  	[sflag:s5] =	ssyncset.done $0x0  }
0xf0: {  	[sflag:s5] =	ssyncadd.s32 $0xFFFFF700  }
0xf1: {  	_ =	swait.ge [sflag:s5], $0x1000  }
0xf2: {  	[sflag:s5] =	ssyncset.done $0x0  }
0xf3: {  	[sflag:s5] =	ssyncadd.s32 $0xFFFFF000  }
0xf4: {  	_ =	swait.ge [sflag:s5], $0x900  }
0xf5: {  	[sflag:s5] =	ssyncset.done $0x0  }
0xf6: {  	[sflag:s5] =	ssyncadd.s32 $0xFFFFF700  }
0xf7: {  	p0 =	seq.s32 s17, $0x1F;
	_ =	swait.ge [sflag:s5], $0x1000  }
0xf8: {  	s19 =	smul.u32 @!p0 $0xC80, s17;
	[sflag:s5] =	ssyncset.done $0x0  }
0xf9: {  	[sflag:s5] =	ssyncadd.s32 $0xFFFFF000  }
0xfa: {  	s18 =	sadd.s32 @!p0 s19, s7;
	_ =	swait.ge [sflag:s5], $0x900  }
0xfb: {  	s20 =	simm.s32 @!p0 $0x0;
	s18 =	sshrl.u32 @!p0 s18, $0x3;
	[sflag:s5] =	ssyncset.done $0x0  }
0xfc: {  	s24 =	simm.s32 $0xD00;
	s18 =	sadd.s32 @!p0 s4, s18;
	[sflag:s5] =	ssyncadd.s32 $0xFFFFF700  }
0xfd: {  	[tilespmem:s20], [sflag:$0x3] =	stream.linear.gather @!p0 [hbm4b:s18+s20], $0x640, $0x38;
	[tilespmem:$0x19D80] =	vst v63  }
0xfe: {  	v1 =	vld [tilespmem:s24+$0xFFFFFF80]  }
0xff: {  	v2 =	vld [tilespmem:s24+$0xFFFFFF90]  }
0x100: {  	v3 =	vld [tilespmem:s24+$0xFFFFFFA0]  }
0x101: {  	v4 =	vld [tilespmem:s24+$0xFFFFFFB0]  }
0x102: {  	v5 =	vld [tilespmem:s24+$0xFFFFFFC0]  }
0x103: {  	v7 =	vimm.f32 $0.0e+00;
	v6 =	vld [tilespmem:s24+$0xFFFFFFD0]  }
0x104: {  	v8 =	vld [tilespmem:s24+$0xFFFFFFE0];
	v1 =	vadd.f32 v1, v7;
	v2 =	vadd.f32 v2, v7  }
0x105: {  	v7 =	vld [tilespmem:s24+$0xFFFFFFF0]  }
0x106: {  	v9 =	vld [tilespmem:s24+$0x0];
	v3 =	vadd.f32 v3, v1;
	v2 =	vadd.f32 v4, v2  }
0x107: {  	v10 =	vld [tilespmem:s24+$0x10]  }
0x108: {  	v1 =	vld [tilespmem:s24+$0x20];
	v4 =	vadd.f32 v5, v3;
	v5 =	vadd.f32 v6, v2  }
0x109: {  	v3 =	vld [tilespmem:s24+$0x30]  }
0x10a: {  	v2 =	vld [tilespmem:s24+$0x40];
	v6 =	vadd.f32 v8, v4;
	v8 =	vadd.f32 v7, v5  }
0x10b: {  	v4 =	vld [tilespmem:s24+$0x50]  }
0x10c: {  	s20 =	sshll.u32 s17, $0x6;
	v5 =	vld [tilespmem:s24+$0x60];
	v7 =	vadd.f32 v9, v6;
	v8 =	vadd.f32 v10, v8  }
0x10d: {  	s21 =	simm.s32 $0x0;
	s18 =	sor.u32 $0x20, s20;
	v6 =	vld [tilespmem:s24+$0x70];
	s24 =	simm.s32 $0xE00  }
.LBB2_7:
0x10e: {  	v9 =	vld [tilespmem:s24+$0xFFFFFF80];
	v1 =	vadd.f32 v1, v7;
	v3 =	vadd.f32 v3, v8  }
0x10f: {  	s21 =	sadd.s32 $0x8, s21;
	v7 =	vld [tilespmem:s24+$0xFFFFFF90]  }
0x110: {  	p1 =	slt.u32 s21, $0xC0;
	v8 =	vld [tilespmem:s24+$0xFFFFFFA0];
	v1 =	vadd.f32 v2, v1;
	v2 =	vadd.f32 v4, v3  }
0x111: {  	v3 =	vld [tilespmem:s24+$0xFFFFFFB0]  }
0x112: {  	v4 =	vld [tilespmem:s24+$0xFFFFFFC0];
	v1 =	vadd.f32 v5, v1;
	v2 =	vadd.f32 v6, v2  }
0x113: {  	v5 =	vld [tilespmem:s24+$0xFFFFFFD0]  }
0x114: {  	v1 =	vadd.f32 v9, v1;
	v2 =	vadd.f32 v7, v2;
	v6 =	vld [tilespmem:s24+$0xFFFFFFE0]  }
0x115: {  	v7 =	vld [tilespmem:s24+$0xFFFFFFF0]  }
0x116: {  	v1 =	vadd.f32 v8, v1;
	v2 =	vadd.f32 v3, v2;
	v8 =	vld [tilespmem:s24+$0x0]  }
0x117: {  	v9 =	vld [tilespmem:s24+$0x10]  }
0x118: {  	v4 =	vadd.f32 v4, v1;
	v2 =	vadd.f32 v5, v2;
	v1 =	vld [tilespmem:s24+$0x20]  }
.Ltmp2:
0x119: {  	v3 =	vld [tilespmem:s24+$0x30];
	(pc) =	sbr.rel @p1 .LBB2_7-.Ltmp2, $4  }
0x11a: {  	v5 =	vadd.f32 v6, v4;
	v6 =	vadd.f32 v7, v2;
	v2 =	vld [tilespmem:s24+$0x40]  }
0x11b: {  	v4 =	vld [tilespmem:s24+$0x50]  }
0x11c: {  	v7 =	vadd.f32 v8, v5;
	v8 =	vadd.f32 v9, v6;
	v5 =	vld [tilespmem:s24+$0x60]  }
0x11d: {  	v6 =	vld [tilespmem:s24+$0x70];
	s24 =	sadd.s32 $0x100, s24  }
0x11e: {  	v1 =	vadd.f32 v1, v7  }
0x11f: {  	v3 =	vadd.f32 v3, v8  }
0x120: {  	v1 =	vadd.f32 v2, v1  }
0x121: {  	v2 =	vadd.f32 v4, v3  }
0x122: {  	v1 =	vadd.f32 v5, v1  }
0x123: {  	v2 =	vadd.f32 v6, v2  }
0x124: {  	[tilespmem:$0x19C80] =	vst v1  }
0x125: {  	s24 =	simm.s32 $0x2670;
	[tilespmem:$0x19C90] =	vst v2  }
0x126: {  	v1 =	vld [tilespmem:s24+$0xFFFFFF10]  }
0x127: {  	v2 =	vld [tilespmem:s24+$0xFFFFFF20]  }
0x128: {  	v3 =	vld [tilespmem:s24+$0xFFFFFF30]  }
0x129: {  	v4 =	vld [tilespmem:s24+$0xFFFFFF40]  }
0x12a: {  	v5 =	vld [tilespmem:s24+$0xFFFFFF50]  }
0x12b: {  	v7 =	vimm.f32 $0.0e+00;
	v6 =	vld [tilespmem:s24+$0xFFFFFF60]  }
0x12c: {  	v8 =	vld [tilespmem:s24+$0xFFFFFF70];
	v1 =	vadd.f32 v1, v7;
	v2 =	vadd.f32 v2, v7  }
0x12d: {  	v7 =	vld [tilespmem:s24+$0xFFFFFF80]  }
0x12e: {  	v9 =	vld [tilespmem:s24+$0xFFFFFF90];
	v3 =	vadd.f32 v3, v1;
	v2 =	vadd.f32 v4, v2  }
0x12f: {  	v10 =	vld [tilespmem:s24+$0xFFFFFFA0]  }
0x130: {  	v1 =	vld [tilespmem:s24+$0xFFFFFFB0];
	v3 =	vadd.f32 v5, v3;
	v5 =	vadd.f32 v6, v2  }
0x131: {  	v4 =	vld [tilespmem:s24+$0xFFFFFFC0]  }
0x132: {  	v2 =	vld [tilespmem:s24+$0xFFFFFFD0];
	v6 =	vadd.f32 v8, v3;
	v8 =	vadd.f32 v7, v5  }
0x133: {  	v5 =	vld [tilespmem:s24+$0xFFFFFFE0]  }
0x134: {  	v3 =	vld [tilespmem:s24+$0xFFFFFFF0];
	v7 =	vadd.f32 v9, v6;
	v8 =	vadd.f32 v10, v8  }
0x135: {  	s21 =	simm.s32 $0x0;
	v6 =	vld [tilespmem:s24+$0x0];
	s24 =	simm.s32 $0x2770  }
.LBB2_9:
0x136: {  	v9 =	vld [tilespmem:s24+$0xFFFFFF10];
	v1 =	vadd.f32 v1, v7;
	v4 =	vadd.f32 v4, v8  }
0x137: {  	s21 =	sadd.s32 $0x8, s21;
	v7 =	vld [tilespmem:s24+$0xFFFFFF20]  }
0x138: {  	p1 =	slt.u32 s21, $0xC0;
	v8 =	vld [tilespmem:s24+$0xFFFFFF30];
	v1 =	vadd.f32 v2, v1;
	v2 =	vadd.f32 v5, v4  }
0x139: {  	v4 =	vld [tilespmem:s24+$0xFFFFFF40]  }
0x13a: {  	v5 =	vld [tilespmem:s24+$0xFFFFFF50];
	v1 =	vadd.f32 v3, v1;
	v2 =	vadd.f32 v6, v2  }
0x13b: {  	v3 =	vld [tilespmem:s24+$0xFFFFFF60]  }
0x13c: {  	v1 =	vadd.f32 v9, v1;
	v2 =	vadd.f32 v7, v2;
	v6 =	vld [tilespmem:s24+$0xFFFFFF70]  }
0x13d: {  	v7 =	vld [tilespmem:s24+$0xFFFFFF80]  }
0x13e: {  	v1 =	vadd.f32 v8, v1;
	v2 =	vadd.f32 v4, v2;
	v8 =	vld [tilespmem:s24+$0xFFFFFF90]  }
0x13f: {  	v9 =	vld [tilespmem:s24+$0xFFFFFFA0]  }
0x140: {  	v5 =	vadd.f32 v5, v1;
	v2 =	vadd.f32 v3, v2;
	v1 =	vld [tilespmem:s24+$0xFFFFFFB0]  }
.Ltmp3:
0x141: {  	v4 =	vld [tilespmem:s24+$0xFFFFFFC0];
	(pc) =	sbr.rel @p1 .LBB2_9-.Ltmp3, $4  }
0x142: {  	v3 =	vadd.f32 v6, v5;
	v6 =	vadd.f32 v7, v2;
	v2 =	vld [tilespmem:s24+$0xFFFFFFD0]  }
0x143: {  	v5 =	vld [tilespmem:s24+$0xFFFFFFE0]  }
0x144: {  	v7 =	vadd.f32 v8, v3;
	v8 =	vadd.f32 v9, v6;
	v3 =	vld [tilespmem:s24+$0xFFFFFFF0]  }
0x145: {  	v6 =	vld [tilespmem:s24+$0x0];
	s24 =	sadd.s32 $0x100, s24  }
0x146: {  	v1 =	vadd.f32 v1, v7  }
0x147: {  	v4 =	vadd.f32 v4, v8  }
0x148: {  	v1 =	vadd.f32 v2, v1  }
0x149: {  	v2 =	vadd.f32 v5, v4  }
0x14a: {  	v1 =	vadd.f32 v3, v1  }
0x14b: {  	v2 =	vadd.f32 v6, v2  }
0x14c: {  	[tilespmem:$0x19CA0] =	vst v1  }
0x14d: {  	s24 =	simm.s32 $0x3F70;
	[tilespmem:$0x19CB0] =	vst v2  }
0x14e: {  	v1 =	vld [tilespmem:s24+$0xFFFFFF10]  }
0x14f: {  	v2 =	vld [tilespmem:s24+$0xFFFFFF20]  }
0x150: {  	v3 =	vld [tilespmem:s24+$0xFFFFFF30]  }
0x151: {  	v4 =	vld [tilespmem:s24+$0xFFFFFF40]  }
0x152: {  	v5 =	vld [tilespmem:s24+$0xFFFFFF50]  }
0x153: {  	v7 =	vimm.f32 $0.0e+00;
	v6 =	vld [tilespmem:s24+$0xFFFFFF60]  }
0x154: {  	v8 =	vld [tilespmem:s24+$0xFFFFFF70];
	v1 =	vadd.f32 v1, v7;
	v2 =	vadd.f32 v2, v7  }
0x155: {  	v7 =	vld [tilespmem:s24+$0xFFFFFF80]  }
0x156: {  	v9 =	vld [tilespmem:s24+$0xFFFFFF90];
	v3 =	vadd.f32 v3, v1;
	v2 =	vadd.f32 v4, v2  }
0x157: {  	v10 =	vld [tilespmem:s24+$0xFFFFFFA0]  }
0x158: {  	v1 =	vld [tilespmem:s24+$0xFFFFFFB0];
	v3 =	vadd.f32 v5, v3;
	v5 =	vadd.f32 v6, v2  }
0x159: {  	v4 =	vld [tilespmem:s24+$0xFFFFFFC0]  }
0x15a: {  	v2 =	vld [tilespmem:s24+$0xFFFFFFD0];
	v6 =	vadd.f32 v8, v3;
	v8 =	vadd.f32 v7, v5  }
0x15b: {  	v5 =	vld [tilespmem:s24+$0xFFFFFFE0]  }
0x15c: {  	v3 =	vld [tilespmem:s24+$0xFFFFFFF0];
	v7 =	vadd.f32 v9, v6;
	v8 =	vadd.f32 v10, v8  }
0x15d: {  	s21 =	simm.s32 $0x0;
	v6 =	vld [tilespmem:s24+$0x0];
	s24 =	simm.s32 $0x4070  }
.LBB2_11:
0x15e: {  	v9 =	vld [tilespmem:s24+$0xFFFFFF10];
	v1 =	vadd.f32 v1, v7;
	v4 =	vadd.f32 v4, v8  }
0x15f: {  	s21 =	sadd.s32 $0x8, s21;
	v7 =	vld [tilespmem:s24+$0xFFFFFF20]  }
0x160: {  	p1 =	slt.u32 s21, $0xC0;
	v8 =	vld [tilespmem:s24+$0xFFFFFF30];
	v1 =	vadd.f32 v2, v1;
	v2 =	vadd.f32 v5, v4  }
0x161: {  	v4 =	vld [tilespmem:s24+$0xFFFFFF40]  }
0x162: {  	v5 =	vld [tilespmem:s24+$0xFFFFFF50];
	v1 =	vadd.f32 v3, v1;
	v2 =	vadd.f32 v6, v2  }
0x163: {  	v3 =	vld [tilespmem:s24+$0xFFFFFF60]  }
0x164: {  	v1 =	vadd.f32 v9, v1;
	v2 =	vadd.f32 v7, v2;
	v6 =	vld [tilespmem:s24+$0xFFFFFF70]  }
0x165: {  	v7 =	vld [tilespmem:s24+$0xFFFFFF80]  }
0x166: {  	v1 =	vadd.f32 v8, v1;
	v2 =	vadd.f32 v4, v2;
	v8 =	vld [tilespmem:s24+$0xFFFFFF90]  }
0x167: {  	v9 =	vld [tilespmem:s24+$0xFFFFFFA0]  }
0x168: {  	v5 =	vadd.f32 v5, v1;
	v2 =	vadd.f32 v3, v2;
	v1 =	vld [tilespmem:s24+$0xFFFFFFB0]  }
.Ltmp4:
0x169: {  	v4 =	vld [tilespmem:s24+$0xFFFFFFC0];
	(pc) =	sbr.rel @p1 .LBB2_11-.Ltmp4, $4  }
0x16a: {  	v3 =	vadd.f32 v6, v5;
	v6 =	vadd.f32 v7, v2;
	v2 =	vld [tilespmem:s24+$0xFFFFFFD0]  }
0x16b: {  	v5 =	vld [tilespmem:s24+$0xFFFFFFE0]  }
0x16c: {  	v7 =	vadd.f32 v8, v3;
	v8 =	vadd.f32 v9, v6;
	v3 =	vld [tilespmem:s24+$0xFFFFFFF0]  }
0x16d: {  	v6 =	vld [tilespmem:s24+$0x0];
	s24 =	sadd.s32 $0x100, s24  }
0x16e: {  	v1 =	vadd.f32 v1, v7  }
0x16f: {  	v4 =	vadd.f32 v4, v8  }
0x170: {  	v1 =	vadd.f32 v2, v1  }
0x171: {  	v2 =	vadd.f32 v5, v4  }
0x172: {  	v1 =	vadd.f32 v3, v1  }
0x173: {  	v2 =	vadd.f32 v6, v2  }
0x174: {  	[tilespmem:$0x19CC0] =	vst v1  }
0x175: {  	s24 =	simm.s32 $0x5780;
	[tilespmem:$0x19CD0] =	vst v2  }
0x176: {  	v1 =	vld [tilespmem:s24+$0x0]  }
0x177: {  	v2 =	vld [tilespmem:s24+$0x10]  }
0x178: {  	v3 =	vld [tilespmem:s24+$0x20]  }
0x179: {  	v4 =	vld [tilespmem:s24+$0x30]  }
0x17a: {  	v5 =	vld [tilespmem:s24+$0x40]  }
0x17b: {  	v7 =	vimm.f32 $0.0e+00;
	v6 =	vld [tilespmem:s24+$0x50]  }
0x17c: {  	v8 =	vld [tilespmem:s24+$0x60];
	v1 =	vadd.f32 v1, v7;
	v2 =	vadd.f32 v2, v7  }
0x17d: {  	v7 =	vld [tilespmem:s24+$0x70]  }
0x17e: {  	v9 =	vld [tilespmem:s24+$0x80];
	v3 =	vadd.f32 v3, v1;
	v2 =	vadd.f32 v4, v2  }
0x17f: {  	v10 =	vld [tilespmem:s24+$0x90]  }
0x180: {  	v1 =	vld [tilespmem:s24+$0xA0];
	v3 =	vadd.f32 v5, v3;
	v5 =	vadd.f32 v6, v2  }
0x181: {  	v4 =	vld [tilespmem:s24+$0xB0]  }
0x182: {  	v2 =	vld [tilespmem:s24+$0xC0];
	v6 =	vadd.f32 v8, v3;
	v8 =	vadd.f32 v7, v5  }
0x183: {  	v5 =	vld [tilespmem:s24+$0xD0]  }
0x184: {  	v3 =	vld [tilespmem:s24+$0xE0];
	v7 =	vadd.f32 v9, v6;
	v8 =	vadd.f32 v10, v8  }
0x185: {  	s21 =	simm.s32 $0x0;
	v6 =	vld [tilespmem:s24+$0xF0];
	s24 =	simm.s32 $0x5880  }
.LBB2_13:
0x186: {  	v9 =	vld [tilespmem:s24+$0x0];
	v1 =	vadd.f32 v1, v7;
	v4 =	vadd.f32 v4, v8  }
0x187: {  	s21 =	sadd.s32 $0x8, s21;
	v7 =	vld [tilespmem:s24+$0x10]  }
0x188: {  	p1 =	slt.u32 s21, $0xC0;
	v8 =	vld [tilespmem:s24+$0x20];
	v1 =	vadd.f32 v2, v1;
	v2 =	vadd.f32 v5, v4  }
0x189: {  	v4 =	vld [tilespmem:s24+$0x30]  }
0x18a: {  	v5 =	vld [tilespmem:s24+$0x40];
	v1 =	vadd.f32 v3, v1;
	v2 =	vadd.f32 v6, v2  }
0x18b: {  	v3 =	vld [tilespmem:s24+$0x50]  }
0x18c: {  	v1 =	vadd.f32 v9, v1;
	v2 =	vadd.f32 v7, v2;
	v6 =	vld [tilespmem:s24+$0x60]  }
0x18d: {  	v7 =	vld [tilespmem:s24+$0x70]  }
0x18e: {  	v1 =	vadd.f32 v8, v1;
	v2 =	vadd.f32 v4, v2;
	v8 =	vld [tilespmem:s24+$0x80]  }
0x18f: {  	v9 =	vld [tilespmem:s24+$0x90]  }
0x190: {  	v5 =	vadd.f32 v5, v1;
	v2 =	vadd.f32 v3, v2;
	v1 =	vld [tilespmem:s24+$0xA0]  }
.Ltmp5:
0x191: {  	v4 =	vld [tilespmem:s24+$0xB0];
	(pc) =	sbr.rel @p1 .LBB2_13-.Ltmp5, $4  }
0x192: {  	v3 =	vadd.f32 v6, v5;
	v6 =	vadd.f32 v7, v2;
	v2 =	vld [tilespmem:s24+$0xC0]  }
0x193: {  	v5 =	vld [tilespmem:s24+$0xD0]  }
0x194: {  	v7 =	vadd.f32 v8, v3;
	v8 =	vadd.f32 v9, v6;
	v3 =	vld [tilespmem:s24+$0xE0]  }
0x195: {  	v6 =	vld [tilespmem:s24+$0xF0];
	s24 =	sadd.s32 $0x100, s24  }
0x196: {  	v1 =	vadd.f32 v1, v7  }
0x197: {  	v4 =	vadd.f32 v4, v8  }
0x198: {  	v1 =	vadd.f32 v2, v1  }
0x199: {  	v2 =	vadd.f32 v5, v4  }
0x19a: {  	v1 =	vadd.f32 v3, v1  }
0x19b: {  	v2 =	vadd.f32 v6, v2  }
0x19c: {  	[tilespmem:$0x19CE0] =	vst v1  }
0x19d: {  	s24 =	simm.s32 $0x7080;
	[tilespmem:$0x19CF0] =	vst v2  }
0x19e: {  	v1 =	vld [tilespmem:s24+$0x0]  }
0x19f: {  	v2 =	vld [tilespmem:s24+$0x10]  }
0x1a0: {  	v3 =	vld [tilespmem:s24+$0x20]  }
0x1a1: {  	v4 =	vld [tilespmem:s24+$0x30]  }
0x1a2: {  	v5 =	vld [tilespmem:s24+$0x40]  }
0x1a3: {  	v7 =	vimm.f32 $0.0e+00;
	v6 =	vld [tilespmem:s24+$0x50]  }
0x1a4: {  	v8 =	vld [tilespmem:s24+$0x60];
	v1 =	vadd.f32 v1, v7;
	v2 =	vadd.f32 v2, v7  }
0x1a5: {  	v7 =	vld [tilespmem:s24+$0x70]  }
0x1a6: {  	v9 =	vld [tilespmem:s24+$0x80];
	v3 =	vadd.f32 v3, v1;
	v2 =	vadd.f32 v4, v2  }
0x1a7: {  	v10 =	vld [tilespmem:s24+$0x90]  }
0x1a8: {  	v1 =	vld [tilespmem:s24+$0xA0];
	v3 =	vadd.f32 v5, v3;
	v5 =	vadd.f32 v6, v2  }
0x1a9: {  	v4 =	vld [tilespmem:s24+$0xB0]  }
0x1aa: {  	v2 =	vld [tilespmem:s24+$0xC0];
	v6 =	vadd.f32 v8, v3;
	v8 =	vadd.f32 v7, v5  }
0x1ab: {  	v5 =	vld [tilespmem:s24+$0xD0]  }
0x1ac: {  	v3 =	vld [tilespmem:s24+$0xE0];
	v7 =	vadd.f32 v9, v6;
	v8 =	vadd.f32 v10, v8  }
0x1ad: {  	s21 =	simm.s32 $0x0;
	v6 =	vld [tilespmem:s24+$0xF0];
	s24 =	simm.s32 $0x7180  }
.LBB2_15:
0x1ae: {  	v9 =	vld [tilespmem:s24+$0x0];
	v1 =	vadd.f32 v1, v7;
	v4 =	vadd.f32 v4, v8  }
0x1af: {  	s21 =	sadd.s32 $0x8, s21;
	v7 =	vld [tilespmem:s24+$0x10]  }
0x1b0: {  	p1 =	slt.u32 s21, $0xC0;
	v8 =	vld [tilespmem:s24+$0x20];
	v1 =	vadd.f32 v2, v1;
	v2 =	vadd.f32 v5, v4  }
0x1b1: {  	v4 =	vld [tilespmem:s24+$0x30]  }
0x1b2: {  	v5 =	vld [tilespmem:s24+$0x40];
	v1 =	vadd.f32 v3, v1;
	v2 =	vadd.f32 v6, v2  }
0x1b3: {  	v3 =	vld [tilespmem:s24+$0x50]  }
0x1b4: {  	v1 =	vadd.f32 v9, v1;
	v2 =	vadd.f32 v7, v2;
	v6 =	vld [tilespmem:s24+$0x60]  }
0x1b5: {  	v7 =	vld [tilespmem:s24+$0x70]  }
0x1b6: {  	v1 =	vadd.f32 v8, v1;
	v2 =	vadd.f32 v4, v2;
	v8 =	vld [tilespmem:s24+$0x80]  }
0x1b7: {  	v9 =	vld [tilespmem:s24+$0x90]  }
0x1b8: {  	v5 =	vadd.f32 v5, v1;
	v2 =	vadd.f32 v3, v2;
	v1 =	vld [tilespmem:s24+$0xA0]  }
.Ltmp6:
0x1b9: {  	v4 =	vld [tilespmem:s24+$0xB0];
	(pc) =	sbr.rel @p1 .LBB2_15-.Ltmp6, $4  }
0x1ba: {  	v3 =	vadd.f32 v6, v5;
	v6 =	vadd.f32 v7, v2;
	v2 =	vld [tilespmem:s24+$0xC0]  }
0x1bb: {  	v5 =	vld [tilespmem:s24+$0xD0]  }
0x1bc: {  	v7 =	vadd.f32 v8, v3;
	v8 =	vadd.f32 v9, v6;
	v3 =	vld [tilespmem:s24+$0xE0]  }
0x1bd: {  	v6 =	vld [tilespmem:s24+$0xF0];
	s24 =	sadd.s32 $0x100, s24  }
0x1be: {  	v1 =	vadd.f32 v1, v7  }
0x1bf: {  	v4 =	vadd.f32 v4, v8  }
0x1c0: {  	v1 =	vadd.f32 v2, v1  }
0x1c1: {  	v2 =	vadd.f32 v5, v4  }
0x1c2: {  	v1 =	vadd.f32 v3, v1  }
0x1c3: {  	v2 =	vadd.f32 v6, v2  }
0x1c4: {  	[tilespmem:$0x19D00] =	vst v1  }
0x1c5: {  	s24 =	simm.s32 $0x8980;
	[tilespmem:$0x19D10] =	vst v2  }
0x1c6: {  	v1 =	vld [tilespmem:s24+$0x0]  }
0x1c7: {  	v2 =	vld [tilespmem:s24+$0x10]  }
0x1c8: {  	v3 =	vld [tilespmem:s24+$0x20]  }
0x1c9: {  	v4 =	vld [tilespmem:s24+$0x30]  }
0x1ca: {  	v5 =	vld [tilespmem:s24+$0x40]  }
0x1cb: {  	v7 =	vimm.f32 $0.0e+00;
	v6 =	vld [tilespmem:s24+$0x50]  }
0x1cc: {  	v8 =	vld [tilespmem:s24+$0x60];
	v1 =	vadd.f32 v1, v7;
	v2 =	vadd.f32 v2, v7  }
0x1cd: {  	v7 =	vld [tilespmem:s24+$0x70]  }
0x1ce: {  	v9 =	vld [tilespmem:s24+$0x80];
	v3 =	vadd.f32 v3, v1;
	v2 =	vadd.f32 v4, v2  }
0x1cf: {  	v10 =	vld [tilespmem:s24+$0x90]  }
0x1d0: {  	v1 =	vld [tilespmem:s24+$0xA0];
	v3 =	vadd.f32 v5, v3;
	v5 =	vadd.f32 v6, v2  }
0x1d1: {  	v4 =	vld [tilespmem:s24+$0xB0]  }
0x1d2: {  	v2 =	vld [tilespmem:s24+$0xC0];
	v6 =	vadd.f32 v8, v3;
	v8 =	vadd.f32 v7, v5  }
0x1d3: {  	v5 =	vld [tilespmem:s24+$0xD0]  }
0x1d4: {  	v3 =	vld [tilespmem:s24+$0xE0];
	v7 =	vadd.f32 v9, v6;
	v8 =	vadd.f32 v10, v8  }
0x1d5: {  	s21 =	simm.s32 $0x0;
	v6 =	vld [tilespmem:s24+$0xF0];
	s24 =	simm.s32 $0x8A80  }
.LBB2_17:
0x1d6: {  	v9 =	vld [tilespmem:s24+$0x0];
	v1 =	vadd.f32 v1, v7;
	v4 =	vadd.f32 v4, v8  }
0x1d7: {  	s21 =	sadd.s32 $0x8, s21;
	v7 =	vld [tilespmem:s24+$0x10]  }
0x1d8: {  	p1 =	slt.u32 s21, $0xC0;
	v8 =	vld [tilespmem:s24+$0x20];
	v1 =	vadd.f32 v2, v1;
	v2 =	vadd.f32 v5, v4  }
0x1d9: {  	v4 =	vld [tilespmem:s24+$0x30]  }
0x1da: {  	v5 =	vld [tilespmem:s24+$0x40];
	v1 =	vadd.f32 v3, v1;
	v2 =	vadd.f32 v6, v2  }
0x1db: {  	v3 =	vld [tilespmem:s24+$0x50]  }
0x1dc: {  	v1 =	vadd.f32 v9, v1;
	v2 =	vadd.f32 v7, v2;
	v6 =	vld [tilespmem:s24+$0x60]  }
0x1dd: {  	v7 =	vld [tilespmem:s24+$0x70]  }
0x1de: {  	v1 =	vadd.f32 v8, v1;
	v2 =	vadd.f32 v4, v2;
	v8 =	vld [tilespmem:s24+$0x80]  }
0x1df: {  	v9 =	vld [tilespmem:s24+$0x90]  }
0x1e0: {  	v5 =	vadd.f32 v5, v1;
	v2 =	vadd.f32 v3, v2;
	v1 =	vld [tilespmem:s24+$0xA0]  }
.Ltmp7:
0x1e1: {  	v4 =	vld [tilespmem:s24+$0xB0];
	(pc) =	sbr.rel @p1 .LBB2_17-.Ltmp7, $4  }
0x1e2: {  	v3 =	vadd.f32 v6, v5;
	v6 =	vadd.f32 v7, v2;
	v2 =	vld [tilespmem:s24+$0xC0]  }
0x1e3: {  	v5 =	vld [tilespmem:s24+$0xD0]  }
0x1e4: {  	v7 =	vadd.f32 v8, v3;
	v8 =	vadd.f32 v9, v6;
	v3 =	vld [tilespmem:s24+$0xE0]  }
0x1e5: {  	v6 =	vld [tilespmem:s24+$0xF0];
	s24 =	sadd.s32 $0x100, s24  }
0x1e6: {  	v1 =	vadd.f32 v1, v7  }
0x1e7: {  	v4 =	vadd.f32 v4, v8  }
0x1e8: {  	v1 =	vadd.f32 v2, v1  }
0x1e9: {  	v2 =	vadd.f32 v5, v4  }
0x1ea: {  	v1 =	vadd.f32 v3, v1  }
0x1eb: {  	v2 =	vadd.f32 v6, v2  }
0x1ec: {  	[tilespmem:$0x19D20] =	vst v1  }
0x1ed: {  	s24 =	simm.s32 $0xA280;
	[tilespmem:$0x19D30] =	vst v2  }
0x1ee: {  	v1 =	vld [tilespmem:s24+$0x0]  }
0x1ef: {  	v2 =	vld [tilespmem:s24+$0x10]  }
0x1f0: {  	v3 =	vld [tilespmem:s24+$0x20]  }
0x1f1: {  	v4 =	vld [tilespmem:s24+$0x30]  }
0x1f2: {  	v5 =	vld [tilespmem:s24+$0x40]  }
0x1f3: {  	v7 =	vimm.f32 $0.0e+00;
	v6 =	vld [tilespmem:s24+$0x50]  }
0x1f4: {  	v8 =	vld [tilespmem:s24+$0x60];
	v1 =	vadd.f32 v1, v7;
	v2 =	vadd.f32 v2, v7  }
0x1f5: {  	v7 =	vld [tilespmem:s24+$0x70]  }
0x1f6: {  	v9 =	vld [tilespmem:s24+$0x80];
	v3 =	vadd.f32 v3, v1;
	v2 =	vadd.f32 v4, v2  }
0x1f7: {  	v10 =	vld [tilespmem:s24+$0x90]  }
0x1f8: {  	v1 =	vld [tilespmem:s24+$0xA0];
	v3 =	vadd.f32 v5, v3;
	v5 =	vadd.f32 v6, v2  }
0x1f9: {  	v4 =	vld [tilespmem:s24+$0xB0]  }
0x1fa: {  	v2 =	vld [tilespmem:s24+$0xC0];
	v6 =	vadd.f32 v8, v3;
	v8 =	vadd.f32 v7, v5  }
0x1fb: {  	v5 =	vld [tilespmem:s24+$0xD0]  }
0x1fc: {  	v3 =	vld [tilespmem:s24+$0xE0];
	v7 =	vadd.f32 v9, v6;
	v8 =	vadd.f32 v10, v8  }
0x1fd: {  	s21 =	simm.s32 $0x0;
	v6 =	vld [tilespmem:s24+$0xF0];
	s24 =	simm.s32 $0xA380  }
.LBB2_19:
0x1fe: {  	v9 =	vld [tilespmem:s24+$0x0];
	v1 =	vadd.f32 v1, v7;
	v4 =	vadd.f32 v4, v8  }
0x1ff: {  	s21 =	sadd.s32 $0x8, s21;
	v7 =	vld [tilespmem:s24+$0x10]  }
0x200: {  	p1 =	slt.u32 s21, $0xC0;
	v8 =	vld [tilespmem:s24+$0x20];
	v1 =	vadd.f32 v2, v1;
	v2 =	vadd.f32 v5, v4  }
0x201: {  	v4 =	vld [tilespmem:s24+$0x30]  }
0x202: {  	v5 =	vld [tilespmem:s24+$0x40];
	v1 =	vadd.f32 v3, v1;
	v2 =	vadd.f32 v6, v2  }
0x203: {  	v3 =	vld [tilespmem:s24+$0x50]  }
0x204: {  	v1 =	vadd.f32 v9, v1;
	v2 =	vadd.f32 v7, v2;
	v6 =	vld [tilespmem:s24+$0x60]  }
0x205: {  	v7 =	vld [tilespmem:s24+$0x70]  }
0x206: {  	v1 =	vadd.f32 v8, v1;
	v2 =	vadd.f32 v4, v2;
	v8 =	vld [tilespmem:s24+$0x80]  }
0x207: {  	v9 =	vld [tilespmem:s24+$0x90]  }
0x208: {  	v5 =	vadd.f32 v5, v1;
	v2 =	vadd.f32 v3, v2;
	v1 =	vld [tilespmem:s24+$0xA0]  }
.Ltmp8:
0x209: {  	v4 =	vld [tilespmem:s24+$0xB0];
	(pc) =	sbr.rel @p1 .LBB2_19-.Ltmp8, $4  }
0x20a: {  	v3 =	vadd.f32 v6, v5;
	v6 =	vadd.f32 v7, v2;
	v2 =	vld [tilespmem:s24+$0xC0]  }
0x20b: {  	v5 =	vld [tilespmem:s24+$0xD0]  }
0x20c: {  	v7 =	vadd.f32 v8, v3;
	v8 =	vadd.f32 v9, v6;
	v3 =	vld [tilespmem:s24+$0xE0]  }
0x20d: {  	v6 =	vld [tilespmem:s24+$0xF0];
	s24 =	sadd.s32 $0x100, s24  }
0x20e: {  	v1 =	vadd.f32 v1, v7  }
0x20f: {  	v4 =	vadd.f32 v4, v8  }
0x210: {  	v1 =	vadd.f32 v2, v1  }
0x211: {  	v2 =	vadd.f32 v5, v4  }
0x212: {  	v1 =	vadd.f32 v3, v1  }
0x213: {  	v2 =	vadd.f32 v6, v2  }
0x214: {  	[tilespmem:$0x19D40] =	vst v1  }
0x215: {  	s24 =	simm.s32 $0xBB80;
	[tilespmem:$0x19D50] =	vst v2  }
0x216: {  	v1 =	vld [tilespmem:s24+$0x0]  }
0x217: {  	v2 =	vld [tilespmem:s24+$0x10]  }
0x218: {  	v3 =	vld [tilespmem:s24+$0x20]  }
0x219: {  	v4 =	vld [tilespmem:s24+$0x30]  }
0x21a: {  	v5 =	vld [tilespmem:s24+$0x40]  }
0x21b: {  	v7 =	vimm.f32 $0.0e+00;
	v6 =	vld [tilespmem:s24+$0x50]  }
0x21c: {  	v8 =	vld [tilespmem:s24+$0x60];
	v1 =	vadd.f32 v1, v7;
	v2 =	vadd.f32 v2, v7  }
0x21d: {  	v7 =	vld [tilespmem:s24+$0x70]  }
0x21e: {  	v9 =	vld [tilespmem:s24+$0x80];
	v3 =	vadd.f32 v3, v1;
	v2 =	vadd.f32 v4, v2  }
0x21f: {  	v10 =	vld [tilespmem:s24+$0x90]  }
0x220: {  	v1 =	vld [tilespmem:s24+$0xA0];
	v3 =	vadd.f32 v5, v3;
	v5 =	vadd.f32 v6, v2  }
0x221: {  	v4 =	vld [tilespmem:s24+$0xB0]  }
0x222: {  	v2 =	vld [tilespmem:s24+$0xC0];
	v6 =	vadd.f32 v8, v3;
	v8 =	vadd.f32 v7, v5  }
0x223: {  	v5 =	vld [tilespmem:s24+$0xD0]  }
0x224: {  	v3 =	vld [tilespmem:s24+$0xE0];
	v7 =	vadd.f32 v9, v6;
	v8 =	vadd.f32 v10, v8  }
0x225: {  	s21 =	simm.s32 $0x0;
	v6 =	vld [tilespmem:s24+$0xF0];
	s24 =	simm.s32 $0xBC80  }
.LBB2_21:
0x226: {  	v9 =	vld [tilespmem:s24+$0x0];
	v1 =	vadd.f32 v1, v7;
	v4 =	vadd.f32 v4, v8  }
0x227: {  	s21 =	sadd.s32 $0x8, s21;
	v7 =	vld [tilespmem:s24+$0x10]  }
0x228: {  	p1 =	slt.u32 s21, $0xC0;
	v8 =	vld [tilespmem:s24+$0x20];
	v1 =	vadd.f32 v2, v1;
	v2 =	vadd.f32 v5, v4  }
0x229: {  	v4 =	vld [tilespmem:s24+$0x30]  }
0x22a: {  	v5 =	vld [tilespmem:s24+$0x40];
	v1 =	vadd.f32 v3, v1;
	v2 =	vadd.f32 v6, v2  }
0x22b: {  	v3 =	vld [tilespmem:s24+$0x50]  }
0x22c: {  	v1 =	vadd.f32 v9, v1;
	v2 =	vadd.f32 v7, v2;
	v6 =	vld [tilespmem:s24+$0x60]  }
0x22d: {  	v7 =	vld [tilespmem:s24+$0x70]  }
0x22e: {  	v1 =	vadd.f32 v8, v1;
	v2 =	vadd.f32 v4, v2;
	v8 =	vld [tilespmem:s24+$0x80]  }
0x22f: {  	v9 =	vld [tilespmem:s24+$0x90]  }
0x230: {  	v5 =	vadd.f32 v5, v1;
	v2 =	vadd.f32 v3, v2;
	v1 =	vld [tilespmem:s24+$0xA0]  }
.Ltmp9:
0x231: {  	v4 =	vld [tilespmem:s24+$0xB0];
	(pc) =	sbr.rel @p1 .LBB2_21-.Ltmp9, $4  }
0x232: {  	v3 =	vadd.f32 v6, v5;
	v6 =	vadd.f32 v7, v2;
	v2 =	vld [tilespmem:s24+$0xC0]  }
0x233: {  	v5 =	vld [tilespmem:s24+$0xD0]  }
0x234: {  	v7 =	vadd.f32 v8, v3;
	v8 =	vadd.f32 v9, v6;
	v3 =	vld [tilespmem:s24+$0xE0]  }
0x235: {  	v6 =	vld [tilespmem:s24+$0xF0];
	s24 =	sadd.s32 $0x100, s24  }
0x236: {  	v1 =	vadd.f32 v1, v7  }
0x237: {  	v4 =	vadd.f32 v4, v8  }
0x238: {  	v1 =	vadd.f32 v2, v1  }
0x239: {  	v2 =	vadd.f32 v5, v4  }
0x23a: {  	v1 =	vadd.f32 v3, v1  }
0x23b: {  	v2 =	vadd.f32 v6, v2  }
0x23c: {  	[tilespmem:$0x19D60] =	vst v1  }
.Ltmp10:
0x23d: {  	s20 =	sadd.s32 s20, s8;
	[tilespmem:$0x19D70] =	vst v2;
	(pc) =	sbr.rel @p0 .LBB2_26-.Ltmp10, $4  }
0x23e: {  	[hbm4b:s20+s2] =	stream.linear.scatter [tilespmem:s13], [sflag:$0x5], $0x100, $0x38;
	[tilespmem:$0x19D80] =	vst v63  }
0x23f: {  	_ =	swait.ge [sflag:s15], $0x100  }
0x240: {  	[sflag:s15] =	ssyncset.done $0x0  }
0x241: {  	[sflag:s15] =	ssyncadd.s32 $0xFFFFFF00  }
0x242: {  	_ =	swait.ge [sflag:s11], $0x640  }
0x243: {  	[sflag:s11] =	ssyncset.done $0x0  }
0x244: {  	s24 =	simm.s32 $0x20;
	[sflag:s11] =	ssyncadd.s32 $0xFFFFF9C0  }
0x245: {  	v1 =	vld [tilespmem:s24+$0x10];
	_ =	sdelay $0x4  }
0x246: {  	vm0 =	vgt.s32 v1, $0x3D08F;
	vm1 =	vgt.s32 v1, $0x7A11F  }
0x247: {  	vm2 =	vgt.s32 v1, $0xB71AF;
	v2 =	vsel vm0, $0x1, v0;
	v3 =	vsel vm1, $0x1, v0  }
0x248: {  	v2 =	vadd.s32 v3, v2;
	v3 =	vsel vm2, $0x1, v0  }
0x249: {  	v2 =	vadd.s32 v3, v2  }
0x24a: {  	v2 =	vmul.u32 $0xFFF0BDC1, v2  }
0x24b: {  	s21 =	simm.s32 $0x60;
	v1 =	vshll.u32 v1, $0x2  }
0x24c: {  	v4 =	vld [tilespmem:s21+$0xFFFFFFF0];
	v1 =	vadd.s32 v1, v2  }
0x24d: {  	v3 =	vld [tilespmem:s24+$0xFFFFFFF0];
	[tilespmem:s24+$0x10] =	vst v1  }
0x24e: {  	v1 =	vld [tilespmem:s21+$0x10];
	_ =	sdelay $0x2  }
0x24f: {  	vm7 =	vgt.s32 v4, $0x3D08F  }
0x250: {  	vm8 =	vgt.s32 v4, $0x7A11F;
	vm9 =	vgt.s32 v4, $0xB71AF;
	vm13 =	vgt.s32 v3, $0x3D08F  }
0x251: {  	vm14 =	vgt.s32 v3, $0x7A11F;
	vm15 =	vgt.s32 v1, $0x3D08F;
	vm4 =	vgt.s32 v1, $0x7A11F  }
0x252: {  	vm6 =	vgt.s32 v1, $0xB71AF;
	v5 =	vsel vm15, $0x1, v0;
	v6 =	vsel vm4, $0x1, v0  }
0x253: {  	s20 =	simm.s32 $0xA0;
	vm5 =	vgt.s32 v3, $0xB71AF;
	v5 =	vadd.s32 v6, v5;
	v6 =	vsel vm6, $0x1, v0  }
0x254: {  	v2 =	vsel vm13, $0x1, v0;
	v7 =	vsel vm14, $0x1, v0;
	v5 =	vadd.s32 v6, v5;
	v6 =	vld [tilespmem:s20+$0xFFFFFFF0]  }
0x255: {  	v2 =	vadd.s32 v7, v2;
	v7 =	vsel vm5, $0x1, v0;
	v5 =	vmul.u32 $0xFFF0BDC1, v5  }
0x256: {  	v2 =	vadd.s32 v7, v2;
	v7 =	vsel vm8, $0x1, v0;
	v1 =	vshll.u32 v1, $0x2  }
0x257: {  	v2 =	vmul.u32 $0xFFF0BDC1, v2;
	v1 =	vadd.s32 v1, v5;
	v5 =	vsel vm7, $0x1, v0  }
0x258: {  	[tilespmem:s21+$0x10] =	vst v1;
	v1 =	vshll.u32 v3, $0x2;
	v3 =	vadd.s32 v7, v5;
	v5 =	vsel vm9, $0x1, v0  }
0x259: {  	v3 =	vadd.s32 v5, v3;
	vm10 =	vgt.s32 v6, $0x3D08F;
	vm11 =	vgt.s32 v6, $0x7A11F  }
0x25a: {  	v7 =	vld [tilespmem:s20+$0x10];
	vm12 =	vgt.s32 v6, $0xB71AF;
	v5 =	vsel vm10, $0x1, v0;
	v8 =	vsel vm11, $0x1, v0  }
0x25b: {  	v2 =	vadd.s32 v1, v2;
	v5 =	vadd.s32 v8, v5;
	v8 =	vsel vm12, $0x1, v0  }
0x25c: {  	v1 =	vshll.u32 v4, $0x2;
	v3 =	vmul.u32 $0xFFF0BDC1, v3;
	v4 =	vadd.s32 v8, v5  }
0x25d: {  	v8 =	vmul.u32 $0xFFF0BDC1, v4;
	v4 =	vld [tilespmem:s24+$0xFFFFFFE0]  }
0x25e: {  	[tilespmem:s24+$0xFFFFFFF0] =	vst v2;
	v2 =	vshll.u32 v6, $0x2;
	v1 =	vadd.s32 v1, v3  }
0x25f: {  	vm13 =	vgt.s32 v7, $0xB71AF;
	vm14 =	vgt.s32 v7, $0x3D08F;
	vm15 =	vgt.s32 v7, $0x7A11F  }
0x260: {  	v3 =	vld [tilespmem:s24+$0x0];
	v5 =	vshll.u32 v7, $0x2;
	v6 =	vsel vm14, $0x1, v0;
	v9 =	vsel vm15, $0x1, v0  }
0x261: {  	s25 =	simm.s32 $0x8;
	s26 =	simm.s32 $0xE0;
	v2 =	vadd.s32 v2, v8;
	v7 =	vsel vm13, $0x1, v0;
	v6 =	vadd.s32 v9, v6  }
.LBB2_24:
0x262: {  	s25 =	sadd.s32 $0x4, s25;
	v6 =	vadd.s32 v7, v6;
	vm0 =	vgt.s32 v4, $0x3D08F;
	vm1 =	vgt.s32 v4, $0xB71AF  }
0x263: {  	v7 =	vld [tilespmem:s26+$0xFFFFFFF0];
	p1 =	slt.u32 s25, $0x60;
	v6 =	vmul.u32 $0xFFF0BDC1, v6;
	v8 =	vsel vm0, $0x1, v0;
	vm0 =	vgt.s32 v4, $0x7A11F  }
0x264: {  	v10 =	vsel vm1, $0x1, v0;
	v4 =	vshll.u32 v4, $0x2;
	v9 =	vsel vm0, $0x1, v0  }
0x265: {  	v5 =	vadd.s32 v5, v6;
	v6 =	vadd.s32 v9, v8;
	vm0 =	vgt.s32 v3, $0x3D08F  }
0x266: {  	[tilespmem:s20+$0x10] =	vst v5;
	v5 =	vadd.s32 v10, v6;
	v6 =	vsel vm0, $0x1, v0;
	vm0 =	vgt.s32 v3, $0x7A11F  }
0x267: {  	v8 =	vld [tilespmem:s26+$0x10];
	v5 =	vmul.u32 $0xFFF0BDC1, v5;
	v9 =	vsel vm0, $0x1, v0;
	vm0 =	vgt.s32 v3, $0xB71AF  }
0x268: {  	vm1 =	vgt.s32 v7, $0x3D08F;
	vm2 =	vgt.s32 v7, $0x7A11F;
	[tilespmem:s21+$0xFFFFFFF0] =	vst v1;
	v10 =	vsel vm0, $0x1, v0;
	v1 =	vmovc v2  }
0x269: {  	vm0 =	vgt.s32 v7, $0xB71AF;
	v6 =	vadd.s32 v9, v6;
	v2 =	vsel vm1, $0x1, v0  }
0x26a: {  	v9 =	vsel vm2, $0x1, v0;
	v4 =	vadd.s32 v4, v5;
	v5 =	vadd.s32 v10, v6  }
0x26b: {  	v6 =	vsel vm0, $0x1, v0;
	v2 =	vadd.s32 v9, v2;
	v5 =	vmul.u32 $0xFFF0BDC1, v5;
	[tilespmem:s24+$0xFFFFFFE0] =	vst v4  }
.Ltmp11:
0x26c: {  	v3 =	vshll.u32 v3, $0x2;
	v2 =	vadd.s32 v6, v2;
	v4 =	vld [tilespmem:s21+$0xFFFFFFE0];
	(pc) =	sbr.rel @p1 .LBB2_24-.Ltmp11, $4  }
0x26d: {  	v2 =	vmul.u32 $0xFFF0BDC1, v2;
	vm0 =	vgt.s32 v8, $0xB71AF;
	v3 =	vadd.s32 v3, v5  }
0x26e: {  	v6 =	vshll.u32 v7, $0x2;
	vm1 =	vgt.s32 v8, $0x3D08F;
	vm2 =	vgt.s32 v8, $0x7A11F;
	[tilespmem:s24+$0x0] =	vst v3;
	s24 =	smov.u32 s21;
	s21 =	smov.u32 s20;
	s20 =	smov.u32 s26  }
0x26f: {  	v5 =	vshll.u32 v8, $0x2;
	v7 =	vsel vm1, $0x1, v0;
	v9 =	vsel vm2, $0x1, v0;
	v3 =	vld [tilespmem:s24+$0x0]  }
0x270: {  	v2 =	vadd.s32 v6, v2;
	v6 =	vadd.s32 v9, v7;
	v7 =	vsel vm0, $0x1, v0;
	s26 =	sadd.s32 $0x40, s26  }
0x271: {  	v6 =	vadd.s32 v7, v6;
	vm0 =	vgt.s32 v4, $0x3D08F  }
0x272: {  	vm1 =	vgt.s32 v4, $0xB71AF;
	vm2 =	vgt.s32 v4, $0x7A11F;
	v6 =	vmul.u32 $0xFFF0BDC1, v6  }
0x273: {  	v46 =	vsel vm0, $0x1, v0;
	v8 =	vsel vm2, $0x1, v0;
	v9 =	vsel vm1, $0x1, v0  }
0x274: {  	v47 =	vadd.s32 v8, v46;
	v5 =	vadd.s32 v5, v6;
	vm13 =	vgt.s32 v3, $0x3D08F  }
0x275: {  	v6 =	vadd.s32 v9, v47;
	vm14 =	vgt.s32 v3, $0x7A11F;
	vm15 =	vgt.s32 v3, $0xB71AF  }
0x276: {  	v48 =	vsel vm13, $0x1, v0;
	v6 =	vmul.u32 $0xFFF0BDC1, v6;
	v49 =	vsel vm14, $0x1, v0  }
0x277: {  	v50 =	vshll.u32 v4, $0x2;
	[tilespmem:s20+$0x10] =	vst v5;
	v51 =	vsel vm15, $0x1, v0;
	v7 =	vadd.s32 v49, v48  }
0x278: {  	[tilespmem:s21+$0xFFFFFFF0] =	vst v1;
	v1 =	vadd.s32 v50, v6;
	v52 =	vadd.s32 v51, v7  }
0x279: {  	[tilespmem:s24+$0xFFFFFFE0] =	vst v1;
	v1 =	vmul.u32 $0xFFF0BDC1, v52  }
0x27a: {  	v3 =	vshll.u32 v3, $0x2;
	v53 =	vld [tilespmem:s21+$0xFFFFFFE0]  }
0x27b: {  	v1 =	vadd.s32 v3, v1  }
0x27c: {  	[tilespmem:s24+$0x0] =	vst v1  }
0x27d: {  	v1 =	vld [tilespmem:s21+$0x0];
	_ =	sdelay $0x1  }
0x27e: {  	vm4 =	vgt.s32 v53, $0x3D08F;
	vm5 =	vgt.s32 v53, $0x7A11F  }
0x27f: {  	vm6 =	vgt.s32 v53, $0xB71AF;
	v3 =	vsel vm4, $0x1, v0;
	v54 =	vsel vm5, $0x1, v0  }
0x280: {  	v55 =	vsel vm6, $0x1, v0;
	v3 =	vadd.s32 v54, v3  }
0x281: {  	vm7 =	vgt.s32 v1, $0x3D08F;
	v3 =	vadd.s32 v55, v3;
	vm8 =	vgt.s32 v1, $0x7A11F  }
0x282: {  	vm9 =	vgt.s32 v1, $0xB71AF;
	v56 =	vsel vm7, $0x1, v0;
	v57 =	vsel vm8, $0x1, v0  }
0x283: {  	v3 =	vmul.u32 $0xFFF0BDC1, v3;
	v58 =	vsel vm9, $0x1, v0;
	v5 =	vadd.s32 v57, v56  }
0x284: {  	v4 =	vshll.u32 v53, $0x2;
	v5 =	vadd.s32 v58, v5  }
0x285: {  	[tilespmem:s20+$0xFFFFFFF0] =	vst v2;
	v2 =	vadd.s32 v4, v3;
	v3 =	vmul.u32 $0xFFF0BDC1, v5  }
0x286: {  	v1 =	vshll.u32 v1, $0x2;
	[tilespmem:s21+$0xFFFFFFE0] =	vst v2  }
0x287: {  	v2 =	vld [tilespmem:s20+$0xFFFFFFE0];
	v1 =	vadd.s32 v1, v3  }
0x288: {  	[tilespmem:s21+$0x0] =	vst v1  }
0x289: {  	v1 =	vld [tilespmem:s20+$0x0];
	_ =	sdelay $0x2  }
0x28a: {  	vm10 =	vgt.s32 v2, $0x3D08F;
	vm11 =	vgt.s32 v2, $0xB71AF;
	vm12 =	vgt.s32 v2, $0x7A11F  }
0x28b: {  	v3 =	vsel vm10, $0x1, v0;
	v59 =	vsel vm12, $0x1, v0;
	v60 =	vsel vm11, $0x1, v0  }
0x28c: {  	v3 =	vadd.s32 v59, v3;
	vm13 =	vgt.s32 v1, $0x3D08F;
	vm14 =	vgt.s32 v1, $0x7A11F  }
0x28d: {  	vm15 =	vgt.s32 v1, $0xB71AF;
	v61 =	vsel vm13, $0x1, v0;
	v62 =	vsel vm14, $0x1, v0  }
0x28e: {  	v3 =	vadd.s32 v60, v3;
	v63 =	vsel vm15, $0x1, v0;
	v4 =	vadd.s32 v62, v61  }
0x28f: {  	v3 =	vmul.u32 $0xFFF0BDC1, v3;
	v4 =	vadd.s32 v63, v4  }
0x290: {  	v2 =	vshll.u32 v2, $0x2;
	v4 =	vmul.u32 $0xFFF0BDC1, v4  }
0x291: {  	v1 =	vshll.u32 v1, $0x2;
	v2 =	vadd.s32 v2, v3  }
0x292: {  	[tilespmem:s20+$0xFFFFFFE0] =	vst v2;
	v1 =	vadd.s32 v1, v4  }
0x293: {  	s25 =	simm.s32 $0xC80;
	[tilespmem:s20+$0x0] =	vst v1  }
0x294: {  	[tilespmem:s25], [sflag:$0x1] =	stream.indirect.gather [hbm4b:s3+s12], $0x20, s2, s12, $0xb8;
	[tilespmem:$0x19D80] =	vst v63  }
0x295: {  	s26 =	simm.s32 $0x1C80  }
0x296: {  	[tilespmem:s26], [sflag:$0x1] =	stream.indirect.gather [hbm4b:s3+s14], $0x20, s12, s14, $0xb8;
	[tilespmem:$0x19D80] =	vst v63  }
0x297: {  	s24 =	simm.s32 $0x2580;
	s21 =	simm.s32 $0xC8  }
0x298: {  	[tilespmem:s24], [sflag:$0x1] =	stream.indirect.gather [hbm4b:s3+s12], $0x20, s21, s12, $0xb8;
	[tilespmem:$0x19D80] =	vst v63  }
0x299: {  	s25 =	simm.s32 $0x148;
	s26 =	simm.s32 $0x3580  }
0x29a: {  	[tilespmem:s26], [sflag:$0x1] =	stream.indirect.gather [hbm4b:s3+s14], $0x20, s25, s14, $0xb8;
	[tilespmem:$0x19D80] =	vst v63  }
0x29b: {  	s21 =	simm.s32 $0x190;
	s24 =	simm.s32 $0x3E80  }
0x29c: {  	[tilespmem:s24], [sflag:$0x1] =	stream.indirect.gather [hbm4b:s3+s12], $0x20, s21, s12, $0xb8;
	[tilespmem:$0x19D80] =	vst v63  }
0x29d: {  	s25 =	simm.s32 $0x210;
	s26 =	simm.s32 $0x4E80  }
0x29e: {  	[tilespmem:s26], [sflag:$0x1] =	stream.indirect.gather [hbm4b:s3+s14], $0x20, s25, s14, $0xb8;
	[tilespmem:$0x19D80] =	vst v63  }
0x29f: {  	s21 =	simm.s32 $0x258;
	s24 =	simm.s32 $0x5780  }
0x2a0: {  	[tilespmem:s24], [sflag:$0x1] =	stream.indirect.gather [hbm4b:s3+s12], $0x20, s21, s12, $0xb8;
	[tilespmem:$0x19D80] =	vst v63  }
0x2a1: {  	s25 =	simm.s32 $0x2D8;
	s26 =	simm.s32 $0x6780  }
0x2a2: {  	[tilespmem:s26], [sflag:$0x1] =	stream.indirect.gather [hbm4b:s3+s14], $0x20, s25, s14, $0xb8;
	[tilespmem:$0x19D80] =	vst v63  }
0x2a3: {  	s21 =	simm.s32 $0x320;
	s24 =	simm.s32 $0x7080  }
0x2a4: {  	[tilespmem:s24], [sflag:$0x1] =	stream.indirect.gather [hbm4b:s3+s12], $0x20, s21, s12, $0xb8;
	[tilespmem:$0x19D80] =	vst v63  }
0x2a5: {  	s25 =	simm.s32 $0x3A0;
	s26 =	simm.s32 $0x8080  }
0x2a6: {  	[tilespmem:s26], [sflag:$0x1] =	stream.indirect.gather [hbm4b:s3+s14], $0x20, s25, s14, $0xb8;
	[tilespmem:$0x19D80] =	vst v63  }
0x2a7: {  	s21 =	simm.s32 $0x3E8;
	s24 =	simm.s32 $0x8980  }
0x2a8: {  	[tilespmem:s24], [sflag:$0x1] =	stream.indirect.gather [hbm4b:s3+s12], $0x20, s21, s12, $0xb8;
	[tilespmem:$0x19D80] =	vst v63  }
0x2a9: {  	s25 =	simm.s32 $0x468;
	s26 =	simm.s32 $0x9980  }
0x2aa: {  	[tilespmem:s26], [sflag:$0x1] =	stream.indirect.gather [hbm4b:s3+s14], $0x20, s25, s14, $0xb8;
	[tilespmem:$0x19D80] =	vst v63  }
0x2ab: {  	s21 =	simm.s32 $0x4B0;
	s24 =	simm.s32 $0xA280  }
0x2ac: {  	[tilespmem:s24], [sflag:$0x1] =	stream.indirect.gather [hbm4b:s3+s12], $0x20, s21, s12, $0xb8;
	[tilespmem:$0x19D80] =	vst v63  }
0x2ad: {  	s25 =	simm.s32 $0x530;
	s26 =	simm.s32 $0xB280  }
0x2ae: {  	[tilespmem:s26], [sflag:$0x1] =	stream.indirect.gather [hbm4b:s3+s14], $0x20, s25, s14, $0xb8;
	[tilespmem:$0x19D80] =	vst v63  }
0x2af: {  	s21 =	simm.s32 $0x578;
	s24 =	simm.s32 $0xBB80  }
0x2b0: {  	[tilespmem:s24], [sflag:$0x1] =	stream.indirect.gather [hbm4b:s3+s12], $0x20, s21, s12, $0xb8;
	[tilespmem:$0x19D80] =	vst v63  }
0x2b1: {  	s25 =	simm.s32 $0x5F8;
	s26 =	simm.s32 $0xCB80  }
0x2b2: {  	[tilespmem:s26], [sflag:$0x1] =	stream.indirect.gather [hbm4b:s3+s14], $0x20, s25, s14, $0xb8;
	[tilespmem:$0x19D80] =	vst v63  }
0x2b3: {  	s25 =	simm.s32 $0xD480;
	s26 =	simm.s32 $0x6C0  }
.LBB2_26:
0x2b4: {  	_ =	swait.ge [sflag:s16], $0x1000  }
0x2b5: {  	[sflag:s16] =	ssyncset.done $0x0  }
0x2b6: {  	[sflag:s16] =	ssyncadd.s32 $0xFFFFF000  }
0x2b7: {  	_ =	swait.ge [sflag:s16], $0x900  }
0x2b8: {  	[sflag:s16] =	ssyncset.done $0x0  }
0x2b9: {  	[sflag:s16] =	ssyncadd.s32 $0xFFFFF700  }
0x2ba: {  	_ =	swait.ge [sflag:s16], $0x1000  }
0x2bb: {  	[sflag:s16] =	ssyncset.done $0x0  }
0x2bc: {  	[sflag:s16] =	ssyncadd.s32 $0xFFFFF000  }
0x2bd: {  	_ =	swait.ge [sflag:s16], $0x900  }
0x2be: {  	[sflag:s16] =	ssyncset.done $0x0  }
0x2bf: {  	[sflag:s16] =	ssyncadd.s32 $0xFFFFF700  }
0x2c0: {  	_ =	swait.ge [sflag:s16], $0x1000  }
0x2c1: {  	[sflag:s16] =	ssyncset.done $0x0  }
0x2c2: {  	[sflag:s16] =	ssyncadd.s32 $0xFFFFF000  }
0x2c3: {  	_ =	swait.ge [sflag:s16], $0x900  }
0x2c4: {  	[sflag:s16] =	ssyncset.done $0x0  }
0x2c5: {  	[sflag:s16] =	ssyncadd.s32 $0xFFFFF700  }
0x2c6: {  	_ =	swait.ge [sflag:s16], $0x1000  }
0x2c7: {  	[sflag:s16] =	ssyncset.done $0x0  }
0x2c8: {  	[sflag:s16] =	ssyncadd.s32 $0xFFFFF000  }
0x2c9: {  	_ =	swait.ge [sflag:s16], $0x900  }
0x2ca: {  	[sflag:s16] =	ssyncset.done $0x0  }
0x2cb: {  	[sflag:s16] =	ssyncadd.s32 $0xFFFFF700  }
0x2cc: {  	_ =	swait.ge [sflag:s16], $0x1000  }
0x2cd: {  	[sflag:s16] =	ssyncset.done $0x0  }
0x2ce: {  	[sflag:s16] =	ssyncadd.s32 $0xFFFFF000  }
0x2cf: {  	_ =	swait.ge [sflag:s16], $0x900  }
0x2d0: {  	[sflag:s16] =	ssyncset.done $0x0  }
0x2d1: {  	[sflag:s16] =	ssyncadd.s32 $0xFFFFF700  }
0x2d2: {  	_ =	swait.ge [sflag:s16], $0x1000  }
0x2d3: {  	[sflag:s16] =	ssyncset.done $0x0  }
0x2d4: {  	[sflag:s16] =	ssyncadd.s32 $0xFFFFF000  }
0x2d5: {  	_ =	swait.ge [sflag:s16], $0x900  }
0x2d6: {  	[sflag:s16] =	ssyncset.done $0x0  }
0x2d7: {  	[sflag:s16] =	ssyncadd.s32 $0xFFFFF700  }
0x2d8: {  	_ =	swait.ge [sflag:s16], $0x1000  }
0x2d9: {  	[sflag:s16] =	ssyncset.done $0x0  }
0x2da: {  	[sflag:s16] =	ssyncadd.s32 $0xFFFFF000  }
0x2db: {  	_ =	swait.ge [sflag:s16], $0x900  }
0x2dc: {  	[sflag:s16] =	ssyncset.done $0x0  }
0x2dd: {  	[sflag:s16] =	ssyncadd.s32 $0xFFFFF700  }
0x2de: {  	_ =	swait.ge [sflag:s16], $0x1000  }
0x2df: {  	[sflag:s16] =	ssyncset.done $0x0  }
0x2e0: {  	[sflag:s16] =	ssyncadd.s32 $0xFFFFF000  }
0x2e1: {  	s19 =	sadd.s32 @!p0 s19, s9;
	s20 =	simm.s32 @!p0 $0x0;
	_ =	swait.ge [sflag:s16], $0x900  }
0x2e2: {  	s21 =	simm.s32 @!p0 $0x640;
	s19 =	sshrl.u32 @!p0 s19, $0x3;
	[sflag:s16] =	ssyncset.done $0x0  }
0x2e3: {  	s24 =	simm.s32 $0xD480;
	s19 =	sadd.s32 @!p0 s4, s19;
	[sflag:s16] =	ssyncadd.s32 $0xFFFFF700  }
0x2e4: {  	[tilespmem:s21], [sflag:$0x4] =	stream.linear.gather @!p0 [hbm4b:s19+s20], $0x640, $0x38;
	[tilespmem:$0x19D80] =	vst v63  }
0x2e5: {  	v1 =	vld [tilespmem:s24+$0x0]  }
0x2e6: {  	v2 =	vld [tilespmem:s24+$0x10]  }
0x2e7: {  	v3 =	vld [tilespmem:s24+$0x20]  }
0x2e8: {  	v4 =	vld [tilespmem:s24+$0x30]  }
0x2e9: {  	v5 =	vld [tilespmem:s24+$0x40]  }
0x2ea: {  	v7 =	vimm.f32 $0.0e+00;
	v6 =	vld [tilespmem:s24+$0x50]  }
0x2eb: {  	v8 =	vld [tilespmem:s24+$0x60];
	v1 =	vadd.f32 v1, v7;
	v2 =	vadd.f32 v2, v7  }
0x2ec: {  	v7 =	vld [tilespmem:s24+$0x70]  }
0x2ed: {  	v9 =	vld [tilespmem:s24+$0x80];
	v3 =	vadd.f32 v3, v1;
	v2 =	vadd.f32 v4, v2  }
0x2ee: {  	v10 =	vld [tilespmem:s24+$0x90]  }
0x2ef: {  	v1 =	vld [tilespmem:s24+$0xA0];
	v3 =	vadd.f32 v5, v3;
	v5 =	vadd.f32 v6, v2  }
0x2f0: {  	v4 =	vld [tilespmem:s24+$0xB0]  }
0x2f1: {  	v2 =	vld [tilespmem:s24+$0xC0];
	v6 =	vadd.f32 v8, v3;
	v8 =	vadd.f32 v7, v5  }
0x2f2: {  	v5 =	vld [tilespmem:s24+$0xD0]  }
0x2f3: {  	v3 =	vld [tilespmem:s24+$0xE0];
	v7 =	vadd.f32 v9, v6;
	v8 =	vadd.f32 v10, v8  }
0x2f4: {  	s19 =	simm.s32 $0x0;
	s20 =	simm.s32 $0xD580;
	v6 =	vld [tilespmem:s24+$0xF0]  }
.LBB2_27:
0x2f5: {  	v9 =	vld [tilespmem:s20+$0x0];
	v1 =	vadd.f32 v1, v7;
	v4 =	vadd.f32 v4, v8  }
0x2f6: {  	s19 =	sadd.s32 $0x8, s19;
	v7 =	vld [tilespmem:s20+$0x10]  }
0x2f7: {  	p0 =	slt.u32 s19, $0xC0;
	v8 =	vld [tilespmem:s20+$0x20];
	v1 =	vadd.f32 v2, v1;
	v2 =	vadd.f32 v5, v4  }
0x2f8: {  	v4 =	vld [tilespmem:s20+$0x30]  }
0x2f9: {  	v5 =	vld [tilespmem:s20+$0x40];
	v1 =	vadd.f32 v3, v1;
	v2 =	vadd.f32 v6, v2  }
0x2fa: {  	v3 =	vld [tilespmem:s20+$0x50]  }
0x2fb: {  	v1 =	vadd.f32 v9, v1;
	v2 =	vadd.f32 v7, v2;
	v6 =	vld [tilespmem:s20+$0x60]  }
0x2fc: {  	v7 =	vld [tilespmem:s20+$0x70]  }
0x2fd: {  	v1 =	vadd.f32 v8, v1;
	v2 =	vadd.f32 v4, v2;
	v8 =	vld [tilespmem:s20+$0x80]  }
0x2fe: {  	v9 =	vld [tilespmem:s20+$0x90]  }
0x2ff: {  	v5 =	vadd.f32 v5, v1;
	v2 =	vadd.f32 v3, v2;
	v1 =	vld [tilespmem:s20+$0xA0]  }
.Ltmp12:
0x300: {  	v4 =	vld [tilespmem:s20+$0xB0];
	(pc) =	sbr.rel @p0 .LBB2_27-.Ltmp12, $4  }
0x301: {  	v3 =	vadd.f32 v6, v5;
	v6 =	vadd.f32 v7, v2;
	v2 =	vld [tilespmem:s20+$0xC0]  }
0x302: {  	v5 =	vld [tilespmem:s20+$0xD0]  }
0x303: {  	v7 =	vadd.f32 v8, v3;
	v8 =	vadd.f32 v9, v6;
	v3 =	vld [tilespmem:s20+$0xE0]  }
0x304: {  	v6 =	vld [tilespmem:s20+$0xF0];
	s20 =	sadd.s32 $0x100, s20  }
0x305: {  	v1 =	vadd.f32 v1, v7  }
0x306: {  	v4 =	vadd.f32 v4, v8  }
0x307: {  	v1 =	vadd.f32 v2, v1  }
0x308: {  	v2 =	vadd.f32 v5, v4  }
0x309: {  	v1 =	vadd.f32 v3, v1  }
0x30a: {  	v2 =	vadd.f32 v6, v2  }
0x30b: {  	[tilespmem:$0x19C80] =	vst v1  }
0x30c: {  	s20 =	simm.s32 $0xED80;
	[tilespmem:$0x19C90] =	vst v2  }
0x30d: {  	v1 =	vld [tilespmem:s20+$0x0]  }
0x30e: {  	v2 =	vld [tilespmem:s20+$0x10]  }
0x30f: {  	v3 =	vld [tilespmem:s20+$0x20]  }
0x310: {  	v4 =	vld [tilespmem:s20+$0x30]  }
0x311: {  	v5 =	vld [tilespmem:s20+$0x40]  }
0x312: {  	v7 =	vimm.f32 $0.0e+00;
	v6 =	vld [tilespmem:s20+$0x50]  }
0x313: {  	v8 =	vld [tilespmem:s20+$0x60];
	v1 =	vadd.f32 v1, v7;
	v2 =	vadd.f32 v2, v7  }
0x314: {  	v7 =	vld [tilespmem:s20+$0x70]  }
0x315: {  	v9 =	vld [tilespmem:s20+$0x80];
	v3 =	vadd.f32 v3, v1;
	v2 =	vadd.f32 v4, v2  }
0x316: {  	v10 =	vld [tilespmem:s20+$0x90]  }
0x317: {  	v1 =	vld [tilespmem:s20+$0xA0];
	v3 =	vadd.f32 v5, v3;
	v5 =	vadd.f32 v6, v2  }
0x318: {  	v4 =	vld [tilespmem:s20+$0xB0]  }
0x319: {  	v2 =	vld [tilespmem:s20+$0xC0];
	v6 =	vadd.f32 v8, v3;
	v8 =	vadd.f32 v7, v5  }
0x31a: {  	v5 =	vld [tilespmem:s20+$0xD0]  }
0x31b: {  	v3 =	vld [tilespmem:s20+$0xE0];
	v7 =	vadd.f32 v9, v6;
	v8 =	vadd.f32 v10, v8  }
0x31c: {  	s19 =	simm.s32 $0x0;
	v6 =	vld [tilespmem:s20+$0xF0];
	s20 =	simm.s32 $0xEE80  }
.LBB2_29:
0x31d: {  	v9 =	vld [tilespmem:s20+$0x0];
	v1 =	vadd.f32 v1, v7;
	v4 =	vadd.f32 v4, v8  }
0x31e: {  	s19 =	sadd.s32 $0x8, s19;
	v7 =	vld [tilespmem:s20+$0x10]  }
0x31f: {  	p0 =	slt.u32 s19, $0xC0;
	v8 =	vld [tilespmem:s20+$0x20];
	v1 =	vadd.f32 v2, v1;
	v2 =	vadd.f32 v5, v4  }
0x320: {  	v4 =	vld [tilespmem:s20+$0x30]  }
0x321: {  	v5 =	vld [tilespmem:s20+$0x40];
	v1 =	vadd.f32 v3, v1;
	v2 =	vadd.f32 v6, v2  }
0x322: {  	v3 =	vld [tilespmem:s20+$0x50]  }
0x323: {  	v1 =	vadd.f32 v9, v1;
	v2 =	vadd.f32 v7, v2;
	v6 =	vld [tilespmem:s20+$0x60]  }
0x324: {  	v7 =	vld [tilespmem:s20+$0x70]  }
0x325: {  	v1 =	vadd.f32 v8, v1;
	v2 =	vadd.f32 v4, v2;
	v8 =	vld [tilespmem:s20+$0x80]  }
0x326: {  	v9 =	vld [tilespmem:s20+$0x90]  }
0x327: {  	v5 =	vadd.f32 v5, v1;
	v2 =	vadd.f32 v3, v2;
	v1 =	vld [tilespmem:s20+$0xA0]  }
.Ltmp13:
0x328: {  	v4 =	vld [tilespmem:s20+$0xB0];
	(pc) =	sbr.rel @p0 .LBB2_29-.Ltmp13, $4  }
0x329: {  	v3 =	vadd.f32 v6, v5;
	v6 =	vadd.f32 v7, v2;
	v2 =	vld [tilespmem:s20+$0xC0]  }
0x32a: {  	v5 =	vld [tilespmem:s20+$0xD0]  }
0x32b: {  	v7 =	vadd.f32 v8, v3;
	v8 =	vadd.f32 v9, v6;
	v3 =	vld [tilespmem:s20+$0xE0]  }
0x32c: {  	v6 =	vld [tilespmem:s20+$0xF0];
	s20 =	sadd.s32 $0x100, s20  }
0x32d: {  	v1 =	vadd.f32 v1, v7  }
0x32e: {  	v4 =	vadd.f32 v4, v8  }
0x32f: {  	v1 =	vadd.f32 v2, v1  }
0x330: {  	v2 =	vadd.f32 v5, v4  }
0x331: {  	v1 =	vadd.f32 v3, v1  }
0x332: {  	v2 =	vadd.f32 v6, v2  }
0x333: {  	[tilespmem:$0x19CA0] =	vst v1  }
0x334: {  	s20 =	simm.s32 $0x10680;
	[tilespmem:$0x19CB0] =	vst v2  }
0x335: {  	v1 =	vld [tilespmem:s20+$0x0]  }
0x336: {  	v2 =	vld [tilespmem:s20+$0x10]  }
0x337: {  	v3 =	vld [tilespmem:s20+$0x20]  }
0x338: {  	v4 =	vld [tilespmem:s20+$0x30]  }
0x339: {  	v5 =	vld [tilespmem:s20+$0x40]  }
0x33a: {  	v7 =	vimm.f32 $0.0e+00;
	v6 =	vld [tilespmem:s20+$0x50]  }
0x33b: {  	v8 =	vld [tilespmem:s20+$0x60];
	v1 =	vadd.f32 v1, v7;
	v2 =	vadd.f32 v2, v7  }
0x33c: {  	v7 =	vld [tilespmem:s20+$0x70]  }
0x33d: {  	v9 =	vld [tilespmem:s20+$0x80];
	v3 =	vadd.f32 v3, v1;
	v2 =	vadd.f32 v4, v2  }
0x33e: {  	v10 =	vld [tilespmem:s20+$0x90]  }
0x33f: {  	v1 =	vld [tilespmem:s20+$0xA0];
	v3 =	vadd.f32 v5, v3;
	v5 =	vadd.f32 v6, v2  }
0x340: {  	v4 =	vld [tilespmem:s20+$0xB0]  }
0x341: {  	v2 =	vld [tilespmem:s20+$0xC0];
	v6 =	vadd.f32 v8, v3;
	v8 =	vadd.f32 v7, v5  }
0x342: {  	v5 =	vld [tilespmem:s20+$0xD0]  }
0x343: {  	v3 =	vld [tilespmem:s20+$0xE0];
	v7 =	vadd.f32 v9, v6;
	v8 =	vadd.f32 v10, v8  }
0x344: {  	s19 =	simm.s32 $0x0;
	v6 =	vld [tilespmem:s20+$0xF0];
	s20 =	simm.s32 $0x10780  }
.LBB2_31:
0x345: {  	v9 =	vld [tilespmem:s20+$0x0];
	v1 =	vadd.f32 v1, v7;
	v4 =	vadd.f32 v4, v8  }
0x346: {  	s19 =	sadd.s32 $0x8, s19;
	v7 =	vld [tilespmem:s20+$0x10]  }
0x347: {  	p0 =	slt.u32 s19, $0xC0;
	v8 =	vld [tilespmem:s20+$0x20];
	v1 =	vadd.f32 v2, v1;
	v2 =	vadd.f32 v5, v4  }
0x348: {  	v4 =	vld [tilespmem:s20+$0x30]  }
0x349: {  	v5 =	vld [tilespmem:s20+$0x40];
	v1 =	vadd.f32 v3, v1;
	v2 =	vadd.f32 v6, v2  }
0x34a: {  	v3 =	vld [tilespmem:s20+$0x50]  }
0x34b: {  	v1 =	vadd.f32 v9, v1;
	v2 =	vadd.f32 v7, v2;
	v6 =	vld [tilespmem:s20+$0x60]  }
0x34c: {  	v7 =	vld [tilespmem:s20+$0x70]  }
0x34d: {  	v1 =	vadd.f32 v8, v1;
	v2 =	vadd.f32 v4, v2;
	v8 =	vld [tilespmem:s20+$0x80]  }
0x34e: {  	v9 =	vld [tilespmem:s20+$0x90]  }
0x34f: {  	v5 =	vadd.f32 v5, v1;
	v2 =	vadd.f32 v3, v2;
	v1 =	vld [tilespmem:s20+$0xA0]  }
.Ltmp14:
0x350: {  	v4 =	vld [tilespmem:s20+$0xB0];
	(pc) =	sbr.rel @p0 .LBB2_31-.Ltmp14, $4  }
0x351: {  	v3 =	vadd.f32 v6, v5;
	v6 =	vadd.f32 v7, v2;
	v2 =	vld [tilespmem:s20+$0xC0]  }
0x352: {  	v5 =	vld [tilespmem:s20+$0xD0]  }
0x353: {  	v7 =	vadd.f32 v8, v3;
	v8 =	vadd.f32 v9, v6;
	v3 =	vld [tilespmem:s20+$0xE0]  }
0x354: {  	v6 =	vld [tilespmem:s20+$0xF0];
	s20 =	sadd.s32 $0x100, s20  }
0x355: {  	v1 =	vadd.f32 v1, v7  }
0x356: {  	v4 =	vadd.f32 v4, v8  }
0x357: {  	v1 =	vadd.f32 v2, v1  }
0x358: {  	v2 =	vadd.f32 v5, v4  }
0x359: {  	v1 =	vadd.f32 v3, v1  }
0x35a: {  	v2 =	vadd.f32 v6, v2  }
0x35b: {  	[tilespmem:$0x19CC0] =	vst v1  }
0x35c: {  	s20 =	simm.s32 $0x11F80;
	[tilespmem:$0x19CD0] =	vst v2  }
0x35d: {  	v1 =	vld [tilespmem:s20+$0x0]  }
0x35e: {  	v2 =	vld [tilespmem:s20+$0x10]  }
0x35f: {  	v3 =	vld [tilespmem:s20+$0x20]  }
0x360: {  	v4 =	vld [tilespmem:s20+$0x30]  }
0x361: {  	v5 =	vld [tilespmem:s20+$0x40]  }
0x362: {  	v7 =	vimm.f32 $0.0e+00;
	v6 =	vld [tilespmem:s20+$0x50]  }
0x363: {  	v8 =	vld [tilespmem:s20+$0x60];
	v1 =	vadd.f32 v1, v7;
	v2 =	vadd.f32 v2, v7  }
0x364: {  	v7 =	vld [tilespmem:s20+$0x70]  }
0x365: {  	v9 =	vld [tilespmem:s20+$0x80];
	v3 =	vadd.f32 v3, v1;
	v2 =	vadd.f32 v4, v2  }
0x366: {  	v10 =	vld [tilespmem:s20+$0x90]  }
0x367: {  	v1 =	vld [tilespmem:s20+$0xA0];
	v3 =	vadd.f32 v5, v3;
	v5 =	vadd.f32 v6, v2  }
0x368: {  	v4 =	vld [tilespmem:s20+$0xB0]  }
0x369: {  	v2 =	vld [tilespmem:s20+$0xC0];
	v6 =	vadd.f32 v8, v3;
	v8 =	vadd.f32 v7, v5  }
0x36a: {  	v5 =	vld [tilespmem:s20+$0xD0]  }
0x36b: {  	v3 =	vld [tilespmem:s20+$0xE0];
	v7 =	vadd.f32 v9, v6;
	v8 =	vadd.f32 v10, v8  }
0x36c: {  	s19 =	simm.s32 $0x0;
	v6 =	vld [tilespmem:s20+$0xF0];
	s20 =	simm.s32 $0x12080  }
.LBB2_33:
0x36d: {  	v9 =	vld [tilespmem:s20+$0x0];
	v1 =	vadd.f32 v1, v7;
	v4 =	vadd.f32 v4, v8  }
0x36e: {  	s19 =	sadd.s32 $0x8, s19;
	v7 =	vld [tilespmem:s20+$0x10]  }
0x36f: {  	p0 =	slt.u32 s19, $0xC0;
	v8 =	vld [tilespmem:s20+$0x20];
	v1 =	vadd.f32 v2, v1;
	v2 =	vadd.f32 v5, v4  }
0x370: {  	v4 =	vld [tilespmem:s20+$0x30]  }
0x371: {  	v5 =	vld [tilespmem:s20+$0x40];
	v1 =	vadd.f32 v3, v1;
	v2 =	vadd.f32 v6, v2  }
0x372: {  	v3 =	vld [tilespmem:s20+$0x50]  }
0x373: {  	v1 =	vadd.f32 v9, v1;
	v2 =	vadd.f32 v7, v2;
	v6 =	vld [tilespmem:s20+$0x60]  }
0x374: {  	v7 =	vld [tilespmem:s20+$0x70]  }
0x375: {  	v1 =	vadd.f32 v8, v1;
	v2 =	vadd.f32 v4, v2;
	v8 =	vld [tilespmem:s20+$0x80]  }
0x376: {  	v9 =	vld [tilespmem:s20+$0x90]  }
0x377: {  	v5 =	vadd.f32 v5, v1;
	v2 =	vadd.f32 v3, v2;
	v1 =	vld [tilespmem:s20+$0xA0]  }
.Ltmp15:
0x378: {  	v4 =	vld [tilespmem:s20+$0xB0];
	(pc) =	sbr.rel @p0 .LBB2_33-.Ltmp15, $4  }
0x379: {  	v3 =	vadd.f32 v6, v5;
	v6 =	vadd.f32 v7, v2;
	v2 =	vld [tilespmem:s20+$0xC0]  }
0x37a: {  	v5 =	vld [tilespmem:s20+$0xD0]  }
0x37b: {  	v7 =	vadd.f32 v8, v3;
	v8 =	vadd.f32 v9, v6;
	v3 =	vld [tilespmem:s20+$0xE0]  }
0x37c: {  	v6 =	vld [tilespmem:s20+$0xF0];
	s20 =	sadd.s32 $0x100, s20  }
0x37d: {  	v1 =	vadd.f32 v1, v7  }
0x37e: {  	v4 =	vadd.f32 v4, v8  }
0x37f: {  	v1 =	vadd.f32 v2, v1  }
0x380: {  	v2 =	vadd.f32 v5, v4  }
0x381: {  	v1 =	vadd.f32 v3, v1  }
0x382: {  	v2 =	vadd.f32 v6, v2  }
0x383: {  	[tilespmem:$0x19CE0] =	vst v1  }
0x384: {  	s20 =	simm.s32 $0x13880;
	[tilespmem:$0x19CF0] =	vst v2  }
0x385: {  	v1 =	vld [tilespmem:s20+$0x0]  }
0x386: {  	v2 =	vld [tilespmem:s20+$0x10]  }
0x387: {  	v3 =	vld [tilespmem:s20+$0x20]  }
0x388: {  	v4 =	vld [tilespmem:s20+$0x30]  }
0x389: {  	v5 =	vld [tilespmem:s20+$0x40]  }
0x38a: {  	v7 =	vimm.f32 $0.0e+00;
	v6 =	vld [tilespmem:s20+$0x50]  }
0x38b: {  	v8 =	vld [tilespmem:s20+$0x60];
	v1 =	vadd.f32 v1, v7;
	v2 =	vadd.f32 v2, v7  }
0x38c: {  	v7 =	vld [tilespmem:s20+$0x70]  }
0x38d: {  	v9 =	vld [tilespmem:s20+$0x80];
	v3 =	vadd.f32 v3, v1;
	v2 =	vadd.f32 v4, v2  }
0x38e: {  	v10 =	vld [tilespmem:s20+$0x90]  }
0x38f: {  	v1 =	vld [tilespmem:s20+$0xA0];
	v3 =	vadd.f32 v5, v3;
	v5 =	vadd.f32 v6, v2  }
0x390: {  	v4 =	vld [tilespmem:s20+$0xB0]  }
0x391: {  	v2 =	vld [tilespmem:s20+$0xC0];
	v6 =	vadd.f32 v8, v3;
	v8 =	vadd.f32 v7, v5  }
0x392: {  	v5 =	vld [tilespmem:s20+$0xD0]  }
0x393: {  	v3 =	vld [tilespmem:s20+$0xE0];
	v7 =	vadd.f32 v9, v6;
	v8 =	vadd.f32 v10, v8  }
0x394: {  	s19 =	simm.s32 $0x0;
	v6 =	vld [tilespmem:s20+$0xF0];
	s20 =	simm.s32 $0x13980  }
.LBB2_35:
0x395: {  	v9 =	vld [tilespmem:s20+$0x0];
	v1 =	vadd.f32 v1, v7;
	v4 =	vadd.f32 v4, v8  }
0x396: {  	s19 =	sadd.s32 $0x8, s19;
	v7 =	vld [tilespmem:s20+$0x10]  }
0x397: {  	p0 =	slt.u32 s19, $0xC0;
	v8 =	vld [tilespmem:s20+$0x20];
	v1 =	vadd.f32 v2, v1;
	v2 =	vadd.f32 v5, v4  }
0x398: {  	v4 =	vld [tilespmem:s20+$0x30]  }
0x399: {  	v5 =	vld [tilespmem:s20+$0x40];
	v1 =	vadd.f32 v3, v1;
	v2 =	vadd.f32 v6, v2  }
0x39a: {  	v3 =	vld [tilespmem:s20+$0x50]  }
0x39b: {  	v1 =	vadd.f32 v9, v1;
	v2 =	vadd.f32 v7, v2;
	v6 =	vld [tilespmem:s20+$0x60]  }
0x39c: {  	v7 =	vld [tilespmem:s20+$0x70]  }
0x39d: {  	v1 =	vadd.f32 v8, v1;
	v2 =	vadd.f32 v4, v2;
	v8 =	vld [tilespmem:s20+$0x80]  }
0x39e: {  	v9 =	vld [tilespmem:s20+$0x90]  }
0x39f: {  	v5 =	vadd.f32 v5, v1;
	v2 =	vadd.f32 v3, v2;
	v1 =	vld [tilespmem:s20+$0xA0]  }
.Ltmp16:
0x3a0: {  	v4 =	vld [tilespmem:s20+$0xB0];
	(pc) =	sbr.rel @p0 .LBB2_35-.Ltmp16, $4  }
0x3a1: {  	v3 =	vadd.f32 v6, v5;
	v6 =	vadd.f32 v7, v2;
	v2 =	vld [tilespmem:s20+$0xC0]  }
0x3a2: {  	v5 =	vld [tilespmem:s20+$0xD0]  }
0x3a3: {  	v7 =	vadd.f32 v8, v3;
	v8 =	vadd.f32 v9, v6;
	v3 =	vld [tilespmem:s20+$0xE0]  }
0x3a4: {  	v6 =	vld [tilespmem:s20+$0xF0];
	s20 =	sadd.s32 $0x100, s20  }
0x3a5: {  	v1 =	vadd.f32 v1, v7  }
0x3a6: {  	v4 =	vadd.f32 v4, v8  }
0x3a7: {  	v1 =	vadd.f32 v2, v1  }
0x3a8: {  	v2 =	vadd.f32 v5, v4  }
0x3a9: {  	v1 =	vadd.f32 v3, v1  }
0x3aa: {  	v2 =	vadd.f32 v6, v2  }
0x3ab: {  	[tilespmem:$0x19D00] =	vst v1  }
0x3ac: {  	s20 =	simm.s32 $0x15180;
	[tilespmem:$0x19D10] =	vst v2  }
0x3ad: {  	v1 =	vld [tilespmem:s20+$0x0]  }
0x3ae: {  	v2 =	vld [tilespmem:s20+$0x10]  }
0x3af: {  	v3 =	vld [tilespmem:s20+$0x20]  }
0x3b0: {  	v4 =	vld [tilespmem:s20+$0x30]  }
0x3b1: {  	v5 =	vld [tilespmem:s20+$0x40]  }
0x3b2: {  	v7 =	vimm.f32 $0.0e+00;
	v6 =	vld [tilespmem:s20+$0x50]  }
0x3b3: {  	v8 =	vld [tilespmem:s20+$0x60];
	v1 =	vadd.f32 v1, v7;
	v2 =	vadd.f32 v2, v7  }
0x3b4: {  	v7 =	vld [tilespmem:s20+$0x70]  }
0x3b5: {  	v9 =	vld [tilespmem:s20+$0x80];
	v3 =	vadd.f32 v3, v1;
	v2 =	vadd.f32 v4, v2  }
0x3b6: {  	v10 =	vld [tilespmem:s20+$0x90]  }
0x3b7: {  	v1 =	vld [tilespmem:s20+$0xA0];
	v3 =	vadd.f32 v5, v3;
	v5 =	vadd.f32 v6, v2  }
0x3b8: {  	v4 =	vld [tilespmem:s20+$0xB0]  }
0x3b9: {  	v2 =	vld [tilespmem:s20+$0xC0];
	v6 =	vadd.f32 v8, v3;
	v8 =	vadd.f32 v7, v5  }
0x3ba: {  	v5 =	vld [tilespmem:s20+$0xD0]  }
0x3bb: {  	v3 =	vld [tilespmem:s20+$0xE0];
	v7 =	vadd.f32 v9, v6;
	v8 =	vadd.f32 v10, v8  }
0x3bc: {  	s19 =	simm.s32 $0x0;
	v6 =	vld [tilespmem:s20+$0xF0];
	s20 =	simm.s32 $0x15280  }
.LBB2_37:
0x3bd: {  	v9 =	vld [tilespmem:s20+$0x0];
	v1 =	vadd.f32 v1, v7;
	v4 =	vadd.f32 v4, v8  }
0x3be: {  	s19 =	sadd.s32 $0x8, s19;
	v7 =	vld [tilespmem:s20+$0x10]  }
0x3bf: {  	p0 =	slt.u32 s19, $0xC0;
	v8 =	vld [tilespmem:s20+$0x20];
	v1 =	vadd.f32 v2, v1;
	v2 =	vadd.f32 v5, v4  }
0x3c0: {  	v4 =	vld [tilespmem:s20+$0x30]  }
0x3c1: {  	v5 =	vld [tilespmem:s20+$0x40];
	v1 =	vadd.f32 v3, v1;
	v2 =	vadd.f32 v6, v2  }
0x3c2: {  	v3 =	vld [tilespmem:s20+$0x50]  }
0x3c3: {  	v1 =	vadd.f32 v9, v1;
	v2 =	vadd.f32 v7, v2;
	v6 =	vld [tilespmem:s20+$0x60]  }
0x3c4: {  	v7 =	vld [tilespmem:s20+$0x70]  }
0x3c5: {  	v1 =	vadd.f32 v8, v1;
	v2 =	vadd.f32 v4, v2;
	v8 =	vld [tilespmem:s20+$0x80]  }
0x3c6: {  	v9 =	vld [tilespmem:s20+$0x90]  }
0x3c7: {  	v5 =	vadd.f32 v5, v1;
	v2 =	vadd.f32 v3, v2;
	v1 =	vld [tilespmem:s20+$0xA0]  }
.Ltmp17:
0x3c8: {  	v4 =	vld [tilespmem:s20+$0xB0];
	(pc) =	sbr.rel @p0 .LBB2_37-.Ltmp17, $4  }
0x3c9: {  	v3 =	vadd.f32 v6, v5;
	v6 =	vadd.f32 v7, v2;
	v2 =	vld [tilespmem:s20+$0xC0]  }
0x3ca: {  	v5 =	vld [tilespmem:s20+$0xD0]  }
0x3cb: {  	v7 =	vadd.f32 v8, v3;
	v8 =	vadd.f32 v9, v6;
	v3 =	vld [tilespmem:s20+$0xE0]  }
0x3cc: {  	v6 =	vld [tilespmem:s20+$0xF0];
	s20 =	sadd.s32 $0x100, s20  }
0x3cd: {  	v1 =	vadd.f32 v1, v7  }
0x3ce: {  	v4 =	vadd.f32 v4, v8  }
0x3cf: {  	v1 =	vadd.f32 v2, v1  }
0x3d0: {  	v2 =	vadd.f32 v5, v4  }
0x3d1: {  	v1 =	vadd.f32 v3, v1  }
0x3d2: {  	v2 =	vadd.f32 v6, v2  }
0x3d3: {  	[tilespmem:$0x19D20] =	vst v1  }
0x3d4: {  	s20 =	simm.s32 $0x16A80;
	[tilespmem:$0x19D30] =	vst v2  }
0x3d5: {  	v1 =	vld [tilespmem:s20+$0x0]  }
0x3d6: {  	v2 =	vld [tilespmem:s20+$0x10]  }
0x3d7: {  	v3 =	vld [tilespmem:s20+$0x20]  }
0x3d8: {  	v4 =	vld [tilespmem:s20+$0x30]  }
0x3d9: {  	v5 =	vld [tilespmem:s20+$0x40]  }
0x3da: {  	v7 =	vimm.f32 $0.0e+00;
	v6 =	vld [tilespmem:s20+$0x50]  }
0x3db: {  	v8 =	vld [tilespmem:s20+$0x60];
	v1 =	vadd.f32 v1, v7;
	v2 =	vadd.f32 v2, v7  }
0x3dc: {  	v7 =	vld [tilespmem:s20+$0x70]  }
0x3dd: {  	v9 =	vld [tilespmem:s20+$0x80];
	v3 =	vadd.f32 v3, v1;
	v2 =	vadd.f32 v4, v2  }
0x3de: {  	v10 =	vld [tilespmem:s20+$0x90]  }
0x3df: {  	v1 =	vld [tilespmem:s20+$0xA0];
	v3 =	vadd.f32 v5, v3;
	v5 =	vadd.f32 v6, v2  }
0x3e0: {  	v4 =	vld [tilespmem:s20+$0xB0]  }
0x3e1: {  	v2 =	vld [tilespmem:s20+$0xC0];
	v6 =	vadd.f32 v8, v3;
	v8 =	vadd.f32 v7, v5  }
0x3e2: {  	v5 =	vld [tilespmem:s20+$0xD0]  }
0x3e3: {  	v3 =	vld [tilespmem:s20+$0xE0];
	v7 =	vadd.f32 v9, v6;
	v8 =	vadd.f32 v10, v8  }
0x3e4: {  	s19 =	simm.s32 $0x0;
	v6 =	vld [tilespmem:s20+$0xF0];
	s20 =	simm.s32 $0x16B80  }
.LBB2_39:
0x3e5: {  	v9 =	vld [tilespmem:s20+$0x0];
	v1 =	vadd.f32 v1, v7;
	v4 =	vadd.f32 v4, v8  }
0x3e6: {  	s19 =	sadd.s32 $0x8, s19;
	v7 =	vld [tilespmem:s20+$0x10]  }
0x3e7: {  	p0 =	slt.u32 s19, $0xC0;
	v8 =	vld [tilespmem:s20+$0x20];
	v1 =	vadd.f32 v2, v1;
	v2 =	vadd.f32 v5, v4  }
0x3e8: {  	v4 =	vld [tilespmem:s20+$0x30]  }
0x3e9: {  	v5 =	vld [tilespmem:s20+$0x40];
	v1 =	vadd.f32 v3, v1;
	v2 =	vadd.f32 v6, v2  }
0x3ea: {  	v3 =	vld [tilespmem:s20+$0x50]  }
0x3eb: {  	v1 =	vadd.f32 v9, v1;
	v2 =	vadd.f32 v7, v2;
	v6 =	vld [tilespmem:s20+$0x60]  }
0x3ec: {  	v7 =	vld [tilespmem:s20+$0x70]  }
0x3ed: {  	v1 =	vadd.f32 v8, v1;
	v2 =	vadd.f32 v4, v2;
	v8 =	vld [tilespmem:s20+$0x80]  }
0x3ee: {  	v9 =	vld [tilespmem:s20+$0x90]  }
0x3ef: {  	v5 =	vadd.f32 v5, v1;
	v2 =	vadd.f32 v3, v2;
	v1 =	vld [tilespmem:s20+$0xA0]  }
.Ltmp18:
0x3f0: {  	v4 =	vld [tilespmem:s20+$0xB0];
	(pc) =	sbr.rel @p0 .LBB2_39-.Ltmp18, $4  }
0x3f1: {  	v3 =	vadd.f32 v6, v5;
	v6 =	vadd.f32 v7, v2;
	v2 =	vld [tilespmem:s20+$0xC0]  }
0x3f2: {  	v5 =	vld [tilespmem:s20+$0xD0]  }
0x3f3: {  	v7 =	vadd.f32 v8, v3;
	v8 =	vadd.f32 v9, v6;
	v3 =	vld [tilespmem:s20+$0xE0]  }
0x3f4: {  	v6 =	vld [tilespmem:s20+$0xF0];
	s20 =	sadd.s32 $0x100, s20  }
0x3f5: {  	v1 =	vadd.f32 v1, v7  }
0x3f6: {  	v4 =	vadd.f32 v4, v8  }
0x3f7: {  	v1 =	vadd.f32 v2, v1  }
0x3f8: {  	v2 =	vadd.f32 v5, v4  }
0x3f9: {  	v1 =	vadd.f32 v3, v1  }
0x3fa: {  	v2 =	vadd.f32 v6, v2  }
0x3fb: {  	[tilespmem:$0x19D40] =	vst v1  }
0x3fc: {  	s20 =	simm.s32 $0x18380;
	[tilespmem:$0x19D50] =	vst v2  }
0x3fd: {  	v1 =	vld [tilespmem:s20+$0x0]  }
0x3fe: {  	v2 =	vld [tilespmem:s20+$0x10]  }
0x3ff: {  	v3 =	vld [tilespmem:s20+$0x20]  }
0x400: {  	v4 =	vld [tilespmem:s20+$0x30]  }
0x401: {  	v5 =	vld [tilespmem:s20+$0x40]  }
0x402: {  	v7 =	vimm.f32 $0.0e+00;
	v6 =	vld [tilespmem:s20+$0x50]  }
0x403: {  	v8 =	vld [tilespmem:s20+$0x60];
	v1 =	vadd.f32 v1, v7;
	v2 =	vadd.f32 v2, v7  }
0x404: {  	v7 =	vld [tilespmem:s20+$0x70]  }
0x405: {  	v9 =	vld [tilespmem:s20+$0x80];
	v3 =	vadd.f32 v3, v1;
	v2 =	vadd.f32 v4, v2  }
0x406: {  	v10 =	vld [tilespmem:s20+$0x90]  }
0x407: {  	v1 =	vld [tilespmem:s20+$0xA0];
	v3 =	vadd.f32 v5, v3;
	v5 =	vadd.f32 v6, v2  }
0x408: {  	v4 =	vld [tilespmem:s20+$0xB0]  }
0x409: {  	v2 =	vld [tilespmem:s20+$0xC0];
	v6 =	vadd.f32 v8, v3;
	v8 =	vadd.f32 v7, v5  }
0x40a: {  	v5 =	vld [tilespmem:s20+$0xD0]  }
0x40b: {  	v3 =	vld [tilespmem:s20+$0xE0];
	v7 =	vadd.f32 v9, v6;
	v8 =	vadd.f32 v10, v8  }
0x40c: {  	s19 =	simm.s32 $0x0;
	v6 =	vld [tilespmem:s20+$0xF0];
	s20 =	simm.s32 $0x18480  }
.LBB2_41:
0x40d: {  	v9 =	vld [tilespmem:s20+$0x0];
	v1 =	vadd.f32 v1, v7;
	v4 =	vadd.f32 v4, v8  }
0x40e: {  	s19 =	sadd.s32 $0x8, s19;
	v7 =	vld [tilespmem:s20+$0x10]  }
0x40f: {  	p0 =	slt.u32 s19, $0xC0;
	v8 =	vld [tilespmem:s20+$0x20];
	v1 =	vadd.f32 v2, v1;
	v2 =	vadd.f32 v5, v4  }
0x410: {  	v4 =	vld [tilespmem:s20+$0x30]  }
0x411: {  	v5 =	vld [tilespmem:s20+$0x40];
	v1 =	vadd.f32 v3, v1;
	v2 =	vadd.f32 v6, v2  }
0x412: {  	v3 =	vld [tilespmem:s20+$0x50]  }
0x413: {  	v1 =	vadd.f32 v9, v1;
	v2 =	vadd.f32 v7, v2;
	v6 =	vld [tilespmem:s20+$0x60]  }
0x414: {  	v7 =	vld [tilespmem:s20+$0x70]  }
0x415: {  	v1 =	vadd.f32 v8, v1;
	v2 =	vadd.f32 v4, v2;
	v8 =	vld [tilespmem:s20+$0x80]  }
0x416: {  	v9 =	vld [tilespmem:s20+$0x90]  }
0x417: {  	v5 =	vadd.f32 v5, v1;
	v2 =	vadd.f32 v3, v2;
	v1 =	vld [tilespmem:s20+$0xA0]  }
.Ltmp19:
0x418: {  	v4 =	vld [tilespmem:s20+$0xB0];
	(pc) =	sbr.rel @p0 .LBB2_41-.Ltmp19, $4  }
0x419: {  	v3 =	vadd.f32 v6, v5;
	v6 =	vadd.f32 v7, v2;
	v2 =	vld [tilespmem:s20+$0xC0]  }
0x41a: {  	v5 =	vld [tilespmem:s20+$0xD0]  }
0x41b: {  	v7 =	vadd.f32 v8, v3;
	v8 =	vadd.f32 v9, v6;
	v3 =	vld [tilespmem:s20+$0xE0]  }
0x41c: {  	v6 =	vld [tilespmem:s20+$0xF0];
	s20 =	sadd.s32 $0x100, s20  }
0x41d: {  	v1 =	vadd.f32 v1, v7  }
0x41e: {  	v4 =	vadd.f32 v4, v8  }
0x41f: {  	v1 =	vadd.f32 v2, v1  }
0x420: {  	v2 =	vadd.f32 v5, v4  }
0x421: {  	v1 =	vadd.f32 v3, v1  }
0x422: {  	s17 =	sadd.s32 $0x1, s17;
	v2 =	vadd.f32 v6, v2  }
0x423: {  	p0 =	sne.s32 s17, $0x20;
	[tilespmem:$0x19D60] =	vst v1  }
.Ltmp20:
0x424: {  	s18 =	sadd.s32 s18, s8;
	[tilespmem:$0x19D70] =	vst v2;
	(pc) =	sbr.rel @p0 .LBB2_4-.Ltmp20, $4  }
0x425: {  	[hbm4b:s18+s2] =	stream.linear.scatter [tilespmem:s13], [sflag:$0x5], $0x100, $0x38;
	[tilespmem:$0x19D80] =	vst v63  }
0x426: {  	_ =	swait.ge [sflag:s15], $0x100  }
0x427: {  	[sflag:s15] =	ssyncset.done $0x0  }
0x428: {  	[sflag:s15] =	ssyncadd.s32 $0xFFFFFF00  }
0x429: {  	s18 =	rddreg [dreg:$0x5]  }
0x42a: {  	s17 =	rddreg [dreg:$0x4];
	s18 =	sadd.s32 $0x1, s18  }
0x42b: {  	p0 =	sne.s32 s18, s17  }
.Ltmp21:
0x42c: {  	_ = 	snop;
	(pc) =	sbr.rel @p0 .LBB2_1-.Ltmp21, $1  }
0x42d: {  	_ =	sdelay $0x3  }
0x42e: {  	_ =	sfence.sel $0x180000  }
0x42f: {  	[bflag:$0x0] =	sbarrier.arrive $0xFFFF  }
0x430: {  	_ =	strace $0x90000047  }
0x431: {  	s0 =	stileid.u32;
	[bflag:$0x2] =	sbarrier.arrive $0xFFFF  }
0x432: {  	p0 =	sne.s32 s0, $0x0;
	s0 =	rddreg [dreg:$0x1]  }
0x433: {  	s0 =	sadd.s32 @!p0 $0x100000, s0  }
0x434: {  	[sflag:s0] =	ssyncadd.tile.s32 @!p0 $0x1;
	_ =	shalt  }
.Lfunc_end2:
_tile_overlayer_lowered:
.L_overlay_start_2:
0x435: {  	(tag) =	ssettag $0x2  }
0x436: {  	s0 =	rddreg [dreg:$0x0];
	s2 =	stileid.u32  }
0x437: {  	s1 =	rddreg [dreg:$0x1];
	p0 =	sne.s32 s2, $0x0  }
0x438: {  	s3 =	rddreg [dreg:$0x2];
	[bflag:$0x3] =	sbarrier.arrive $0xFFFF;
	s2 =	simm.s32 @!p0 $0x1C05  }
0x439: {  	[timem:s3], [sflag:s2] =	dma.local @!p0 [hbm:s0], s1  }
0x43a: {  	s0 =	simm.s32 @!p0 $0x5  }
0x43b: {  	_ =	swait.ge @!p0 [sflag:s0], s1  }
0x43c: {  	s1 =	ssub.s32 @!p0 $0x0, s1;
	[sflag:s0] =	ssyncset.done @!p0 $0x0  }
0x43d: {  	[sflag:s0] =	ssyncadd.s32 @!p0 s1  }
0x43e: {  	[bflag:$0x3] =	sbarrier.arrive $0xFFFF  }
0x43f: {  	_ =	shalt  }

</sc_bundles>
